<compile_context>
chip_gen: v7x
topology: tpu7x:2x2x1
jax: 0.10.2.dev20260603
libtpu: 0.0.44.dev20260713+nightly
codegen_flags: <defaults>
</compile_context>

<pallas_src>
import functools

import jax
import jax.numpy as jnp
from jax import lax
from jax.experimental import pallas as pl
from jax.experimental.pallas import tpu as pltpu
from jax.experimental.pallas import tpu_sc as plsc

N = 10000
E = 320000
D = 128
EPS = 1e-5

NC = 2
NS = 16
NW = NC * NS
EPW = E // NW
CS = 125
CH = EPW // CS
GB = 8
NG = CH // GB
RPT = 632
RPT_LAST = N - (NS - 1) * RPT

def _copy_owned_rows(src_ref, dst_ref, s):
    @pl.when(s < NS - 1)
    def _():
        base = s * RPT
        pltpu.sync_copy(src_ref.at[pl.ds(base, RPT)],
                        dst_ref.at[pl.ds(base, RPT)])

    @pl.when(s == NS - 1)
    def _():
        base = (NS - 1) * RPT
        pltpu.sync_copy(src_ref.at[pl.ds(base, RPT_LAST)],
                        dst_ref.at[pl.ds(base, RPT_LAST)])


def _mesh():
    return plsc.VectorSubcoreMesh(core_axis_name="c", subcore_axis_name="s",
                                  num_cores=NC, num_subcores=NS)
_HIGH = lax.Precision.HIGHEST


def _sc_degree(dst_w, ones_hbm, zeros_hbm):
    @functools.partial(
        pl.kernel,
        out_type=jax.ShapeDtypeStruct((NC, N, 8), jnp.float32),
        mesh=_mesh(),
        scratch_types=[
            pltpu.VMEM((CH, CS), jnp.int32),
            pltpu.VMEM((CS, 8), jnp.float32),
            pltpu.VMEM_SHARED((N, 8), jnp.float32),
        ],
    )
    def deg_kernel(dst_hbm, ones_h, zeros_h, out_hbm, dst_v, ones_v, acc):
        c = lax.axis_index("c")
        s = lax.axis_index("s")
        wid = s * NC + c
        _copy_owned_rows(zeros_h, acc, s)
        pltpu.sync_copy(ones_h, ones_v)
        pltpu.sync_copy(dst_hbm.at[wid], dst_v)
        plsc.subcore_barrier()

        def body(j, carry):
            pltpu.sync_copy(ones_v, acc.at[dst_v.at[j]], add=True)
            return carry

        lax.fori_loop(0, CH, body, 0)
        plsc.subcore_barrier()
        _copy_owned_rows(acc, out_hbm.at[c], s)

    return deg_kernel(dst_w, ones_hbm, zeros_hbm)


def _sc_edge_pass(table, src_w, dst_w, zeros_hbm):
    @functools.partial(
        pl.kernel,
        out_type=jax.ShapeDtypeStruct((NC, N, D), jnp.float32),
        mesh=_mesh(),
        scratch_types=[
            pltpu.VMEM((GB, CS), jnp.int32),
            pltpu.VMEM((GB, CS), jnp.int32),
            pltpu.VMEM((GB, CS), jnp.int32),
            pltpu.VMEM((GB, CS), jnp.int32),
            pltpu.VMEM((CS, D), jnp.float32),
            pltpu.VMEM((CS, D), jnp.float32),
            pltpu.VMEM_SHARED((N, D), jnp.float32),
            pltpu.SemaphoreType.DMA,
            pltpu.SemaphoreType.DMA,
            pltpu.SemaphoreType.DMA,
        ],
    )
    def pass_kernel(table_hbm, src_hbm, dst_hbm, zeros_h, out_hbm,
                    src_v0, dst_v0, src_v1, dst_v1, rows0, rows1, acc,
                    sem0, sem1, semr):
        c = lax.axis_index("c")
        s = lax.axis_index("s")
        wid = s * NC + c

        def refill(g, sv, dv):
            pltpu.async_copy(src_hbm.at[wid].at[pl.ds(g * GB, GB)], sv, semr)
            pltpu.async_copy(dst_hbm.at[wid].at[pl.ds(g * GB, GB)], dv, semr)

        def wait_refill(g, sv, dv):
            pltpu.make_async_copy(src_hbm.at[wid].at[pl.ds(g * GB, GB)],
                                  sv, semr).wait()
            pltpu.make_async_copy(dst_hbm.at[wid].at[pl.ds(g * GB, GB)],
                                  dv, semr).wait()

        def chunks(sv, dv):
            pltpu.async_copy(table_hbm.at[sv.at[0]], rows0, sem0)
            for k in range(0, GB, 2):
                pltpu.async_copy(table_hbm.at[sv.at[k + 1]], rows1, sem1)
                pltpu.make_async_copy(table_hbm.at[sv.at[k]], rows0,
                                      sem0).wait()
                pltpu.sync_copy(rows0, acc.at[dv.at[k]], add=True)
                if k + 2 < GB:
                    pltpu.async_copy(table_hbm.at[sv.at[k + 2]], rows0,
                                     sem0)
                pltpu.make_async_copy(table_hbm.at[sv.at[k + 1]], rows1,
                                      sem1).wait()
                pltpu.sync_copy(rows1, acc.at[dv.at[k + 1]], add=True)

        refill(0, src_v0, dst_v0)

        _copy_owned_rows(zeros_h, acc, s)
        plsc.subcore_barrier()

        def group_pair(i, carry):
            g = i * 2
            refill(g + 1, src_v1, dst_v1)
            wait_refill(g, src_v0, dst_v0)
            chunks(src_v0, dst_v0)
            refill(jnp.minimum(g + 2, NG - 1), src_v0, dst_v0)
            wait_refill(g + 1, src_v1, dst_v1)
            chunks(src_v1, dst_v1)
            return carry

        lax.fori_loop(0, NG // 2, group_pair, 0)
        wait_refill(NG - 1, src_v0, dst_v0)
        plsc.subcore_barrier()
        _copy_owned_rows(acc, out_hbm.at[c], s)

    return pass_kernel(table, src_w, dst_w, zeros_hbm)


_BLK = 2000
_GRID = N // _BLK


def _tc_scale_matmul(x, degp, W1):
    def body(x_ref, dp_ref, w_ref, xs_ref, dv_ref):
        deg = dp_ref[0] + dp_ref[1] + 1.0
        dinv = lax.rsqrt(deg)
        xw = jnp.dot(x_ref[...], w_ref[...], precision=_HIGH,
                     preferred_element_type=jnp.float32)
        xs_ref[...] = xw * dinv[:, 0:1]
        dv_ref[...] = dinv

    return pl.pallas_call(
        body,
        grid=(_GRID,),
        in_specs=[
            pl.BlockSpec((_BLK, D), lambda i: (i, 0)),
            pl.BlockSpec((NC, _BLK, 8), lambda i: (0, i, 0)),
            pl.BlockSpec((D, D), lambda i: (0, 0)),
        ],
        out_specs=[
            pl.BlockSpec((_BLK, D), lambda i: (i, 0)),
            pl.BlockSpec((_BLK, 8), lambda i: (i, 0)),
        ],
        out_shape=[
            jax.ShapeDtypeStruct((N, D), jnp.float32),
            jax.ShapeDtypeStruct((N, 8), jnp.float32),
        ],
    )(x, degp, W1)


def _tc_combine_stats(parts, xs, dinv8, b1row):
    def body(p_ref, xs_ref, dv_ref, b_ref, hp_ref, st_ref):
        i = pl.program_id(0)
        tot = p_ref[0] + p_ref[1] + xs_ref[...]
        hp = dv_ref[:, 0:1] * tot + b_ref[...]
        hp_ref[...] = hp
        blk = jnp.concatenate(
            [jnp.sum(hp, axis=0, keepdims=True),
             jnp.sum(hp * hp, axis=0, keepdims=True),
             jnp.zeros((6, D), jnp.float32)], axis=0)

        @pl.when(i == 0)
        def _():
            st_ref[...] = blk

        @pl.when(i > 0)
        def _():
            st_ref[...] += blk

    return pl.pallas_call(
        body,
        grid=(_GRID,),
        in_specs=[
            pl.BlockSpec((NC, _BLK, D), lambda i: (0, i, 0)),
            pl.BlockSpec((_BLK, D), lambda i: (i, 0)),
            pl.BlockSpec((_BLK, 8), lambda i: (i, 0)),
            pl.BlockSpec((1, D), lambda i: (0, 0)),
        ],
        out_specs=[
            pl.BlockSpec((_BLK, D), lambda i: (i, 0)),
            pl.BlockSpec((8, D), lambda i: (0, 0)),
        ],
        out_shape=[
            jax.ShapeDtypeStruct((N, D), jnp.float32),
            jax.ShapeDtypeStruct((8, D), jnp.float32),
        ],
    )(parts, xs, dinv8, b1row)


def _tc_bn_relu_scale(hpre, stats, gammarow, betarow, dinv8):
    def body(hp_ref, st_ref, g_ref, b_ref, dv_ref, hs_ref):
        mean = st_ref[0:1] * (1.0 / N)
        var = st_ref[1:2] * (1.0 / N) - mean * mean
        rstd = lax.rsqrt(var + EPS)
        h = (hp_ref[...] - mean) * (rstd * g_ref[...]) + b_ref[...]
        h = jnp.maximum(h, 0.0)
        hs_ref[...] = h * dv_ref[:, 0:1]

    return pl.pallas_call(
        body,
        grid=(_GRID,),
        in_specs=[
            pl.BlockSpec((_BLK, D), lambda i: (i, 0)),
            pl.BlockSpec((8, D), lambda i: (0, 0)),
            pl.BlockSpec((1, D), lambda i: (0, 0)),
            pl.BlockSpec((1, D), lambda i: (0, 0)),
            pl.BlockSpec((_BLK, 8), lambda i: (i, 0)),
        ],
        out_specs=pl.BlockSpec((_BLK, D), lambda i: (i, 0)),
        out_shape=jax.ShapeDtypeStruct((N, D), jnp.float32),
    )(hpre, stats, gammarow, betarow, dinv8)


def _tc_heads(parts, hs, dinv8, Wmu, bmurow, Wls, blsrow):
    def body(p_ref, hs_ref, dv_ref, wm_ref, bm_ref, wl_ref, bl_ref,
             mu_ref, ls_ref):
        ah = dv_ref[:, 0:1] * (p_ref[0] + p_ref[1] + hs_ref[...])
        mu_ref[...] = jnp.dot(ah, wm_ref[...], precision=_HIGH,
                              preferred_element_type=jnp.float32) + bm_ref[...]
        ls_ref[...] = jnp.dot(ah, wl_ref[...], precision=_HIGH,
                              preferred_element_type=jnp.float32) + bl_ref[...]

    return pl.pallas_call(
        body,
        grid=(_GRID,),
        in_specs=[
            pl.BlockSpec((NC, _BLK, D), lambda i: (0, i, 0)),
            pl.BlockSpec((_BLK, D), lambda i: (i, 0)),
            pl.BlockSpec((_BLK, 8), lambda i: (i, 0)),
            pl.BlockSpec((D, D), lambda i: (0, 0)),
            pl.BlockSpec((1, D), lambda i: (0, 0)),
            pl.BlockSpec((D, D), lambda i: (0, 0)),
            pl.BlockSpec((1, D), lambda i: (0, 0)),
        ],
        out_specs=[
            pl.BlockSpec((_BLK, D), lambda i: (i, 0)),
            pl.BlockSpec((_BLK, D), lambda i: (i, 0)),
        ],
        out_shape=[
            jax.ShapeDtypeStruct((N, D), jnp.float32),
            jax.ShapeDtypeStruct((N, D), jnp.float32),
        ],
    )(parts, hs, dinv8, Wmu, bmurow, Wls, blsrow)


def kernel(x, edge_index, W1, b1, gamma, beta, Wmu, bmu, Wls, bls):
    src_w = edge_index[0].astype(jnp.int32).reshape(NW, CH, CS)
    dst_w = edge_index[1].astype(jnp.int32).reshape(NW, CH, CS)
    zeros_d = jnp.zeros((N, D), jnp.float32)
    zeros_8 = jnp.zeros((N, 8), jnp.float32)
    ones_8 = jnp.ones((CS, 8), jnp.float32)
    b1row = b1.reshape(1, D)

    degp = _sc_degree(dst_w, ones_8, zeros_8)
    xs, dinv8 = _tc_scale_matmul(x, degp, W1)
    parts1 = _sc_edge_pass(xs, src_w, dst_w, zeros_d)
    hpre, stats = _tc_combine_stats(parts1, xs, dinv8, b1row)
    hs = _tc_bn_relu_scale(hpre, stats, gamma.reshape(1, D),
                           beta.reshape(1, D), dinv8)
    parts2 = _sc_edge_pass(hs, src_w, dst_w, zeros_d)
    mu, ls = _tc_heads(parts2, hs, dinv8, Wmu, bmu.reshape(1, D),
                       Wls, bls.reshape(1, D))
    return (mu, ls)

# --- scband reference (transcript-rebuilt; emitter-appended) ---
"""Pipeline reference for scband-u-s-encoder-12137577578912 (READ-ONLY COPY).

The authoritative reference and input builder live on the scoring server;
editing this copy changes nothing except your own understanding.
"""

import jax, jax.numpy as jnp
import numpy as np

N = 10000
E = 320000
D_IN = 128
D_HID = 128
D_LAT = 128
EPS = 1e-5


def setup_inputs(seed: int = 0) -> dict:
    key = jax.random.key(seed)
    ks = jax.random.split(key, 10)
    x = jax.random.normal(ks[0], (N, D_IN), dtype=jnp.float32)
    edge_index = jax.random.randint(ks[1], (2, E), 0, N)
    s1 = 1.0 / np.sqrt(D_IN)
    s2 = 1.0 / np.sqrt(D_HID)
    W1 = jax.random.normal(ks[2], (D_IN, D_HID), dtype=jnp.float32) * s1
    b1 = jnp.zeros((D_HID,), dtype=jnp.float32)
    gamma = jnp.ones((D_HID,), dtype=jnp.float32)
    beta = jnp.zeros((D_HID,), dtype=jnp.float32)
    Wmu = jax.random.normal(ks[3], (D_HID, D_LAT), dtype=jnp.float32) * s2
    bmu = jnp.zeros((D_LAT,), dtype=jnp.float32)
    Wls = jax.random.normal(ks[4], (D_HID, D_LAT), dtype=jnp.float32) * s2
    bls = jnp.zeros((D_LAT,), dtype=jnp.float32)
    return {"x": x, "edge_index": edge_index, "W1": W1, "b1": b1,
            "gamma": gamma, "beta": beta, "Wmu": Wmu, "bmu": bmu,
            "Wls": Wls, "bls": bls}


def _gcn_conv(x, src, dst, W, b):
    # PyG GCNConv: symmetric normalization with self-loops (already appended to src/dst)
    xw = x @ W
    ones = jnp.ones(src.shape[0], dtype=jnp.float32)
    deg = jnp.zeros((N,), dtype=jnp.float32).at[dst].add(ones)
    dinv = jnp.where(deg > 0, jax.lax.rsqrt(jnp.maximum(deg, 1e-12)), 0.0)
    norm = dinv[src] * dinv[dst]
    msg = xw[src] * norm[:, None]
    out = jnp.zeros((N, W.shape[1]), dtype=jnp.float32).at[dst].add(msg)
    return out + b


def reference(x, edge_index, W1, b1, gamma, beta, Wmu, bmu, Wls, bls):
    sl = jnp.arange(N, dtype=edge_index.dtype)
    src = jnp.concatenate([edge_index[0], sl])
    dst = jnp.concatenate([edge_index[1], sl])
    h = _gcn_conv(x, src, dst, W1, b1)
    # BatchNorm1d (training-mode batch statistics, biased variance)
    mean = jnp.mean(h, axis=0)
    var = jnp.mean((h - mean) ** 2, axis=0)
    h = (h - mean) / jnp.sqrt(var + EPS) * gamma + beta
    h = jax.nn.relu(h)
    mu = _gcn_conv(h, src, dst, Wmu, bmu)
    logstd = _gcn_conv(h, src, dst, Wls, bls)
    return (mu, logstd)

if __name__ == "__main__":
    import jax
    _d = setup_inputs()
    print(jax.jit(kernel)(*tuple(_d.values())))

</pallas_src>

<mosaic_0001>
#map = affine_map<(d0, d1) -> (0, 0)>
#map1 = affine_map<(d0, d1) -> (0, 0, 0)>
module attributes {stable_mosaic.version = 14 : i64} {
  func.func @pass_kernel(%arg0: i32, %arg1: i32, %arg2: memref<10000x128xf32, #tpu.memory_space<hbm>>, %arg3: memref<32x80x125xi32, #tpu.memory_space<hbm>>, %arg4: memref<32x80x125xi32, #tpu.memory_space<hbm>>, %arg5: memref<10000x128xf32, #tpu.memory_space<hbm>>, %arg6: memref<2x10000x128xf32, #tpu.memory_space<hbm>>, %arg7: memref<8x125xi32, #tpu.memory_space<vmem>>, %arg8: memref<8x125xi32, #tpu.memory_space<vmem>>, %arg9: memref<8x125xi32, #tpu.memory_space<vmem>>, %arg10: memref<8x125xi32, #tpu.memory_space<vmem>>, %arg11: memref<125x128xf32, #tpu.memory_space<vmem>>, %arg12: memref<125x128xf32, #tpu.memory_space<vmem>>, %arg13: memref<10000x128xf32, #tpu.memory_space<vmem_shared>>, %arg14: memref<!tpu.dma_semaphore, #tpu.memory_space<semaphore_mem>>, %arg15: memref<!tpu.dma_semaphore, #tpu.memory_space<semaphore_mem>>, %arg16: memref<!tpu.dma_semaphore, #tpu.memory_space<semaphore_mem>>) attributes {dimension_semantics = [#tpu.dimension_semantics<core_parallel>, #tpu.dimension_semantics<subcore_parallel>], iteration_bounds = array<i64: 2, 16>, scalar_prefetch = 0 : i64, scratch_operands = 10 : i64, tpu.core_type = #tpu.core_type<sc_vector_subcore>, window_params = [{transform_indices = #map}, {transform_indices = #map1}, {transform_indices = #map1}, {transform_indices = #map}, {transform_indices = #map1}]} {
    %mul3A = arith.constant 2 : i32
    %mul3A_0 = arith.muli %arg1, %mul3A : i32
    %add3A = arith.addi %mul3A_0, %arg0 : i32
    %dma_start3A = arith.constant 0 : i32
    %dma_start3A_1 = arith.constant 0 : i32
    %dma_start3A_2 = tpu.memref_slice %arg3[%add3A, %dma_start3A, %dma_start3A_1] : memref<32x80x125xi32, #tpu.memory_space<hbm>> -> memref<1x80x125xi32, #tpu.memory_space<hbm>>
    %dma_start3A_3 = tpu.memref_squeeze %dma_start3A_2 : memref<1x80x125xi32, #tpu.memory_space<hbm>> -> memref<80x125xi32, #tpu.memory_space<hbm>>
    %dma_start3A_4 = arith.constant 0 : i32
    %dma_start3A_5 = arith.constant 0 : i32
    %dma_start3A_6 = tpu.memref_slice %dma_start3A_3[%dma_start3A_4, %dma_start3A_5] : memref<80x125xi32, #tpu.memory_space<hbm>> -> memref<8x125xi32, #tpu.memory_space<hbm>>
    %dma_start3A_7 = arith.constant 0 : i32
    %dma_start3A_8 = arith.constant 0 : i32
    %dma_start3A_9 = tpu.memref_slice %arg3[%add3A, %dma_start3A_7, %dma_start3A_8] : memref<32x80x125xi32, #tpu.memory_space<hbm>> -> memref<1x80x125xi32, #tpu.memory_space<hbm>>
    %dma_start3A_10 = tpu.memref_squeeze %dma_start3A_9 : memref<1x80x125xi32, #tpu.memory_space<hbm>> -> memref<80x125xi32, #tpu.memory_space<hbm>>
    %dma_start3A_11 = arith.constant 0 : i32
    %dma_start3A_12 = arith.constant 0 : i32
    %dma_start3A_13 = tpu.memref_slice %dma_start3A_10[%dma_start3A_11, %dma_start3A_12] : memref<80x125xi32, #tpu.memory_space<hbm>> -> memref<8x125xi32, #tpu.memory_space<hbm>>
    tpu.enqueue_dma source(%dma_start3A_13 : memref<8x125xi32, #tpu.memory_space<hbm>>) target(%arg7 : memref<8x125xi32, #tpu.memory_space<vmem>>) target_semaphore(%arg16 : memref<!tpu.dma_semaphore, #tpu.memory_space<semaphore_mem>>)
    %dma_start3A_14 = arith.constant 0 : i32
    %dma_start3A_15 = arith.constant 0 : i32
    %dma_start3A_16 = tpu.memref_slice %arg4[%add3A, %dma_start3A_14, %dma_start3A_15] : memref<32x80x125xi32, #tpu.memory_space<hbm>> -> memref<1x80x125xi32, #tpu.memory_space<hbm>>
    %dma_start3A_17 = tpu.memref_squeeze %dma_start3A_16 : memref<1x80x125xi32, #tpu.memory_space<hbm>> -> memref<80x125xi32, #tpu.memory_space<hbm>>
    %dma_start3A_18 = arith.constant 0 : i32
    %dma_start3A_19 = arith.constant 0 : i32
    %dma_start3A_20 = tpu.memref_slice %dma_start3A_17[%dma_start3A_18, %dma_start3A_19] : memref<80x125xi32, #tpu.memory_space<hbm>> -> memref<8x125xi32, #tpu.memory_space<hbm>>
    %dma_start3A_21 = arith.constant 0 : i32
    %dma_start3A_22 = arith.constant 0 : i32
    %dma_start3A_23 = tpu.memref_slice %arg4[%add3A, %dma_start3A_21, %dma_start3A_22] : memref<32x80x125xi32, #tpu.memory_space<hbm>> -> memref<1x80x125xi32, #tpu.memory_space<hbm>>
    %dma_start3A_24 = tpu.memref_squeeze %dma_start3A_23 : memref<1x80x125xi32, #tpu.memory_space<hbm>> -> memref<80x125xi32, #tpu.memory_space<hbm>>
    %dma_start3A_25 = arith.constant 0 : i32
    %dma_start3A_26 = arith.constant 0 : i32
    %dma_start3A_27 = tpu.memref_slice %dma_start3A_24[%dma_start3A_25, %dma_start3A_26] : memref<80x125xi32, #tpu.memory_space<hbm>> -> memref<8x125xi32, #tpu.memory_space<hbm>>
    tpu.enqueue_dma source(%dma_start3A_27 : memref<8x125xi32, #tpu.memory_space<hbm>>) target(%arg8 : memref<8x125xi32, #tpu.memory_space<vmem>>) target_semaphore(%arg16 : memref<!tpu.dma_semaphore, #tpu.memory_space<semaphore_mem>>)
    %lt3A = arith.constant 15 : i32
    %lt3A_28 = arith.cmpi slt, %arg1, %lt3A : i32
    %convert_element_type3A = arith.extui %lt3A_28 : i1 to i32
    %cond3A = arith.constant 0 : i32
    %cond3A_29 = arith.cmpi ne, %convert_element_type3A, %cond3A : i32
    scf.if %cond3A_29 {
      %mul3A_77 = arith.constant 632 : i32
      %mul3A_78 = arith.muli %arg1, %mul3A_77 : i32
      "tpu.region"() ({
        %run_scoped3A = tpu.sem_alloc : memref<!tpu.dma_semaphore, #tpu.memory_space<semaphore_mem>>
        %dma_start3A_79 = arith.constant 0 : i32
        %dma_start3A_80 = tpu.memref_slice %arg13[%mul3A_78, %dma_start3A_79] : memref<10000x128xf32, #tpu.memory_space<vmem_shared>> -> memref<632x128xf32, #tpu.memory_space<vmem_shared>>
        %dma_start3A_81 = arith.constant 0 : i32
        %dma_start3A_82 = tpu.memref_slice %arg5[%mul3A_78, %dma_start3A_81] : memref<10000x128xf32, #tpu.memory_space<hbm>> -> memref<632x128xf32, #tpu.memory_space<hbm>>
        tpu.enqueue_dma source(%dma_start3A_82 : memref<632x128xf32, #tpu.memory_space<hbm>>) target(%dma_start3A_80 : memref<632x128xf32, #tpu.memory_space<vmem_shared>>) target_semaphore(%run_scoped3A : memref<!tpu.dma_semaphore, #tpu.memory_space<semaphore_mem>>)
        %dma_wait3A_83 = arith.constant 0 : i32
        %dma_wait3A_84 = tpu.memref_slice %arg13[%mul3A_78, %dma_wait3A_83] : memref<10000x128xf32, #tpu.memory_space<vmem_shared>> -> memref<632x128xf32, #tpu.memory_space<vmem_shared>>
        %dma_wait3A_85 = arith.constant 0 : i32
        %dma_wait3A_86 = tpu.memref_slice %arg5[%mul3A_78, %dma_wait3A_85] : memref<10000x128xf32, #tpu.memory_space<hbm>> -> memref<632x128xf32, #tpu.memory_space<hbm>>
        tpu.wait_dma2 semaphore(%run_scoped3A : memref<!tpu.dma_semaphore, #tpu.memory_space<semaphore_mem>>) src(%dma_wait3A_86 : memref<632x128xf32, #tpu.memory_space<hbm>>) dst(%dma_wait3A_84 : memref<632x128xf32, #tpu.memory_space<vmem_shared>>)
        tpu.yield
      }) : () -> ()
    } else {
    }
    %eq3A = arith.constant 15 : i32
    %eq3A_30 = arith.cmpi eq, %arg1, %eq3A : i32
    %convert_element_type3A_31 = arith.extui %eq3A_30 : i1 to i32
    %cond3A_32 = arith.constant 0 : i32
    %cond3A_33 = arith.cmpi ne, %convert_element_type3A_31, %cond3A_32 : i32
    scf.if %cond3A_33 {
      "tpu.region"() ({
        %run_scoped3A = tpu.sem_alloc : memref<!tpu.dma_semaphore, #tpu.memory_space<semaphore_mem>>
        %dma_start3A_77 = arith.constant 9480 : i32
        %dma_start3A_78 = arith.constant 0 : i32
        %dma_start3A_79 = tpu.memref_slice %arg13[%dma_start3A_77, %dma_start3A_78] : memref<10000x128xf32, #tpu.memory_space<vmem_shared>> -> memref<520x128xf32, #tpu.memory_space<vmem_shared>>
        %dma_start3A_80 = arith.constant 9480 : i32
        %dma_start3A_81 = arith.constant 0 : i32
        %dma_start3A_82 = tpu.memref_slice %arg5[%dma_start3A_80, %dma_start3A_81] : memref<10000x128xf32, #tpu.memory_space<hbm>> -> memref<520x128xf32, #tpu.memory_space<hbm>>
        tpu.enqueue_dma source(%dma_start3A_82 : memref<520x128xf32, #tpu.memory_space<hbm>>) target(%dma_start3A_79 : memref<520x128xf32, #tpu.memory_space<vmem_shared>>) target_semaphore(%run_scoped3A : memref<!tpu.dma_semaphore, #tpu.memory_space<semaphore_mem>>)
        %dma_wait3A_83 = arith.constant 9480 : i32
        %dma_wait3A_84 = arith.constant 0 : i32
        %dma_wait3A_85 = tpu.memref_slice %arg13[%dma_wait3A_83, %dma_wait3A_84] : memref<10000x128xf32, #tpu.memory_space<vmem_shared>> -> memref<520x128xf32, #tpu.memory_space<vmem_shared>>
        %dma_wait3A_86 = arith.constant 9480 : i32
        %dma_wait3A_87 = arith.constant 0 : i32
        %dma_wait3A_88 = tpu.memref_slice %arg5[%dma_wait3A_86, %dma_wait3A_87] : memref<10000x128xf32, #tpu.memory_space<hbm>> -> memref<520x128xf32, #tpu.memory_space<hbm>>
        tpu.wait_dma2 semaphore(%run_scoped3A : memref<!tpu.dma_semaphore, #tpu.memory_space<semaphore_mem>>) src(%dma_wait3A_88 : memref<520x128xf32, #tpu.memory_space<hbm>>) dst(%dma_wait3A_85 : memref<520x128xf32, #tpu.memory_space<vmem_shared>>)
        tpu.yield
      }) : () -> ()
    } else {
    }
    %barrier3A = arith.constant 0 : index
    tpu.barrier barrier_id(%barrier3A)
    %scan3A = arith.constant 0 : i32
    %scan3A_34 = arith.constant 0 : i32
    %scan3A_35 = arith.constant 5 : i32
    %scan3A_36 = arith.addi %scan3A_34, %scan3A_35 : i32
    %scan3A_37 = arith.constant 1 : i32
    scf.for %scan3A_77 = %scan3A_34 to %scan3A_36 step %scan3A_37  : i32 {
      %mul3A_78 = arith.constant 2 : i32
      %mul3A_79 = arith.muli %scan3A_77, %mul3A_78 : i32
      %add3A_80 = arith.constant 1 : i32
      %add3A_81 = arith.addi %mul3A_79, %add3A_80 : i32
      %mul3A_82 = arith.constant 8 : i32
      %mul3A_83 = arith.muli %add3A_81, %mul3A_82 : i32
      %dma_start3A_84 = arith.constant 0 : i32
      %dma_start3A_85 = arith.constant 0 : i32
      %dma_start3A_86 = tpu.memref_slice %arg3[%add3A, %dma_start3A_84, %dma_start3A_85] : memref<32x80x125xi32, #tpu.memory_space<hbm>> -> memref<1x80x125xi32, #tpu.memory_space<hbm>>
      %dma_start3A_87 = tpu.memref_squeeze %dma_start3A_86 : memref<1x80x125xi32, #tpu.memory_space<hbm>> -> memref<80x125xi32, #tpu.memory_space<hbm>>
      %dma_start3A_88 = arith.constant 0 : i32
      %dma_start3A_89 = tpu.memref_slice %dma_start3A_87[%mul3A_83, %dma_start3A_88] : memref<80x125xi32, #tpu.memory_space<hbm>> -> memref<8x125xi32, #tpu.memory_space<hbm>>
      %dma_start3A_90 = arith.constant 0 : i32
      %dma_start3A_91 = arith.constant 0 : i32
      %dma_start3A_92 = tpu.memref_slice %arg3[%add3A, %dma_start3A_90, %dma_start3A_91] : memref<32x80x125xi32, #tpu.memory_space<hbm>> -> memref<1x80x125xi32, #tpu.memory_space<hbm>>
      %dma_start3A_93 = tpu.memref_squeeze %dma_start3A_92 : memref<1x80x125xi32, #tpu.memory_space<hbm>> -> memref<80x125xi32, #tpu.memory_space<hbm>>
      %dma_start3A_94 = arith.constant 0 : i32
      %dma_start3A_95 = tpu.memref_slice %dma_start3A_93[%mul3A_83, %dma_start3A_94] : memref<80x125xi32, #tpu.memory_space<hbm>> -> memref<8x125xi32, #tpu.memory_space<hbm>>
      tpu.enqueue_dma source(%dma_start3A_95 : memref<8x125xi32, #tpu.memory_space<hbm>>) target(%arg9 : memref<8x125xi32, #tpu.memory_space<vmem>>) target_semaphore(%arg16 : memref<!tpu.dma_semaphore, #tpu.memory_space<semaphore_mem>>)
      %mul3A_96 = arith.constant 8 : i32
      %mul3A_97 = arith.muli %add3A_81, %mul3A_96 : i32
      %dma_start3A_98 = arith.constant 0 : i32
      %dma_start3A_99 = arith.constant 0 : i32
      %dma_start3A_100 = tpu.memref_slice %arg4[%add3A, %dma_start3A_98, %dma_start3A_99] : memref<32x80x125xi32, #tpu.memory_space<hbm>> -> memref<1x80x125xi32, #tpu.memory_space<hbm>>
      %dma_start3A_101 = tpu.memref_squeeze %dma_start3A_100 : memref<1x80x125xi32, #tpu.memory_space<hbm>> -> memref<80x125xi32, #tpu.memory_space<hbm>>
      %dma_start3A_102 = arith.constant 0 : i32
      %dma_start3A_103 = tpu.memref_slice %dma_start3A_101[%mul3A_97, %dma_start3A_102] : memref<80x125xi32, #tpu.memory_space<hbm>> -> memref<8x125xi32, #tpu.memory_space<hbm>>
      %dma_start3A_104 = arith.constant 0 : i32
      %dma_start3A_105 = arith.constant 0 : i32
      %dma_start3A_106 = tpu.memref_slice %arg4[%add3A, %dma_start3A_104, %dma_start3A_105] : memref<32x80x125xi32, #tpu.memory_space<hbm>> -> memref<1x80x125xi32, #tpu.memory_space<hbm>>
      %dma_start3A_107 = tpu.memref_squeeze %dma_start3A_106 : memref<1x80x125xi32, #tpu.memory_space<hbm>> -> memref<80x125xi32, #tpu.memory_space<hbm>>
      %dma_start3A_108 = arith.constant 0 : i32
      %dma_start3A_109 = tpu.memref_slice %dma_start3A_107[%mul3A_97, %dma_start3A_108] : memref<80x125xi32, #tpu.memory_space<hbm>> -> memref<8x125xi32, #tpu.memory_space<hbm>>
      tpu.enqueue_dma source(%dma_start3A_109 : memref<8x125xi32, #tpu.memory_space<hbm>>) target(%arg10 : memref<8x125xi32, #tpu.memory_space<vmem>>) target_semaphore(%arg16 : memref<!tpu.dma_semaphore, #tpu.memory_space<semaphore_mem>>)
      %mul3A_110 = arith.constant 8 : i32
      %mul3A_111 = arith.muli %mul3A_79, %mul3A_110 : i32
      %dma_wait3A_112 = arith.constant 0 : i32
      %dma_wait3A_113 = arith.constant 0 : i32
      %dma_wait3A_114 = tpu.memref_slice %arg3[%add3A, %dma_wait3A_112, %dma_wait3A_113] : memref<32x80x125xi32, #tpu.memory_space<hbm>> -> memref<1x80x125xi32, #tpu.memory_space<hbm>>
      %dma_wait3A_115 = tpu.memref_squeeze %dma_wait3A_114 : memref<1x80x125xi32, #tpu.memory_space<hbm>> -> memref<80x125xi32, #tpu.memory_space<hbm>>
      %dma_wait3A_116 = arith.constant 0 : i32
      %dma_wait3A_117 = tpu.memref_slice %dma_wait3A_115[%mul3A_111, %dma_wait3A_116] : memref<80x125xi32, #tpu.memory_space<hbm>> -> memref<8x125xi32, #tpu.memory_space<hbm>>
      %dma_wait3A_118 = arith.constant 0 : i32
      %dma_wait3A_119 = arith.constant 0 : i32
      %dma_wait3A_120 = tpu.memref_slice %arg3[%add3A, %dma_wait3A_118, %dma_wait3A_119] : memref<32x80x125xi32, #tpu.memory_space<hbm>> -> memref<1x80x125xi32, #tpu.memory_space<hbm>>
      %dma_wait3A_121 = tpu.memref_squeeze %dma_wait3A_120 : memref<1x80x125xi32, #tpu.memory_space<hbm>> -> memref<80x125xi32, #tpu.memory_space<hbm>>
      %dma_wait3A_122 = arith.constant 0 : i32
      %dma_wait3A_123 = tpu.memref_slice %dma_wait3A_121[%mul3A_111, %dma_wait3A_122] : memref<80x125xi32, #tpu.memory_space<hbm>> -> memref<8x125xi32, #tpu.memory_space<hbm>>
      tpu.wait_dma2 semaphore(%arg16 : memref<!tpu.dma_semaphore, #tpu.memory_space<semaphore_mem>>) src(%dma_wait3A_123 : memref<8x125xi32, #tpu.memory_space<hbm>>) dst(%arg7 : memref<8x125xi32, #tpu.memory_space<vmem>>)
      %mul3A_124 = arith.constant 8 : i32
      %mul3A_125 = arith.muli %mul3A_79, %mul3A_124 : i32
      %dma_wait3A_126 = arith.constant 0 : i32
      %dma_wait3A_127 = arith.constant 0 : i32
      %dma_wait3A_128 = tpu.memref_slice %arg4[%add3A, %dma_wait3A_126, %dma_wait3A_127] : memref<32x80x125xi32, #tpu.memory_space<hbm>> -> memref<1x80x125xi32, #tpu.memory_space<hbm>>
      %dma_wait3A_129 = tpu.memref_squeeze %dma_wait3A_128 : memref<1x80x125xi32, #tpu.memory_space<hbm>> -> memref<80x125xi32, #tpu.memory_space<hbm>>
      %dma_wait3A_130 = arith.constant 0 : i32
      %dma_wait3A_131 = tpu.memref_slice %dma_wait3A_129[%mul3A_125, %dma_wait3A_130] : memref<80x125xi32, #tpu.memory_space<hbm>> -> memref<8x125xi32, #tpu.memory_space<hbm>>
      %dma_wait3A_132 = arith.constant 0 : i32
      %dma_wait3A_133 = arith.constant 0 : i32
      %dma_wait3A_134 = tpu.memref_slice %arg4[%add3A, %dma_wait3A_132, %dma_wait3A_133] : memref<32x80x125xi32, #tpu.memory_space<hbm>> -> memref<1x80x125xi32, #tpu.memory_space<hbm>>
      %dma_wait3A_135 = tpu.memref_squeeze %dma_wait3A_134 : memref<1x80x125xi32, #tpu.memory_space<hbm>> -> memref<80x125xi32, #tpu.memory_space<hbm>>
      %dma_wait3A_136 = arith.constant 0 : i32
      %dma_wait3A_137 = tpu.memref_slice %dma_wait3A_135[%mul3A_125, %dma_wait3A_136] : memref<80x125xi32, #tpu.memory_space<hbm>> -> memref<8x125xi32, #tpu.memory_space<hbm>>
      tpu.wait_dma2 semaphore(%arg16 : memref<!tpu.dma_semaphore, #tpu.memory_space<semaphore_mem>>) src(%dma_wait3A_137 : memref<8x125xi32, #tpu.memory_space<hbm>>) dst(%arg8 : memref<8x125xi32, #tpu.memory_space<vmem>>)
      %dma_start3A_138 = arith.constant 0 : i32
      %dma_start3A_139 = arith.constant 0 : i32
      %dma_start3A_140 = tpu.memref_slice %arg7[%dma_start3A_138, %dma_start3A_139] : memref<8x125xi32, #tpu.memory_space<vmem>> -> memref<1x125xi32, #tpu.memory_space<vmem>>
      %dma_start3A_141 = tpu.memref_squeeze %dma_start3A_140 : memref<1x125xi32, #tpu.memory_space<vmem>> -> memref<125xi32, #tpu.memory_space<vmem>>
      %dma_start3A_142 = arith.constant 0 : i32
      %dma_start3A_143 = arith.constant 0 : i32
      %dma_start3A_144 = tpu.memref_slice %arg2[%dma_start3A_142, %dma_start3A_143] : memref<10000x128xf32, #tpu.memory_space<hbm>> -> memref<10000x128xf32, #tpu.memory_space<hbm>>
      tpu.enqueue_indirect_dma source(%dma_start3A_144 : memref<10000x128xf32, #tpu.memory_space<hbm>>) target(%arg11 : memref<125x128xf32, #tpu.memory_space<vmem>>) offsets(%dma_start3A_141 : memref<125xi32, #tpu.memory_space<vmem>>) semaphore(%arg14 : memref<!tpu.dma_semaphore, #tpu.memory_space<semaphore_mem>>)
      %dma_start3A_145 = arith.constant 1 : i32
      %dma_start3A_146 = arith.constant 0 : i32
      %dma_start3A_147 = tpu.memref_slice %arg7[%dma_start3A_145, %dma_start3A_146] : memref<8x125xi32, #tpu.memory_space<vmem>> -> memref<1x125xi32, #tpu.memory_space<vmem>>
      %dma_start3A_148 = tpu.memref_squeeze %dma_start3A_147 : memref<1x125xi32, #tpu.memory_space<vmem>> -> memref<125xi32, #tpu.memory_space<vmem>>
      %dma_start3A_149 = arith.constant 0 : i32
      %dma_start3A_150 = arith.constant 0 : i32
      %dma_start3A_151 = tpu.memref_slice %arg2[%dma_start3A_149, %dma_start3A_150] : memref<10000x128xf32, #tpu.memory_space<hbm>> -> memref<10000x128xf32, #tpu.memory_space<hbm>>
      tpu.enqueue_indirect_dma source(%dma_start3A_151 : memref<10000x128xf32, #tpu.memory_space<hbm>>) target(%arg12 : memref<125x128xf32, #tpu.memory_space<vmem>>) offsets(%dma_start3A_148 : memref<125xi32, #tpu.memory_space<vmem>>) semaphore(%arg15 : memref<!tpu.dma_semaphore, #tpu.memory_space<semaphore_mem>>)
      %dma_wait3A_152 = arith.constant 0 : i32
      %dma_wait3A_153 = arith.constant 0 : i32
      %dma_wait3A_154 = tpu.memref_slice %arg7[%dma_wait3A_152, %dma_wait3A_153] : memref<8x125xi32, #tpu.memory_space<vmem>> -> memref<1x125xi32, #tpu.memory_space<vmem>>
      %dma_wait3A_155 = tpu.memref_squeeze %dma_wait3A_154 : memref<1x125xi32, #tpu.memory_space<vmem>> -> memref<125xi32, #tpu.memory_space<vmem>>
      %dma_wait3A_156 = arith.constant 0 : i32
      %dma_wait3A_157 = arith.constant 0 : i32
      %dma_wait3A_158 = tpu.memref_slice %arg2[%dma_wait3A_156, %dma_wait3A_157] : memref<10000x128xf32, #tpu.memory_space<hbm>> -> memref<10000x128xf32, #tpu.memory_space<hbm>>
      tpu.wait_indirect_dma semaphore(%arg14 : memref<!tpu.dma_semaphore, #tpu.memory_space<semaphore_mem>>) src(%dma_wait3A_158 : memref<10000x128xf32, #tpu.memory_space<hbm>>) dst(%arg11 : memref<125x128xf32, #tpu.memory_space<vmem>>)
      %run_scoped3A = arith.constant 0 : i32
      "tpu.region"() ({
        %run_scoped3A_438 = tpu.sem_alloc : memref<!tpu.dma_semaphore, #tpu.memory_space<semaphore_mem>>
        %dma_start3A_439 = arith.constant 0 : i32
        %dma_start3A_440 = tpu.memref_slice %arg8[%run_scoped3A, %dma_start3A_439] : memref<8x125xi32, #tpu.memory_space<vmem>> -> memref<1x125xi32, #tpu.memory_space<vmem>>
        %dma_start3A_441 = tpu.memref_squeeze %dma_start3A_440 : memref<1x125xi32, #tpu.memory_space<vmem>> -> memref<125xi32, #tpu.memory_space<vmem>>
        %dma_start3A_442 = arith.constant 0 : i32
        %dma_start3A_443 = arith.constant 0 : i32
        %dma_start3A_444 = tpu.memref_slice %arg13[%dma_start3A_442, %dma_start3A_443] : memref<10000x128xf32, #tpu.memory_space<vmem_shared>> -> memref<10000x128xf32, #tpu.memory_space<vmem_shared>>
        tpu.enqueue_indirect_dma source(%arg11 : memref<125x128xf32, #tpu.memory_space<vmem>>) target(%dma_start3A_444 : memref<10000x128xf32, #tpu.memory_space<vmem_shared>>) offsets(%dma_start3A_441 : memref<125xi32, #tpu.memory_space<vmem>>) semaphore(%run_scoped3A_438 : memref<!tpu.dma_semaphore, #tpu.memory_space<semaphore_mem>>) {add = true}
        %dma_wait3A_445 = arith.constant 0 : i32
        %dma_wait3A_446 = tpu.memref_slice %arg8[%run_scoped3A, %dma_wait3A_445] : memref<8x125xi32, #tpu.memory_space<vmem>> -> memref<1x125xi32, #tpu.memory_space<vmem>>
        %dma_wait3A_447 = tpu.memref_squeeze %dma_wait3A_446 : memref<1x125xi32, #tpu.memory_space<vmem>> -> memref<125xi32, #tpu.memory_space<vmem>>
        %dma_wait3A_448 = arith.constant 0 : i32
        %dma_wait3A_449 = arith.constant 0 : i32
        %dma_wait3A_450 = tpu.memref_slice %arg13[%dma_wait3A_448, %dma_wait3A_449] : memref<10000x128xf32, #tpu.memory_space<vmem_shared>> -> memref<10000x128xf32, #tpu.memory_space<vmem_shared>>
        tpu.wait_indirect_dma semaphore(%run_scoped3A_438 : memref<!tpu.dma_semaphore, #tpu.memory_space<semaphore_mem>>) src(%arg11 : memref<125x128xf32, #tpu.memory_space<vmem>>) dst(%dma_wait3A_450 : memref<10000x128xf32, #tpu.memory_space<vmem_shared>>)
        tpu.yield
      }) : () -> ()
      %dma_start3A_159 = arith.constant 2 : i32
      %dma_start3A_160 = arith.constant 0 : i32
      %dma_start3A_161 = tpu.memref_slice %arg7[%dma_start3A_159, %dma_start3A_160] : memref<8x125xi32, #tpu.memory_space<vmem>> -> memref<1x125xi32, #tpu.memory_space<vmem>>
      %dma_start3A_162 = tpu.memref_squeeze %dma_start3A_161 : memref<1x125xi32, #tpu.memory_space<vmem>> -> memref<125xi32, #tpu.memory_space<vmem>>
      %dma_start3A_163 = arith.constant 0 : i32
      %dma_start3A_164 = arith.constant 0 : i32
      %dma_start3A_165 = tpu.memref_slice %arg2[%dma_start3A_163, %dma_start3A_164] : memref<10000x128xf32, #tpu.memory_space<hbm>> -> memref<10000x128xf32, #tpu.memory_space<hbm>>
      tpu.enqueue_indirect_dma source(%dma_start3A_165 : memref<10000x128xf32, #tpu.memory_space<hbm>>) target(%arg11 : memref<125x128xf32, #tpu.memory_space<vmem>>) offsets(%dma_start3A_162 : memref<125xi32, #tpu.memory_space<vmem>>) semaphore(%arg14 : memref<!tpu.dma_semaphore, #tpu.memory_space<semaphore_mem>>)
      %dma_wait3A_166 = arith.constant 1 : i32
      %dma_wait3A_167 = arith.constant 0 : i32
      %dma_wait3A_168 = tpu.memref_slice %arg7[%dma_wait3A_166, %dma_wait3A_167] : memref<8x125xi32, #tpu.memory_space<vmem>> -> memref<1x125xi32, #tpu.memory_space<vmem>>
      %dma_wait3A_169 = tpu.memref_squeeze %dma_wait3A_168 : memref<1x125xi32, #tpu.memory_space<vmem>> -> memref<125xi32, #tpu.memory_space<vmem>>
      %dma_wait3A_170 = arith.constant 0 : i32
      %dma_wait3A_171 = arith.constant 0 : i32
      %dma_wait3A_172 = tpu.memref_slice %arg2[%dma_wait3A_170, %dma_wait3A_171] : memref<10000x128xf32, #tpu.memory_space<hbm>> -> memref<10000x128xf32, #tpu.memory_space<hbm>>
      tpu.wait_indirect_dma semaphore(%arg15 : memref<!tpu.dma_semaphore, #tpu.memory_space<semaphore_mem>>) src(%dma_wait3A_172 : memref<10000x128xf32, #tpu.memory_space<hbm>>) dst(%arg12 : memref<125x128xf32, #tpu.memory_space<vmem>>)
      %run_scoped3A_173 = arith.constant 1 : i32
      "tpu.region"() ({
        %run_scoped3A_438 = tpu.sem_alloc : memref<!tpu.dma_semaphore, #tpu.memory_space<semaphore_mem>>
        %dma_start3A_439 = arith.constant 0 : i32
        %dma_start3A_440 = tpu.memref_slice %arg8[%run_scoped3A_173, %dma_start3A_439] : memref<8x125xi32, #tpu.memory_space<vmem>> -> memref<1x125xi32, #tpu.memory_space<vmem>>
        %dma_start3A_441 = tpu.memref_squeeze %dma_start3A_440 : memref<1x125xi32, #tpu.memory_space<vmem>> -> memref<125xi32, #tpu.memory_space<vmem>>
        %dma_start3A_442 = arith.constant 0 : i32
        %dma_start3A_443 = arith.constant 0 : i32
        %dma_start3A_444 = tpu.memref_slice %arg13[%dma_start3A_442, %dma_start3A_443] : memref<10000x128xf32, #tpu.memory_space<vmem_shared>> -> memref<10000x128xf32, #tpu.memory_space<vmem_shared>>
        tpu.enqueue_indirect_dma source(%arg12 : memref<125x128xf32, #tpu.memory_space<vmem>>) target(%dma_start3A_444 : memref<10000x128xf32, #tpu.memory_space<vmem_shared>>) offsets(%dma_start3A_441 : memref<125xi32, #tpu.memory_space<vmem>>) semaphore(%run_scoped3A_438 : memref<!tpu.dma_semaphore, #tpu.memory_space<semaphore_mem>>) {add = true}
        %dma_wait3A_445 = arith.constant 0 : i32
        %dma_wait3A_446 = tpu.memref_slice %arg8[%run_scoped3A_173, %dma_wait3A_445] : memref<8x125xi32, #tpu.memory_space<vmem>> -> memref<1x125xi32, #tpu.memory_space<vmem>>
        %dma_wait3A_447 = tpu.memref_squeeze %dma_wait3A_446 : memref<1x125xi32, #tpu.memory_space<vmem>> -> memref<125xi32, #tpu.memory_space<vmem>>
        %dma_wait3A_448 = arith.constant 0 : i32
        %dma_wait3A_449 = arith.constant 0 : i32
        %dma_wait3A_450 = tpu.memref_slice %arg13[%dma_wait3A_448, %dma_wait3A_449] : memref<10000x128xf32, #tpu.memory_space<vmem_shared>> -> memref<10000x128xf32, #tpu.memory_space<vmem_shared>>
        tpu.wait_indirect_dma semaphore(%run_scoped3A_438 : memref<!tpu.dma_semaphore, #tpu.memory_space<semaphore_mem>>) src(%arg12 : memref<125x128xf32, #tpu.memory_space<vmem>>) dst(%dma_wait3A_450 : memref<10000x128xf32, #tpu.memory_space<vmem_shared>>)
        tpu.yield
      }) : () -> ()
      %dma_start3A_174 = arith.constant 3 : i32
      %dma_start3A_175 = arith.constant 0 : i32
      %dma_start3A_176 = tpu.memref_slice %arg7[%dma_start3A_174, %dma_start3A_175] : memref<8x125xi32, #tpu.memory_space<vmem>> -> memref<1x125xi32, #tpu.memory_space<vmem>>
      %dma_start3A_177 = tpu.memref_squeeze %dma_start3A_176 : memref<1x125xi32, #tpu.memory_space<vmem>> -> memref<125xi32, #tpu.memory_space<vmem>>
      %dma_start3A_178 = arith.constant 0 : i32
      %dma_start3A_179 = arith.constant 0 : i32
      %dma_start3A_180 = tpu.memref_slice %arg2[%dma_start3A_178, %dma_start3A_179] : memref<10000x128xf32, #tpu.memory_space<hbm>> -> memref<10000x128xf32, #tpu.memory_space<hbm>>
      tpu.enqueue_indirect_dma source(%dma_start3A_180 : memref<10000x128xf32, #tpu.memory_space<hbm>>) target(%arg12 : memref<125x128xf32, #tpu.memory_space<vmem>>) offsets(%dma_start3A_177 : memref<125xi32, #tpu.memory_space<vmem>>) semaphore(%arg15 : memref<!tpu.dma_semaphore, #tpu.memory_space<semaphore_mem>>)
      %dma_wait3A_181 = arith.constant 2 : i32
      %dma_wait3A_182 = arith.constant 0 : i32
      %dma_wait3A_183 = tpu.memref_slice %arg7[%dma_wait3A_181, %dma_wait3A_182] : memref<8x125xi32, #tpu.memory_space<vmem>> -> memref<1x125xi32, #tpu.memory_space<vmem>>
      %dma_wait3A_184 = tpu.memref_squeeze %dma_wait3A_183 : memref<1x125xi32, #tpu.memory_space<vmem>> -> memref<125xi32, #tpu.memory_space<vmem>>
      %dma_wait3A_185 = arith.constant 0 : i32
      %dma_wait3A_186 = arith.constant 0 : i32
      %dma_wait3A_187 = tpu.memref_slice %arg2[%dma_wait3A_185, %dma_wait3A_186] : memref<10000x128xf32, #tpu.memory_space<hbm>> -> memref<10000x128xf32, #tpu.memory_space<hbm>>
      tpu.wait_indirect_dma semaphore(%arg14 : memref<!tpu.dma_semaphore, #tpu.memory_space<semaphore_mem>>) src(%dma_wait3A_187 : memref<10000x128xf32, #tpu.memory_space<hbm>>) dst(%arg11 : memref<125x128xf32, #tpu.memory_space<vmem>>)
      %run_scoped3A_188 = arith.constant 2 : i32
      "tpu.region"() ({
        %run_scoped3A_438 = tpu.sem_alloc : memref<!tpu.dma_semaphore, #tpu.memory_space<semaphore_mem>>
        %dma_start3A_439 = arith.constant 0 : i32
        %dma_start3A_440 = tpu.memref_slice %arg8[%run_scoped3A_188, %dma_start3A_439] : memref<8x125xi32, #tpu.memory_space<vmem>> -> memref<1x125xi32, #tpu.memory_space<vmem>>
        %dma_start3A_441 = tpu.memref_squeeze %dma_start3A_440 : memref<1x125xi32, #tpu.memory_space<vmem>> -> memref<125xi32, #tpu.memory_space<vmem>>
        %dma_start3A_442 = arith.constant 0 : i32
        %dma_start3A_443 = arith.constant 0 : i32
        %dma_start3A_444 = tpu.memref_slice %arg13[%dma_start3A_442, %dma_start3A_443] : memref<10000x128xf32, #tpu.memory_space<vmem_shared>> -> memref<10000x128xf32, #tpu.memory_space<vmem_shared>>
        tpu.enqueue_indirect_dma source(%arg11 : memref<125x128xf32, #tpu.memory_space<vmem>>) target(%dma_start3A_444 : memref<10000x128xf32, #tpu.memory_space<vmem_shared>>) offsets(%dma_start3A_441 : memref<125xi32, #tpu.memory_space<vmem>>) semaphore(%run_scoped3A_438 : memref<!tpu.dma_semaphore, #tpu.memory_space<semaphore_mem>>) {add = true}
        %dma_wait3A_445 = arith.constant 0 : i32
        %dma_wait3A_446 = tpu.memref_slice %arg8[%run_scoped3A_188, %dma_wait3A_445] : memref<8x125xi32, #tpu.memory_space<vmem>> -> memref<1x125xi32, #tpu.memory_space<vmem>>
        %dma_wait3A_447 = tpu.memref_squeeze %dma_wait3A_446 : memref<1x125xi32, #tpu.memory_space<vmem>> -> memref<125xi32, #tpu.memory_space<vmem>>
        %dma_wait3A_448 = arith.constant 0 : i32
        %dma_wait3A_449 = arith.constant 0 : i32
        %dma_wait3A_450 = tpu.memref_slice %arg13[%dma_wait3A_448, %dma_wait3A_449] : memref<10000x128xf32, #tpu.memory_space<vmem_shared>> -> memref<10000x128xf32, #tpu.memory_space<vmem_shared>>
        tpu.wait_indirect_dma semaphore(%run_scoped3A_438 : memref<!tpu.dma_semaphore, #tpu.memory_space<semaphore_mem>>) src(%arg11 : memref<125x128xf32, #tpu.memory_space<vmem>>) dst(%dma_wait3A_450 : memref<10000x128xf32, #tpu.memory_space<vmem_shared>>)
        tpu.yield
      }) : () -> ()
      %dma_start3A_189 = arith.constant 4 : i32
      %dma_start3A_190 = arith.constant 0 : i32
      %dma_start3A_191 = tpu.memref_slice %arg7[%dma_start3A_189, %dma_start3A_190] : memref<8x125xi32, #tpu.memory_space<vmem>> -> memref<1x125xi32, #tpu.memory_space<vmem>>
      %dma_start3A_192 = tpu.memref_squeeze %dma_start3A_191 : memref<1x125xi32, #tpu.memory_space<vmem>> -> memref<125xi32, #tpu.memory_space<vmem>>
      %dma_start3A_193 = arith.constant 0 : i32
      %dma_start3A_194 = arith.constant 0 : i32
      %dma_start3A_195 = tpu.memref_slice %arg2[%dma_start3A_193, %dma_start3A_194] : memref<10000x128xf32, #tpu.memory_space<hbm>> -> memref<10000x128xf32, #tpu.memory_space<hbm>>
      tpu.enqueue_indirect_dma source(%dma_start3A_195 : memref<10000x128xf32, #tpu.memory_space<hbm>>) target(%arg11 : memref<125x128xf32, #tpu.memory_space<vmem>>) offsets(%dma_start3A_192 : memref<125xi32, #tpu.memory_space<vmem>>) semaphore(%arg14 : memref<!tpu.dma_semaphore, #tpu.memory_space<semaphore_mem>>)
      %dma_wait3A_196 = arith.constant 3 : i32
      %dma_wait3A_197 = arith.constant 0 : i32
      %dma_wait3A_198 = tpu.memref_slice %arg7[%dma_wait3A_196, %dma_wait3A_197] : memref<8x125xi32, #tpu.memory_space<vmem>> -> memref<1x125xi32, #tpu.memory_space<vmem>>
      %dma_wait3A_199 = tpu.memref_squeeze %dma_wait3A_198 : memref<1x125xi32, #tpu.memory_space<vmem>> -> memref<125xi32, #tpu.memory_space<vmem>>
      %dma_wait3A_200 = arith.constant 0 : i32
      %dma_wait3A_201 = arith.constant 0 : i32
      %dma_wait3A_202 = tpu.memref_slice %arg2[%dma_wait3A_200, %dma_wait3A_201] : memref<10000x128xf32, #tpu.memory_space<hbm>> -> memref<10000x128xf32, #tpu.memory_space<hbm>>
      tpu.wait_indirect_dma semaphore(%arg15 : memref<!tpu.dma_semaphore, #tpu.memory_space<semaphore_mem>>) src(%dma_wait3A_202 : memref<10000x128xf32, #tpu.memory_space<hbm>>) dst(%arg12 : memref<125x128xf32, #tpu.memory_space<vmem>>)
      %run_scoped3A_203 = arith.constant 3 : i32
      "tpu.region"() ({
        %run_scoped3A_438 = tpu.sem_alloc : memref<!tpu.dma_semaphore, #tpu.memory_space<semaphore_mem>>
        %dma_start3A_439 = arith.constant 0 : i32
        %dma_start3A_440 = tpu.memref_slice %arg8[%run_scoped3A_203, %dma_start3A_439] : memref<8x125xi32, #tpu.memory_space<vmem>> -> memref<1x125xi32, #tpu.memory_space<vmem>>
        %dma_start3A_441 = tpu.memref_squeeze %dma_start3A_440 : memref<1x125xi32, #tpu.memory_space<vmem>> -> memref<125xi32, #tpu.memory_space<vmem>>
        %dma_start3A_442 = arith.constant 0 : i32
        %dma_start3A_443 = arith.constant 0 : i32
        %dma_start3A_444 = tpu.memref_slice %arg13[%dma_start3A_442, %dma_start3A_443] : memref<10000x128xf32, #tpu.memory_space<vmem_shared>> -> memref<10000x128xf32, #tpu.memory_space<vmem_shared>>
        tpu.enqueue_indirect_dma source(%arg12 : memref<125x128xf32, #tpu.memory_space<vmem>>) target(%dma_start3A_444 : memref<10000x128xf32, #tpu.memory_space<vmem_shared>>) offsets(%dma_start3A_441 : memref<125xi32, #tpu.memory_space<vmem>>) semaphore(%run_scoped3A_438 : memref<!tpu.dma_semaphore, #tpu.memory_space<semaphore_mem>>) {add = true}
        %dma_wait3A_445 = arith.constant 0 : i32
        %dma_wait3A_446 = tpu.memref_slice %arg8[%run_scoped3A_203, %dma_wait3A_445] : memref<8x125xi32, #tpu.memory_space<vmem>> -> memref<1x125xi32, #tpu.memory_space<vmem>>
        %dma_wait3A_447 = tpu.memref_squeeze %dma_wait3A_446 : memref<1x125xi32, #tpu.memory_space<vmem>> -> memref<125xi32, #tpu.memory_space<vmem>>
        %dma_wait3A_448 = arith.constant 0 : i32
        %dma_wait3A_449 = arith.constant 0 : i32
        %dma_wait3A_450 = tpu.memref_slice %arg13[%dma_wait3A_448, %dma_wait3A_449] : memref<10000x128xf32, #tpu.memory_space<vmem_shared>> -> memref<10000x128xf32, #tpu.memory_space<vmem_shared>>
        tpu.wait_indirect_dma semaphore(%run_scoped3A_438 : memref<!tpu.dma_semaphore, #tpu.memory_space<semaphore_mem>>) src(%arg12 : memref<125x128xf32, #tpu.memory_space<vmem>>) dst(%dma_wait3A_450 : memref<10000x128xf32, #tpu.memory_space<vmem_shared>>)
        tpu.yield
      }) : () -> ()
      %dma_start3A_204 = arith.constant 5 : i32
      %dma_start3A_205 = arith.constant 0 : i32
      %dma_start3A_206 = tpu.memref_slice %arg7[%dma_start3A_204, %dma_start3A_205] : memref<8x125xi32, #tpu.memory_space<vmem>> -> memref<1x125xi32, #tpu.memory_space<vmem>>
      %dma_start3A_207 = tpu.memref_squeeze %dma_start3A_206 : memref<1x125xi32, #tpu.memory_space<vmem>> -> memref<125xi32, #tpu.memory_space<vmem>>
      %dma_start3A_208 = arith.constant 0 : i32
      %dma_start3A_209 = arith.constant 0 : i32
      %dma_start3A_210 = tpu.memref_slice %arg2[%dma_start3A_208, %dma_start3A_209] : memref<10000x128xf32, #tpu.memory_space<hbm>> -> memref<10000x128xf32, #tpu.memory_space<hbm>>
      tpu.enqueue_indirect_dma source(%dma_start3A_210 : memref<10000x128xf32, #tpu.memory_space<hbm>>) target(%arg12 : memref<125x128xf32, #tpu.memory_space<vmem>>) offsets(%dma_start3A_207 : memref<125xi32, #tpu.memory_space<vmem>>) semaphore(%arg15 : memref<!tpu.dma_semaphore, #tpu.memory_space<semaphore_mem>>)
      %dma_wait3A_211 = arith.constant 4 : i32
      %dma_wait3A_212 = arith.constant 0 : i32
      %dma_wait3A_213 = tpu.memref_slice %arg7[%dma_wait3A_211, %dma_wait3A_212] : memref<8x125xi32, #tpu.memory_space<vmem>> -> memref<1x125xi32, #tpu.memory_space<vmem>>
      %dma_wait3A_214 = tpu.memref_squeeze %dma_wait3A_213 : memref<1x125xi32, #tpu.memory_space<vmem>> -> memref<125xi32, #tpu.memory_space<vmem>>
      %dma_wait3A_215 = arith.constant 0 : i32
      %dma_wait3A_216 = arith.constant 0 : i32
      %dma_wait3A_217 = tpu.memref_slice %arg2[%dma_wait3A_215, %dma_wait3A_216] : memref<10000x128xf32, #tpu.memory_space<hbm>> -> memref<10000x128xf32, #tpu.memory_space<hbm>>
      tpu.wait_indirect_dma semaphore(%arg14 : memref<!tpu.dma_semaphore, #tpu.memory_space<semaphore_mem>>) src(%dma_wait3A_217 : memref<10000x128xf32, #tpu.memory_space<hbm>>) dst(%arg11 : memref<125x128xf32, #tpu.memory_space<vmem>>)
      %run_scoped3A_218 = arith.constant 4 : i32
      "tpu.region"() ({
        %run_scoped3A_438 = tpu.sem_alloc : memref<!tpu.dma_semaphore, #tpu.memory_space<semaphore_mem>>
        %dma_start3A_439 = arith.constant 0 : i32
        %dma_start3A_440 = tpu.memref_slice %arg8[%run_scoped3A_218, %dma_start3A_439] : memref<8x125xi32, #tpu.memory_space<vmem>> -> memref<1x125xi32, #tpu.memory_space<vmem>>
        %dma_start3A_441 = tpu.memref_squeeze %dma_start3A_440 : memref<1x125xi32, #tpu.memory_space<vmem>> -> memref<125xi32, #tpu.memory_space<vmem>>
        %dma_start3A_442 = arith.constant 0 : i32
        %dma_start3A_443 = arith.constant 0 : i32
        %dma_start3A_444 = tpu.memref_slice %arg13[%dma_start3A_442, %dma_start3A_443] : memref<10000x128xf32, #tpu.memory_space<vmem_shared>> -> memref<10000x128xf32, #tpu.memory_space<vmem_shared>>
        tpu.enqueue_indirect_dma source(%arg11 : memref<125x128xf32, #tpu.memory_space<vmem>>) target(%dma_start3A_444 : memref<10000x128xf32, #tpu.memory_space<vmem_shared>>) offsets(%dma_start3A_441 : memref<125xi32, #tpu.memory_space<vmem>>) semaphore(%run_scoped3A_438 : memref<!tpu.dma_semaphore, #tpu.memory_space<semaphore_mem>>) {add = true}
        %dma_wait3A_445 = arith.constant 0 : i32
        %dma_wait3A_446 = tpu.memref_slice %arg8[%run_scoped3A_218, %dma_wait3A_445] : memref<8x125xi32, #tpu.memory_space<vmem>> -> memref<1x125xi32, #tpu.memory_space<vmem>>
        %dma_wait3A_447 = tpu.memref_squeeze %dma_wait3A_446 : memref<1x125xi32, #tpu.memory_space<vmem>> -> memref<125xi32, #tpu.memory_space<vmem>>
        %dma_wait3A_448 = arith.constant 0 : i32
        %dma_wait3A_449 = arith.constant 0 : i32
        %dma_wait3A_450 = tpu.memref_slice %arg13[%dma_wait3A_448, %dma_wait3A_449] : memref<10000x128xf32, #tpu.memory_space<vmem_shared>> -> memref<10000x128xf32, #tpu.memory_space<vmem_shared>>
        tpu.wait_indirect_dma semaphore(%run_scoped3A_438 : memref<!tpu.dma_semaphore, #tpu.memory_space<semaphore_mem>>) src(%arg11 : memref<125x128xf32, #tpu.memory_space<vmem>>) dst(%dma_wait3A_450 : memref<10000x128xf32, #tpu.memory_space<vmem_shared>>)
        tpu.yield
      }) : () -> ()
      %dma_start3A_219 = arith.constant 6 : i32
      %dma_start3A_220 = arith.constant 0 : i32
      %dma_start3A_221 = tpu.memref_slice %arg7[%dma_start3A_219, %dma_start3A_220] : memref<8x125xi32, #tpu.memory_space<vmem>> -> memref<1x125xi32, #tpu.memory_space<vmem>>
      %dma_start3A_222 = tpu.memref_squeeze %dma_start3A_221 : memref<1x125xi32, #tpu.memory_space<vmem>> -> memref<125xi32, #tpu.memory_space<vmem>>
      %dma_start3A_223 = arith.constant 0 : i32
      %dma_start3A_224 = arith.constant 0 : i32
      %dma_start3A_225 = tpu.memref_slice %arg2[%dma_start3A_223, %dma_start3A_224] : memref<10000x128xf32, #tpu.memory_space<hbm>> -> memref<10000x128xf32, #tpu.memory_space<hbm>>
      tpu.enqueue_indirect_dma source(%dma_start3A_225 : memref<10000x128xf32, #tpu.memory_space<hbm>>) target(%arg11 : memref<125x128xf32, #tpu.memory_space<vmem>>) offsets(%dma_start3A_222 : memref<125xi32, #tpu.memory_space<vmem>>) semaphore(%arg14 : memref<!tpu.dma_semaphore, #tpu.memory_space<semaphore_mem>>)
      %dma_wait3A_226 = arith.constant 5 : i32
      %dma_wait3A_227 = arith.constant 0 : i32
      %dma_wait3A_228 = tpu.memref_slice %arg7[%dma_wait3A_226, %dma_wait3A_227] : memref<8x125xi32, #tpu.memory_space<vmem>> -> memref<1x125xi32, #tpu.memory_space<vmem>>
      %dma_wait3A_229 = tpu.memref_squeeze %dma_wait3A_228 : memref<1x125xi32, #tpu.memory_space<vmem>> -> memref<125xi32, #tpu.memory_space<vmem>>
      %dma_wait3A_230 = arith.constant 0 : i32
      %dma_wait3A_231 = arith.constant 0 : i32
      %dma_wait3A_232 = tpu.memref_slice %arg2[%dma_wait3A_230, %dma_wait3A_231] : memref<10000x128xf32, #tpu.memory_space<hbm>> -> memref<10000x128xf32, #tpu.memory_space<hbm>>
      tpu.wait_indirect_dma semaphore(%arg15 : memref<!tpu.dma_semaphore, #tpu.memory_space<semaphore_mem>>) src(%dma_wait3A_232 : memref<10000x128xf32, #tpu.memory_space<hbm>>) dst(%arg12 : memref<125x128xf32, #tpu.memory_space<vmem>>)
      %run_scoped3A_233 = arith.constant 5 : i32
      "tpu.region"() ({
        %run_scoped3A_438 = tpu.sem_alloc : memref<!tpu.dma_semaphore, #tpu.memory_space<semaphore_mem>>
        %dma_start3A_439 = arith.constant 0 : i32
        %dma_start3A_440 = tpu.memref_slice %arg8[%run_scoped3A_233, %dma_start3A_439] : memref<8x125xi32, #tpu.memory_space<vmem>> -> memref<1x125xi32, #tpu.memory_space<vmem>>
        %dma_start3A_441 = tpu.memref_squeeze %dma_start3A_440 : memref<1x125xi32, #tpu.memory_space<vmem>> -> memref<125xi32, #tpu.memory_space<vmem>>
        %dma_start3A_442 = arith.constant 0 : i32
        %dma_start3A_443 = arith.constant 0 : i32
        %dma_start3A_444 = tpu.memref_slice %arg13[%dma_start3A_442, %dma_start3A_443] : memref<10000x128xf32, #tpu.memory_space<vmem_shared>> -> memref<10000x128xf32, #tpu.memory_space<vmem_shared>>
        tpu.enqueue_indirect_dma source(%arg12 : memref<125x128xf32, #tpu.memory_space<vmem>>) target(%dma_start3A_444 : memref<10000x128xf32, #tpu.memory_space<vmem_shared>>) offsets(%dma_start3A_441 : memref<125xi32, #tpu.memory_space<vmem>>) semaphore(%run_scoped3A_438 : memref<!tpu.dma_semaphore, #tpu.memory_space<semaphore_mem>>) {add = true}
        %dma_wait3A_445 = arith.constant 0 : i32
        %dma_wait3A_446 = tpu.memref_slice %arg8[%run_scoped3A_233, %dma_wait3A_445] : memref<8x125xi32, #tpu.memory_space<vmem>> -> memref<1x125xi32, #tpu.memory_space<vmem>>
        %dma_wait3A_447 = tpu.memref_squeeze %dma_wait3A_446 : memref<1x125xi32, #tpu.memory_space<vmem>> -> memref<125xi32, #tpu.memory_space<vmem>>
        %dma_wait3A_448 = arith.constant 0 : i32
        %dma_wait3A_449 = arith.constant 0 : i32
        %dma_wait3A_450 = tpu.memref_slice %arg13[%dma_wait3A_448, %dma_wait3A_449] : memref<10000x128xf32, #tpu.memory_space<vmem_shared>> -> memref<10000x128xf32, #tpu.memory_space<vmem_shared>>
        tpu.wait_indirect_dma semaphore(%run_scoped3A_438 : memref<!tpu.dma_semaphore, #tpu.memory_space<semaphore_mem>>) src(%arg12 : memref<125x128xf32, #tpu.memory_space<vmem>>) dst(%dma_wait3A_450 : memref<10000x128xf32, #tpu.memory_space<vmem_shared>>)
        tpu.yield
      }) : () -> ()
      %dma_start3A_234 = arith.constant 7 : i32
      %dma_start3A_235 = arith.constant 0 : i32
      %dma_start3A_236 = tpu.memref_slice %arg7[%dma_start3A_234, %dma_start3A_235] : memref<8x125xi32, #tpu.memory_space<vmem>> -> memref<1x125xi32, #tpu.memory_space<vmem>>
      %dma_start3A_237 = tpu.memref_squeeze %dma_start3A_236 : memref<1x125xi32, #tpu.memory_space<vmem>> -> memref<125xi32, #tpu.memory_space<vmem>>
      %dma_start3A_238 = arith.constant 0 : i32
      %dma_start3A_239 = arith.constant 0 : i32
      %dma_start3A_240 = tpu.memref_slice %arg2[%dma_start3A_238, %dma_start3A_239] : memref<10000x128xf32, #tpu.memory_space<hbm>> -> memref<10000x128xf32, #tpu.memory_space<hbm>>
      tpu.enqueue_indirect_dma source(%dma_start3A_240 : memref<10000x128xf32, #tpu.memory_space<hbm>>) target(%arg12 : memref<125x128xf32, #tpu.memory_space<vmem>>) offsets(%dma_start3A_237 : memref<125xi32, #tpu.memory_space<vmem>>) semaphore(%arg15 : memref<!tpu.dma_semaphore, #tpu.memory_space<semaphore_mem>>)
      %dma_wait3A_241 = arith.constant 6 : i32
      %dma_wait3A_242 = arith.constant 0 : i32
      %dma_wait3A_243 = tpu.memref_slice %arg7[%dma_wait3A_241, %dma_wait3A_242] : memref<8x125xi32, #tpu.memory_space<vmem>> -> memref<1x125xi32, #tpu.memory_space<vmem>>
      %dma_wait3A_244 = tpu.memref_squeeze %dma_wait3A_243 : memref<1x125xi32, #tpu.memory_space<vmem>> -> memref<125xi32, #tpu.memory_space<vmem>>
      %dma_wait3A_245 = arith.constant 0 : i32
      %dma_wait3A_246 = arith.constant 0 : i32
      %dma_wait3A_247 = tpu.memref_slice %arg2[%dma_wait3A_245, %dma_wait3A_246] : memref<10000x128xf32, #tpu.memory_space<hbm>> -> memref<10000x128xf32, #tpu.memory_space<hbm>>
      tpu.wait_indirect_dma semaphore(%arg14 : memref<!tpu.dma_semaphore, #tpu.memory_space<semaphore_mem>>) src(%dma_wait3A_247 : memref<10000x128xf32, #tpu.memory_space<hbm>>) dst(%arg11 : memref<125x128xf32, #tpu.memory_space<vmem>>)
      %run_scoped3A_248 = arith.constant 6 : i32
      "tpu.region"() ({
        %run_scoped3A_438 = tpu.sem_alloc : memref<!tpu.dma_semaphore, #tpu.memory_space<semaphore_mem>>
        %dma_start3A_439 = arith.constant 0 : i32
        %dma_start3A_440 = tpu.memref_slice %arg8[%run_scoped3A_248, %dma_start3A_439] : memref<8x125xi32, #tpu.memory_space<vmem>> -> memref<1x125xi32, #tpu.memory_space<vmem>>
        %dma_start3A_441 = tpu.memref_squeeze %dma_start3A_440 : memref<1x125xi32, #tpu.memory_space<vmem>> -> memref<125xi32, #tpu.memory_space<vmem>>
        %dma_start3A_442 = arith.constant 0 : i32
        %dma_start3A_443 = arith.constant 0 : i32
        %dma_start3A_444 = tpu.memref_slice %arg13[%dma_start3A_442, %dma_start3A_443] : memref<10000x128xf32, #tpu.memory_space<vmem_shared>> -> memref<10000x128xf32, #tpu.memory_space<vmem_shared>>
        tpu.enqueue_indirect_dma source(%arg11 : memref<125x128xf32, #tpu.memory_space<vmem>>) target(%dma_start3A_444 : memref<10000x128xf32, #tpu.memory_space<vmem_shared>>) offsets(%dma_start3A_441 : memref<125xi32, #tpu.memory_space<vmem>>) semaphore(%run_scoped3A_438 : memref<!tpu.dma_semaphore, #tpu.memory_space<semaphore_mem>>) {add = true}
        %dma_wait3A_445 = arith.constant 0 : i32
        %dma_wait3A_446 = tpu.memref_slice %arg8[%run_scoped3A_248, %dma_wait3A_445] : memref<8x125xi32, #tpu.memory_space<vmem>> -> memref<1x125xi32, #tpu.memory_space<vmem>>
        %dma_wait3A_447 = tpu.memref_squeeze %dma_wait3A_446 : memref<1x125xi32, #tpu.memory_space<vmem>> -> memref<125xi32, #tpu.memory_space<vmem>>
        %dma_wait3A_448 = arith.constant 0 : i32
        %dma_wait3A_449 = arith.constant 0 : i32
        %dma_wait3A_450 = tpu.memref_slice %arg13[%dma_wait3A_448, %dma_wait3A_449] : memref<10000x128xf32, #tpu.memory_space<vmem_shared>> -> memref<10000x128xf32, #tpu.memory_space<vmem_shared>>
        tpu.wait_indirect_dma semaphore(%run_scoped3A_438 : memref<!tpu.dma_semaphore, #tpu.memory_space<semaphore_mem>>) src(%arg11 : memref<125x128xf32, #tpu.memory_space<vmem>>) dst(%dma_wait3A_450 : memref<10000x128xf32, #tpu.memory_space<vmem_shared>>)
        tpu.yield
      }) : () -> ()
      %dma_wait3A_249 = arith.constant 7 : i32
      %dma_wait3A_250 = arith.constant 0 : i32
      %dma_wait3A_251 = tpu.memref_slice %arg7[%dma_wait3A_249, %dma_wait3A_250] : memref<8x125xi32, #tpu.memory_space<vmem>> -> memref<1x125xi32, #tpu.memory_space<vmem>>
      %dma_wait3A_252 = tpu.memref_squeeze %dma_wait3A_251 : memref<1x125xi32, #tpu.memory_space<vmem>> -> memref<125xi32, #tpu.memory_space<vmem>>
      %dma_wait3A_253 = arith.constant 0 : i32
      %dma_wait3A_254 = arith.constant 0 : i32
      %dma_wait3A_255 = tpu.memref_slice %arg2[%dma_wait3A_253, %dma_wait3A_254] : memref<10000x128xf32, #tpu.memory_space<hbm>> -> memref<10000x128xf32, #tpu.memory_space<hbm>>
      tpu.wait_indirect_dma semaphore(%arg15 : memref<!tpu.dma_semaphore, #tpu.memory_space<semaphore_mem>>) src(%dma_wait3A_255 : memref<10000x128xf32, #tpu.memory_space<hbm>>) dst(%arg12 : memref<125x128xf32, #tpu.memory_space<vmem>>)
      %run_scoped3A_256 = arith.constant 7 : i32
      "tpu.region"() ({
        %run_scoped3A_438 = tpu.sem_alloc : memref<!tpu.dma_semaphore, #tpu.memory_space<semaphore_mem>>
        %dma_start3A_439 = arith.constant 0 : i32
        %dma_start3A_440 = tpu.memref_slice %arg8[%run_scoped3A_256, %dma_start3A_439] : memref<8x125xi32, #tpu.memory_space<vmem>> -> memref<1x125xi32, #tpu.memory_space<vmem>>
        %dma_start3A_441 = tpu.memref_squeeze %dma_start3A_440 : memref<1x125xi32, #tpu.memory_space<vmem>> -> memref<125xi32, #tpu.memory_space<vmem>>
        %dma_start3A_442 = arith.constant 0 : i32
        %dma_start3A_443 = arith.constant 0 : i32
        %dma_start3A_444 = tpu.memref_slice %arg13[%dma_start3A_442, %dma_start3A_443] : memref<10000x128xf32, #tpu.memory_space<vmem_shared>> -> memref<10000x128xf32, #tpu.memory_space<vmem_shared>>
        tpu.enqueue_indirect_dma source(%arg12 : memref<125x128xf32, #tpu.memory_space<vmem>>) target(%dma_start3A_444 : memref<10000x128xf32, #tpu.memory_space<vmem_shared>>) offsets(%dma_start3A_441 : memref<125xi32, #tpu.memory_space<vmem>>) semaphore(%run_scoped3A_438 : memref<!tpu.dma_semaphore, #tpu.memory_space<semaphore_mem>>) {add = true}
        %dma_wait3A_445 = arith.constant 0 : i32
        %dma_wait3A_446 = tpu.memref_slice %arg8[%run_scoped3A_256, %dma_wait3A_445] : memref<8x125xi32, #tpu.memory_space<vmem>> -> memref<1x125xi32, #tpu.memory_space<vmem>>
        %dma_wait3A_447 = tpu.memref_squeeze %dma_wait3A_446 : memref<1x125xi32, #tpu.memory_space<vmem>> -> memref<125xi32, #tpu.memory_space<vmem>>
        %dma_wait3A_448 = arith.constant 0 : i32
        %dma_wait3A_449 = arith.constant 0 : i32
        %dma_wait3A_450 = tpu.memref_slice %arg13[%dma_wait3A_448, %dma_wait3A_449] : memref<10000x128xf32, #tpu.memory_space<vmem_shared>> -> memref<10000x128xf32, #tpu.memory_space<vmem_shared>>
        tpu.wait_indirect_dma semaphore(%run_scoped3A_438 : memref<!tpu.dma_semaphore, #tpu.memory_space<semaphore_mem>>) src(%arg12 : memref<125x128xf32, #tpu.memory_space<vmem>>) dst(%dma_wait3A_450 : memref<10000x128xf32, #tpu.memory_space<vmem_shared>>)
        tpu.yield
      }) : () -> ()
      %add3A_257 = arith.constant 2 : i32
      %add3A_258 = arith.addi %mul3A_79, %add3A_257 : i32
      %min3A = arith.constant 9 : i32
      %min3A_259 = arith.minsi %add3A_258, %min3A : i32
      %mul3A_260 = arith.constant 8 : i32
      %mul3A_261 = arith.muli %min3A_259, %mul3A_260 : i32
      %dma_start3A_262 = arith.constant 0 : i32
      %dma_start3A_263 = arith.constant 0 : i32
      %dma_start3A_264 = tpu.memref_slice %arg3[%add3A, %dma_start3A_262, %dma_start3A_263] : memref<32x80x125xi32, #tpu.memory_space<hbm>> -> memref<1x80x125xi32, #tpu.memory_space<hbm>>
      %dma_start3A_265 = tpu.memref_squeeze %dma_start3A_264 : memref<1x80x125xi32, #tpu.memory_space<hbm>> -> memref<80x125xi32, #tpu.memory_space<hbm>>
      %dma_start3A_266 = arith.constant 0 : i32
      %dma_start3A_267 = tpu.memref_slice %dma_start3A_265[%mul3A_261, %dma_start3A_266] : memref<80x125xi32, #tpu.memory_space<hbm>> -> memref<8x125xi32, #tpu.memory_space<hbm>>
      %dma_start3A_268 = arith.constant 0 : i32
      %dma_start3A_269 = arith.constant 0 : i32
      %dma_start3A_270 = tpu.memref_slice %arg3[%add3A, %dma_start3A_268, %dma_start3A_269] : memref<32x80x125xi32, #tpu.memory_space<hbm>> -> memref<1x80x125xi32, #tpu.memory_space<hbm>>
      %dma_start3A_271 = tpu.memref_squeeze %dma_start3A_270 : memref<1x80x125xi32, #tpu.memory_space<hbm>> -> memref<80x125xi32, #tpu.memory_space<hbm>>
      %dma_start3A_272 = arith.constant 0 : i32
      %dma_start3A_273 = tpu.memref_slice %dma_start3A_271[%mul3A_261, %dma_start3A_272] : memref<80x125xi32, #tpu.memory_space<hbm>> -> memref<8x125xi32, #tpu.memory_space<hbm>>
      tpu.enqueue_dma source(%dma_start3A_273 : memref<8x125xi32, #tpu.memory_space<hbm>>) target(%arg7 : memref<8x125xi32, #tpu.memory_space<vmem>>) target_semaphore(%arg16 : memref<!tpu.dma_semaphore, #tpu.memory_space<semaphore_mem>>)
      %mul3A_274 = arith.constant 8 : i32
      %mul3A_275 = arith.muli %min3A_259, %mul3A_274 : i32
      %dma_start3A_276 = arith.constant 0 : i32
      %dma_start3A_277 = arith.constant 0 : i32
      %dma_start3A_278 = tpu.memref_slice %arg4[%add3A, %dma_start3A_276, %dma_start3A_277] : memref<32x80x125xi32, #tpu.memory_space<hbm>> -> memref<1x80x125xi32, #tpu.memory_space<hbm>>
      %dma_start3A_279 = tpu.memref_squeeze %dma_start3A_278 : memref<1x80x125xi32, #tpu.memory_space<hbm>> -> memref<80x125xi32, #tpu.memory_space<hbm>>
      %dma_start3A_280 = arith.constant 0 : i32
      %dma_start3A_281 = tpu.memref_slice %dma_start3A_279[%mul3A_275, %dma_start3A_280] : memref<80x125xi32, #tpu.memory_space<hbm>> -> memref<8x125xi32, #tpu.memory_space<hbm>>
      %dma_start3A_282 = arith.constant 0 : i32
      %dma_start3A_283 = arith.constant 0 : i32
      %dma_start3A_284 = tpu.memref_slice %arg4[%add3A, %dma_start3A_282, %dma_start3A_283] : memref<32x80x125xi32, #tpu.memory_space<hbm>> -> memref<1x80x125xi32, #tpu.memory_space<hbm>>
      %dma_start3A_285 = tpu.memref_squeeze %dma_start3A_284 : memref<1x80x125xi32, #tpu.memory_space<hbm>> -> memref<80x125xi32, #tpu.memory_space<hbm>>
      %dma_start3A_286 = arith.constant 0 : i32
      %dma_start3A_287 = tpu.memref_slice %dma_start3A_285[%mul3A_275, %dma_start3A_286] : memref<80x125xi32, #tpu.memory_space<hbm>> -> memref<8x125xi32, #tpu.memory_space<hbm>>
      tpu.enqueue_dma source(%dma_start3A_287 : memref<8x125xi32, #tpu.memory_space<hbm>>) target(%arg8 : memref<8x125xi32, #tpu.memory_space<vmem>>) target_semaphore(%arg16 : memref<!tpu.dma_semaphore, #tpu.memory_space<semaphore_mem>>)
      %add3A_288 = arith.constant 1 : i32
      %add3A_289 = arith.addi %mul3A_79, %add3A_288 : i32
      %mul3A_290 = arith.constant 8 : i32
      %mul3A_291 = arith.muli %add3A_289, %mul3A_290 : i32
      %dma_wait3A_292 = arith.constant 0 : i32
      %dma_wait3A_293 = arith.constant 0 : i32
      %dma_wait3A_294 = tpu.memref_slice %arg3[%add3A, %dma_wait3A_292, %dma_wait3A_293] : memref<32x80x125xi32, #tpu.memory_space<hbm>> -> memref<1x80x125xi32, #tpu.memory_space<hbm>>
      %dma_wait3A_295 = tpu.memref_squeeze %dma_wait3A_294 : memref<1x80x125xi32, #tpu.memory_space<hbm>> -> memref<80x125xi32, #tpu.memory_space<hbm>>
      %dma_wait3A_296 = arith.constant 0 : i32
      %dma_wait3A_297 = tpu.memref_slice %dma_wait3A_295[%mul3A_291, %dma_wait3A_296] : memref<80x125xi32, #tpu.memory_space<hbm>> -> memref<8x125xi32, #tpu.memory_space<hbm>>
      %dma_wait3A_298 = arith.constant 0 : i32
      %dma_wait3A_299 = arith.constant 0 : i32
      %dma_wait3A_300 = tpu.memref_slice %arg3[%add3A, %dma_wait3A_298, %dma_wait3A_299] : memref<32x80x125xi32, #tpu.memory_space<hbm>> -> memref<1x80x125xi32, #tpu.memory_space<hbm>>
      %dma_wait3A_301 = tpu.memref_squeeze %dma_wait3A_300 : memref<1x80x125xi32, #tpu.memory_space<hbm>> -> memref<80x125xi32, #tpu.memory_space<hbm>>
      %dma_wait3A_302 = arith.constant 0 : i32
      %dma_wait3A_303 = tpu.memref_slice %dma_wait3A_301[%mul3A_291, %dma_wait3A_302] : memref<80x125xi32, #tpu.memory_space<hbm>> -> memref<8x125xi32, #tpu.memory_space<hbm>>
      tpu.wait_dma2 semaphore(%arg16 : memref<!tpu.dma_semaphore, #tpu.memory_space<semaphore_mem>>) src(%dma_wait3A_303 : memref<8x125xi32, #tpu.memory_space<hbm>>) dst(%arg9 : memref<8x125xi32, #tpu.memory_space<vmem>>)
      %mul3A_304 = arith.constant 8 : i32
      %mul3A_305 = arith.muli %add3A_289, %mul3A_304 : i32
      %dma_wait3A_306 = arith.constant 0 : i32
      %dma_wait3A_307 = arith.constant 0 : i32
      %dma_wait3A_308 = tpu.memref_slice %arg4[%add3A, %dma_wait3A_306, %dma_wait3A_307] : memref<32x80x125xi32, #tpu.memory_space<hbm>> -> memref<1x80x125xi32, #tpu.memory_space<hbm>>
      %dma_wait3A_309 = tpu.memref_squeeze %dma_wait3A_308 : memref<1x80x125xi32, #tpu.memory_space<hbm>> -> memref<80x125xi32, #tpu.memory_space<hbm>>
      %dma_wait3A_310 = arith.constant 0 : i32
      %dma_wait3A_311 = tpu.memref_slice %dma_wait3A_309[%mul3A_305, %dma_wait3A_310] : memref<80x125xi32, #tpu.memory_space<hbm>> -> memref<8x125xi32, #tpu.memory_space<hbm>>
      %dma_wait3A_312 = arith.constant 0 : i32
      %dma_wait3A_313 = arith.constant 0 : i32
      %dma_wait3A_314 = tpu.memref_slice %arg4[%add3A, %dma_wait3A_312, %dma_wait3A_313] : memref<32x80x125xi32, #tpu.memory_space<hbm>> -> memref<1x80x125xi32, #tpu.memory_space<hbm>>
      %dma_wait3A_315 = tpu.memref_squeeze %dma_wait3A_314 : memref<1x80x125xi32, #tpu.memory_space<hbm>> -> memref<80x125xi32, #tpu.memory_space<hbm>>
      %dma_wait3A_316 = arith.constant 0 : i32
      %dma_wait3A_317 = tpu.memref_slice %dma_wait3A_315[%mul3A_305, %dma_wait3A_316] : memref<80x125xi32, #tpu.memory_space<hbm>> -> memref<8x125xi32, #tpu.memory_space<hbm>>
      tpu.wait_dma2 semaphore(%arg16 : memref<!tpu.dma_semaphore, #tpu.memory_space<semaphore_mem>>) src(%dma_wait3A_317 : memref<8x125xi32, #tpu.memory_space<hbm>>) dst(%arg10 : memref<8x125xi32, #tpu.memory_space<vmem>>)
      %dma_start3A_318 = arith.constant 0 : i32
      %dma_start3A_319 = arith.constant 0 : i32
      %dma_start3A_320 = tpu.memref_slice %arg9[%dma_start3A_318, %dma_start3A_319] : memref<8x125xi32, #tpu.memory_space<vmem>> -> memref<1x125xi32, #tpu.memory_space<vmem>>
      %dma_start3A_321 = tpu.memref_squeeze %dma_start3A_320 : memref<1x125xi32, #tpu.memory_space<vmem>> -> memref<125xi32, #tpu.memory_space<vmem>>
      %dma_start3A_322 = arith.constant 0 : i32
      %dma_start3A_323 = arith.constant 0 : i32
      %dma_start3A_324 = tpu.memref_slice %arg2[%dma_start3A_322, %dma_start3A_323] : memref<10000x128xf32, #tpu.memory_space<hbm>> -> memref<10000x128xf32, #tpu.memory_space<hbm>>
      tpu.enqueue_indirect_dma source(%dma_start3A_324 : memref<10000x128xf32, #tpu.memory_space<hbm>>) target(%arg11 : memref<125x128xf32, #tpu.memory_space<vmem>>) offsets(%dma_start3A_321 : memref<125xi32, #tpu.memory_space<vmem>>) semaphore(%arg14 : memref<!tpu.dma_semaphore, #tpu.memory_space<semaphore_mem>>)
      %dma_start3A_325 = arith.constant 1 : i32
      %dma_start3A_326 = arith.constant 0 : i32
      %dma_start3A_327 = tpu.memref_slice %arg9[%dma_start3A_325, %dma_start3A_326] : memref<8x125xi32, #tpu.memory_space<vmem>> -> memref<1x125xi32, #tpu.memory_space<vmem>>
      %dma_start3A_328 = tpu.memref_squeeze %dma_start3A_327 : memref<1x125xi32, #tpu.memory_space<vmem>> -> memref<125xi32, #tpu.memory_space<vmem>>
      %dma_start3A_329 = arith.constant 0 : i32
      %dma_start3A_330 = arith.constant 0 : i32
      %dma_start3A_331 = tpu.memref_slice %arg2[%dma_start3A_329, %dma_start3A_330] : memref<10000x128xf32, #tpu.memory_space<hbm>> -> memref<10000x128xf32, #tpu.memory_space<hbm>>
      tpu.enqueue_indirect_dma source(%dma_start3A_331 : memref<10000x128xf32, #tpu.memory_space<hbm>>) target(%arg12 : memref<125x128xf32, #tpu.memory_space<vmem>>) offsets(%dma_start3A_328 : memref<125xi32, #tpu.memory_space<vmem>>) semaphore(%arg15 : memref<!tpu.dma_semaphore, #tpu.memory_space<semaphore_mem>>)
      %dma_wait3A_332 = arith.constant 0 : i32
      %dma_wait3A_333 = arith.constant 0 : i32
      %dma_wait3A_334 = tpu.memref_slice %arg9[%dma_wait3A_332, %dma_wait3A_333] : memref<8x125xi32, #tpu.memory_space<vmem>> -> memref<1x125xi32, #tpu.memory_space<vmem>>
      %dma_wait3A_335 = tpu.memref_squeeze %dma_wait3A_334 : memref<1x125xi32, #tpu.memory_space<vmem>> -> memref<125xi32, #tpu.memory_space<vmem>>
      %dma_wait3A_336 = arith.constant 0 : i32
      %dma_wait3A_337 = arith.constant 0 : i32
      %dma_wait3A_338 = tpu.memref_slice %arg2[%dma_wait3A_336, %dma_wait3A_337] : memref<10000x128xf32, #tpu.memory_space<hbm>> -> memref<10000x128xf32, #tpu.memory_space<hbm>>
      tpu.wait_indirect_dma semaphore(%arg14 : memref<!tpu.dma_semaphore, #tpu.memory_space<semaphore_mem>>) src(%dma_wait3A_338 : memref<10000x128xf32, #tpu.memory_space<hbm>>) dst(%arg11 : memref<125x128xf32, #tpu.memory_space<vmem>>)
      %run_scoped3A_339 = arith.constant 0 : i32
      "tpu.region"() ({
        %run_scoped3A_438 = tpu.sem_alloc : memref<!tpu.dma_semaphore, #tpu.memory_space<semaphore_mem>>
        %dma_start3A_439 = arith.constant 0 : i32
        %dma_start3A_440 = tpu.memref_slice %arg10[%run_scoped3A_339, %dma_start3A_439] : memref<8x125xi32, #tpu.memory_space<vmem>> -> memref<1x125xi32, #tpu.memory_space<vmem>>
        %dma_start3A_441 = tpu.memref_squeeze %dma_start3A_440 : memref<1x125xi32, #tpu.memory_space<vmem>> -> memref<125xi32, #tpu.memory_space<vmem>>
        %dma_start3A_442 = arith.constant 0 : i32
        %dma_start3A_443 = arith.constant 0 : i32
        %dma_start3A_444 = tpu.memref_slice %arg13[%dma_start3A_442, %dma_start3A_443] : memref<10000x128xf32, #tpu.memory_space<vmem_shared>> -> memref<10000x128xf32, #tpu.memory_space<vmem_shared>>
        tpu.enqueue_indirect_dma source(%arg11 : memref<125x128xf32, #tpu.memory_space<vmem>>) target(%dma_start3A_444 : memref<10000x128xf32, #tpu.memory_space<vmem_shared>>) offsets(%dma_start3A_441 : memref<125xi32, #tpu.memory_space<vmem>>) semaphore(%run_scoped3A_438 : memref<!tpu.dma_semaphore, #tpu.memory_space<semaphore_mem>>) {add = true}
        %dma_wait3A_445 = arith.constant 0 : i32
        %dma_wait3A_446 = tpu.memref_slice %arg10[%run_scoped3A_339, %dma_wait3A_445] : memref<8x125xi32, #tpu.memory_space<vmem>> -> memref<1x125xi32, #tpu.memory_space<vmem>>
        %dma_wait3A_447 = tpu.memref_squeeze %dma_wait3A_446 : memref<1x125xi32, #tpu.memory_space<vmem>> -> memref<125xi32, #tpu.memory_space<vmem>>
        %dma_wait3A_448 = arith.constant 0 : i32
        %dma_wait3A_449 = arith.constant 0 : i32
        %dma_wait3A_450 = tpu.memref_slice %arg13[%dma_wait3A_448, %dma_wait3A_449] : memref<10000x128xf32, #tpu.memory_space<vmem_shared>> -> memref<10000x128xf32, #tpu.memory_space<vmem_shared>>
        tpu.wait_indirect_dma semaphore(%run_scoped3A_438 : memref<!tpu.dma_semaphore, #tpu.memory_space<semaphore_mem>>) src(%arg11 : memref<125x128xf32, #tpu.memory_space<vmem>>) dst(%dma_wait3A_450 : memref<10000x128xf32, #tpu.memory_space<vmem_shared>>)
        tpu.yield
      }) : () -> ()
      %dma_start3A_340 = arith.constant 2 : i32
      %dma_start3A_341 = arith.constant 0 : i32
      %dma_start3A_342 = tpu.memref_slice %arg9[%dma_start3A_340, %dma_start3A_341] : memref<8x125xi32, #tpu.memory_space<vmem>> -> memref<1x125xi32, #tpu.memory_space<vmem>>
      %dma_start3A_343 = tpu.memref_squeeze %dma_start3A_342 : memref<1x125xi32, #tpu.memory_space<vmem>> -> memref<125xi32, #tpu.memory_space<vmem>>
      %dma_start3A_344 = arith.constant 0 : i32
      %dma_start3A_345 = arith.constant 0 : i32
      %dma_start3A_346 = tpu.memref_slice %arg2[%dma_start3A_344, %dma_start3A_345] : memref<10000x128xf32, #tpu.memory_space<hbm>> -> memref<10000x128xf32, #tpu.memory_space<hbm>>
      tpu.enqueue_indirect_dma source(%dma_start3A_346 : memref<10000x128xf32, #tpu.memory_space<hbm>>) target(%arg11 : memref<125x128xf32, #tpu.memory_space<vmem>>) offsets(%dma_start3A_343 : memref<125xi32, #tpu.memory_space<vmem>>) semaphore(%arg14 : memref<!tpu.dma_semaphore, #tpu.memory_space<semaphore_mem>>)
      %dma_wait3A_347 = arith.constant 1 : i32
      %dma_wait3A_348 = arith.constant 0 : i32
      %dma_wait3A_349 = tpu.memref_slice %arg9[%dma_wait3A_347, %dma_wait3A_348] : memref<8x125xi32, #tpu.memory_space<vmem>> -> memref<1x125xi32, #tpu.memory_space<vmem>>
      %dma_wait3A_350 = tpu.memref_squeeze %dma_wait3A_349 : memref<1x125xi32, #tpu.memory_space<vmem>> -> memref<125xi32, #tpu.memory_space<vmem>>
      %dma_wait3A_351 = arith.constant 0 : i32
      %dma_wait3A_352 = arith.constant 0 : i32
      %dma_wait3A_353 = tpu.memref_slice %arg2[%dma_wait3A_351, %dma_wait3A_352] : memref<10000x128xf32, #tpu.memory_space<hbm>> -> memref<10000x128xf32, #tpu.memory_space<hbm>>
      tpu.wait_indirect_dma semaphore(%arg15 : memref<!tpu.dma_semaphore, #tpu.memory_space<semaphore_mem>>) src(%dma_wait3A_353 : memref<10000x128xf32, #tpu.memory_space<hbm>>) dst(%arg12 : memref<125x128xf32, #tpu.memory_space<vmem>>)
      %run_scoped3A_354 = arith.constant 1 : i32
      "tpu.region"() ({
        %run_scoped3A_438 = tpu.sem_alloc : memref<!tpu.dma_semaphore, #tpu.memory_space<semaphore_mem>>
        %dma_start3A_439 = arith.constant 0 : i32
        %dma_start3A_440 = tpu.memref_slice %arg10[%run_scoped3A_354, %dma_start3A_439] : memref<8x125xi32, #tpu.memory_space<vmem>> -> memref<1x125xi32, #tpu.memory_space<vmem>>
        %dma_start3A_441 = tpu.memref_squeeze %dma_start3A_440 : memref<1x125xi32, #tpu.memory_space<vmem>> -> memref<125xi32, #tpu.memory_space<vmem>>
        %dma_start3A_442 = arith.constant 0 : i32
        %dma_start3A_443 = arith.constant 0 : i32
        %dma_start3A_444 = tpu.memref_slice %arg13[%dma_start3A_442, %dma_start3A_443] : memref<10000x128xf32, #tpu.memory_space<vmem_shared>> -> memref<10000x128xf32, #tpu.memory_space<vmem_shared>>
        tpu.enqueue_indirect_dma source(%arg12 : memref<125x128xf32, #tpu.memory_space<vmem>>) target(%dma_start3A_444 : memref<10000x128xf32, #tpu.memory_space<vmem_shared>>) offsets(%dma_start3A_441 : memref<125xi32, #tpu.memory_space<vmem>>) semaphore(%run_scoped3A_438 : memref<!tpu.dma_semaphore, #tpu.memory_space<semaphore_mem>>) {add = true}
        %dma_wait3A_445 = arith.constant 0 : i32
        %dma_wait3A_446 = tpu.memref_slice %arg10[%run_scoped3A_354, %dma_wait3A_445] : memref<8x125xi32, #tpu.memory_space<vmem>> -> memref<1x125xi32, #tpu.memory_space<vmem>>
        %dma_wait3A_447 = tpu.memref_squeeze %dma_wait3A_446 : memref<1x125xi32, #tpu.memory_space<vmem>> -> memref<125xi32, #tpu.memory_space<vmem>>
        %dma_wait3A_448 = arith.constant 0 : i32
        %dma_wait3A_449 = arith.constant 0 : i32
        %dma_wait3A_450 = tpu.memref_slice %arg13[%dma_wait3A_448, %dma_wait3A_449] : memref<10000x128xf32, #tpu.memory_space<vmem_shared>> -> memref<10000x128xf32, #tpu.memory_space<vmem_shared>>
        tpu.wait_indirect_dma semaphore(%run_scoped3A_438 : memref<!tpu.dma_semaphore, #tpu.memory_space<semaphore_mem>>) src(%arg12 : memref<125x128xf32, #tpu.memory_space<vmem>>) dst(%dma_wait3A_450 : memref<10000x128xf32, #tpu.memory_space<vmem_shared>>)
        tpu.yield
      }) : () -> ()
      %dma_start3A_355 = arith.constant 3 : i32
      %dma_start3A_356 = arith.constant 0 : i32
      %dma_start3A_357 = tpu.memref_slice %arg9[%dma_start3A_355, %dma_start3A_356] : memref<8x125xi32, #tpu.memory_space<vmem>> -> memref<1x125xi32, #tpu.memory_space<vmem>>
      %dma_start3A_358 = tpu.memref_squeeze %dma_start3A_357 : memref<1x125xi32, #tpu.memory_space<vmem>> -> memref<125xi32, #tpu.memory_space<vmem>>
      %dma_start3A_359 = arith.constant 0 : i32
      %dma_start3A_360 = arith.constant 0 : i32
      %dma_start3A_361 = tpu.memref_slice %arg2[%dma_start3A_359, %dma_start3A_360] : memref<10000x128xf32, #tpu.memory_space<hbm>> -> memref<10000x128xf32, #tpu.memory_space<hbm>>
      tpu.enqueue_indirect_dma source(%dma_start3A_361 : memref<10000x128xf32, #tpu.memory_space<hbm>>) target(%arg12 : memref<125x128xf32, #tpu.memory_space<vmem>>) offsets(%dma_start3A_358 : memref<125xi32, #tpu.memory_space<vmem>>) semaphore(%arg15 : memref<!tpu.dma_semaphore, #tpu.memory_space<semaphore_mem>>)
      %dma_wait3A_362 = arith.constant 2 : i32
      %dma_wait3A_363 = arith.constant 0 : i32
      %dma_wait3A_364 = tpu.memref_slice %arg9[%dma_wait3A_362, %dma_wait3A_363] : memref<8x125xi32, #tpu.memory_space<vmem>> -> memref<1x125xi32, #tpu.memory_space<vmem>>
      %dma_wait3A_365 = tpu.memref_squeeze %dma_wait3A_364 : memref<1x125xi32, #tpu.memory_space<vmem>> -> memref<125xi32, #tpu.memory_space<vmem>>
      %dma_wait3A_366 = arith.constant 0 : i32
      %dma_wait3A_367 = arith.constant 0 : i32
      %dma_wait3A_368 = tpu.memref_slice %arg2[%dma_wait3A_366, %dma_wait3A_367] : memref<10000x128xf32, #tpu.memory_space<hbm>> -> memref<10000x128xf32, #tpu.memory_space<hbm>>
      tpu.wait_indirect_dma semaphore(%arg14 : memref<!tpu.dma_semaphore, #tpu.memory_space<semaphore_mem>>) src(%dma_wait3A_368 : memref<10000x128xf32, #tpu.memory_space<hbm>>) dst(%arg11 : memref<125x128xf32, #tpu.memory_space<vmem>>)
      %run_scoped3A_369 = arith.constant 2 : i32
      "tpu.region"() ({
        %run_scoped3A_438 = tpu.sem_alloc : memref<!tpu.dma_semaphore, #tpu.memory_space<semaphore_mem>>
        %dma_start3A_439 = arith.constant 0 : i32
        %dma_start3A_440 = tpu.memref_slice %arg10[%run_scoped3A_369, %dma_start3A_439] : memref<8x125xi32, #tpu.memory_space<vmem>> -> memref<1x125xi32, #tpu.memory_space<vmem>>
        %dma_start3A_441 = tpu.memref_squeeze %dma_start3A_440 : memref<1x125xi32, #tpu.memory_space<vmem>> -> memref<125xi32, #tpu.memory_space<vmem>>
        %dma_start3A_442 = arith.constant 0 : i32
        %dma_start3A_443 = arith.constant 0 : i32
        %dma_start3A_444 = tpu.memref_slice %arg13[%dma_start3A_442, %dma_start3A_443] : memref<10000x128xf32, #tpu.memory_space<vmem_shared>> -> memref<10000x128xf32, #tpu.memory_space<vmem_shared>>
        tpu.enqueue_indirect_dma source(%arg11 : memref<125x128xf32, #tpu.memory_space<vmem>>) target(%dma_start3A_444 : memref<10000x128xf32, #tpu.memory_space<vmem_shared>>) offsets(%dma_start3A_441 : memref<125xi32, #tpu.memory_space<vmem>>) semaphore(%run_scoped3A_438 : memref<!tpu.dma_semaphore, #tpu.memory_space<semaphore_mem>>) {add = true}
        %dma_wait3A_445 = arith.constant 0 : i32
        %dma_wait3A_446 = tpu.memref_slice %arg10[%run_scoped3A_369, %dma_wait3A_445] : memref<8x125xi32, #tpu.memory_space<vmem>> -> memref<1x125xi32, #tpu.memory_space<vmem>>
        %dma_wait3A_447 = tpu.memref_squeeze %dma_wait3A_446 : memref<1x125xi32, #tpu.memory_space<vmem>> -> memref<125xi32, #tpu.memory_space<vmem>>
        %dma_wait3A_448 = arith.constant 0 : i32
        %dma_wait3A_449 = arith.constant 0 : i32
        %dma_wait3A_450 = tpu.memref_slice %arg13[%dma_wait3A_448, %dma_wait3A_449] : memref<10000x128xf32, #tpu.memory_space<vmem_shared>> -> memref<10000x128xf32, #tpu.memory_space<vmem_shared>>
        tpu.wait_indirect_dma semaphore(%run_scoped3A_438 : memref<!tpu.dma_semaphore, #tpu.memory_space<semaphore_mem>>) src(%arg11 : memref<125x128xf32, #tpu.memory_space<vmem>>) dst(%dma_wait3A_450 : memref<10000x128xf32, #tpu.memory_space<vmem_shared>>)
        tpu.yield
      }) : () -> ()
      %dma_start3A_370 = arith.constant 4 : i32
      %dma_start3A_371 = arith.constant 0 : i32
      %dma_start3A_372 = tpu.memref_slice %arg9[%dma_start3A_370, %dma_start3A_371] : memref<8x125xi32, #tpu.memory_space<vmem>> -> memref<1x125xi32, #tpu.memory_space<vmem>>
      %dma_start3A_373 = tpu.memref_squeeze %dma_start3A_372 : memref<1x125xi32, #tpu.memory_space<vmem>> -> memref<125xi32, #tpu.memory_space<vmem>>
      %dma_start3A_374 = arith.constant 0 : i32
      %dma_start3A_375 = arith.constant 0 : i32
      %dma_start3A_376 = tpu.memref_slice %arg2[%dma_start3A_374, %dma_start3A_375] : memref<10000x128xf32, #tpu.memory_space<hbm>> -> memref<10000x128xf32, #tpu.memory_space<hbm>>
      tpu.enqueue_indirect_dma source(%dma_start3A_376 : memref<10000x128xf32, #tpu.memory_space<hbm>>) target(%arg11 : memref<125x128xf32, #tpu.memory_space<vmem>>) offsets(%dma_start3A_373 : memref<125xi32, #tpu.memory_space<vmem>>) semaphore(%arg14 : memref<!tpu.dma_semaphore, #tpu.memory_space<semaphore_mem>>)
      %dma_wait3A_377 = arith.constant 3 : i32
      %dma_wait3A_378 = arith.constant 0 : i32
      %dma_wait3A_379 = tpu.memref_slice %arg9[%dma_wait3A_377, %dma_wait3A_378] : memref<8x125xi32, #tpu.memory_space<vmem>> -> memref<1x125xi32, #tpu.memory_space<vmem>>
      %dma_wait3A_380 = tpu.memref_squeeze %dma_wait3A_379 : memref<1x125xi32, #tpu.memory_space<vmem>> -> memref<125xi32, #tpu.memory_space<vmem>>
      %dma_wait3A_381 = arith.constant 0 : i32
      %dma_wait3A_382 = arith.constant 0 : i32
      %dma_wait3A_383 = tpu.memref_slice %arg2[%dma_wait3A_381, %dma_wait3A_382] : memref<10000x128xf32, #tpu.memory_space<hbm>> -> memref<10000x128xf32, #tpu.memory_space<hbm>>
      tpu.wait_indirect_dma semaphore(%arg15 : memref<!tpu.dma_semaphore, #tpu.memory_space<semaphore_mem>>) src(%dma_wait3A_383 : memref<10000x128xf32, #tpu.memory_space<hbm>>) dst(%arg12 : memref<125x128xf32, #tpu.memory_space<vmem>>)
      %run_scoped3A_384 = arith.constant 3 : i32
      "tpu.region"() ({
        %run_scoped3A_438 = tpu.sem_alloc : memref<!tpu.dma_semaphore, #tpu.memory_space<semaphore_mem>>
        %dma_start3A_439 = arith.constant 0 : i32
        %dma_start3A_440 = tpu.memref_slice %arg10[%run_scoped3A_384, %dma_start3A_439] : memref<8x125xi32, #tpu.memory_space<vmem>> -> memref<1x125xi32, #tpu.memory_space<vmem>>
        %dma_start3A_441 = tpu.memref_squeeze %dma_start3A_440 : memref<1x125xi32, #tpu.memory_space<vmem>> -> memref<125xi32, #tpu.memory_space<vmem>>
        %dma_start3A_442 = arith.constant 0 : i32
        %dma_start3A_443 = arith.constant 0 : i32
        %dma_start3A_444 = tpu.memref_slice %arg13[%dma_start3A_442, %dma_start3A_443] : memref<10000x128xf32, #tpu.memory_space<vmem_shared>> -> memref<10000x128xf32, #tpu.memory_space<vmem_shared>>
        tpu.enqueue_indirect_dma source(%arg12 : memref<125x128xf32, #tpu.memory_space<vmem>>) target(%dma_start3A_444 : memref<10000x128xf32, #tpu.memory_space<vmem_shared>>) offsets(%dma_start3A_441 : memref<125xi32, #tpu.memory_space<vmem>>) semaphore(%run_scoped3A_438 : memref<!tpu.dma_semaphore, #tpu.memory_space<semaphore_mem>>) {add = true}
        %dma_wait3A_445 = arith.constant 0 : i32
        %dma_wait3A_446 = tpu.memref_slice %arg10[%run_scoped3A_384, %dma_wait3A_445] : memref<8x125xi32, #tpu.memory_space<vmem>> -> memref<1x125xi32, #tpu.memory_space<vmem>>
        %dma_wait3A_447 = tpu.memref_squeeze %dma_wait3A_446 : memref<1x125xi32, #tpu.memory_space<vmem>> -> memref<125xi32, #tpu.memory_space<vmem>>
        %dma_wait3A_448 = arith.constant 0 : i32
        %dma_wait3A_449 = arith.constant 0 : i32
        %dma_wait3A_450 = tpu.memref_slice %arg13[%dma_wait3A_448, %dma_wait3A_449] : memref<10000x128xf32, #tpu.memory_space<vmem_shared>> -> memref<10000x128xf32, #tpu.memory_space<vmem_shared>>
        tpu.wait_indirect_dma semaphore(%run_scoped3A_438 : memref<!tpu.dma_semaphore, #tpu.memory_space<semaphore_mem>>) src(%arg12 : memref<125x128xf32, #tpu.memory_space<vmem>>) dst(%dma_wait3A_450 : memref<10000x128xf32, #tpu.memory_space<vmem_shared>>)
        tpu.yield
      }) : () -> ()
      %dma_start3A_385 = arith.constant 5 : i32
      %dma_start3A_386 = arith.constant 0 : i32
      %dma_start3A_387 = tpu.memref_slice %arg9[%dma_start3A_385, %dma_start3A_386] : memref<8x125xi32, #tpu.memory_space<vmem>> -> memref<1x125xi32, #tpu.memory_space<vmem>>
      %dma_start3A_388 = tpu.memref_squeeze %dma_start3A_387 : memref<1x125xi32, #tpu.memory_space<vmem>> -> memref<125xi32, #tpu.memory_space<vmem>>
      %dma_start3A_389 = arith.constant 0 : i32
      %dma_start3A_390 = arith.constant 0 : i32
      %dma_start3A_391 = tpu.memref_slice %arg2[%dma_start3A_389, %dma_start3A_390] : memref<10000x128xf32, #tpu.memory_space<hbm>> -> memref<10000x128xf32, #tpu.memory_space<hbm>>
      tpu.enqueue_indirect_dma source(%dma_start3A_391 : memref<10000x128xf32, #tpu.memory_space<hbm>>) target(%arg12 : memref<125x128xf32, #tpu.memory_space<vmem>>) offsets(%dma_start3A_388 : memref<125xi32, #tpu.memory_space<vmem>>) semaphore(%arg15 : memref<!tpu.dma_semaphore, #tpu.memory_space<semaphore_mem>>)
      %dma_wait3A_392 = arith.constant 4 : i32
      %dma_wait3A_393 = arith.constant 0 : i32
      %dma_wait3A_394 = tpu.memref_slice %arg9[%dma_wait3A_392, %dma_wait3A_393] : memref<8x125xi32, #tpu.memory_space<vmem>> -> memref<1x125xi32, #tpu.memory_space<vmem>>
      %dma_wait3A_395 = tpu.memref_squeeze %dma_wait3A_394 : memref<1x125xi32, #tpu.memory_space<vmem>> -> memref<125xi32, #tpu.memory_space<vmem>>
      %dma_wait3A_396 = arith.constant 0 : i32
      %dma_wait3A_397 = arith.constant 0 : i32
      %dma_wait3A_398 = tpu.memref_slice %arg2[%dma_wait3A_396, %dma_wait3A_397] : memref<10000x128xf32, #tpu.memory_space<hbm>> -> memref<10000x128xf32, #tpu.memory_space<hbm>>
      tpu.wait_indirect_dma semaphore(%arg14 : memref<!tpu.dma_semaphore, #tpu.memory_space<semaphore_mem>>) src(%dma_wait3A_398 : memref<10000x128xf32, #tpu.memory_space<hbm>>) dst(%arg11 : memref<125x128xf32, #tpu.memory_space<vmem>>)
      %run_scoped3A_399 = arith.constant 4 : i32
      "tpu.region"() ({
        %run_scoped3A_438 = tpu.sem_alloc : memref<!tpu.dma_semaphore, #tpu.memory_space<semaphore_mem>>
        %dma_start3A_439 = arith.constant 0 : i32
        %dma_start3A_440 = tpu.memref_slice %arg10[%run_scoped3A_399, %dma_start3A_439] : memref<8x125xi32, #tpu.memory_space<vmem>> -> memref<1x125xi32, #tpu.memory_space<vmem>>
        %dma_start3A_441 = tpu.memref_squeeze %dma_start3A_440 : memref<1x125xi32, #tpu.memory_space<vmem>> -> memref<125xi32, #tpu.memory_space<vmem>>
        %dma_start3A_442 = arith.constant 0 : i32
        %dma_start3A_443 = arith.constant 0 : i32
        %dma_start3A_444 = tpu.memref_slice %arg13[%dma_start3A_442, %dma_start3A_443] : memref<10000x128xf32, #tpu.memory_space<vmem_shared>> -> memref<10000x128xf32, #tpu.memory_space<vmem_shared>>
        tpu.enqueue_indirect_dma source(%arg11 : memref<125x128xf32, #tpu.memory_space<vmem>>) target(%dma_start3A_444 : memref<10000x128xf32, #tpu.memory_space<vmem_shared>>) offsets(%dma_start3A_441 : memref<125xi32, #tpu.memory_space<vmem>>) semaphore(%run_scoped3A_438 : memref<!tpu.dma_semaphore, #tpu.memory_space<semaphore_mem>>) {add = true}
        %dma_wait3A_445 = arith.constant 0 : i32
        %dma_wait3A_446 = tpu.memref_slice %arg10[%run_scoped3A_399, %dma_wait3A_445] : memref<8x125xi32, #tpu.memory_space<vmem>> -> memref<1x125xi32, #tpu.memory_space<vmem>>
        %dma_wait3A_447 = tpu.memref_squeeze %dma_wait3A_446 : memref<1x125xi32, #tpu.memory_space<vmem>> -> memref<125xi32, #tpu.memory_space<vmem>>
        %dma_wait3A_448 = arith.constant 0 : i32
        %dma_wait3A_449 = arith.constant 0 : i32
        %dma_wait3A_450 = tpu.memref_slice %arg13[%dma_wait3A_448, %dma_wait3A_449] : memref<10000x128xf32, #tpu.memory_space<vmem_shared>> -> memref<10000x128xf32, #tpu.memory_space<vmem_shared>>
        tpu.wait_indirect_dma semaphore(%run_scoped3A_438 : memref<!tpu.dma_semaphore, #tpu.memory_space<semaphore_mem>>) src(%arg11 : memref<125x128xf32, #tpu.memory_space<vmem>>) dst(%dma_wait3A_450 : memref<10000x128xf32, #tpu.memory_space<vmem_shared>>)
        tpu.yield
      }) : () -> ()
      %dma_start3A_400 = arith.constant 6 : i32
      %dma_start3A_401 = arith.constant 0 : i32
      %dma_start3A_402 = tpu.memref_slice %arg9[%dma_start3A_400, %dma_start3A_401] : memref<8x125xi32, #tpu.memory_space<vmem>> -> memref<1x125xi32, #tpu.memory_space<vmem>>
      %dma_start3A_403 = tpu.memref_squeeze %dma_start3A_402 : memref<1x125xi32, #tpu.memory_space<vmem>> -> memref<125xi32, #tpu.memory_space<vmem>>
      %dma_start3A_404 = arith.constant 0 : i32
      %dma_start3A_405 = arith.constant 0 : i32
      %dma_start3A_406 = tpu.memref_slice %arg2[%dma_start3A_404, %dma_start3A_405] : memref<10000x128xf32, #tpu.memory_space<hbm>> -> memref<10000x128xf32, #tpu.memory_space<hbm>>
      tpu.enqueue_indirect_dma source(%dma_start3A_406 : memref<10000x128xf32, #tpu.memory_space<hbm>>) target(%arg11 : memref<125x128xf32, #tpu.memory_space<vmem>>) offsets(%dma_start3A_403 : memref<125xi32, #tpu.memory_space<vmem>>) semaphore(%arg14 : memref<!tpu.dma_semaphore, #tpu.memory_space<semaphore_mem>>)
      %dma_wait3A_407 = arith.constant 5 : i32
      %dma_wait3A_408 = arith.constant 0 : i32
      %dma_wait3A_409 = tpu.memref_slice %arg9[%dma_wait3A_407, %dma_wait3A_408] : memref<8x125xi32, #tpu.memory_space<vmem>> -> memref<1x125xi32, #tpu.memory_space<vmem>>
      %dma_wait3A_410 = tpu.memref_squeeze %dma_wait3A_409 : memref<1x125xi32, #tpu.memory_space<vmem>> -> memref<125xi32, #tpu.memory_space<vmem>>
      %dma_wait3A_411 = arith.constant 0 : i32
      %dma_wait3A_412 = arith.constant 0 : i32
      %dma_wait3A_413 = tpu.memref_slice %arg2[%dma_wait3A_411, %dma_wait3A_412] : memref<10000x128xf32, #tpu.memory_space<hbm>> -> memref<10000x128xf32, #tpu.memory_space<hbm>>
      tpu.wait_indirect_dma semaphore(%arg15 : memref<!tpu.dma_semaphore, #tpu.memory_space<semaphore_mem>>) src(%dma_wait3A_413 : memref<10000x128xf32, #tpu.memory_space<hbm>>) dst(%arg12 : memref<125x128xf32, #tpu.memory_space<vmem>>)
      %run_scoped3A_414 = arith.constant 5 : i32
      "tpu.region"() ({
        %run_scoped3A_438 = tpu.sem_alloc : memref<!tpu.dma_semaphore, #tpu.memory_space<semaphore_mem>>
        %dma_start3A_439 = arith.constant 0 : i32
        %dma_start3A_440 = tpu.memref_slice %arg10[%run_scoped3A_414, %dma_start3A_439] : memref<8x125xi32, #tpu.memory_space<vmem>> -> memref<1x125xi32, #tpu.memory_space<vmem>>
        %dma_start3A_441 = tpu.memref_squeeze %dma_start3A_440 : memref<1x125xi32, #tpu.memory_space<vmem>> -> memref<125xi32, #tpu.memory_space<vmem>>
        %dma_start3A_442 = arith.constant 0 : i32
        %dma_start3A_443 = arith.constant 0 : i32
        %dma_start3A_444 = tpu.memref_slice %arg13[%dma_start3A_442, %dma_start3A_443] : memref<10000x128xf32, #tpu.memory_space<vmem_shared>> -> memref<10000x128xf32, #tpu.memory_space<vmem_shared>>
        tpu.enqueue_indirect_dma source(%arg12 : memref<125x128xf32, #tpu.memory_space<vmem>>) target(%dma_start3A_444 : memref<10000x128xf32, #tpu.memory_space<vmem_shared>>) offsets(%dma_start3A_441 : memref<125xi32, #tpu.memory_space<vmem>>) semaphore(%run_scoped3A_438 : memref<!tpu.dma_semaphore, #tpu.memory_space<semaphore_mem>>) {add = true}
        %dma_wait3A_445 = arith.constant 0 : i32
        %dma_wait3A_446 = tpu.memref_slice %arg10[%run_scoped3A_414, %dma_wait3A_445] : memref<8x125xi32, #tpu.memory_space<vmem>> -> memref<1x125xi32, #tpu.memory_space<vmem>>
        %dma_wait3A_447 = tpu.memref_squeeze %dma_wait3A_446 : memref<1x125xi32, #tpu.memory_space<vmem>> -> memref<125xi32, #tpu.memory_space<vmem>>
        %dma_wait3A_448 = arith.constant 0 : i32
        %dma_wait3A_449 = arith.constant 0 : i32
        %dma_wait3A_450 = tpu.memref_slice %arg13[%dma_wait3A_448, %dma_wait3A_449] : memref<10000x128xf32, #tpu.memory_space<vmem_shared>> -> memref<10000x128xf32, #tpu.memory_space<vmem_shared>>
        tpu.wait_indirect_dma semaphore(%run_scoped3A_438 : memref<!tpu.dma_semaphore, #tpu.memory_space<semaphore_mem>>) src(%arg12 : memref<125x128xf32, #tpu.memory_space<vmem>>) dst(%dma_wait3A_450 : memref<10000x128xf32, #tpu.memory_space<vmem_shared>>)
        tpu.yield
      }) : () -> ()
      %dma_start3A_415 = arith.constant 7 : i32
      %dma_start3A_416 = arith.constant 0 : i32
      %dma_start3A_417 = tpu.memref_slice %arg9[%dma_start3A_415, %dma_start3A_416] : memref<8x125xi32, #tpu.memory_space<vmem>> -> memref<1x125xi32, #tpu.memory_space<vmem>>
      %dma_start3A_418 = tpu.memref_squeeze %dma_start3A_417 : memref<1x125xi32, #tpu.memory_space<vmem>> -> memref<125xi32, #tpu.memory_space<vmem>>
      %dma_start3A_419 = arith.constant 0 : i32
      %dma_start3A_420 = arith.constant 0 : i32
      %dma_start3A_421 = tpu.memref_slice %arg2[%dma_start3A_419, %dma_start3A_420] : memref<10000x128xf32, #tpu.memory_space<hbm>> -> memref<10000x128xf32, #tpu.memory_space<hbm>>
      tpu.enqueue_indirect_dma source(%dma_start3A_421 : memref<10000x128xf32, #tpu.memory_space<hbm>>) target(%arg12 : memref<125x128xf32, #tpu.memory_space<vmem>>) offsets(%dma_start3A_418 : memref<125xi32, #tpu.memory_space<vmem>>) semaphore(%arg15 : memref<!tpu.dma_semaphore, #tpu.memory_space<semaphore_mem>>)
      %dma_wait3A_422 = arith.constant 6 : i32
      %dma_wait3A_423 = arith.constant 0 : i32
      %dma_wait3A_424 = tpu.memref_slice %arg9[%dma_wait3A_422, %dma_wait3A_423] : memref<8x125xi32, #tpu.memory_space<vmem>> -> memref<1x125xi32, #tpu.memory_space<vmem>>
      %dma_wait3A_425 = tpu.memref_squeeze %dma_wait3A_424 : memref<1x125xi32, #tpu.memory_space<vmem>> -> memref<125xi32, #tpu.memory_space<vmem>>
      %dma_wait3A_426 = arith.constant 0 : i32
      %dma_wait3A_427 = arith.constant 0 : i32
      %dma_wait3A_428 = tpu.memref_slice %arg2[%dma_wait3A_426, %dma_wait3A_427] : memref<10000x128xf32, #tpu.memory_space<hbm>> -> memref<10000x128xf32, #tpu.memory_space<hbm>>
      tpu.wait_indirect_dma semaphore(%arg14 : memref<!tpu.dma_semaphore, #tpu.memory_space<semaphore_mem>>) src(%dma_wait3A_428 : memref<10000x128xf32, #tpu.memory_space<hbm>>) dst(%arg11 : memref<125x128xf32, #tpu.memory_space<vmem>>)
      %run_scoped3A_429 = arith.constant 6 : i32
      "tpu.region"() ({
        %run_scoped3A_438 = tpu.sem_alloc : memref<!tpu.dma_semaphore, #tpu.memory_space<semaphore_mem>>
        %dma_start3A_439 = arith.constant 0 : i32
        %dma_start3A_440 = tpu.memref_slice %arg10[%run_scoped3A_429, %dma_start3A_439] : memref<8x125xi32, #tpu.memory_space<vmem>> -> memref<1x125xi32, #tpu.memory_space<vmem>>
        %dma_start3A_441 = tpu.memref_squeeze %dma_start3A_440 : memref<1x125xi32, #tpu.memory_space<vmem>> -> memref<125xi32, #tpu.memory_space<vmem>>
        %dma_start3A_442 = arith.constant 0 : i32
        %dma_start3A_443 = arith.constant 0 : i32
        %dma_start3A_444 = tpu.memref_slice %arg13[%dma_start3A_442, %dma_start3A_443] : memref<10000x128xf32, #tpu.memory_space<vmem_shared>> -> memref<10000x128xf32, #tpu.memory_space<vmem_shared>>
        tpu.enqueue_indirect_dma source(%arg11 : memref<125x128xf32, #tpu.memory_space<vmem>>) target(%dma_start3A_444 : memref<10000x128xf32, #tpu.memory_space<vmem_shared>>) offsets(%dma_start3A_441 : memref<125xi32, #tpu.memory_space<vmem>>) semaphore(%run_scoped3A_438 : memref<!tpu.dma_semaphore, #tpu.memory_space<semaphore_mem>>) {add = true}
        %dma_wait3A_445 = arith.constant 0 : i32
        %dma_wait3A_446 = tpu.memref_slice %arg10[%run_scoped3A_429, %dma_wait3A_445] : memref<8x125xi32, #tpu.memory_space<vmem>> -> memref<1x125xi32, #tpu.memory_space<vmem>>
        %dma_wait3A_447 = tpu.memref_squeeze %dma_wait3A_446 : memref<1x125xi32, #tpu.memory_space<vmem>> -> memref<125xi32, #tpu.memory_space<vmem>>
        %dma_wait3A_448 = arith.constant 0 : i32
        %dma_wait3A_449 = arith.constant 0 : i32
        %dma_wait3A_450 = tpu.memref_slice %arg13[%dma_wait3A_448, %dma_wait3A_449] : memref<10000x128xf32, #tpu.memory_space<vmem_shared>> -> memref<10000x128xf32, #tpu.memory_space<vmem_shared>>
        tpu.wait_indirect_dma semaphore(%run_scoped3A_438 : memref<!tpu.dma_semaphore, #tpu.memory_space<semaphore_mem>>) src(%arg11 : memref<125x128xf32, #tpu.memory_space<vmem>>) dst(%dma_wait3A_450 : memref<10000x128xf32, #tpu.memory_space<vmem_shared>>)
        tpu.yield
      }) : () -> ()
      %dma_wait3A_430 = arith.constant 7 : i32
      %dma_wait3A_431 = arith.constant 0 : i32
      %dma_wait3A_432 = tpu.memref_slice %arg9[%dma_wait3A_430, %dma_wait3A_431] : memref<8x125xi32, #tpu.memory_space<vmem>> -> memref<1x125xi32, #tpu.memory_space<vmem>>
      %dma_wait3A_433 = tpu.memref_squeeze %dma_wait3A_432 : memref<1x125xi32, #tpu.memory_space<vmem>> -> memref<125xi32, #tpu.memory_space<vmem>>
      %dma_wait3A_434 = arith.constant 0 : i32
      %dma_wait3A_435 = arith.constant 0 : i32
      %dma_wait3A_436 = tpu.memref_slice %arg2[%dma_wait3A_434, %dma_wait3A_435] : memref<10000x128xf32, #tpu.memory_space<hbm>> -> memref<10000x128xf32, #tpu.memory_space<hbm>>
      tpu.wait_indirect_dma semaphore(%arg15 : memref<!tpu.dma_semaphore, #tpu.memory_space<semaphore_mem>>) src(%dma_wait3A_436 : memref<10000x128xf32, #tpu.memory_space<hbm>>) dst(%arg12 : memref<125x128xf32, #tpu.memory_space<vmem>>)
      %run_scoped3A_437 = arith.constant 7 : i32
      "tpu.region"() ({
        %run_scoped3A_438 = tpu.sem_alloc : memref<!tpu.dma_semaphore, #tpu.memory_space<semaphore_mem>>
        %dma_start3A_439 = arith.constant 0 : i32
        %dma_start3A_440 = tpu.memref_slice %arg10[%run_scoped3A_437, %dma_start3A_439] : memref<8x125xi32, #tpu.memory_space<vmem>> -> memref<1x125xi32, #tpu.memory_space<vmem>>
        %dma_start3A_441 = tpu.memref_squeeze %dma_start3A_440 : memref<1x125xi32, #tpu.memory_space<vmem>> -> memref<125xi32, #tpu.memory_space<vmem>>
        %dma_start3A_442 = arith.constant 0 : i32
        %dma_start3A_443 = arith.constant 0 : i32
        %dma_start3A_444 = tpu.memref_slice %arg13[%dma_start3A_442, %dma_start3A_443] : memref<10000x128xf32, #tpu.memory_space<vmem_shared>> -> memref<10000x128xf32, #tpu.memory_space<vmem_shared>>
        tpu.enqueue_indirect_dma source(%arg12 : memref<125x128xf32, #tpu.memory_space<vmem>>) target(%dma_start3A_444 : memref<10000x128xf32, #tpu.memory_space<vmem_shared>>) offsets(%dma_start3A_441 : memref<125xi32, #tpu.memory_space<vmem>>) semaphore(%run_scoped3A_438 : memref<!tpu.dma_semaphore, #tpu.memory_space<semaphore_mem>>) {add = true}
        %dma_wait3A_445 = arith.constant 0 : i32
        %dma_wait3A_446 = tpu.memref_slice %arg10[%run_scoped3A_437, %dma_wait3A_445] : memref<8x125xi32, #tpu.memory_space<vmem>> -> memref<1x125xi32, #tpu.memory_space<vmem>>
        %dma_wait3A_447 = tpu.memref_squeeze %dma_wait3A_446 : memref<1x125xi32, #tpu.memory_space<vmem>> -> memref<125xi32, #tpu.memory_space<vmem>>
        %dma_wait3A_448 = arith.constant 0 : i32
        %dma_wait3A_449 = arith.constant 0 : i32
        %dma_wait3A_450 = tpu.memref_slice %arg13[%dma_wait3A_448, %dma_wait3A_449] : memref<10000x128xf32, #tpu.memory_space<vmem_shared>> -> memref<10000x128xf32, #tpu.memory_space<vmem_shared>>
        tpu.wait_indirect_dma semaphore(%run_scoped3A_438 : memref<!tpu.dma_semaphore, #tpu.memory_space<semaphore_mem>>) src(%arg12 : memref<125x128xf32, #tpu.memory_space<vmem>>) dst(%dma_wait3A_450 : memref<10000x128xf32, #tpu.memory_space<vmem_shared>>)
        tpu.yield
      }) : () -> ()
    }
    %scan3A_38 = arith.constant 5 : i32
    %dma_wait3A = arith.constant 0 : i32
    %dma_wait3A_39 = arith.constant 0 : i32
    %dma_wait3A_40 = tpu.memref_slice %arg3[%add3A, %dma_wait3A, %dma_wait3A_39] : memref<32x80x125xi32, #tpu.memory_space<hbm>> -> memref<1x80x125xi32, #tpu.memory_space<hbm>>
    %dma_wait3A_41 = tpu.memref_squeeze %dma_wait3A_40 : memref<1x80x125xi32, #tpu.memory_space<hbm>> -> memref<80x125xi32, #tpu.memory_space<hbm>>
    %dma_wait3A_42 = arith.constant 72 : i32
    %dma_wait3A_43 = arith.constant 0 : i32
    %dma_wait3A_44 = tpu.memref_slice %dma_wait3A_41[%dma_wait3A_42, %dma_wait3A_43] : memref<80x125xi32, #tpu.memory_space<hbm>> -> memref<8x125xi32, #tpu.memory_space<hbm>>
    %dma_wait3A_45 = arith.constant 0 : i32
    %dma_wait3A_46 = arith.constant 0 : i32
    %dma_wait3A_47 = tpu.memref_slice %arg3[%add3A, %dma_wait3A_45, %dma_wait3A_46] : memref<32x80x125xi32, #tpu.memory_space<hbm>> -> memref<1x80x125xi32, #tpu.memory_space<hbm>>
    %dma_wait3A_48 = tpu.memref_squeeze %dma_wait3A_47 : memref<1x80x125xi32, #tpu.memory_space<hbm>> -> memref<80x125xi32, #tpu.memory_space<hbm>>
    %dma_wait3A_49 = arith.constant 72 : i32
    %dma_wait3A_50 = arith.constant 0 : i32
    %dma_wait3A_51 = tpu.memref_slice %dma_wait3A_48[%dma_wait3A_49, %dma_wait3A_50] : memref<80x125xi32, #tpu.memory_space<hbm>> -> memref<8x125xi32, #tpu.memory_space<hbm>>
    tpu.wait_dma2 semaphore(%arg16 : memref<!tpu.dma_semaphore, #tpu.memory_space<semaphore_mem>>) src(%dma_wait3A_51 : memref<8x125xi32, #tpu.memory_space<hbm>>) dst(%arg7 : memref<8x125xi32, #tpu.memory_space<vmem>>)
    %dma_wait3A_52 = arith.constant 0 : i32
    %dma_wait3A_53 = arith.constant 0 : i32
    %dma_wait3A_54 = tpu.memref_slice %arg4[%add3A, %dma_wait3A_52, %dma_wait3A_53] : memref<32x80x125xi32, #tpu.memory_space<hbm>> -> memref<1x80x125xi32, #tpu.memory_space<hbm>>
    %dma_wait3A_55 = tpu.memref_squeeze %dma_wait3A_54 : memref<1x80x125xi32, #tpu.memory_space<hbm>> -> memref<80x125xi32, #tpu.memory_space<hbm>>
    %dma_wait3A_56 = arith.constant 72 : i32
    %dma_wait3A_57 = arith.constant 0 : i32
    %dma_wait3A_58 = tpu.memref_slice %dma_wait3A_55[%dma_wait3A_56, %dma_wait3A_57] : memref<80x125xi32, #tpu.memory_space<hbm>> -> memref<8x125xi32, #tpu.memory_space<hbm>>
    %dma_wait3A_59 = arith.constant 0 : i32
    %dma_wait3A_60 = arith.constant 0 : i32
    %dma_wait3A_61 = tpu.memref_slice %arg4[%add3A, %dma_wait3A_59, %dma_wait3A_60] : memref<32x80x125xi32, #tpu.memory_space<hbm>> -> memref<1x80x125xi32, #tpu.memory_space<hbm>>
    %dma_wait3A_62 = tpu.memref_squeeze %dma_wait3A_61 : memref<1x80x125xi32, #tpu.memory_space<hbm>> -> memref<80x125xi32, #tpu.memory_space<hbm>>
    %dma_wait3A_63 = arith.constant 72 : i32
    %dma_wait3A_64 = arith.constant 0 : i32
    %dma_wait3A_65 = tpu.memref_slice %dma_wait3A_62[%dma_wait3A_63, %dma_wait3A_64] : memref<80x125xi32, #tpu.memory_space<hbm>> -> memref<8x125xi32, #tpu.memory_space<hbm>>
    tpu.wait_dma2 semaphore(%arg16 : memref<!tpu.dma_semaphore, #tpu.memory_space<semaphore_mem>>) src(%dma_wait3A_65 : memref<8x125xi32, #tpu.memory_space<hbm>>) dst(%arg8 : memref<8x125xi32, #tpu.memory_space<vmem>>)
    %barrier3A_66 = arith.constant 0 : index
    tpu.barrier barrier_id(%barrier3A_66)
    %lt3A_67 = arith.constant 15 : i32
    %lt3A_68 = arith.cmpi slt, %arg1, %lt3A_67 : i32
    %convert_element_type3A_69 = arith.extui %lt3A_68 : i1 to i32
    %cond3A_70 = arith.constant 0 : i32
    %cond3A_71 = arith.cmpi ne, %convert_element_type3A_69, %cond3A_70 : i32
    scf.if %cond3A_71 {
      %mul3A_77 = arith.constant 632 : i32
      %mul3A_78 = arith.muli %arg1, %mul3A_77 : i32
      "tpu.region"() ({
        %run_scoped3A = tpu.sem_alloc : memref<!tpu.dma_semaphore, #tpu.memory_space<semaphore_mem>>
        %dma_start3A_79 = arith.constant 0 : i32
        %dma_start3A_80 = arith.constant 0 : i32
        %dma_start3A_81 = tpu.memref_slice %arg6[%arg0, %dma_start3A_79, %dma_start3A_80] : memref<2x10000x128xf32, #tpu.memory_space<hbm>> -> memref<1x10000x128xf32, #tpu.memory_space<hbm>>
        %dma_start3A_82 = tpu.memref_squeeze %dma_start3A_81 : memref<1x10000x128xf32, #tpu.memory_space<hbm>> -> memref<10000x128xf32, #tpu.memory_space<hbm>>
        %dma_start3A_83 = arith.constant 0 : i32
        %dma_start3A_84 = tpu.memref_slice %dma_start3A_82[%mul3A_78, %dma_start3A_83] : memref<10000x128xf32, #tpu.memory_space<hbm>> -> memref<632x128xf32, #tpu.memory_space<hbm>>
        %dma_start3A_85 = arith.constant 0 : i32
        %dma_start3A_86 = tpu.memref_slice %arg13[%mul3A_78, %dma_start3A_85] : memref<10000x128xf32, #tpu.memory_space<vmem_shared>> -> memref<632x128xf32, #tpu.memory_space<vmem_shared>>
        tpu.enqueue_dma source(%dma_start3A_86 : memref<632x128xf32, #tpu.memory_space<vmem_shared>>) target(%dma_start3A_84 : memref<632x128xf32, #tpu.memory_space<hbm>>) target_semaphore(%run_scoped3A : memref<!tpu.dma_semaphore, #tpu.memory_space<semaphore_mem>>)
        %dma_wait3A_87 = arith.constant 0 : i32
        %dma_wait3A_88 = arith.constant 0 : i32
        %dma_wait3A_89 = tpu.memref_slice %arg6[%arg0, %dma_wait3A_87, %dma_wait3A_88] : memref<2x10000x128xf32, #tpu.memory_space<hbm>> -> memref<1x10000x128xf32, #tpu.memory_space<hbm>>
        %dma_wait3A_90 = tpu.memref_squeeze %dma_wait3A_89 : memref<1x10000x128xf32, #tpu.memory_space<hbm>> -> memref<10000x128xf32, #tpu.memory_space<hbm>>
        %dma_wait3A_91 = arith.constant 0 : i32
        %dma_wait3A_92 = tpu.memref_slice %dma_wait3A_90[%mul3A_78, %dma_wait3A_91] : memref<10000x128xf32, #tpu.memory_space<hbm>> -> memref<632x128xf32, #tpu.memory_space<hbm>>
        %dma_wait3A_93 = arith.constant 0 : i32
        %dma_wait3A_94 = tpu.memref_slice %arg13[%mul3A_78, %dma_wait3A_93] : memref<10000x128xf32, #tpu.memory_space<vmem_shared>> -> memref<632x128xf32, #tpu.memory_space<vmem_shared>>
        tpu.wait_dma2 semaphore(%run_scoped3A : memref<!tpu.dma_semaphore, #tpu.memory_space<semaphore_mem>>) src(%dma_wait3A_94 : memref<632x128xf32, #tpu.memory_space<vmem_shared>>) dst(%dma_wait3A_92 : memref<632x128xf32, #tpu.memory_space<hbm>>)
        tpu.yield
      }) : () -> ()
    } else {
    }
    %eq3A_72 = arith.constant 15 : i32
    %eq3A_73 = arith.cmpi eq, %arg1, %eq3A_72 : i32
    %convert_element_type3A_74 = arith.extui %eq3A_73 : i1 to i32
    %cond3A_75 = arith.constant 0 : i32
    %cond3A_76 = arith.cmpi ne, %convert_element_type3A_74, %cond3A_75 : i32
    scf.if %cond3A_76 {
      "tpu.region"() ({
        %run_scoped3A = tpu.sem_alloc : memref<!tpu.dma_semaphore, #tpu.memory_space<semaphore_mem>>
        %dma_start3A_77 = arith.constant 0 : i32
        %dma_start3A_78 = arith.constant 0 : i32
        %dma_start3A_79 = tpu.memref_slice %arg6[%arg0, %dma_start3A_77, %dma_start3A_78] : memref<2x10000x128xf32, #tpu.memory_space<hbm>> -> memref<1x10000x128xf32, #tpu.memory_space<hbm>>
        %dma_start3A_80 = tpu.memref_squeeze %dma_start3A_79 : memref<1x10000x128xf32, #tpu.memory_space<hbm>> -> memref<10000x128xf32, #tpu.memory_space<hbm>>
        %dma_start3A_81 = arith.constant 9480 : i32
        %dma_start3A_82 = arith.constant 0 : i32
        %dma_start3A_83 = tpu.memref_slice %dma_start3A_80[%dma_start3A_81, %dma_start3A_82] : memref<10000x128xf32, #tpu.memory_space<hbm>> -> memref<520x128xf32, #tpu.memory_space<hbm>>
        %dma_start3A_84 = arith.constant 9480 : i32
        %dma_start3A_85 = arith.constant 0 : i32
        %dma_start3A_86 = tpu.memref_slice %arg13[%dma_start3A_84, %dma_start3A_85] : memref<10000x128xf32, #tpu.memory_space<vmem_shared>> -> memref<520x128xf32, #tpu.memory_space<vmem_shared>>
        tpu.enqueue_dma source(%dma_start3A_86 : memref<520x128xf32, #tpu.memory_space<vmem_shared>>) target(%dma_start3A_83 : memref<520x128xf32, #tpu.memory_space<hbm>>) target_semaphore(%run_scoped3A : memref<!tpu.dma_semaphore, #tpu.memory_space<semaphore_mem>>)
        %dma_wait3A_87 = arith.constant 0 : i32
        %dma_wait3A_88 = arith.constant 0 : i32
        %dma_wait3A_89 = tpu.memref_slice %arg6[%arg0, %dma_wait3A_87, %dma_wait3A_88] : memref<2x10000x128xf32, #tpu.memory_space<hbm>> -> memref<1x10000x128xf32, #tpu.memory_space<hbm>>
        %dma_wait3A_90 = tpu.memref_squeeze %dma_wait3A_89 : memref<1x10000x128xf32, #tpu.memory_space<hbm>> -> memref<10000x128xf32, #tpu.memory_space<hbm>>
        %dma_wait3A_91 = arith.constant 9480 : i32
        %dma_wait3A_92 = arith.constant 0 : i32
        %dma_wait3A_93 = tpu.memref_slice %dma_wait3A_90[%dma_wait3A_91, %dma_wait3A_92] : memref<10000x128xf32, #tpu.memory_space<hbm>> -> memref<520x128xf32, #tpu.memory_space<hbm>>
        %dma_wait3A_94 = arith.constant 9480 : i32
        %dma_wait3A_95 = arith.constant 0 : i32
        %dma_wait3A_96 = tpu.memref_slice %arg13[%dma_wait3A_94, %dma_wait3A_95] : memref<10000x128xf32, #tpu.memory_space<vmem_shared>> -> memref<520x128xf32, #tpu.memory_space<vmem_shared>>
        tpu.wait_dma2 semaphore(%run_scoped3A : memref<!tpu.dma_semaphore, #tpu.memory_space<semaphore_mem>>) src(%dma_wait3A_96 : memref<520x128xf32, #tpu.memory_space<vmem_shared>>) dst(%dma_wait3A_93 : memref<520x128xf32, #tpu.memory_space<hbm>>)
        tpu.yield
      }) : () -> ()
    } else {
    }
    return
  }
}

#map = affine_map<(d0, d1) -> (0, 0, 0)>
#map1 = affine_map<(d0, d1) -> (0, 0)>
module attributes {stable_mosaic.version = 14 : i64} {
  func.func @deg_kernel(%arg0: i32, %arg1: i32, %arg2: memref<32x80x125xi32, #tpu.memory_space<hbm>>, %arg3: memref<125x8xf32, #tpu.memory_space<hbm>>, %arg4: memref<10000x8xf32, #tpu.memory_space<hbm>>, %arg5: memref<2x10000x8xf32, #tpu.memory_space<hbm>>, %arg6: memref<80x125xi32, #tpu.memory_space<vmem>>, %arg7: memref<125x8xf32, #tpu.memory_space<vmem>>, %arg8: memref<10000x8xf32, #tpu.memory_space<vmem_shared>>) attributes {dimension_semantics = [#tpu.dimension_semantics<core_parallel>, #tpu.dimension_semantics<subcore_parallel>], iteration_bounds = array<i64: 2, 16>, scalar_prefetch = 0 : i64, scratch_operands = 3 : i64, tpu.core_type = #tpu.core_type<sc_vector_subcore>, window_params = [{transform_indices = #map}, {transform_indices = #map1}, {transform_indices = #map1}, {transform_indices = #map}]} {
    %mul3A = arith.constant 2 : i32
    %mul3A_0 = arith.muli %arg1, %mul3A : i32
    %add3A = arith.addi %mul3A_0, %arg0 : i32
    %lt3A = arith.constant 15 : i32
    %lt3A_1 = arith.cmpi slt, %arg1, %lt3A : i32
    %convert_element_type3A = arith.extui %lt3A_1 : i1 to i32
    %cond3A = arith.constant 0 : i32
    %cond3A_2 = arith.cmpi ne, %convert_element_type3A, %cond3A : i32
    scf.if %cond3A_2 {
      %mul3A_23 = arith.constant 632 : i32
      %mul3A_24 = arith.muli %arg1, %mul3A_23 : i32
      "tpu.region"() ({
        %run_scoped3A = tpu.sem_alloc : memref<!tpu.dma_semaphore, #tpu.memory_space<semaphore_mem>>
        %dma_start3A = arith.constant 0 : i32
        %dma_start3A_25 = tpu.memref_slice %arg8[%mul3A_24, %dma_start3A] : memref<10000x8xf32, #tpu.memory_space<vmem_shared>> -> memref<632x8xf32, #tpu.memory_space<vmem_shared>>
        %dma_start3A_26 = arith.constant 0 : i32
        %dma_start3A_27 = tpu.memref_slice %arg4[%mul3A_24, %dma_start3A_26] : memref<10000x8xf32, #tpu.memory_space<hbm>> -> memref<632x8xf32, #tpu.memory_space<hbm>>
        tpu.enqueue_dma source(%dma_start3A_27 : memref<632x8xf32, #tpu.memory_space<hbm>>) target(%dma_start3A_25 : memref<632x8xf32, #tpu.memory_space<vmem_shared>>) target_semaphore(%run_scoped3A : memref<!tpu.dma_semaphore, #tpu.memory_space<semaphore_mem>>)
        %dma_wait3A = arith.constant 0 : i32
        %dma_wait3A_28 = tpu.memref_slice %arg8[%mul3A_24, %dma_wait3A] : memref<10000x8xf32, #tpu.memory_space<vmem_shared>> -> memref<632x8xf32, #tpu.memory_space<vmem_shared>>
        %dma_wait3A_29 = arith.constant 0 : i32
        %dma_wait3A_30 = tpu.memref_slice %arg4[%mul3A_24, %dma_wait3A_29] : memref<10000x8xf32, #tpu.memory_space<hbm>> -> memref<632x8xf32, #tpu.memory_space<hbm>>
        tpu.wait_dma2 semaphore(%run_scoped3A : memref<!tpu.dma_semaphore, #tpu.memory_space<semaphore_mem>>) src(%dma_wait3A_30 : memref<632x8xf32, #tpu.memory_space<hbm>>) dst(%dma_wait3A_28 : memref<632x8xf32, #tpu.memory_space<vmem_shared>>)
        tpu.yield
      }) : () -> ()
    } else {
    }
    %eq3A = arith.constant 15 : i32
    %eq3A_3 = arith.cmpi eq, %arg1, %eq3A : i32
    %convert_element_type3A_4 = arith.extui %eq3A_3 : i1 to i32
    %cond3A_5 = arith.constant 0 : i32
    %cond3A_6 = arith.cmpi ne, %convert_element_type3A_4, %cond3A_5 : i32
    scf.if %cond3A_6 {
      "tpu.region"() ({
        %run_scoped3A = tpu.sem_alloc : memref<!tpu.dma_semaphore, #tpu.memory_space<semaphore_mem>>
        %dma_start3A = arith.constant 9480 : i32
        %dma_start3A_23 = arith.constant 0 : i32
        %dma_start3A_24 = tpu.memref_slice %arg8[%dma_start3A, %dma_start3A_23] : memref<10000x8xf32, #tpu.memory_space<vmem_shared>> -> memref<520x8xf32, #tpu.memory_space<vmem_shared>>
        %dma_start3A_25 = arith.constant 9480 : i32
        %dma_start3A_26 = arith.constant 0 : i32
        %dma_start3A_27 = tpu.memref_slice %arg4[%dma_start3A_25, %dma_start3A_26] : memref<10000x8xf32, #tpu.memory_space<hbm>> -> memref<520x8xf32, #tpu.memory_space<hbm>>
        tpu.enqueue_dma source(%dma_start3A_27 : memref<520x8xf32, #tpu.memory_space<hbm>>) target(%dma_start3A_24 : memref<520x8xf32, #tpu.memory_space<vmem_shared>>) target_semaphore(%run_scoped3A : memref<!tpu.dma_semaphore, #tpu.memory_space<semaphore_mem>>)
        %dma_wait3A = arith.constant 9480 : i32
        %dma_wait3A_28 = arith.constant 0 : i32
        %dma_wait3A_29 = tpu.memref_slice %arg8[%dma_wait3A, %dma_wait3A_28] : memref<10000x8xf32, #tpu.memory_space<vmem_shared>> -> memref<520x8xf32, #tpu.memory_space<vmem_shared>>
        %dma_wait3A_30 = arith.constant 9480 : i32
        %dma_wait3A_31 = arith.constant 0 : i32
        %dma_wait3A_32 = tpu.memref_slice %arg4[%dma_wait3A_30, %dma_wait3A_31] : memref<10000x8xf32, #tpu.memory_space<hbm>> -> memref<520x8xf32, #tpu.memory_space<hbm>>
        tpu.wait_dma2 semaphore(%run_scoped3A : memref<!tpu.dma_semaphore, #tpu.memory_space<semaphore_mem>>) src(%dma_wait3A_32 : memref<520x8xf32, #tpu.memory_space<hbm>>) dst(%dma_wait3A_29 : memref<520x8xf32, #tpu.memory_space<vmem_shared>>)
        tpu.yield
      }) : () -> ()
    } else {
    }
    "tpu.region"() ({
      %run_scoped3A = tpu.sem_alloc : memref<!tpu.dma_semaphore, #tpu.memory_space<semaphore_mem>>
      tpu.enqueue_dma source(%arg3 : memref<125x8xf32, #tpu.memory_space<hbm>>) target(%arg7 : memref<125x8xf32, #tpu.memory_space<vmem>>) target_semaphore(%run_scoped3A : memref<!tpu.dma_semaphore, #tpu.memory_space<semaphore_mem>>)
      tpu.wait_dma2 semaphore(%run_scoped3A : memref<!tpu.dma_semaphore, #tpu.memory_space<semaphore_mem>>) src(%arg3 : memref<125x8xf32, #tpu.memory_space<hbm>>) dst(%arg7 : memref<125x8xf32, #tpu.memory_space<vmem>>)
      tpu.yield
    }) : () -> ()
    "tpu.region"() ({
      %run_scoped3A = tpu.sem_alloc : memref<!tpu.dma_semaphore, #tpu.memory_space<semaphore_mem>>
      %dma_start3A = arith.constant 0 : i32
      %dma_start3A_23 = arith.constant 0 : i32
      %dma_start3A_24 = tpu.memref_slice %arg2[%add3A, %dma_start3A, %dma_start3A_23] : memref<32x80x125xi32, #tpu.memory_space<hbm>> -> memref<1x80x125xi32, #tpu.memory_space<hbm>>
      %dma_start3A_25 = tpu.memref_squeeze %dma_start3A_24 : memref<1x80x125xi32, #tpu.memory_space<hbm>> -> memref<80x125xi32, #tpu.memory_space<hbm>>
      %dma_start3A_26 = arith.constant 0 : i32
      %dma_start3A_27 = arith.constant 0 : i32
      %dma_start3A_28 = tpu.memref_slice %arg2[%add3A, %dma_start3A_26, %dma_start3A_27] : memref<32x80x125xi32, #tpu.memory_space<hbm>> -> memref<1x80x125xi32, #tpu.memory_space<hbm>>
      %dma_start3A_29 = tpu.memref_squeeze %dma_start3A_28 : memref<1x80x125xi32, #tpu.memory_space<hbm>> -> memref<80x125xi32, #tpu.memory_space<hbm>>
      tpu.enqueue_dma source(%dma_start3A_29 : memref<80x125xi32, #tpu.memory_space<hbm>>) target(%arg6 : memref<80x125xi32, #tpu.memory_space<vmem>>) target_semaphore(%run_scoped3A : memref<!tpu.dma_semaphore, #tpu.memory_space<semaphore_mem>>)
      %dma_wait3A = arith.constant 0 : i32
      %dma_wait3A_30 = arith.constant 0 : i32
      %dma_wait3A_31 = tpu.memref_slice %arg2[%add3A, %dma_wait3A, %dma_wait3A_30] : memref<32x80x125xi32, #tpu.memory_space<hbm>> -> memref<1x80x125xi32, #tpu.memory_space<hbm>>
      %dma_wait3A_32 = tpu.memref_squeeze %dma_wait3A_31 : memref<1x80x125xi32, #tpu.memory_space<hbm>> -> memref<80x125xi32, #tpu.memory_space<hbm>>
      %dma_wait3A_33 = arith.constant 0 : i32
      %dma_wait3A_34 = arith.constant 0 : i32
      %dma_wait3A_35 = tpu.memref_slice %arg2[%add3A, %dma_wait3A_33, %dma_wait3A_34] : memref<32x80x125xi32, #tpu.memory_space<hbm>> -> memref<1x80x125xi32, #tpu.memory_space<hbm>>
      %dma_wait3A_36 = tpu.memref_squeeze %dma_wait3A_35 : memref<1x80x125xi32, #tpu.memory_space<hbm>> -> memref<80x125xi32, #tpu.memory_space<hbm>>
      tpu.wait_dma2 semaphore(%run_scoped3A : memref<!tpu.dma_semaphore, #tpu.memory_space<semaphore_mem>>) src(%dma_wait3A_36 : memref<80x125xi32, #tpu.memory_space<hbm>>) dst(%arg6 : memref<80x125xi32, #tpu.memory_space<vmem>>)
      tpu.yield
    }) : () -> ()
    %barrier3A = arith.constant 0 : index
    tpu.barrier barrier_id(%barrier3A)
    %scan3A = arith.constant 0 : i32
    %scan3A_7 = arith.constant 0 : i32
    %scan3A_8 = arith.constant 80 : i32
    %scan3A_9 = arith.addi %scan3A_7, %scan3A_8 : i32
    %scan3A_10 = arith.constant 1 : i32
    scf.for %scan3A_23 = %scan3A_7 to %scan3A_9 step %scan3A_10  : i32 {
      "tpu.region"() ({
        %run_scoped3A = tpu.sem_alloc : memref<!tpu.dma_semaphore, #tpu.memory_space<semaphore_mem>>
        %dma_start3A = arith.constant 0 : i32
        %dma_start3A_24 = tpu.memref_slice %arg6[%scan3A_23, %dma_start3A] : memref<80x125xi32, #tpu.memory_space<vmem>> -> memref<1x125xi32, #tpu.memory_space<vmem>>
        %dma_start3A_25 = tpu.memref_squeeze %dma_start3A_24 : memref<1x125xi32, #tpu.memory_space<vmem>> -> memref<125xi32, #tpu.memory_space<vmem>>
        %dma_start3A_26 = arith.constant 0 : i32
        %dma_start3A_27 = arith.constant 0 : i32
        %dma_start3A_28 = tpu.memref_slice %arg8[%dma_start3A_26, %dma_start3A_27] : memref<10000x8xf32, #tpu.memory_space<vmem_shared>> -> memref<10000x8xf32, #tpu.memory_space<vmem_shared>>
        tpu.enqueue_indirect_dma source(%arg7 : memref<125x8xf32, #tpu.memory_space<vmem>>) target(%dma_start3A_28 : memref<10000x8xf32, #tpu.memory_space<vmem_shared>>) offsets(%dma_start3A_25 : memref<125xi32, #tpu.memory_space<vmem>>) semaphore(%run_scoped3A : memref<!tpu.dma_semaphore, #tpu.memory_space<semaphore_mem>>) {add = true}
        %dma_wait3A = arith.constant 0 : i32
        %dma_wait3A_29 = tpu.memref_slice %arg6[%scan3A_23, %dma_wait3A] : memref<80x125xi32, #tpu.memory_space<vmem>> -> memref<1x125xi32, #tpu.memory_space<vmem>>
        %dma_wait3A_30 = tpu.memref_squeeze %dma_wait3A_29 : memref<1x125xi32, #tpu.memory_space<vmem>> -> memref<125xi32, #tpu.memory_space<vmem>>
        %dma_wait3A_31 = arith.constant 0 : i32
        %dma_wait3A_32 = arith.constant 0 : i32
        %dma_wait3A_33 = tpu.memref_slice %arg8[%dma_wait3A_31, %dma_wait3A_32] : memref<10000x8xf32, #tpu.memory_space<vmem_shared>> -> memref<10000x8xf32, #tpu.memory_space<vmem_shared>>
        tpu.wait_indirect_dma semaphore(%run_scoped3A : memref<!tpu.dma_semaphore, #tpu.memory_space<semaphore_mem>>) src(%arg7 : memref<125x8xf32, #tpu.memory_space<vmem>>) dst(%dma_wait3A_33 : memref<10000x8xf32, #tpu.memory_space<vmem_shared>>)
        tpu.yield
      }) : () -> ()
    }
    %scan3A_11 = arith.constant 80 : i32
    %barrier3A_12 = arith.constant 0 : index
    tpu.barrier barrier_id(%barrier3A_12)
    %lt3A_13 = arith.constant 15 : i32
    %lt3A_14 = arith.cmpi slt, %arg1, %lt3A_13 : i32
    %convert_element_type3A_15 = arith.extui %lt3A_14 : i1 to i32
    %cond3A_16 = arith.constant 0 : i32
    %cond3A_17 = arith.cmpi ne, %convert_element_type3A_15, %cond3A_16 : i32
    scf.if %cond3A_17 {
      %mul3A_23 = arith.constant 632 : i32
      %mul3A_24 = arith.muli %arg1, %mul3A_23 : i32
      "tpu.region"() ({
        %run_scoped3A = tpu.sem_alloc : memref<!tpu.dma_semaphore, #tpu.memory_space<semaphore_mem>>
        %dma_start3A = arith.constant 0 : i32
        %dma_start3A_25 = arith.constant 0 : i32
        %dma_start3A_26 = tpu.memref_slice %arg5[%arg0, %dma_start3A, %dma_start3A_25] : memref<2x10000x8xf32, #tpu.memory_space<hbm>> -> memref<1x10000x8xf32, #tpu.memory_space<hbm>>
        %dma_start3A_27 = tpu.memref_squeeze %dma_start3A_26 : memref<1x10000x8xf32, #tpu.memory_space<hbm>> -> memref<10000x8xf32, #tpu.memory_space<hbm>>
        %dma_start3A_28 = arith.constant 0 : i32
        %dma_start3A_29 = tpu.memref_slice %dma_start3A_27[%mul3A_24, %dma_start3A_28] : memref<10000x8xf32, #tpu.memory_space<hbm>> -> memref<632x8xf32, #tpu.memory_space<hbm>>
        %dma_start3A_30 = arith.constant 0 : i32
        %dma_start3A_31 = tpu.memref_slice %arg8[%mul3A_24, %dma_start3A_30] : memref<10000x8xf32, #tpu.memory_space<vmem_shared>> -> memref<632x8xf32, #tpu.memory_space<vmem_shared>>
        tpu.enqueue_dma source(%dma_start3A_31 : memref<632x8xf32, #tpu.memory_space<vmem_shared>>) target(%dma_start3A_29 : memref<632x8xf32, #tpu.memory_space<hbm>>) target_semaphore(%run_scoped3A : memref<!tpu.dma_semaphore, #tpu.memory_space<semaphore_mem>>)
        %dma_wait3A = arith.constant 0 : i32
        %dma_wait3A_32 = arith.constant 0 : i32
        %dma_wait3A_33 = tpu.memref_slice %arg5[%arg0, %dma_wait3A, %dma_wait3A_32] : memref<2x10000x8xf32, #tpu.memory_space<hbm>> -> memref<1x10000x8xf32, #tpu.memory_space<hbm>>
        %dma_wait3A_34 = tpu.memref_squeeze %dma_wait3A_33 : memref<1x10000x8xf32, #tpu.memory_space<hbm>> -> memref<10000x8xf32, #tpu.memory_space<hbm>>
        %dma_wait3A_35 = arith.constant 0 : i32
        %dma_wait3A_36 = tpu.memref_slice %dma_wait3A_34[%mul3A_24, %dma_wait3A_35] : memref<10000x8xf32, #tpu.memory_space<hbm>> -> memref<632x8xf32, #tpu.memory_space<hbm>>
        %dma_wait3A_37 = arith.constant 0 : i32
        %dma_wait3A_38 = tpu.memref_slice %arg8[%mul3A_24, %dma_wait3A_37] : memref<10000x8xf32, #tpu.memory_space<vmem_shared>> -> memref<632x8xf32, #tpu.memory_space<vmem_shared>>
        tpu.wait_dma2 semaphore(%run_scoped3A : memref<!tpu.dma_semaphore, #tpu.memory_space<semaphore_mem>>) src(%dma_wait3A_38 : memref<632x8xf32, #tpu.memory_space<vmem_shared>>) dst(%dma_wait3A_36 : memref<632x8xf32, #tpu.memory_space<hbm>>)
        tpu.yield
      }) : () -> ()
    } else {
    }
    %eq3A_18 = arith.constant 15 : i32
    %eq3A_19 = arith.cmpi eq, %arg1, %eq3A_18 : i32
    %convert_element_type3A_20 = arith.extui %eq3A_19 : i1 to i32
    %cond3A_21 = arith.constant 0 : i32
    %cond3A_22 = arith.cmpi ne, %convert_element_type3A_20, %cond3A_21 : i32
    scf.if %cond3A_22 {
      "tpu.region"() ({
        %run_scoped3A = tpu.sem_alloc : memref<!tpu.dma_semaphore, #tpu.memory_space<semaphore_mem>>
        %dma_start3A = arith.constant 0 : i32
        %dma_start3A_23 = arith.constant 0 : i32
        %dma_start3A_24 = tpu.memref_slice %arg5[%arg0, %dma_start3A, %dma_start3A_23] : memref<2x10000x8xf32, #tpu.memory_space<hbm>> -> memref<1x10000x8xf32, #tpu.memory_space<hbm>>
        %dma_start3A_25 = tpu.memref_squeeze %dma_start3A_24 : memref<1x10000x8xf32, #tpu.memory_space<hbm>> -> memref<10000x8xf32, #tpu.memory_space<hbm>>
        %dma_start3A_26 = arith.constant 9480 : i32
        %dma_start3A_27 = arith.constant 0 : i32
        %dma_start3A_28 = tpu.memref_slice %dma_start3A_25[%dma_start3A_26, %dma_start3A_27] : memref<10000x8xf32, #tpu.memory_space<hbm>> -> memref<520x8xf32, #tpu.memory_space<hbm>>
        %dma_start3A_29 = arith.constant 9480 : i32
        %dma_start3A_30 = arith.constant 0 : i32
        %dma_start3A_31 = tpu.memref_slice %arg8[%dma_start3A_29, %dma_start3A_30] : memref<10000x8xf32, #tpu.memory_space<vmem_shared>> -> memref<520x8xf32, #tpu.memory_space<vmem_shared>>
        tpu.enqueue_dma source(%dma_start3A_31 : memref<520x8xf32, #tpu.memory_space<vmem_shared>>) target(%dma_start3A_28 : memref<520x8xf32, #tpu.memory_space<hbm>>) target_semaphore(%run_scoped3A : memref<!tpu.dma_semaphore, #tpu.memory_space<semaphore_mem>>)
        %dma_wait3A = arith.constant 0 : i32
        %dma_wait3A_32 = arith.constant 0 : i32
        %dma_wait3A_33 = tpu.memref_slice %arg5[%arg0, %dma_wait3A, %dma_wait3A_32] : memref<2x10000x8xf32, #tpu.memory_space<hbm>> -> memref<1x10000x8xf32, #tpu.memory_space<hbm>>
        %dma_wait3A_34 = tpu.memref_squeeze %dma_wait3A_33 : memref<1x10000x8xf32, #tpu.memory_space<hbm>> -> memref<10000x8xf32, #tpu.memory_space<hbm>>
        %dma_wait3A_35 = arith.constant 9480 : i32
        %dma_wait3A_36 = arith.constant 0 : i32
        %dma_wait3A_37 = tpu.memref_slice %dma_wait3A_34[%dma_wait3A_35, %dma_wait3A_36] : memref<10000x8xf32, #tpu.memory_space<hbm>> -> memref<520x8xf32, #tpu.memory_space<hbm>>
        %dma_wait3A_38 = arith.constant 9480 : i32
        %dma_wait3A_39 = arith.constant 0 : i32
        %dma_wait3A_40 = tpu.memref_slice %arg8[%dma_wait3A_38, %dma_wait3A_39] : memref<10000x8xf32, #tpu.memory_space<vmem_shared>> -> memref<520x8xf32, #tpu.memory_space<vmem_shared>>
        tpu.wait_dma2 semaphore(%run_scoped3A : memref<!tpu.dma_semaphore, #tpu.memory_space<semaphore_mem>>) src(%dma_wait3A_40 : memref<520x8xf32, #tpu.memory_space<vmem_shared>>) dst(%dma_wait3A_37 : memref<520x8xf32, #tpu.memory_space<hbm>>)
        tpu.yield
      }) : () -> ()
    } else {
    }
    return
  }
}

#map = affine_map<(d0, d1) -> (0, 0)>
#map1 = affine_map<(d0, d1) -> (0, 0, 0)>
module attributes {stable_mosaic.version = 14 : i64} {
  func.func @pass_kernel(%arg0: i32, %arg1: i32, %arg2: memref<10000x128xf32, #tpu.memory_space<hbm>>, %arg3: memref<32x80x125xi32, #tpu.memory_space<hbm>>, %arg4: memref<32x80x125xi32, #tpu.memory_space<hbm>>, %arg5: memref<10000x128xf32, #tpu.memory_space<hbm>>, %arg6: memref<2x10000x128xf32, #tpu.memory_space<hbm>>, %arg7: memref<8x125xi32, #tpu.memory_space<vmem>>, %arg8: memref<8x125xi32, #tpu.memory_space<vmem>>, %arg9: memref<8x125xi32, #tpu.memory_space<vmem>>, %arg10: memref<8x125xi32, #tpu.memory_space<vmem>>, %arg11: memref<125x128xf32, #tpu.memory_space<vmem>>, %arg12: memref<125x128xf32, #tpu.memory_space<vmem>>, %arg13: memref<10000x128xf32, #tpu.memory_space<vmem_shared>>, %arg14: memref<!tpu.dma_semaphore, #tpu.memory_space<semaphore_mem>>, %arg15: memref<!tpu.dma_semaphore, #tpu.memory_space<semaphore_mem>>, %arg16: memref<!tpu.dma_semaphore, #tpu.memory_space<semaphore_mem>>) attributes {dimension_semantics = [#tpu.dimension_semantics<core_parallel>, #tpu.dimension_semantics<subcore_parallel>], iteration_bounds = array<i64: 2, 16>, scalar_prefetch = 0 : i64, scratch_operands = 10 : i64, tpu.core_type = #tpu.core_type<sc_vector_subcore>, window_params = [{transform_indices = #map}, {transform_indices = #map1}, {transform_indices = #map1}, {transform_indices = #map}, {transform_indices = #map1}]} {
    %mul3A = arith.constant 2 : i32
    %mul3A_0 = arith.muli %arg1, %mul3A : i32
    %add3A = arith.addi %mul3A_0, %arg0 : i32
    %dma_start3A = arith.constant 0 : i32
    %dma_start3A_1 = arith.constant 0 : i32
    %dma_start3A_2 = tpu.memref_slice %arg3[%add3A, %dma_start3A, %dma_start3A_1] : memref<32x80x125xi32, #tpu.memory_space<hbm>> -> memref<1x80x125xi32, #tpu.memory_space<hbm>>
    %dma_start3A_3 = tpu.memref_squeeze %dma_start3A_2 : memref<1x80x125xi32, #tpu.memory_space<hbm>> -> memref<80x125xi32, #tpu.memory_space<hbm>>
    %dma_start3A_4 = arith.constant 0 : i32
    %dma_start3A_5 = arith.constant 0 : i32
    %dma_start3A_6 = tpu.memref_slice %dma_start3A_3[%dma_start3A_4, %dma_start3A_5] : memref<80x125xi32, #tpu.memory_space<hbm>> -> memref<8x125xi32, #tpu.memory_space<hbm>>
    %dma_start3A_7 = arith.constant 0 : i32
    %dma_start3A_8 = arith.constant 0 : i32
    %dma_start3A_9 = tpu.memref_slice %arg3[%add3A, %dma_start3A_7, %dma_start3A_8] : memref<32x80x125xi32, #tpu.memory_space<hbm>> -> memref<1x80x125xi32, #tpu.memory_space<hbm>>
    %dma_start3A_10 = tpu.memref_squeeze %dma_start3A_9 : memref<1x80x125xi32, #tpu.memory_space<hbm>> -> memref<80x125xi32, #tpu.memory_space<hbm>>
    %dma_start3A_11 = arith.constant 0 : i32
    %dma_start3A_12 = arith.constant 0 : i32
    %dma_start3A_13 = tpu.memref_slice %dma_start3A_10[%dma_start3A_11, %dma_start3A_12] : memref<80x125xi32, #tpu.memory_space<hbm>> -> memref<8x125xi32, #tpu.memory_space<hbm>>
    tpu.enqueue_dma source(%dma_start3A_13 : memref<8x125xi32, #tpu.memory_space<hbm>>) target(%arg7 : memref<8x125xi32, #tpu.memory_space<vmem>>) target_semaphore(%arg16 : memref<!tpu.dma_semaphore, #tpu.memory_space<semaphore_mem>>)
    %dma_start3A_14 = arith.constant 0 : i32
    %dma_start3A_15 = arith.constant 0 : i32
    %dma_start3A_16 = tpu.memref_slice %arg4[%add3A, %dma_start3A_14, %dma_start3A_15] : memref<32x80x125xi32, #tpu.memory_space<hbm>> -> memref<1x80x125xi32, #tpu.memory_space<hbm>>
    %dma_start3A_17 = tpu.memref_squeeze %dma_start3A_16 : memref<1x80x125xi32, #tpu.memory_space<hbm>> -> memref<80x125xi32, #tpu.memory_space<hbm>>
    %dma_start3A_18 = arith.constant 0 : i32
    %dma_start3A_19 = arith.constant 0 : i32
    %dma_start3A_20 = tpu.memref_slice %dma_start3A_17[%dma_start3A_18, %dma_start3A_19] : memref<80x125xi32, #tpu.memory_space<hbm>> -> memref<8x125xi32, #tpu.memory_space<hbm>>
    %dma_start3A_21 = arith.constant 0 : i32
    %dma_start3A_22 = arith.constant 0 : i32
    %dma_start3A_23 = tpu.memref_slice %arg4[%add3A, %dma_start3A_21, %dma_start3A_22] : memref<32x80x125xi32, #tpu.memory_space<hbm>> -> memref<1x80x125xi32, #tpu.memory_space<hbm>>
    %dma_start3A_24 = tpu.memref_squeeze %dma_start3A_23 : memref<1x80x125xi32, #tpu.memory_space<hbm>> -> memref<80x125xi32, #tpu.memory_space<hbm>>
    %dma_start3A_25 = arith.constant 0 : i32
    %dma_start3A_26 = arith.constant 0 : i32
    %dma_start3A_27 = tpu.memref_slice %dma_start3A_24[%dma_start3A_25, %dma_start3A_26] : memref<80x125xi32, #tpu.memory_space<hbm>> -> memref<8x125xi32, #tpu.memory_space<hbm>>
    tpu.enqueue_dma source(%dma_start3A_27 : memref<8x125xi32, #tpu.memory_space<hbm>>) target(%arg8 : memref<8x125xi32, #tpu.memory_space<vmem>>) target_semaphore(%arg16 : memref<!tpu.dma_semaphore, #tpu.memory_space<semaphore_mem>>)
    %lt3A = arith.constant 15 : i32
    %lt3A_28 = arith.cmpi slt, %arg1, %lt3A : i32
    %convert_element_type3A = arith.extui %lt3A_28 : i1 to i32
    %cond3A = arith.constant 0 : i32
    %cond3A_29 = arith.cmpi ne, %convert_element_type3A, %cond3A : i32
    scf.if %cond3A_29 {
      %mul3A_77 = arith.constant 632 : i32
      %mul3A_78 = arith.muli %arg1, %mul3A_77 : i32
      "tpu.region"() ({
        %run_scoped3A = tpu.sem_alloc : memref<!tpu.dma_semaphore, #tpu.memory_space<semaphore_mem>>
        %dma_start3A_79 = arith.constant 0 : i32
        %dma_start3A_80 = tpu.memref_slice %arg13[%mul3A_78, %dma_start3A_79] : memref<10000x128xf32, #tpu.memory_space<vmem_shared>> -> memref<632x128xf32, #tpu.memory_space<vmem_shared>>
        %dma_start3A_81 = arith.constant 0 : i32
        %dma_start3A_82 = tpu.memref_slice %arg5[%mul3A_78, %dma_start3A_81] : memref<10000x128xf32, #tpu.memory_space<hbm>> -> memref<632x128xf32, #tpu.memory_space<hbm>>
        tpu.enqueue_dma source(%dma_start3A_82 : memref<632x128xf32, #tpu.memory_space<hbm>>) target(%dma_start3A_80 : memref<632x128xf32, #tpu.memory_space<vmem_shared>>) target_semaphore(%run_scoped3A : memref<!tpu.dma_semaphore, #tpu.memory_space<semaphore_mem>>)
        %dma_wait3A_83 = arith.constant 0 : i32
        %dma_wait3A_84 = tpu.memref_slice %arg13[%mul3A_78, %dma_wait3A_83] : memref<10000x128xf32, #tpu.memory_space<vmem_shared>> -> memref<632x128xf32, #tpu.memory_space<vmem_shared>>
        %dma_wait3A_85 = arith.constant 0 : i32
        %dma_wait3A_86 = tpu.memref_slice %arg5[%mul3A_78, %dma_wait3A_85] : memref<10000x128xf32, #tpu.memory_space<hbm>> -> memref<632x128xf32, #tpu.memory_space<hbm>>
        tpu.wait_dma2 semaphore(%run_scoped3A : memref<!tpu.dma_semaphore, #tpu.memory_space<semaphore_mem>>) src(%dma_wait3A_86 : memref<632x128xf32, #tpu.memory_space<hbm>>) dst(%dma_wait3A_84 : memref<632x128xf32, #tpu.memory_space<vmem_shared>>)
        tpu.yield
      }) : () -> ()
    } else {
    }
    %eq3A = arith.constant 15 : i32
    %eq3A_30 = arith.cmpi eq, %arg1, %eq3A : i32
    %convert_element_type3A_31 = arith.extui %eq3A_30 : i1 to i32
    %cond3A_32 = arith.constant 0 : i32
    %cond3A_33 = arith.cmpi ne, %convert_element_type3A_31, %cond3A_32 : i32
    scf.if %cond3A_33 {
      "tpu.region"() ({
        %run_scoped3A = tpu.sem_alloc : memref<!tpu.dma_semaphore, #tpu.memory_space<semaphore_mem>>
        %dma_start3A_77 = arith.constant 9480 : i32
        %dma_start3A_78 = arith.constant 0 : i32
        %dma_start3A_79 = tpu.memref_slice %arg13[%dma_start3A_77, %dma_start3A_78] : memref<10000x128xf32, #tpu.memory_space<vmem_shared>> -> memref<520x128xf32, #tpu.memory_space<vmem_shared>>
        %dma_start3A_80 = arith.constant 9480 : i32
        %dma_start3A_81 = arith.constant 0 : i32
        %dma_start3A_82 = tpu.memref_slice %arg5[%dma_start3A_80, %dma_start3A_81] : memref<10000x128xf32, #tpu.memory_space<hbm>> -> memref<520x128xf32, #tpu.memory_space<hbm>>
        tpu.enqueue_dma source(%dma_start3A_82 : memref<520x128xf32, #tpu.memory_space<hbm>>) target(%dma_start3A_79 : memref<520x128xf32, #tpu.memory_space<vmem_shared>>) target_semaphore(%run_scoped3A : memref<!tpu.dma_semaphore, #tpu.memory_space<semaphore_mem>>)
        %dma_wait3A_83 = arith.constant 9480 : i32
        %dma_wait3A_84 = arith.constant 0 : i32
        %dma_wait3A_85 = tpu.memref_slice %arg13[%dma_wait3A_83, %dma_wait3A_84] : memref<10000x128xf32, #tpu.memory_space<vmem_shared>> -> memref<520x128xf32, #tpu.memory_space<vmem_shared>>
        %dma_wait3A_86 = arith.constant 9480 : i32
        %dma_wait3A_87 = arith.constant 0 : i32
        %dma_wait3A_88 = tpu.memref_slice %arg5[%dma_wait3A_86, %dma_wait3A_87] : memref<10000x128xf32, #tpu.memory_space<hbm>> -> memref<520x128xf32, #tpu.memory_space<hbm>>
        tpu.wait_dma2 semaphore(%run_scoped3A : memref<!tpu.dma_semaphore, #tpu.memory_space<semaphore_mem>>) src(%dma_wait3A_88 : memref<520x128xf32, #tpu.memory_space<hbm>>) dst(%dma_wait3A_85 : memref<520x128xf32, #tpu.memory_space<vmem_shared>>)
        tpu.yield
      }) : () -> ()
    } else {
    }
    %barrier3A = arith.constant 0 : index
    tpu.barrier barrier_id(%barrier3A)
    %scan3A = arith.constant 0 : i32
    %scan3A_34 = arith.constant 0 : i32
    %scan3A_35 = arith.constant 5 : i32
    %scan3A_36 = arith.addi %scan3A_34, %scan3A_35 : i32
    %scan3A_37 = arith.constant 1 : i32
    scf.for %scan3A_77 = %scan3A_34 to %scan3A_36 step %scan3A_37  : i32 {
      %mul3A_78 = arith.constant 2 : i32
      %mul3A_79 = arith.muli %scan3A_77, %mul3A_78 : i32
      %add3A_80 = arith.constant 1 : i32
      %add3A_81 = arith.addi %mul3A_79, %add3A_80 : i32
      %mul3A_82 = arith.constant 8 : i32
      %mul3A_83 = arith.muli %add3A_81, %mul3A_82 : i32
      %dma_start3A_84 = arith.constant 0 : i32
      %dma_start3A_85 = arith.constant 0 : i32
      %dma_start3A_86 = tpu.memref_slice %arg3[%add3A, %dma_start3A_84, %dma_start3A_85] : memref<32x80x125xi32, #tpu.memory_space<hbm>> -> memref<1x80x125xi32, #tpu.memory_space<hbm>>
      %dma_start3A_87 = tpu.memref_squeeze %dma_start3A_86 : memref<1x80x125xi32, #tpu.memory_space<hbm>> -> memref<80x125xi32, #tpu.memory_space<hbm>>
      %dma_start3A_88 = arith.constant 0 : i32
      %dma_start3A_89 = tpu.memref_slice %dma_start3A_87[%mul3A_83, %dma_start3A_88] : memref<80x125xi32, #tpu.memory_space<hbm>> -> memref<8x125xi32, #tpu.memory_space<hbm>>
      %dma_start3A_90 = arith.constant 0 : i32
      %dma_start3A_91 = arith.constant 0 : i32
      %dma_start3A_92 = tpu.memref_slice %arg3[%add3A, %dma_start3A_90, %dma_start3A_91] : memref<32x80x125xi32, #tpu.memory_space<hbm>> -> memref<1x80x125xi32, #tpu.memory_space<hbm>>
      %dma_start3A_93 = tpu.memref_squeeze %dma_start3A_92 : memref<1x80x125xi32, #tpu.memory_space<hbm>> -> memref<80x125xi32, #tpu.memory_space<hbm>>
      %dma_start3A_94 = arith.constant 0 : i32
      %dma_start3A_95 = tpu.memref_slice %dma_start3A_93[%mul3A_83, %dma_start3A_94] : memref<80x125xi32, #tpu.memory_space<hbm>> -> memref<8x125xi32, #tpu.memory_space<hbm>>
      tpu.enqueue_dma source(%dma_start3A_95 : memref<8x125xi32, #tpu.memory_space<hbm>>) target(%arg9 : memref<8x125xi32, #tpu.memory_space<vmem>>) target_semaphore(%arg16 : memref<!tpu.dma_semaphore, #tpu.memory_space<semaphore_mem>>)
      %mul3A_96 = arith.constant 8 : i32
      %mul3A_97 = arith.muli %add3A_81, %mul3A_96 : i32
      %dma_start3A_98 = arith.constant 0 : i32
      %dma_start3A_99 = arith.constant 0 : i32
      %dma_start3A_100 = tpu.memref_slice %arg4[%add3A, %dma_start3A_98, %dma_start3A_99] : memref<32x80x125xi32, #tpu.memory_space<hbm>> -> memref<1x80x125xi32, #tpu.memory_space<hbm>>
      %dma_start3A_101 = tpu.memref_squeeze %dma_start3A_100 : memref<1x80x125xi32, #tpu.memory_space<hbm>> -> memref<80x125xi32, #tpu.memory_space<hbm>>
      %dma_start3A_102 = arith.constant 0 : i32
      %dma_start3A_103 = tpu.memref_slice %dma_start3A_101[%mul3A_97, %dma_start3A_102] : memref<80x125xi32, #tpu.memory_space<hbm>> -> memref<8x125xi32, #tpu.memory_space<hbm>>
      %dma_start3A_104 = arith.constant 0 : i32
      %dma_start3A_105 = arith.constant 0 : i32
      %dma_start3A_106 = tpu.memref_slice %arg4[%add3A, %dma_start3A_104, %dma_start3A_105] : memref<32x80x125xi32, #tpu.memory_space<hbm>> -> memref<1x80x125xi32, #tpu.memory_space<hbm>>
      %dma_start3A_107 = tpu.memref_squeeze %dma_start3A_106 : memref<1x80x125xi32, #tpu.memory_space<hbm>> -> memref<80x125xi32, #tpu.memory_space<hbm>>
      %dma_start3A_108 = arith.constant 0 : i32
      %dma_start3A_109 = tpu.memref_slice %dma_start3A_107[%mul3A_97, %dma_start3A_108] : memref<80x125xi32, #tpu.memory_space<hbm>> -> memref<8x125xi32, #tpu.memory_space<hbm>>
      tpu.enqueue_dma source(%dma_start3A_109 : memref<8x125xi32, #tpu.memory_space<hbm>>) target(%arg10 : memref<8x125xi32, #tpu.memory_space<vmem>>) target_semaphore(%arg16 : memref<!tpu.dma_semaphore, #tpu.memory_space<semaphore_mem>>)
      %mul3A_110 = arith.constant 8 : i32
      %mul3A_111 = arith.muli %mul3A_79, %mul3A_110 : i32
      %dma_wait3A_112 = arith.constant 0 : i32
      %dma_wait3A_113 = arith.constant 0 : i32
      %dma_wait3A_114 = tpu.memref_slice %arg3[%add3A, %dma_wait3A_112, %dma_wait3A_113] : memref<32x80x125xi32, #tpu.memory_space<hbm>> -> memref<1x80x125xi32, #tpu.memory_space<hbm>>
      %dma_wait3A_115 = tpu.memref_squeeze %dma_wait3A_114 : memref<1x80x125xi32, #tpu.memory_space<hbm>> -> memref<80x125xi32, #tpu.memory_space<hbm>>
      %dma_wait3A_116 = arith.constant 0 : i32
      %dma_wait3A_117 = tpu.memref_slice %dma_wait3A_115[%mul3A_111, %dma_wait3A_116] : memref<80x125xi32, #tpu.memory_space<hbm>> -> memref<8x125xi32, #tpu.memory_space<hbm>>
      %dma_wait3A_118 = arith.constant 0 : i32
      %dma_wait3A_119 = arith.constant 0 : i32
      %dma_wait3A_120 = tpu.memref_slice %arg3[%add3A, %dma_wait3A_118, %dma_wait3A_119] : memref<32x80x125xi32, #tpu.memory_space<hbm>> -> memref<1x80x125xi32, #tpu.memory_space<hbm>>
      %dma_wait3A_121 = tpu.memref_squeeze %dma_wait3A_120 : memref<1x80x125xi32, #tpu.memory_space<hbm>> -> memref<80x125xi32, #tpu.memory_space<hbm>>
      %dma_wait3A_122 = arith.constant 0 : i32
      %dma_wait3A_123 = tpu.memref_slice %dma_wait3A_121[%mul3A_111, %dma_wait3A_122] : memref<80x125xi32, #tpu.memory_space<hbm>> -> memref<8x125xi32, #tpu.memory_space<hbm>>
      tpu.wait_dma2 semaphore(%arg16 : memref<!tpu.dma_semaphore, #tpu.memory_space<semaphore_mem>>) src(%dma_wait3A_123 : memref<8x125xi32, #tpu.memory_space<hbm>>) dst(%arg7 : memref<8x125xi32, #tpu.memory_space<vmem>>)
      %mul3A_124 = arith.constant 8 : i32
      %mul3A_125 = arith.muli %mul3A_79, %mul3A_124 : i32
      %dma_wait3A_126 = arith.constant 0 : i32
      %dma_wait3A_127 = arith.constant 0 : i32
      %dma_wait3A_128 = tpu.memref_slice %arg4[%add3A, %dma_wait3A_126, %dma_wait3A_127] : memref<32x80x125xi32, #tpu.memory_space<hbm>> -> memref<1x80x125xi32, #tpu.memory_space<hbm>>
      %dma_wait3A_129 = tpu.memref_squeeze %dma_wait3A_128 : memref<1x80x125xi32, #tpu.memory_space<hbm>> -> memref<80x125xi32, #tpu.memory_space<hbm>>
      %dma_wait3A_130 = arith.constant 0 : i32
      %dma_wait3A_131 = tpu.memref_slice %dma_wait3A_129[%mul3A_125, %dma_wait3A_130] : memref<80x125xi32, #tpu.memory_space<hbm>> -> memref<8x125xi32, #tpu.memory_space<hbm>>
      %dma_wait3A_132 = arith.constant 0 : i32
      %dma_wait3A_133 = arith.constant 0 : i32
      %dma_wait3A_134 = tpu.memref_slice %arg4[%add3A, %dma_wait3A_132, %dma_wait3A_133] : memref<32x80x125xi32, #tpu.memory_space<hbm>> -> memref<1x80x125xi32, #tpu.memory_space<hbm>>
      %dma_wait3A_135 = tpu.memref_squeeze %dma_wait3A_134 : memref<1x80x125xi32, #tpu.memory_space<hbm>> -> memref<80x125xi32, #tpu.memory_space<hbm>>
      %dma_wait3A_136 = arith.constant 0 : i32
      %dma_wait3A_137 = tpu.memref_slice %dma_wait3A_135[%mul3A_125, %dma_wait3A_136] : memref<80x125xi32, #tpu.memory_space<hbm>> -> memref<8x125xi32, #tpu.memory_space<hbm>>
      tpu.wait_dma2 semaphore(%arg16 : memref<!tpu.dma_semaphore, #tpu.memory_space<semaphore_mem>>) src(%dma_wait3A_137 : memref<8x125xi32, #tpu.memory_space<hbm>>) dst(%arg8 : memref<8x125xi32, #tpu.memory_space<vmem>>)
      %dma_start3A_138 = arith.constant 0 : i32
      %dma_start3A_139 = arith.constant 0 : i32
      %dma_start3A_140 = tpu.memref_slice %arg7[%dma_start3A_138, %dma_start3A_139] : memref<8x125xi32, #tpu.memory_space<vmem>> -> memref<1x125xi32, #tpu.memory_space<vmem>>
      %dma_start3A_141 = tpu.memref_squeeze %dma_start3A_140 : memref<1x125xi32, #tpu.memory_space<vmem>> -> memref<125xi32, #tpu.memory_space<vmem>>
      %dma_start3A_142 = arith.constant 0 : i32
      %dma_start3A_143 = arith.constant 0 : i32
      %dma_start3A_144 = tpu.memref_slice %arg2[%dma_start3A_142, %dma_start3A_143] : memref<10000x128xf32, #tpu.memory_space<hbm>> -> memref<10000x128xf32, #tpu.memory_space<hbm>>
      tpu.enqueue_indirect_dma source(%dma_start3A_144 : memref<10000x128xf32, #tpu.memory_space<hbm>>) target(%arg11 : memref<125x128xf32, #tpu.memory_space<vmem>>) offsets(%dma_start3A_141 : memref<125xi32, #tpu.memory_space<vmem>>) semaphore(%arg14 : memref<!tpu.dma_semaphore, #tpu.memory_space<semaphore_mem>>)
      %dma_start3A_145 = arith.constant 1 : i32
      %dma_start3A_146 = arith.constant 0 : i32
      %dma_start3A_147 = tpu.memref_slice %arg7[%dma_start3A_145, %dma_start3A_146] : memref<8x125xi32, #tpu.memory_space<vmem>> -> memref<1x125xi32, #tpu.memory_space<vmem>>
      %dma_start3A_148 = tpu.memref_squeeze %dma_start3A_147 : memref<1x125xi32, #tpu.memory_space<vmem>> -> memref<125xi32, #tpu.memory_space<vmem>>
      %dma_start3A_149 = arith.constant 0 : i32
      %dma_start3A_150 = arith.constant 0 : i32
      %dma_start3A_151 = tpu.memref_slice %arg2[%dma_start3A_149, %dma_start3A_150] : memref<10000x128xf32, #tpu.memory_space<hbm>> -> memref<10000x128xf32, #tpu.memory_space<hbm>>
      tpu.enqueue_indirect_dma source(%dma_start3A_151 : memref<10000x128xf32, #tpu.memory_space<hbm>>) target(%arg12 : memref<125x128xf32, #tpu.memory_space<vmem>>) offsets(%dma_start3A_148 : memref<125xi32, #tpu.memory_space<vmem>>) semaphore(%arg15 : memref<!tpu.dma_semaphore, #tpu.memory_space<semaphore_mem>>)
      %dma_wait3A_152 = arith.constant 0 : i32
      %dma_wait3A_153 = arith.constant 0 : i32
      %dma_wait3A_154 = tpu.memref_slice %arg7[%dma_wait3A_152, %dma_wait3A_153] : memref<8x125xi32, #tpu.memory_space<vmem>> -> memref<1x125xi32, #tpu.memory_space<vmem>>
      %dma_wait3A_155 = tpu.memref_squeeze %dma_wait3A_154 : memref<1x125xi32, #tpu.memory_space<vmem>> -> memref<125xi32, #tpu.memory_space<vmem>>
      %dma_wait3A_156 = arith.constant 0 : i32
      %dma_wait3A_157 = arith.constant 0 : i32
      %dma_wait3A_158 = tpu.memref_slice %arg2[%dma_wait3A_156, %dma_wait3A_157] : memref<10000x128xf32, #tpu.memory_space<hbm>> -> memref<10000x128xf32, #tpu.memory_space<hbm>>
      tpu.wait_indirect_dma semaphore(%arg14 : memref<!tpu.dma_semaphore, #tpu.memory_space<semaphore_mem>>) src(%dma_wait3A_158 : memref<10000x128xf32, #tpu.memory_space<hbm>>) dst(%arg11 : memref<125x128xf32, #tpu.memory_space<vmem>>)
      %run_scoped3A = arith.constant 0 : i32
      "tpu.region"() ({
        %run_scoped3A_438 = tpu.sem_alloc : memref<!tpu.dma_semaphore, #tpu.memory_space<semaphore_mem>>
        %dma_start3A_439 = arith.constant 0 : i32
        %dma_start3A_440 = tpu.memref_slice %arg8[%run_scoped3A, %dma_start3A_439] : memref<8x125xi32, #tpu.memory_space<vmem>> -> memref<1x125xi32, #tpu.memory_space<vmem>>
        %dma_start3A_441 = tpu.memref_squeeze %dma_start3A_440 : memref<1x125xi32, #tpu.memory_space<vmem>> -> memref<125xi32, #tpu.memory_space<vmem>>
        %dma_start3A_442 = arith.constant 0 : i32
        %dma_start3A_443 = arith.constant 0 : i32
        %dma_start3A_444 = tpu.memref_slice %arg13[%dma_start3A_442, %dma_start3A_443] : memref<10000x128xf32, #tpu.memory_space<vmem_shared>> -> memref<10000x128xf32, #tpu.memory_space<vmem_shared>>
        tpu.enqueue_indirect_dma source(%arg11 : memref<125x128xf32, #tpu.memory_space<vmem>>) target(%dma_start3A_444 : memref<10000x128xf32, #tpu.memory_space<vmem_shared>>) offsets(%dma_start3A_441 : memref<125xi32, #tpu.memory_space<vmem>>) semaphore(%run_scoped3A_438 : memref<!tpu.dma_semaphore, #tpu.memory_space<semaphore_mem>>) {add = true}
        %dma_wait3A_445 = arith.constant 0 : i32
        %dma_wait3A_446 = tpu.memref_slice %arg8[%run_scoped3A, %dma_wait3A_445] : memref<8x125xi32, #tpu.memory_space<vmem>> -> memref<1x125xi32, #tpu.memory_space<vmem>>
        %dma_wait3A_447 = tpu.memref_squeeze %dma_wait3A_446 : memref<1x125xi32, #tpu.memory_space<vmem>> -> memref<125xi32, #tpu.memory_space<vmem>>
        %dma_wait3A_448 = arith.constant 0 : i32
        %dma_wait3A_449 = arith.constant 0 : i32
        %dma_wait3A_450 = tpu.memref_slice %arg13[%dma_wait3A_448, %dma_wait3A_449] : memref<10000x128xf32, #tpu.memory_space<vmem_shared>> -> memref<10000x128xf32, #tpu.memory_space<vmem_shared>>
        tpu.wait_indirect_dma semaphore(%run_scoped3A_438 : memref<!tpu.dma_semaphore, #tpu.memory_space<semaphore_mem>>) src(%arg11 : memref<125x128xf32, #tpu.memory_space<vmem>>) dst(%dma_wait3A_450 : memref<10000x128xf32, #tpu.memory_space<vmem_shared>>)
        tpu.yield
      }) : () -> ()
      %dma_start3A_159 = arith.constant 2 : i32
      %dma_start3A_160 = arith.constant 0 : i32
      %dma_start3A_161 = tpu.memref_slice %arg7[%dma_start3A_159, %dma_start3A_160] : memref<8x125xi32, #tpu.memory_space<vmem>> -> memref<1x125xi32, #tpu.memory_space<vmem>>
      %dma_start3A_162 = tpu.memref_squeeze %dma_start3A_161 : memref<1x125xi32, #tpu.memory_space<vmem>> -> memref<125xi32, #tpu.memory_space<vmem>>
      %dma_start3A_163 = arith.constant 0 : i32
      %dma_start3A_164 = arith.constant 0 : i32
      %dma_start3A_165 = tpu.memref_slice %arg2[%dma_start3A_163, %dma_start3A_164] : memref<10000x128xf32, #tpu.memory_space<hbm>> -> memref<10000x128xf32, #tpu.memory_space<hbm>>
      tpu.enqueue_indirect_dma source(%dma_start3A_165 : memref<10000x128xf32, #tpu.memory_space<hbm>>) target(%arg11 : memref<125x128xf32, #tpu.memory_space<vmem>>) offsets(%dma_start3A_162 : memref<125xi32, #tpu.memory_space<vmem>>) semaphore(%arg14 : memref<!tpu.dma_semaphore, #tpu.memory_space<semaphore_mem>>)
      %dma_wait3A_166 = arith.constant 1 : i32
      %dma_wait3A_167 = arith.constant 0 : i32
      %dma_wait3A_168 = tpu.memref_slice %arg7[%dma_wait3A_166, %dma_wait3A_167] : memref<8x125xi32, #tpu.memory_space<vmem>> -> memref<1x125xi32, #tpu.memory_space<vmem>>
      %dma_wait3A_169 = tpu.memref_squeeze %dma_wait3A_168 : memref<1x125xi32, #tpu.memory_space<vmem>> -> memref<125xi32, #tpu.memory_space<vmem>>
      %dma_wait3A_170 = arith.constant 0 : i32
      %dma_wait3A_171 = arith.constant 0 : i32
      %dma_wait3A_172 = tpu.memref_slice %arg2[%dma_wait3A_170, %dma_wait3A_171] : memref<10000x128xf32, #tpu.memory_space<hbm>> -> memref<10000x128xf32, #tpu.memory_space<hbm>>
      tpu.wait_indirect_dma semaphore(%arg15 : memref<!tpu.dma_semaphore, #tpu.memory_space<semaphore_mem>>) src(%dma_wait3A_172 : memref<10000x128xf32, #tpu.memory_space<hbm>>) dst(%arg12 : memref<125x128xf32, #tpu.memory_space<vmem>>)
      %run_scoped3A_173 = arith.constant 1 : i32
      "tpu.region"() ({
        %run_scoped3A_438 = tpu.sem_alloc : memref<!tpu.dma_semaphore, #tpu.memory_space<semaphore_mem>>
        %dma_start3A_439 = arith.constant 0 : i32
        %dma_start3A_440 = tpu.memref_slice %arg8[%run_scoped3A_173, %dma_start3A_439] : memref<8x125xi32, #tpu.memory_space<vmem>> -> memref<1x125xi32, #tpu.memory_space<vmem>>
        %dma_start3A_441 = tpu.memref_squeeze %dma_start3A_440 : memref<1x125xi32, #tpu.memory_space<vmem>> -> memref<125xi32, #tpu.memory_space<vmem>>
        %dma_start3A_442 = arith.constant 0 : i32
        %dma_start3A_443 = arith.constant 0 : i32
        %dma_start3A_444 = tpu.memref_slice %arg13[%dma_start3A_442, %dma_start3A_443] : memref<10000x128xf32, #tpu.memory_space<vmem_shared>> -> memref<10000x128xf32, #tpu.memory_space<vmem_shared>>
        tpu.enqueue_indirect_dma source(%arg12 : memref<125x128xf32, #tpu.memory_space<vmem>>) target(%dma_start3A_444 : memref<10000x128xf32, #tpu.memory_space<vmem_shared>>) offsets(%dma_start3A_441 : memref<125xi32, #tpu.memory_space<vmem>>) semaphore(%run_scoped3A_438 : memref<!tpu.dma_semaphore, #tpu.memory_space<semaphore_mem>>) {add = true}
        %dma_wait3A_445 = arith.constant 0 : i32
        %dma_wait3A_446 = tpu.memref_slice %arg8[%run_scoped3A_173, %dma_wait3A_445] : memref<8x125xi32, #tpu.memory_space<vmem>> -> memref<1x125xi32, #tpu.memory_space<vmem>>
        %dma_wait3A_447 = tpu.memref_squeeze %dma_wait3A_446 : memref<1x125xi32, #tpu.memory_space<vmem>> -> memref<125xi32, #tpu.memory_space<vmem>>
        %dma_wait3A_448 = arith.constant 0 : i32
        %dma_wait3A_449 = arith.constant 0 : i32
        %dma_wait3A_450 = tpu.memref_slice %arg13[%dma_wait3A_448, %dma_wait3A_449] : memref<10000x128xf32, #tpu.memory_space<vmem_shared>> -> memref<10000x128xf32, #tpu.memory_space<vmem_shared>>
        tpu.wait_indirect_dma semaphore(%run_scoped3A_438 : memref<!tpu.dma_semaphore, #tpu.memory_space<semaphore_mem>>) src(%arg12 : memref<125x128xf32, #tpu.memory_space<vmem>>) dst(%dma_wait3A_450 : memref<10000x128xf32, #tpu.memory_space<vmem_shared>>)
        tpu.yield
      }) : () -> ()
      %dma_start3A_174 = arith.constant 3 : i32
      %dma_start3A_175 = arith.constant 0 : i32
      %dma_start3A_176 = tpu.memref_slice %arg7[%dma_start3A_174, %dma_start3A_175] : memref<8x125xi32, #tpu.memory_space<vmem>> -> memref<1x125xi32, #tpu.memory_space<vmem>>
      %dma_start3A_177 = tpu.memref_squeeze %dma_start3A_176 : memref<1x125xi32, #tpu.memory_space<vmem>> -> memref<125xi32, #tpu.memory_space<vmem>>
      %dma_start3A_178 = arith.constant 0 : i32
      %dma_start3A_179 = arith.constant 0 : i32
      %dma_start3A_180 = tpu.memref_slice %arg2[%dma_start3A_178, %dma_start3A_179] : memref<10000x128xf32, #tpu.memory_space<hbm>> -> memref<10000x128xf32, #tpu.memory_space<hbm>>
      tpu.enqueue_indirect_dma source(%dma_start3A_180 : memref<10000x128xf32, #tpu.memory_space<hbm>>) target(%arg12 : memref<125x128xf32, #tpu.memory_space<vmem>>) offsets(%dma_start3A_177 : memref<125xi32, #tpu.memory_space<vmem>>) semaphore(%arg15 : memref<!tpu.dma_semaphore, #tpu.memory_space<semaphore_mem>>)
      %dma_wait3A_181 = arith.constant 2 : i32
      %dma_wait3A_182 = arith.constant 0 : i32
      %dma_wait3A_183 = tpu.memref_slice %arg7[%dma_wait3A_181, %dma_wait3A_182] : memref<8x125xi32, #tpu.memory_space<vmem>> -> memref<1x125xi32, #tpu.memory_space<vmem>>
      %dma_wait3A_184 = tpu.memref_squeeze %dma_wait3A_183 : memref<1x125xi32, #tpu.memory_space<vmem>> -> memref<125xi32, #tpu.memory_space<vmem>>
      %dma_wait3A_185 = arith.constant 0 : i32
      %dma_wait3A_186 = arith.constant 0 : i32
      %dma_wait3A_187 = tpu.memref_slice %arg2[%dma_wait3A_185, %dma_wait3A_186] : memref<10000x128xf32, #tpu.memory_space<hbm>> -> memref<10000x128xf32, #tpu.memory_space<hbm>>
      tpu.wait_indirect_dma semaphore(%arg14 : memref<!tpu.dma_semaphore, #tpu.memory_space<semaphore_mem>>) src(%dma_wait3A_187 : memref<10000x128xf32, #tpu.memory_space<hbm>>) dst(%arg11 : memref<125x128xf32, #tpu.memory_space<vmem>>)
      %run_scoped3A_188 = arith.constant 2 : i32
      "tpu.region"() ({
        %run_scoped3A_438 = tpu.sem_alloc : memref<!tpu.dma_semaphore, #tpu.memory_space<semaphore_mem>>
        %dma_start3A_439 = arith.constant 0 : i32
        %dma_start3A_440 = tpu.memref_slice %arg8[%run_scoped3A_188, %dma_start3A_439] : memref<8x125xi32, #tpu.memory_space<vmem>> -> memref<1x125xi32, #tpu.memory_space<vmem>>
        %dma_start3A_441 = tpu.memref_squeeze %dma_start3A_440 : memref<1x125xi32, #tpu.memory_space<vmem>> -> memref<125xi32, #tpu.memory_space<vmem>>
        %dma_start3A_442 = arith.constant 0 : i32
        %dma_start3A_443 = arith.constant 0 : i32
        %dma_start3A_444 = tpu.memref_slice %arg13[%dma_start3A_442, %dma_start3A_443] : memref<10000x128xf32, #tpu.memory_space<vmem_shared>> -> memref<10000x128xf32, #tpu.memory_space<vmem_shared>>
        tpu.enqueue_indirect_dma source(%arg11 : memref<125x128xf32, #tpu.memory_space<vmem>>) target(%dma_start3A_444 : memref<10000x128xf32, #tpu.memory_space<vmem_shared>>) offsets(%dma_start3A_441 : memref<125xi32, #tpu.memory_space<vmem>>) semaphore(%run_scoped3A_438 : memref<!tpu.dma_semaphore, #tpu.memory_space<semaphore_mem>>) {add = true}
        %dma_wait3A_445 = arith.constant 0 : i32
        %dma_wait3A_446 = tpu.memref_slice %arg8[%run_scoped3A_188, %dma_wait3A_445] : memref<8x125xi32, #tpu.memory_space<vmem>> -> memref<1x125xi32, #tpu.memory_space<vmem>>
        %dma_wait3A_447 = tpu.memref_squeeze %dma_wait3A_446 : memref<1x125xi32, #tpu.memory_space<vmem>> -> memref<125xi32, #tpu.memory_space<vmem>>
        %dma_wait3A_448 = arith.constant 0 : i32
        %dma_wait3A_449 = arith.constant 0 : i32
        %dma_wait3A_450 = tpu.memref_slice %arg13[%dma_wait3A_448, %dma_wait3A_449] : memref<10000x128xf32, #tpu.memory_space<vmem_shared>> -> memref<10000x128xf32, #tpu.memory_space<vmem_shared>>
        tpu.wait_indirect_dma semaphore(%run_scoped3A_438 : memref<!tpu.dma_semaphore, #tpu.memory_space<semaphore_mem>>) src(%arg11 : memref<125x128xf32, #tpu.memory_space<vmem>>) dst(%dma_wait3A_450 : memref<10000x128xf32, #tpu.memory_space<vmem_shared>>)
        tpu.yield
      }) : () -> ()
      %dma_start3A_189 = arith.constant 4 : i32
      %dma_start3A_190 = arith.constant 0 : i32
      %dma_start3A_191 = tpu.memref_slice %arg7[%dma_start3A_189, %dma_start3A_190] : memref<8x125xi32, #tpu.memory_space<vmem>> -> memref<1x125xi32, #tpu.memory_space<vmem>>
      %dma_start3A_192 = tpu.memref_squeeze %dma_start3A_191 : memref<1x125xi32, #tpu.memory_space<vmem>> -> memref<125xi32, #tpu.memory_space<vmem>>
      %dma_start3A_193 = arith.constant 0 : i32
      %dma_start3A_194 = arith.constant 0 : i32
      %dma_start3A_195 = tpu.memref_slice %arg2[%dma_start3A_193, %dma_start3A_194] : memref<10000x128xf32, #tpu.memory_space<hbm>> -> memref<10000x128xf32, #tpu.memory_space<hbm>>
      tpu.enqueue_indirect_dma source(%dma_start3A_195 : memref<10000x128xf32, #tpu.memory_space<hbm>>) target(%arg11 : memref<125x128xf32, #tpu.memory_space<vmem>>) offsets(%dma_start3A_192 : memref<125xi32, #tpu.memory_space<vmem>>) semaphore(%arg14 : memref<!tpu.dma_semaphore, #tpu.memory_space<semaphore_mem>>)
      %dma_wait3A_196 = arith.constant 3 : i32
      %dma_wait3A_197 = arith.constant 0 : i32
      %dma_wait3A_198 = tpu.memref_slice %arg7[%dma_wait3A_196, %dma_wait3A_197] : memref<8x125xi32, #tpu.memory_space<vmem>> -> memref<1x125xi32, #tpu.memory_space<vmem>>
      %dma_wait3A_199 = tpu.memref_squeeze %dma_wait3A_198 : memref<1x125xi32, #tpu.memory_space<vmem>> -> memref<125xi32, #tpu.memory_space<vmem>>
      %dma_wait3A_200 = arith.constant 0 : i32
      %dma_wait3A_201 = arith.constant 0 : i32
      %dma_wait3A_202 = tpu.memref_slice %arg2[%dma_wait3A_200, %dma_wait3A_201] : memref<10000x128xf32, #tpu.memory_space<hbm>> -> memref<10000x128xf32, #tpu.memory_space<hbm>>
      tpu.wait_indirect_dma semaphore(%arg15 : memref<!tpu.dma_semaphore, #tpu.memory_space<semaphore_mem>>) src(%dma_wait3A_202 : memref<10000x128xf32, #tpu.memory_space<hbm>>) dst(%arg12 : memref<125x128xf32, #tpu.memory_space<vmem>>)
      %run_scoped3A_203 = arith.constant 3 : i32
      "tpu.region"() ({
        %run_scoped3A_438 = tpu.sem_alloc : memref<!tpu.dma_semaphore, #tpu.memory_space<semaphore_mem>>
        %dma_start3A_439 = arith.constant 0 : i32
        %dma_start3A_440 = tpu.memref_slice %arg8[%run_scoped3A_203, %dma_start3A_439] : memref<8x125xi32, #tpu.memory_space<vmem>> -> memref<1x125xi32, #tpu.memory_space<vmem>>
        %dma_start3A_441 = tpu.memref_squeeze %dma_start3A_440 : memref<1x125xi32, #tpu.memory_space<vmem>> -> memref<125xi32, #tpu.memory_space<vmem>>
        %dma_start3A_442 = arith.constant 0 : i32
        %dma_start3A_443 = arith.constant 0 : i32
        %dma_start3A_444 = tpu.memref_slice %arg13[%dma_start3A_442, %dma_start3A_443] : memref<10000x128xf32, #tpu.memory_space<vmem_shared>> -> memref<10000x128xf32, #tpu.memory_space<vmem_shared>>
        tpu.enqueue_indirect_dma source(%arg12 : memref<125x128xf32, #tpu.memory_space<vmem>>) target(%dma_start3A_444 : memref<10000x128xf32, #tpu.memory_space<vmem_shared>>) offsets(%dma_start3A_441 : memref<125xi32, #tpu.memory_space<vmem>>) semaphore(%run_scoped3A_438 : memref<!tpu.dma_semaphore, #tpu.memory_space<semaphore_mem>>) {add = true}
        %dma_wait3A_445 = arith.constant 0 : i32
        %dma_wait3A_446 = tpu.memref_slice %arg8[%run_scoped3A_203, %dma_wait3A_445] : memref<8x125xi32, #tpu.memory_space<vmem>> -> memref<1x125xi32, #tpu.memory_space<vmem>>
        %dma_wait3A_447 = tpu.memref_squeeze %dma_wait3A_446 : memref<1x125xi32, #tpu.memory_space<vmem>> -> memref<125xi32, #tpu.memory_space<vmem>>
        %dma_wait3A_448 = arith.constant 0 : i32
        %dma_wait3A_449 = arith.constant 0 : i32
        %dma_wait3A_450 = tpu.memref_slice %arg13[%dma_wait3A_448, %dma_wait3A_449] : memref<10000x128xf32, #tpu.memory_space<vmem_shared>> -> memref<10000x128xf32, #tpu.memory_space<vmem_shared>>
        tpu.wait_indirect_dma semaphore(%run_scoped3A_438 : memref<!tpu.dma_semaphore, #tpu.memory_space<semaphore_mem>>) src(%arg12 : memref<125x128xf32, #tpu.memory_space<vmem>>) dst(%dma_wait3A_450 : memref<10000x128xf32, #tpu.memory_space<vmem_shared>>)
        tpu.yield
      }) : () -> ()
      %dma_start3A_204 = arith.constant 5 : i32
      %dma_start3A_205 = arith.constant 0 : i32
      %dma_start3A_206 = tpu.memref_slice %arg7[%dma_start3A_204, %dma_start3A_205] : memref<8x125xi32, #tpu.memory_space<vmem>> -> memref<1x125xi32, #tpu.memory_space<vmem>>
      %dma_start3A_207 = tpu.memref_squeeze %dma_start3A_206 : memref<1x125xi32, #tpu.memory_space<vmem>> -> memref<125xi32, #tpu.memory_space<vmem>>
      %dma_start3A_208 = arith.constant 0 : i32
      %dma_start3A_209 = arith.constant 0 : i32
      %dma_start3A_210 = tpu.memref_slice %arg2[%dma_start3A_208, %dma_start3A_209] : memref<10000x128xf32, #tpu.memory_space<hbm>> -> memref<10000x128xf32, #tpu.memory_space<hbm>>
      tpu.enqueue_indirect_dma source(%dma_start3A_210 : memref<10000x128xf32, #tpu.memory_space<hbm>>) target(%arg12 : memref<125x128xf32, #tpu.memory_space<vmem>>) offsets(%dma_start3A_207 : memref<125xi32, #tpu.memory_space<vmem>>) semaphore(%arg15 : memref<!tpu.dma_semaphore, #tpu.memory_space<semaphore_mem>>)
      %dma_wait3A_211 = arith.constant 4 : i32
      %dma_wait3A_212 = arith.constant 0 : i32
      %dma_wait3A_213 = tpu.memref_slice %arg7[%dma_wait3A_211, %dma_wait3A_212] : memref<8x125xi32, #tpu.memory_space<vmem>> -> memref<1x125xi32, #tpu.memory_space<vmem>>
      %dma_wait3A_214 = tpu.memref_squeeze %dma_wait3A_213 : memref<1x125xi32, #tpu.memory_space<vmem>> -> memref<125xi32, #tpu.memory_space<vmem>>
      %dma_wait3A_215 = arith.constant 0 : i32
      %dma_wait3A_216 = arith.constant 0 : i32
      %dma_wait3A_217 = tpu.memref_slice %arg2[%dma_wait3A_215, %dma_wait3A_216] : memref<10000x128xf32, #tpu.memory_space<hbm>> -> memref<10000x128xf32, #tpu.memory_space<hbm>>
      tpu.wait_indirect_dma semaphore(%arg14 : memref<!tpu.dma_semaphore, #tpu.memory_space<semaphore_mem>>) src(%dma_wait3A_217 : memref<10000x128xf32, #tpu.memory_space<hbm>>) dst(%arg11 : memref<125x128xf32, #tpu.memory_space<vmem>>)
      %run_scoped3A_218 = arith.constant 4 : i32
      "tpu.region"() ({
        %run_scoped3A_438 = tpu.sem_alloc : memref<!tpu.dma_semaphore, #tpu.memory_space<semaphore_mem>>
        %dma_start3A_439 = arith.constant 0 : i32
        %dma_start3A_440 = tpu.memref_slice %arg8[%run_scoped3A_218, %dma_start3A_439] : memref<8x125xi32, #tpu.memory_space<vmem>> -> memref<1x125xi32, #tpu.memory_space<vmem>>
        %dma_start3A_441 = tpu.memref_squeeze %dma_start3A_440 : memref<1x125xi32, #tpu.memory_space<vmem>> -> memref<125xi32, #tpu.memory_space<vmem>>
        %dma_start3A_442 = arith.constant 0 : i32
        %dma_start3A_443 = arith.constant 0 : i32
        %dma_start3A_444 = tpu.memref_slice %arg13[%dma_start3A_442, %dma_start3A_443] : memref<10000x128xf32, #tpu.memory_space<vmem_shared>> -> memref<10000x128xf32, #tpu.memory_space<vmem_shared>>
        tpu.enqueue_indirect_dma source(%arg11 : memref<125x128xf32, #tpu.memory_space<vmem>>) target(%dma_start3A_444 : memref<10000x128xf32, #tpu.memory_space<vmem_shared>>) offsets(%dma_start3A_441 : memref<125xi32, #tpu.memory_space<vmem>>) semaphore(%run_scoped3A_438 : memref<!tpu.dma_semaphore, #tpu.memory_space<semaphore_mem>>) {add = true}
        %dma_wait3A_445 = arith.constant 0 : i32
        %dma_wait3A_446 = tpu.memref_slice %arg8[%run_scoped3A_218, %dma_wait3A_445] : memref<8x125xi32, #tpu.memory_space<vmem>> -> memref<1x125xi32, #tpu.memory_space<vmem>>
        %dma_wait3A_447 = tpu.memref_squeeze %dma_wait3A_446 : memref<1x125xi32, #tpu.memory_space<vmem>> -> memref<125xi32, #tpu.memory_space<vmem>>
        %dma_wait3A_448 = arith.constant 0 : i32
        %dma_wait3A_449 = arith.constant 0 : i32
        %dma_wait3A_450 = tpu.memref_slice %arg13[%dma_wait3A_448, %dma_wait3A_449] : memref<10000x128xf32, #tpu.memory_space<vmem_shared>> -> memref<10000x128xf32, #tpu.memory_space<vmem_shared>>
        tpu.wait_indirect_dma semaphore(%run_scoped3A_438 : memref<!tpu.dma_semaphore, #tpu.memory_space<semaphore_mem>>) src(%arg11 : memref<125x128xf32, #tpu.memory_space<vmem>>) dst(%dma_wait3A_450 : memref<10000x128xf32, #tpu.memory_space<vmem_shared>>)
        tpu.yield
      }) : () -> ()
      %dma_start3A_219 = arith.constant 6 : i32
      %dma_start3A_220 = arith.constant 0 : i32
      %dma_start3A_221 = tpu.memref_slice %arg7[%dma_start3A_219, %dma_start3A_220] : memref<8x125xi32, #tpu.memory_space<vmem>> -> memref<1x125xi32, #tpu.memory_space<vmem>>
      %dma_start3A_222 = tpu.memref_squeeze %dma_start3A_221 : memref<1x125xi32, #tpu.memory_space<vmem>> -> memref<125xi32, #tpu.memory_space<vmem>>
      %dma_start3A_223 = arith.constant 0 : i32
      %dma_start3A_224 = arith.constant 0 : i32
      %dma_start3A_225 = tpu.memref_slice %arg2[%dma_start3A_223, %dma_start3A_224] : memref<10000x128xf32, #tpu.memory_space<hbm>> -> memref<10000x128xf32, #tpu.memory_space<hbm>>
      tpu.enqueue_indirect_dma source(%dma_start3A_225 : memref<10000x128xf32, #tpu.memory_space<hbm>>) target(%arg11 : memref<125x128xf32, #tpu.memory_space<vmem>>) offsets(%dma_start3A_222 : memref<125xi32, #tpu.memory_space<vmem>>) semaphore(%arg14 : memref<!tpu.dma_semaphore, #tpu.memory_space<semaphore_mem>>)
      %dma_wait3A_226 = arith.constant 5 : i32
      %dma_wait3A_227 = arith.constant 0 : i32
      %dma_wait3A_228 = tpu.memref_slice %arg7[%dma_wait3A_226, %dma_wait3A_227] : memref<8x125xi32, #tpu.memory_space<vmem>> -> memref<1x125xi32, #tpu.memory_space<vmem>>
      %dma_wait3A_229 = tpu.memref_squeeze %dma_wait3A_228 : memref<1x125xi32, #tpu.memory_space<vmem>> -> memref<125xi32, #tpu.memory_space<vmem>>
      %dma_wait3A_230 = arith.constant 0 : i32
      %dma_wait3A_231 = arith.constant 0 : i32
      %dma_wait3A_232 = tpu.memref_slice %arg2[%dma_wait3A_230, %dma_wait3A_231] : memref<10000x128xf32, #tpu.memory_space<hbm>> -> memref<10000x128xf32, #tpu.memory_space<hbm>>
      tpu.wait_indirect_dma semaphore(%arg15 : memref<!tpu.dma_semaphore, #tpu.memory_space<semaphore_mem>>) src(%dma_wait3A_232 : memref<10000x128xf32, #tpu.memory_space<hbm>>) dst(%arg12 : memref<125x128xf32, #tpu.memory_space<vmem>>)
      %run_scoped3A_233 = arith.constant 5 : i32
      "tpu.region"() ({
        %run_scoped3A_438 = tpu.sem_alloc : memref<!tpu.dma_semaphore, #tpu.memory_space<semaphore_mem>>
        %dma_start3A_439 = arith.constant 0 : i32
        %dma_start3A_440 = tpu.memref_slice %arg8[%run_scoped3A_233, %dma_start3A_439] : memref<8x125xi32, #tpu.memory_space<vmem>> -> memref<1x125xi32, #tpu.memory_space<vmem>>
        %dma_start3A_441 = tpu.memref_squeeze %dma_start3A_440 : memref<1x125xi32, #tpu.memory_space<vmem>> -> memref<125xi32, #tpu.memory_space<vmem>>
        %dma_start3A_442 = arith.constant 0 : i32
        %dma_start3A_443 = arith.constant 0 : i32
        %dma_start3A_444 = tpu.memref_slice %arg13[%dma_start3A_442, %dma_start3A_443] : memref<10000x128xf32, #tpu.memory_space<vmem_shared>> -> memref<10000x128xf32, #tpu.memory_space<vmem_shared>>
        tpu.enqueue_indirect_dma source(%arg12 : memref<125x128xf32, #tpu.memory_space<vmem>>) target(%dma_start3A_444 : memref<10000x128xf32, #tpu.memory_space<vmem_shared>>) offsets(%dma_start3A_441 : memref<125xi32, #tpu.memory_space<vmem>>) semaphore(%run_scoped3A_438 : memref<!tpu.dma_semaphore, #tpu.memory_space<semaphore_mem>>) {add = true}
        %dma_wait3A_445 = arith.constant 0 : i32
        %dma_wait3A_446 = tpu.memref_slice %arg8[%run_scoped3A_233, %dma_wait3A_445] : memref<8x125xi32, #tpu.memory_space<vmem>> -> memref<1x125xi32, #tpu.memory_space<vmem>>
        %dma_wait3A_447 = tpu.memref_squeeze %dma_wait3A_446 : memref<1x125xi32, #tpu.memory_space<vmem>> -> memref<125xi32, #tpu.memory_space<vmem>>
        %dma_wait3A_448 = arith.constant 0 : i32
        %dma_wait3A_449 = arith.constant 0 : i32
        %dma_wait3A_450 = tpu.memref_slice %arg13[%dma_wait3A_448, %dma_wait3A_449] : memref<10000x128xf32, #tpu.memory_space<vmem_shared>> -> memref<10000x128xf32, #tpu.memory_space<vmem_shared>>
        tpu.wait_indirect_dma semaphore(%run_scoped3A_438 : memref<!tpu.dma_semaphore, #tpu.memory_space<semaphore_mem>>) src(%arg12 : memref<125x128xf32, #tpu.memory_space<vmem>>) dst(%dma_wait3A_450 : memref<10000x128xf32, #tpu.memory_space<vmem_shared>>)
        tpu.yield
      }) : () -> ()
      %dma_start3A_234 = arith.constant 7 : i32
      %dma_start3A_235 = arith.constant 0 : i32
      %dma_start3A_236 = tpu.memref_slice %arg7[%dma_start3A_234, %dma_start3A_235] : memref<8x125xi32, #tpu.memory_space<vmem>> -> memref<1x125xi32, #tpu.memory_space<vmem>>
      %dma_start3A_237 = tpu.memref_squeeze %dma_start3A_236 : memref<1x125xi32, #tpu.memory_space<vmem>> -> memref<125xi32, #tpu.memory_space<vmem>>
      %dma_start3A_238 = arith.constant 0 : i32
      %dma_start3A_239 = arith.constant 0 : i32
      %dma_start3A_240 = tpu.memref_slice %arg2[%dma_start3A_238, %dma_start3A_239] : memref<10000x128xf32, #tpu.memory_space<hbm>> -> memref<10000x128xf32, #tpu.memory_space<hbm>>
      tpu.enqueue_indirect_dma source(%dma_start3A_240 : memref<10000x128xf32, #tpu.memory_space<hbm>>) target(%arg12 : memref<125x128xf32, #tpu.memory_space<vmem>>) offsets(%dma_start3A_237 : memref<125xi32, #tpu.memory_space<vmem>>) semaphore(%arg15 : memref<!tpu.dma_semaphore, #tpu.memory_space<semaphore_mem>>)
      %dma_wait3A_241 = arith.constant 6 : i32
      %dma_wait3A_242 = arith.constant 0 : i32
      %dma_wait3A_243 = tpu.memref_slice %arg7[%dma_wait3A_241, %dma_wait3A_242] : memref<8x125xi32, #tpu.memory_space<vmem>> -> memref<1x125xi32, #tpu.memory_space<vmem>>
      %dma_wait3A_244 = tpu.memref_squeeze %dma_wait3A_243 : memref<1x125xi32, #tpu.memory_space<vmem>> -> memref<125xi32, #tpu.memory_space<vmem>>
      %dma_wait3A_245 = arith.constant 0 : i32
      %dma_wait3A_246 = arith.constant 0 : i32
      %dma_wait3A_247 = tpu.memref_slice %arg2[%dma_wait3A_245, %dma_wait3A_246] : memref<10000x128xf32, #tpu.memory_space<hbm>> -> memref<10000x128xf32, #tpu.memory_space<hbm>>
      tpu.wait_indirect_dma semaphore(%arg14 : memref<!tpu.dma_semaphore, #tpu.memory_space<semaphore_mem>>) src(%dma_wait3A_247 : memref<10000x128xf32, #tpu.memory_space<hbm>>) dst(%arg11 : memref<125x128xf32, #tpu.memory_space<vmem>>)
      %run_scoped3A_248 = arith.constant 6 : i32
      "tpu.region"() ({
        %run_scoped3A_438 = tpu.sem_alloc : memref<!tpu.dma_semaphore, #tpu.memory_space<semaphore_mem>>
        %dma_start3A_439 = arith.constant 0 : i32
        %dma_start3A_440 = tpu.memref_slice %arg8[%run_scoped3A_248, %dma_start3A_439] : memref<8x125xi32, #tpu.memory_space<vmem>> -> memref<1x125xi32, #tpu.memory_space<vmem>>
        %dma_start3A_441 = tpu.memref_squeeze %dma_start3A_440 : memref<1x125xi32, #tpu.memory_space<vmem>> -> memref<125xi32, #tpu.memory_space<vmem>>
        %dma_start3A_442 = arith.constant 0 : i32
        %dma_start3A_443 = arith.constant 0 : i32
        %dma_start3A_444 = tpu.memref_slice %arg13[%dma_start3A_442, %dma_start3A_443] : memref<10000x128xf32, #tpu.memory_space<vmem_shared>> -> memref<10000x128xf32, #tpu.memory_space<vmem_shared>>
        tpu.enqueue_indirect_dma source(%arg11 : memref<125x128xf32, #tpu.memory_space<vmem>>) target(%dma_start3A_444 : memref<10000x128xf32, #tpu.memory_space<vmem_shared>>) offsets(%dma_start3A_441 : memref<125xi32, #tpu.memory_space<vmem>>) semaphore(%run_scoped3A_438 : memref<!tpu.dma_semaphore, #tpu.memory_space<semaphore_mem>>) {add = true}
        %dma_wait3A_445 = arith.constant 0 : i32
        %dma_wait3A_446 = tpu.memref_slice %arg8[%run_scoped3A_248, %dma_wait3A_445] : memref<8x125xi32, #tpu.memory_space<vmem>> -> memref<1x125xi32, #tpu.memory_space<vmem>>
        %dma_wait3A_447 = tpu.memref_squeeze %dma_wait3A_446 : memref<1x125xi32, #tpu.memory_space<vmem>> -> memref<125xi32, #tpu.memory_space<vmem>>
        %dma_wait3A_448 = arith.constant 0 : i32
        %dma_wait3A_449 = arith.constant 0 : i32
        %dma_wait3A_450 = tpu.memref_slice %arg13[%dma_wait3A_448, %dma_wait3A_449] : memref<10000x128xf32, #tpu.memory_space<vmem_shared>> -> memref<10000x128xf32, #tpu.memory_space<vmem_shared>>
        tpu.wait_indirect_dma semaphore(%run_scoped3A_438 : memref<!tpu.dma_semaphore, #tpu.memory_space<semaphore_mem>>) src(%arg11 : memref<125x128xf32, #tpu.memory_space<vmem>>) dst(%dma_wait3A_450 : memref<10000x128xf32, #tpu.memory_space<vmem_shared>>)
        tpu.yield
      }) : () -> ()
      %dma_wait3A_249 = arith.constant 7 : i32
      %dma_wait3A_250 = arith.constant 0 : i32
      %dma_wait3A_251 = tpu.memref_slice %arg7[%dma_wait3A_249, %dma_wait3A_250] : memref<8x125xi32, #tpu.memory_space<vmem>> -> memref<1x125xi32, #tpu.memory_space<vmem>>
      %dma_wait3A_252 = tpu.memref_squeeze %dma_wait3A_251 : memref<1x125xi32, #tpu.memory_space<vmem>> -> memref<125xi32, #tpu.memory_space<vmem>>
      %dma_wait3A_253 = arith.constant 0 : i32
      %dma_wait3A_254 = arith.constant 0 : i32
      %dma_wait3A_255 = tpu.memref_slice %arg2[%dma_wait3A_253, %dma_wait3A_254] : memref<10000x128xf32, #tpu.memory_space<hbm>> -> memref<10000x128xf32, #tpu.memory_space<hbm>>
      tpu.wait_indirect_dma semaphore(%arg15 : memref<!tpu.dma_semaphore, #tpu.memory_space<semaphore_mem>>) src(%dma_wait3A_255 : memref<10000x128xf32, #tpu.memory_space<hbm>>) dst(%arg12 : memref<125x128xf32, #tpu.memory_space<vmem>>)
      %run_scoped3A_256 = arith.constant 7 : i32
      "tpu.region"() ({
        %run_scoped3A_438 = tpu.sem_alloc : memref<!tpu.dma_semaphore, #tpu.memory_space<semaphore_mem>>
        %dma_start3A_439 = arith.constant 0 : i32
        %dma_start3A_440 = tpu.memref_slice %arg8[%run_scoped3A_256, %dma_start3A_439] : memref<8x125xi32, #tpu.memory_space<vmem>> -> memref<1x125xi32, #tpu.memory_space<vmem>>
        %dma_start3A_441 = tpu.memref_squeeze %dma_start3A_440 : memref<1x125xi32, #tpu.memory_space<vmem>> -> memref<125xi32, #tpu.memory_space<vmem>>
        %dma_start3A_442 = arith.constant 0 : i32
        %dma_start3A_443 = arith.constant 0 : i32
        %dma_start3A_444 = tpu.memref_slice %arg13[%dma_start3A_442, %dma_start3A_443] : memref<10000x128xf32, #tpu.memory_space<vmem_shared>> -> memref<10000x128xf32, #tpu.memory_space<vmem_shared>>
        tpu.enqueue_indirect_dma source(%arg12 : memref<125x128xf32, #tpu.memory_space<vmem>>) target(%dma_start3A_444 : memref<10000x128xf32, #tpu.memory_space<vmem_shared>>) offsets(%dma_start3A_441 : memref<125xi32, #tpu.memory_space<vmem>>) semaphore(%run_scoped3A_438 : memref<!tpu.dma_semaphore, #tpu.memory_space<semaphore_mem>>) {add = true}
        %dma_wait3A_445 = arith.constant 0 : i32
        %dma_wait3A_446 = tpu.memref_slice %arg8[%run_scoped3A_256, %dma_wait3A_445] : memref<8x125xi32, #tpu.memory_space<vmem>> -> memref<1x125xi32, #tpu.memory_space<vmem>>
        %dma_wait3A_447 = tpu.memref_squeeze %dma_wait3A_446 : memref<1x125xi32, #tpu.memory_space<vmem>> -> memref<125xi32, #tpu.memory_space<vmem>>
        %dma_wait3A_448 = arith.constant 0 : i32
        %dma_wait3A_449 = arith.constant 0 : i32
        %dma_wait3A_450 = tpu.memref_slice %arg13[%dma_wait3A_448, %dma_wait3A_449] : memref<10000x128xf32, #tpu.memory_space<vmem_shared>> -> memref<10000x128xf32, #tpu.memory_space<vmem_shared>>
        tpu.wait_indirect_dma semaphore(%run_scoped3A_438 : memref<!tpu.dma_semaphore, #tpu.memory_space<semaphore_mem>>) src(%arg12 : memref<125x128xf32, #tpu.memory_space<vmem>>) dst(%dma_wait3A_450 : memref<10000x128xf32, #tpu.memory_space<vmem_shared>>)
        tpu.yield
      }) : () -> ()
      %add3A_257 = arith.constant 2 : i32
      %add3A_258 = arith.addi %mul3A_79, %add3A_257 : i32
      %min3A = arith.constant 9 : i32
      %min3A_259 = arith.minsi %add3A_258, %min3A : i32
      %mul3A_260 = arith.constant 8 : i32
      %mul3A_261 = arith.muli %min3A_259, %mul3A_260 : i32
      %dma_start3A_262 = arith.constant 0 : i32
      %dma_start3A_263 = arith.constant 0 : i32
      %dma_start3A_264 = tpu.memref_slice %arg3[%add3A, %dma_start3A_262, %dma_start3A_263] : memref<32x80x125xi32, #tpu.memory_space<hbm>> -> memref<1x80x125xi32, #tpu.memory_space<hbm>>
      %dma_start3A_265 = tpu.memref_squeeze %dma_start3A_264 : memref<1x80x125xi32, #tpu.memory_space<hbm>> -> memref<80x125xi32, #tpu.memory_space<hbm>>
      %dma_start3A_266 = arith.constant 0 : i32
      %dma_start3A_267 = tpu.memref_slice %dma_start3A_265[%mul3A_261, %dma_start3A_266] : memref<80x125xi32, #tpu.memory_space<hbm>> -> memref<8x125xi32, #tpu.memory_space<hbm>>
      %dma_start3A_268 = arith.constant 0 : i32
      %dma_start3A_269 = arith.constant 0 : i32
      %dma_start3A_270 = tpu.memref_slice %arg3[%add3A, %dma_start3A_268, %dma_start3A_269] : memref<32x80x125xi32, #tpu.memory_space<hbm>> -> memref<1x80x125xi32, #tpu.memory_space<hbm>>
      %dma_start3A_271 = tpu.memref_squeeze %dma_start3A_270 : memref<1x80x125xi32, #tpu.memory_space<hbm>> -> memref<80x125xi32, #tpu.memory_space<hbm>>
      %dma_start3A_272 = arith.constant 0 : i32
      %dma_start3A_273 = tpu.memref_slice %dma_start3A_271[%mul3A_261, %dma_start3A_272] : memref<80x125xi32, #tpu.memory_space<hbm>> -> memref<8x125xi32, #tpu.memory_space<hbm>>
      tpu.enqueue_dma source(%dma_start3A_273 : memref<8x125xi32, #tpu.memory_space<hbm>>) target(%arg7 : memref<8x125xi32, #tpu.memory_space<vmem>>) target_semaphore(%arg16 : memref<!tpu.dma_semaphore, #tpu.memory_space<semaphore_mem>>)
      %mul3A_274 = arith.constant 8 : i32
      %mul3A_275 = arith.muli %min3A_259, %mul3A_274 : i32
      %dma_start3A_276 = arith.constant 0 : i32
      %dma_start3A_277 = arith.constant 0 : i32
      %dma_start3A_278 = tpu.memref_slice %arg4[%add3A, %dma_start3A_276, %dma_start3A_277] : memref<32x80x125xi32, #tpu.memory_space<hbm>> -> memref<1x80x125xi32, #tpu.memory_space<hbm>>
      %dma_start3A_279 = tpu.memref_squeeze %dma_start3A_278 : memref<1x80x125xi32, #tpu.memory_space<hbm>> -> memref<80x125xi32, #tpu.memory_space<hbm>>
      %dma_start3A_280 = arith.constant 0 : i32
      %dma_start3A_281 = tpu.memref_slice %dma_start3A_279[%mul3A_275, %dma_start3A_280] : memref<80x125xi32, #tpu.memory_space<hbm>> -> memref<8x125xi32, #tpu.memory_space<hbm>>
      %dma_start3A_282 = arith.constant 0 : i32
      %dma_start3A_283 = arith.constant 0 : i32
      %dma_start3A_284 = tpu.memref_slice %arg4[%add3A, %dma_start3A_282, %dma_start3A_283] : memref<32x80x125xi32, #tpu.memory_space<hbm>> -> memref<1x80x125xi32, #tpu.memory_space<hbm>>
      %dma_start3A_285 = tpu.memref_squeeze %dma_start3A_284 : memref<1x80x125xi32, #tpu.memory_space<hbm>> -> memref<80x125xi32, #tpu.memory_space<hbm>>
      %dma_start3A_286 = arith.constant 0 : i32
      %dma_start3A_287 = tpu.memref_slice %dma_start3A_285[%mul3A_275, %dma_start3A_286] : memref<80x125xi32, #tpu.memory_space<hbm>> -> memref<8x125xi32, #tpu.memory_space<hbm>>
      tpu.enqueue_dma source(%dma_start3A_287 : memref<8x125xi32, #tpu.memory_space<hbm>>) target(%arg8 : memref<8x125xi32, #tpu.memory_space<vmem>>) target_semaphore(%arg16 : memref<!tpu.dma_semaphore, #tpu.memory_space<semaphore_mem>>)
      %add3A_288 = arith.constant 1 : i32
      %add3A_289 = arith.addi %mul3A_79, %add3A_288 : i32
      %mul3A_290 = arith.constant 8 : i32
      %mul3A_291 = arith.muli %add3A_289, %mul3A_290 : i32
      %dma_wait3A_292 = arith.constant 0 : i32
      %dma_wait3A_293 = arith.constant 0 : i32
      %dma_wait3A_294 = tpu.memref_slice %arg3[%add3A, %dma_wait3A_292, %dma_wait3A_293] : memref<32x80x125xi32, #tpu.memory_space<hbm>> -> memref<1x80x125xi32, #tpu.memory_space<hbm>>
      %dma_wait3A_295 = tpu.memref_squeeze %dma_wait3A_294 : memref<1x80x125xi32, #tpu.memory_space<hbm>> -> memref<80x125xi32, #tpu.memory_space<hbm>>
      %dma_wait3A_296 = arith.constant 0 : i32
      %dma_wait3A_297 = tpu.memref_slice %dma_wait3A_295[%mul3A_291, %dma_wait3A_296] : memref<80x125xi32, #tpu.memory_space<hbm>> -> memref<8x125xi32, #tpu.memory_space<hbm>>
      %dma_wait3A_298 = arith.constant 0 : i32
      %dma_wait3A_299 = arith.constant 0 : i32
      %dma_wait3A_300 = tpu.memref_slice %arg3[%add3A, %dma_wait3A_298, %dma_wait3A_299] : memref<32x80x125xi32, #tpu.memory_space<hbm>> -> memref<1x80x125xi32, #tpu.memory_space<hbm>>
      %dma_wait3A_301 = tpu.memref_squeeze %dma_wait3A_300 : memref<1x80x125xi32, #tpu.memory_space<hbm>> -> memref<80x125xi32, #tpu.memory_space<hbm>>
      %dma_wait3A_302 = arith.constant 0 : i32
      %dma_wait3A_303 = tpu.memref_slice %dma_wait3A_301[%mul3A_291, %dma_wait3A_302] : memref<80x125xi32, #tpu.memory_space<hbm>> -> memref<8x125xi32, #tpu.memory_space<hbm>>
      tpu.wait_dma2 semaphore(%arg16 : memref<!tpu.dma_semaphore, #tpu.memory_space<semaphore_mem>>) src(%dma_wait3A_303 : memref<8x125xi32, #tpu.memory_space<hbm>>) dst(%arg9 : memref<8x125xi32, #tpu.memory_space<vmem>>)
      %mul3A_304 = arith.constant 8 : i32
      %mul3A_305 = arith.muli %add3A_289, %mul3A_304 : i32
      %dma_wait3A_306 = arith.constant 0 : i32
      %dma_wait3A_307 = arith.constant 0 : i32
      %dma_wait3A_308 = tpu.memref_slice %arg4[%add3A, %dma_wait3A_306, %dma_wait3A_307] : memref<32x80x125xi32, #tpu.memory_space<hbm>> -> memref<1x80x125xi32, #tpu.memory_space<hbm>>
      %dma_wait3A_309 = tpu.memref_squeeze %dma_wait3A_308 : memref<1x80x125xi32, #tpu.memory_space<hbm>> -> memref<80x125xi32, #tpu.memory_space<hbm>>
      %dma_wait3A_310 = arith.constant 0 : i32
      %dma_wait3A_311 = tpu.memref_slice %dma_wait3A_309[%mul3A_305, %dma_wait3A_310] : memref<80x125xi32, #tpu.memory_space<hbm>> -> memref<8x125xi32, #tpu.memory_space<hbm>>
      %dma_wait3A_312 = arith.constant 0 : i32
      %dma_wait3A_313 = arith.constant 0 : i32
      %dma_wait3A_314 = tpu.memref_slice %arg4[%add3A, %dma_wait3A_312, %dma_wait3A_313] : memref<32x80x125xi32, #tpu.memory_space<hbm>> -> memref<1x80x125xi32, #tpu.memory_space<hbm>>
      %dma_wait3A_315 = tpu.memref_squeeze %dma_wait3A_314 : memref<1x80x125xi32, #tpu.memory_space<hbm>> -> memref<80x125xi32, #tpu.memory_space<hbm>>
      %dma_wait3A_316 = arith.constant 0 : i32
      %dma_wait3A_317 = tpu.memref_slice %dma_wait3A_315[%mul3A_305, %dma_wait3A_316] : memref<80x125xi32, #tpu.memory_space<hbm>> -> memref<8x125xi32, #tpu.memory_space<hbm>>
      tpu.wait_dma2 semaphore(%arg16 : memref<!tpu.dma_semaphore, #tpu.memory_space<semaphore_mem>>) src(%dma_wait3A_317 : memref<8x125xi32, #tpu.memory_space<hbm>>) dst(%arg10 : memref<8x125xi32, #tpu.memory_space<vmem>>)
      %dma_start3A_318 = arith.constant 0 : i32
      %dma_start3A_319 = arith.constant 0 : i32
      %dma_start3A_320 = tpu.memref_slice %arg9[%dma_start3A_318, %dma_start3A_319] : memref<8x125xi32, #tpu.memory_space<vmem>> -> memref<1x125xi32, #tpu.memory_space<vmem>>
      %dma_start3A_321 = tpu.memref_squeeze %dma_start3A_320 : memref<1x125xi32, #tpu.memory_space<vmem>> -> memref<125xi32, #tpu.memory_space<vmem>>
      %dma_start3A_322 = arith.constant 0 : i32
      %dma_start3A_323 = arith.constant 0 : i32
      %dma_start3A_324 = tpu.memref_slice %arg2[%dma_start3A_322, %dma_start3A_323] : memref<10000x128xf32, #tpu.memory_space<hbm>> -> memref<10000x128xf32, #tpu.memory_space<hbm>>
      tpu.enqueue_indirect_dma source(%dma_start3A_324 : memref<10000x128xf32, #tpu.memory_space<hbm>>) target(%arg11 : memref<125x128xf32, #tpu.memory_space<vmem>>) offsets(%dma_start3A_321 : memref<125xi32, #tpu.memory_space<vmem>>) semaphore(%arg14 : memref<!tpu.dma_semaphore, #tpu.memory_space<semaphore_mem>>)
      %dma_start3A_325 = arith.constant 1 : i32
      %dma_start3A_326 = arith.constant 0 : i32
      %dma_start3A_327 = tpu.memref_slice %arg9[%dma_start3A_325, %dma_start3A_326] : memref<8x125xi32, #tpu.memory_space<vmem>> -> memref<1x125xi32, #tpu.memory_space<vmem>>
      %dma_start3A_328 = tpu.memref_squeeze %dma_start3A_327 : memref<1x125xi32, #tpu.memory_space<vmem>> -> memref<125xi32, #tpu.memory_space<vmem>>
      %dma_start3A_329 = arith.constant 0 : i32
      %dma_start3A_330 = arith.constant 0 : i32
      %dma_start3A_331 = tpu.memref_slice %arg2[%dma_start3A_329, %dma_start3A_330] : memref<10000x128xf32, #tpu.memory_space<hbm>> -> memref<10000x128xf32, #tpu.memory_space<hbm>>
      tpu.enqueue_indirect_dma source(%dma_start3A_331 : memref<10000x128xf32, #tpu.memory_space<hbm>>) target(%arg12 : memref<125x128xf32, #tpu.memory_space<vmem>>) offsets(%dma_start3A_328 : memref<125xi32, #tpu.memory_space<vmem>>) semaphore(%arg15 : memref<!tpu.dma_semaphore, #tpu.memory_space<semaphore_mem>>)
      %dma_wait3A_332 = arith.constant 0 : i32
      %dma_wait3A_333 = arith.constant 0 : i32
      %dma_wait3A_334 = tpu.memref_slice %arg9[%dma_wait3A_332, %dma_wait3A_333] : memref<8x125xi32, #tpu.memory_space<vmem>> -> memref<1x125xi32, #tpu.memory_space<vmem>>
      %dma_wait3A_335 = tpu.memref_squeeze %dma_wait3A_334 : memref<1x125xi32, #tpu.memory_space<vmem>> -> memref<125xi32, #tpu.memory_space<vmem>>
      %dma_wait3A_336 = arith.constant 0 : i32
      %dma_wait3A_337 = arith.constant 0 : i32
      %dma_wait3A_338 = tpu.memref_slice %arg2[%dma_wait3A_336, %dma_wait3A_337] : memref<10000x128xf32, #tpu.memory_space<hbm>> -> memref<10000x128xf32, #tpu.memory_space<hbm>>
      tpu.wait_indirect_dma semaphore(%arg14 : memref<!tpu.dma_semaphore, #tpu.memory_space<semaphore_mem>>) src(%dma_wait3A_338 : memref<10000x128xf32, #tpu.memory_space<hbm>>) dst(%arg11 : memref<125x128xf32, #tpu.memory_space<vmem>>)
      %run_scoped3A_339 = arith.constant 0 : i32
      "tpu.region"() ({
        %run_scoped3A_438 = tpu.sem_alloc : memref<!tpu.dma_semaphore, #tpu.memory_space<semaphore_mem>>
        %dma_start3A_439 = arith.constant 0 : i32
        %dma_start3A_440 = tpu.memref_slice %arg10[%run_scoped3A_339, %dma_start3A_439] : memref<8x125xi32, #tpu.memory_space<vmem>> -> memref<1x125xi32, #tpu.memory_space<vmem>>
        %dma_start3A_441 = tpu.memref_squeeze %dma_start3A_440 : memref<1x125xi32, #tpu.memory_space<vmem>> -> memref<125xi32, #tpu.memory_space<vmem>>
        %dma_start3A_442 = arith.constant 0 : i32
        %dma_start3A_443 = arith.constant 0 : i32
        %dma_start3A_444 = tpu.memref_slice %arg13[%dma_start3A_442, %dma_start3A_443] : memref<10000x128xf32, #tpu.memory_space<vmem_shared>> -> memref<10000x128xf32, #tpu.memory_space<vmem_shared>>
        tpu.enqueue_indirect_dma source(%arg11 : memref<125x128xf32, #tpu.memory_space<vmem>>) target(%dma_start3A_444 : memref<10000x128xf32, #tpu.memory_space<vmem_shared>>) offsets(%dma_start3A_441 : memref<125xi32, #tpu.memory_space<vmem>>) semaphore(%run_scoped3A_438 : memref<!tpu.dma_semaphore, #tpu.memory_space<semaphore_mem>>) {add = true}
        %dma_wait3A_445 = arith.constant 0 : i32
        %dma_wait3A_446 = tpu.memref_slice %arg10[%run_scoped3A_339, %dma_wait3A_445] : memref<8x125xi32, #tpu.memory_space<vmem>> -> memref<1x125xi32, #tpu.memory_space<vmem>>
        %dma_wait3A_447 = tpu.memref_squeeze %dma_wait3A_446 : memref<1x125xi32, #tpu.memory_space<vmem>> -> memref<125xi32, #tpu.memory_space<vmem>>
        %dma_wait3A_448 = arith.constant 0 : i32
        %dma_wait3A_449 = arith.constant 0 : i32
        %dma_wait3A_450 = tpu.memref_slice %arg13[%dma_wait3A_448, %dma_wait3A_449] : memref<10000x128xf32, #tpu.memory_space<vmem_shared>> -> memref<10000x128xf32, #tpu.memory_space<vmem_shared>>
        tpu.wait_indirect_dma semaphore(%run_scoped3A_438 : memref<!tpu.dma_semaphore, #tpu.memory_space<semaphore_mem>>) src(%arg11 : memref<125x128xf32, #tpu.memory_space<vmem>>) dst(%dma_wait3A_450 : memref<10000x128xf32, #tpu.memory_space<vmem_shared>>)
        tpu.yield
      }) : () -> ()
      %dma_start3A_340 = arith.constant 2 : i32
      %dma_start3A_341 = arith.constant 0 : i32
      %dma_start3A_342 = tpu.memref_slice %arg9[%dma_start3A_340, %dma_start3A_341] : memref<8x125xi32, #tpu.memory_space<vmem>> -> memref<1x125xi32, #tpu.memory_space<vmem>>
      %dma_start3A_343 = tpu.memref_squeeze %dma_start3A_342 : memref<1x125xi32, #tpu.memory_space<vmem>> -> memref<125xi32, #tpu.memory_space<vmem>>
      %dma_start3A_344 = arith.constant 0 : i32
      %dma_start3A_345 = arith.constant 0 : i32
      %dma_start3A_346 = tpu.memref_slice %arg2[%dma_start3A_344, %dma_start3A_345] : memref<10000x128xf32, #tpu.memory_space<hbm>> -> memref<10000x128xf32, #tpu.memory_space<hbm>>
      tpu.enqueue_indirect_dma source(%dma_start3A_346 : memref<10000x128xf32, #tpu.memory_space<hbm>>) target(%arg11 : memref<125x128xf32, #tpu.memory_space<vmem>>) offsets(%dma_start3A_343 : memref<125xi32, #tpu.memory_space<vmem>>) semaphore(%arg14 : memref<!tpu.dma_semaphore, #tpu.memory_space<semaphore_mem>>)
      %dma_wait3A_347 = arith.constant 1 : i32
      %dma_wait3A_348 = arith.constant 0 : i32
      %dma_wait3A_349 = tpu.memref_slice %arg9[%dma_wait3A_347, %dma_wait3A_348] : memref<8x125xi32, #tpu.memory_space<vmem>> -> memref<1x125xi32, #tpu.memory_space<vmem>>
      %dma_wait3A_350 = tpu.memref_squeeze %dma_wait3A_349 : memref<1x125xi32, #tpu.memory_space<vmem>> -> memref<125xi32, #tpu.memory_space<vmem>>
      %dma_wait3A_351 = arith.constant 0 : i32
      %dma_wait3A_352 = arith.constant 0 : i32
      %dma_wait3A_353 = tpu.memref_slice %arg2[%dma_wait3A_351, %dma_wait3A_352] : memref<10000x128xf32, #tpu.memory_space<hbm>> -> memref<10000x128xf32, #tpu.memory_space<hbm>>
      tpu.wait_indirect_dma semaphore(%arg15 : memref<!tpu.dma_semaphore, #tpu.memory_space<semaphore_mem>>) src(%dma_wait3A_353 : memref<10000x128xf32, #tpu.memory_space<hbm>>) dst(%arg12 : memref<125x128xf32, #tpu.memory_space<vmem>>)
      %run_scoped3A_354 = arith.constant 1 : i32
      "tpu.region"() ({
        %run_scoped3A_438 = tpu.sem_alloc : memref<!tpu.dma_semaphore, #tpu.memory_space<semaphore_mem>>
        %dma_start3A_439 = arith.constant 0 : i32
        %dma_start3A_440 = tpu.memref_slice %arg10[%run_scoped3A_354, %dma_start3A_439] : memref<8x125xi32, #tpu.memory_space<vmem>> -> memref<1x125xi32, #tpu.memory_space<vmem>>
        %dma_start3A_441 = tpu.memref_squeeze %dma_start3A_440 : memref<1x125xi32, #tpu.memory_space<vmem>> -> memref<125xi32, #tpu.memory_space<vmem>>
        %dma_start3A_442 = arith.constant 0 : i32
        %dma_start3A_443 = arith.constant 0 : i32
        %dma_start3A_444 = tpu.memref_slice %arg13[%dma_start3A_442, %dma_start3A_443] : memref<10000x128xf32, #tpu.memory_space<vmem_shared>> -> memref<10000x128xf32, #tpu.memory_space<vmem_shared>>
        tpu.enqueue_indirect_dma source(%arg12 : memref<125x128xf32, #tpu.memory_space<vmem>>) target(%dma_start3A_444 : memref<10000x128xf32, #tpu.memory_space<vmem_shared>>) offsets(%dma_start3A_441 : memref<125xi32, #tpu.memory_space<vmem>>) semaphore(%run_scoped3A_438 : memref<!tpu.dma_semaphore, #tpu.memory_space<semaphore_mem>>) {add = true}
        %dma_wait3A_445 = arith.constant 0 : i32
        %dma_wait3A_446 = tpu.memref_slice %arg10[%run_scoped3A_354, %dma_wait3A_445] : memref<8x125xi32, #tpu.memory_space<vmem>> -> memref<1x125xi32, #tpu.memory_space<vmem>>
        %dma_wait3A_447 = tpu.memref_squeeze %dma_wait3A_446 : memref<1x125xi32, #tpu.memory_space<vmem>> -> memref<125xi32, #tpu.memory_space<vmem>>
        %dma_wait3A_448 = arith.constant 0 : i32
        %dma_wait3A_449 = arith.constant 0 : i32
        %dma_wait3A_450 = tpu.memref_slice %arg13[%dma_wait3A_448, %dma_wait3A_449] : memref<10000x128xf32, #tpu.memory_space<vmem_shared>> -> memref<10000x128xf32, #tpu.memory_space<vmem_shared>>
        tpu.wait_indirect_dma semaphore(%run_scoped3A_438 : memref<!tpu.dma_semaphore, #tpu.memory_space<semaphore_mem>>) src(%arg12 : memref<125x128xf32, #tpu.memory_space<vmem>>) dst(%dma_wait3A_450 : memref<10000x128xf32, #tpu.memory_space<vmem_shared>>)
        tpu.yield
      }) : () -> ()
      %dma_start3A_355 = arith.constant 3 : i32
      %dma_start3A_356 = arith.constant 0 : i32
      %dma_start3A_357 = tpu.memref_slice %arg9[%dma_start3A_355, %dma_start3A_356] : memref<8x125xi32, #tpu.memory_space<vmem>> -> memref<1x125xi32, #tpu.memory_space<vmem>>
      %dma_start3A_358 = tpu.memref_squeeze %dma_start3A_357 : memref<1x125xi32, #tpu.memory_space<vmem>> -> memref<125xi32, #tpu.memory_space<vmem>>
      %dma_start3A_359 = arith.constant 0 : i32
      %dma_start3A_360 = arith.constant 0 : i32
      %dma_start3A_361 = tpu.memref_slice %arg2[%dma_start3A_359, %dma_start3A_360] : memref<10000x128xf32, #tpu.memory_space<hbm>> -> memref<10000x128xf32, #tpu.memory_space<hbm>>
      tpu.enqueue_indirect_dma source(%dma_start3A_361 : memref<10000x128xf32, #tpu.memory_space<hbm>>) target(%arg12 : memref<125x128xf32, #tpu.memory_space<vmem>>) offsets(%dma_start3A_358 : memref<125xi32, #tpu.memory_space<vmem>>) semaphore(%arg15 : memref<!tpu.dma_semaphore, #tpu.memory_space<semaphore_mem>>)
      %dma_wait3A_362 = arith.constant 2 : i32
      %dma_wait3A_363 = arith.constant 0 : i32
      %dma_wait3A_364 = tpu.memref_slice %arg9[%dma_wait3A_362, %dma_wait3A_363] : memref<8x125xi32, #tpu.memory_space<vmem>> -> memref<1x125xi32, #tpu.memory_space<vmem>>
      %dma_wait3A_365 = tpu.memref_squeeze %dma_wait3A_364 : memref<1x125xi32, #tpu.memory_space<vmem>> -> memref<125xi32, #tpu.memory_space<vmem>>
      %dma_wait3A_366 = arith.constant 0 : i32
      %dma_wait3A_367 = arith.constant 0 : i32
      %dma_wait3A_368 = tpu.memref_slice %arg2[%dma_wait3A_366, %dma_wait3A_367] : memref<10000x128xf32, #tpu.memory_space<hbm>> -> memref<10000x128xf32, #tpu.memory_space<hbm>>
      tpu.wait_indirect_dma semaphore(%arg14 : memref<!tpu.dma_semaphore, #tpu.memory_space<semaphore_mem>>) src(%dma_wait3A_368 : memref<10000x128xf32, #tpu.memory_space<hbm>>) dst(%arg11 : memref<125x128xf32, #tpu.memory_space<vmem>>)
      %run_scoped3A_369 = arith.constant 2 : i32
      "tpu.region"() ({
        %run_scoped3A_438 = tpu.sem_alloc : memref<!tpu.dma_semaphore, #tpu.memory_space<semaphore_mem>>
        %dma_start3A_439 = arith.constant 0 : i32
        %dma_start3A_440 = tpu.memref_slice %arg10[%run_scoped3A_369, %dma_start3A_439] : memref<8x125xi32, #tpu.memory_space<vmem>> -> memref<1x125xi32, #tpu.memory_space<vmem>>
        %dma_start3A_441 = tpu.memref_squeeze %dma_start3A_440 : memref<1x125xi32, #tpu.memory_space<vmem>> -> memref<125xi32, #tpu.memory_space<vmem>>
        %dma_start3A_442 = arith.constant 0 : i32
        %dma_start3A_443 = arith.constant 0 : i32
        %dma_start3A_444 = tpu.memref_slice %arg13[%dma_start3A_442, %dma_start3A_443] : memref<10000x128xf32, #tpu.memory_space<vmem_shared>> -> memref<10000x128xf32, #tpu.memory_space<vmem_shared>>
        tpu.enqueue_indirect_dma source(%arg11 : memref<125x128xf32, #tpu.memory_space<vmem>>) target(%dma_start3A_444 : memref<10000x128xf32, #tpu.memory_space<vmem_shared>>) offsets(%dma_start3A_441 : memref<125xi32, #tpu.memory_space<vmem>>) semaphore(%run_scoped3A_438 : memref<!tpu.dma_semaphore, #tpu.memory_space<semaphore_mem>>) {add = true}
        %dma_wait3A_445 = arith.constant 0 : i32
        %dma_wait3A_446 = tpu.memref_slice %arg10[%run_scoped3A_369, %dma_wait3A_445] : memref<8x125xi32, #tpu.memory_space<vmem>> -> memref<1x125xi32, #tpu.memory_space<vmem>>
        %dma_wait3A_447 = tpu.memref_squeeze %dma_wait3A_446 : memref<1x125xi32, #tpu.memory_space<vmem>> -> memref<125xi32, #tpu.memory_space<vmem>>
        %dma_wait3A_448 = arith.constant 0 : i32
        %dma_wait3A_449 = arith.constant 0 : i32
        %dma_wait3A_450 = tpu.memref_slice %arg13[%dma_wait3A_448, %dma_wait3A_449] : memref<10000x128xf32, #tpu.memory_space<vmem_shared>> -> memref<10000x128xf32, #tpu.memory_space<vmem_shared>>
        tpu.wait_indirect_dma semaphore(%run_scoped3A_438 : memref<!tpu.dma_semaphore, #tpu.memory_space<semaphore_mem>>) src(%arg11 : memref<125x128xf32, #tpu.memory_space<vmem>>) dst(%dma_wait3A_450 : memref<10000x128xf32, #tpu.memory_space<vmem_shared>>)
        tpu.yield
      }) : () -> ()
      %dma_start3A_370 = arith.constant 4 : i32
      %dma_start3A_371 = arith.constant 0 : i32
      %dma_start3A_372 = tpu.memref_slice %arg9[%dma_start3A_370, %dma_start3A_371] : memref<8x125xi32, #tpu.memory_space<vmem>> -> memref<1x125xi32, #tpu.memory_space<vmem>>
      %dma_start3A_373 = tpu.memref_squeeze %dma_start3A_372 : memref<1x125xi32, #tpu.memory_space<vmem>> -> memref<125xi32, #tpu.memory_space<vmem>>
      %dma_start3A_374 = arith.constant 0 : i32
      %dma_start3A_375 = arith.constant 0 : i32
      %dma_start3A_376 = tpu.memref_slice %arg2[%dma_start3A_374, %dma_start3A_375] : memref<10000x128xf32, #tpu.memory_space<hbm>> -> memref<10000x128xf32, #tpu.memory_space<hbm>>
      tpu.enqueue_indirect_dma source(%dma_start3A_376 : memref<10000x128xf32, #tpu.memory_space<hbm>>) target(%arg11 : memref<125x128xf32, #tpu.memory_space<vmem>>) offsets(%dma_start3A_373 : memref<125xi32, #tpu.memory_space<vmem>>) semaphore(%arg14 : memref<!tpu.dma_semaphore, #tpu.memory_space<semaphore_mem>>)
      %dma_wait3A_377 = arith.constant 3 : i32
      %dma_wait3A_378 = arith.constant 0 : i32
      %dma_wait3A_379 = tpu.memref_slice %arg9[%dma_wait3A_377, %dma_wait3A_378] : memref<8x125xi32, #tpu.memory_space<vmem>> -> memref<1x125xi32, #tpu.memory_space<vmem>>
      %dma_wait3A_380 = tpu.memref_squeeze %dma_wait3A_379 : memref<1x125xi32, #tpu.memory_space<vmem>> -> memref<125xi32, #tpu.memory_space<vmem>>
      %dma_wait3A_381 = arith.constant 0 : i32
      %dma_wait3A_382 = arith.constant 0 : i32
      %dma_wait3A_383 = tpu.memref_slice %arg2[%dma_wait3A_381, %dma_wait3A_382] : memref<10000x128xf32, #tpu.memory_space<hbm>> -> memref<10000x128xf32, #tpu.memory_space<hbm>>
      tpu.wait_indirect_dma semaphore(%arg15 : memref<!tpu.dma_semaphore, #tpu.memory_space<semaphore_mem>>) src(%dma_wait3A_383 : memref<10000x128xf32, #tpu.memory_space<hbm>>) dst(%arg12 : memref<125x128xf32, #tpu.memory_space<vmem>>)
      %run_scoped3A_384 = arith.constant 3 : i32
      "tpu.region"() ({
        %run_scoped3A_438 = tpu.sem_alloc : memref<!tpu.dma_semaphore, #tpu.memory_space<semaphore_mem>>
        %dma_start3A_439 = arith.constant 0 : i32
        %dma_start3A_440 = tpu.memref_slice %arg10[%run_scoped3A_384, %dma_start3A_439] : memref<8x125xi32, #tpu.memory_space<vmem>> -> memref<1x125xi32, #tpu.memory_space<vmem>>
        %dma_start3A_441 = tpu.memref_squeeze %dma_start3A_440 : memref<1x125xi32, #tpu.memory_space<vmem>> -> memref<125xi32, #tpu.memory_space<vmem>>
        %dma_start3A_442 = arith.constant 0 : i32
        %dma_start3A_443 = arith.constant 0 : i32
        %dma_start3A_444 = tpu.memref_slice %arg13[%dma_start3A_442, %dma_start3A_443] : memref<10000x128xf32, #tpu.memory_space<vmem_shared>> -> memref<10000x128xf32, #tpu.memory_space<vmem_shared>>
        tpu.enqueue_indirect_dma source(%arg12 : memref<125x128xf32, #tpu.memory_space<vmem>>) target(%dma_start3A_444 : memref<10000x128xf32, #tpu.memory_space<vmem_shared>>) offsets(%dma_start3A_441 : memref<125xi32, #tpu.memory_space<vmem>>) semaphore(%run_scoped3A_438 : memref<!tpu.dma_semaphore, #tpu.memory_space<semaphore_mem>>) {add = true}
        %dma_wait3A_445 = arith.constant 0 : i32
        %dma_wait3A_446 = tpu.memref_slice %arg10[%run_scoped3A_384, %dma_wait3A_445] : memref<8x125xi32, #tpu.memory_space<vmem>> -> memref<1x125xi32, #tpu.memory_space<vmem>>
        %dma_wait3A_447 = tpu.memref_squeeze %dma_wait3A_446 : memref<1x125xi32, #tpu.memory_space<vmem>> -> memref<125xi32, #tpu.memory_space<vmem>>
        %dma_wait3A_448 = arith.constant 0 : i32
        %dma_wait3A_449 = arith.constant 0 : i32
        %dma_wait3A_450 = tpu.memref_slice %arg13[%dma_wait3A_448, %dma_wait3A_449] : memref<10000x128xf32, #tpu.memory_space<vmem_shared>> -> memref<10000x128xf32, #tpu.memory_space<vmem_shared>>
        tpu.wait_indirect_dma semaphore(%run_scoped3A_438 : memref<!tpu.dma_semaphore, #tpu.memory_space<semaphore_mem>>) src(%arg12 : memref<125x128xf32, #tpu.memory_space<vmem>>) dst(%dma_wait3A_450 : memref<10000x128xf32, #tpu.memory_space<vmem_shared>>)
        tpu.yield
      }) : () -> ()
      %dma_start3A_385 = arith.constant 5 : i32
      %dma_start3A_386 = arith.constant 0 : i32
      %dma_start3A_387 = tpu.memref_slice %arg9[%dma_start3A_385, %dma_start3A_386] : memref<8x125xi32, #tpu.memory_space<vmem>> -> memref<1x125xi32, #tpu.memory_space<vmem>>
      %dma_start3A_388 = tpu.memref_squeeze %dma_start3A_387 : memref<1x125xi32, #tpu.memory_space<vmem>> -> memref<125xi32, #tpu.memory_space<vmem>>
      %dma_start3A_389 = arith.constant 0 : i32
      %dma_start3A_390 = arith.constant 0 : i32
      %dma_start3A_391 = tpu.memref_slice %arg2[%dma_start3A_389, %dma_start3A_390] : memref<10000x128xf32, #tpu.memory_space<hbm>> -> memref<10000x128xf32, #tpu.memory_space<hbm>>
      tpu.enqueue_indirect_dma source(%dma_start3A_391 : memref<10000x128xf32, #tpu.memory_space<hbm>>) target(%arg12 : memref<125x128xf32, #tpu.memory_space<vmem>>) offsets(%dma_start3A_388 : memref<125xi32, #tpu.memory_space<vmem>>) semaphore(%arg15 : memref<!tpu.dma_semaphore, #tpu.memory_space<semaphore_mem>>)
      %dma_wait3A_392 = arith.constant 4 : i32
      %dma_wait3A_393 = arith.constant 0 : i32
      %dma_wait3A_394 = tpu.memref_slice %arg9[%dma_wait3A_392, %dma_wait3A_393] : memref<8x125xi32, #tpu.memory_space<vmem>> -> memref<1x125xi32, #tpu.memory_space<vmem>>
      %dma_wait3A_395 = tpu.memref_squeeze %dma_wait3A_394 : memref<1x125xi32, #tpu.memory_space<vmem>> -> memref<125xi32, #tpu.memory_space<vmem>>
      %dma_wait3A_396 = arith.constant 0 : i32
      %dma_wait3A_397 = arith.constant 0 : i32
      %dma_wait3A_398 = tpu.memref_slice %arg2[%dma_wait3A_396, %dma_wait3A_397] : memref<10000x128xf32, #tpu.memory_space<hbm>> -> memref<10000x128xf32, #tpu.memory_space<hbm>>
      tpu.wait_indirect_dma semaphore(%arg14 : memref<!tpu.dma_semaphore, #tpu.memory_space<semaphore_mem>>) src(%dma_wait3A_398 : memref<10000x128xf32, #tpu.memory_space<hbm>>) dst(%arg11 : memref<125x128xf32, #tpu.memory_space<vmem>>)
      %run_scoped3A_399 = arith.constant 4 : i32
      "tpu.region"() ({
        %run_scoped3A_438 = tpu.sem_alloc : memref<!tpu.dma_semaphore, #tpu.memory_space<semaphore_mem>>
        %dma_start3A_439 = arith.constant 0 : i32
        %dma_start3A_440 = tpu.memref_slice %arg10[%run_scoped3A_399, %dma_start3A_439] : memref<8x125xi32, #tpu.memory_space<vmem>> -> memref<1x125xi32, #tpu.memory_space<vmem>>
        %dma_start3A_441 = tpu.memref_squeeze %dma_start3A_440 : memref<1x125xi32, #tpu.memory_space<vmem>> -> memref<125xi32, #tpu.memory_space<vmem>>
        %dma_start3A_442 = arith.constant 0 : i32
        %dma_start3A_443 = arith.constant 0 : i32
        %dma_start3A_444 = tpu.memref_slice %arg13[%dma_start3A_442, %dma_start3A_443] : memref<10000x128xf32, #tpu.memory_space<vmem_shared>> -> memref<10000x128xf32, #tpu.memory_space<vmem_shared>>
        tpu.enqueue_indirect_dma source(%arg11 : memref<125x128xf32, #tpu.memory_space<vmem>>) target(%dma_start3A_444 : memref<10000x128xf32, #tpu.memory_space<vmem_shared>>) offsets(%dma_start3A_441 : memref<125xi32, #tpu.memory_space<vmem>>) semaphore(%run_scoped3A_438 : memref<!tpu.dma_semaphore, #tpu.memory_space<semaphore_mem>>) {add = true}
        %dma_wait3A_445 = arith.constant 0 : i32
        %dma_wait3A_446 = tpu.memref_slice %arg10[%run_scoped3A_399, %dma_wait3A_445] : memref<8x125xi32, #tpu.memory_space<vmem>> -> memref<1x125xi32, #tpu.memory_space<vmem>>
        %dma_wait3A_447 = tpu.memref_squeeze %dma_wait3A_446 : memref<1x125xi32, #tpu.memory_space<vmem>> -> memref<125xi32, #tpu.memory_space<vmem>>
        %dma_wait3A_448 = arith.constant 0 : i32
        %dma_wait3A_449 = arith.constant 0 : i32
        %dma_wait3A_450 = tpu.memref_slice %arg13[%dma_wait3A_448, %dma_wait3A_449] : memref<10000x128xf32, #tpu.memory_space<vmem_shared>> -> memref<10000x128xf32, #tpu.memory_space<vmem_shared>>
        tpu.wait_indirect_dma semaphore(%run_scoped3A_438 : memref<!tpu.dma_semaphore, #tpu.memory_space<semaphore_mem>>) src(%arg11 : memref<125x128xf32, #tpu.memory_space<vmem>>) dst(%dma_wait3A_450 : memref<10000x128xf32, #tpu.memory_space<vmem_shared>>)
        tpu.yield
      }) : () -> ()
      %dma_start3A_400 = arith.constant 6 : i32
      %dma_start3A_401 = arith.constant 0 : i32
      %dma_start3A_402 = tpu.memref_slice %arg9[%dma_start3A_400, %dma_start3A_401] : memref<8x125xi32, #tpu.memory_space<vmem>> -> memref<1x125xi32, #tpu.memory_space<vmem>>
      %dma_start3A_403 = tpu.memref_squeeze %dma_start3A_402 : memref<1x125xi32, #tpu.memory_space<vmem>> -> memref<125xi32, #tpu.memory_space<vmem>>
      %dma_start3A_404 = arith.constant 0 : i32
      %dma_start3A_405 = arith.constant 0 : i32
      %dma_start3A_406 = tpu.memref_slice %arg2[%dma_start3A_404, %dma_start3A_405] : memref<10000x128xf32, #tpu.memory_space<hbm>> -> memref<10000x128xf32, #tpu.memory_space<hbm>>
      tpu.enqueue_indirect_dma source(%dma_start3A_406 : memref<10000x128xf32, #tpu.memory_space<hbm>>) target(%arg11 : memref<125x128xf32, #tpu.memory_space<vmem>>) offsets(%dma_start3A_403 : memref<125xi32, #tpu.memory_space<vmem>>) semaphore(%arg14 : memref<!tpu.dma_semaphore, #tpu.memory_space<semaphore_mem>>)
      %dma_wait3A_407 = arith.constant 5 : i32
      %dma_wait3A_408 = arith.constant 0 : i32
      %dma_wait3A_409 = tpu.memref_slice %arg9[%dma_wait3A_407, %dma_wait3A_408] : memref<8x125xi32, #tpu.memory_space<vmem>> -> memref<1x125xi32, #tpu.memory_space<vmem>>
      %dma_wait3A_410 = tpu.memref_squeeze %dma_wait3A_409 : memref<1x125xi32, #tpu.memory_space<vmem>> -> memref<125xi32, #tpu.memory_space<vmem>>
      %dma_wait3A_411 = arith.constant 0 : i32
      %dma_wait3A_412 = arith.constant 0 : i32
      %dma_wait3A_413 = tpu.memref_slice %arg2[%dma_wait3A_411, %dma_wait3A_412] : memref<10000x128xf32, #tpu.memory_space<hbm>> -> memref<10000x128xf32, #tpu.memory_space<hbm>>
      tpu.wait_indirect_dma semaphore(%arg15 : memref<!tpu.dma_semaphore, #tpu.memory_space<semaphore_mem>>) src(%dma_wait3A_413 : memref<10000x128xf32, #tpu.memory_space<hbm>>) dst(%arg12 : memref<125x128xf32, #tpu.memory_space<vmem>>)
      %run_scoped3A_414 = arith.constant 5 : i32
      "tpu.region"() ({
        %run_scoped3A_438 = tpu.sem_alloc : memref<!tpu.dma_semaphore, #tpu.memory_space<semaphore_mem>>
        %dma_start3A_439 = arith.constant 0 : i32
        %dma_start3A_440 = tpu.memref_slice %arg10[%run_scoped3A_414, %dma_start3A_439] : memref<8x125xi32, #tpu.memory_space<vmem>> -> memref<1x125xi32, #tpu.memory_space<vmem>>
        %dma_start3A_441 = tpu.memref_squeeze %dma_start3A_440 : memref<1x125xi32, #tpu.memory_space<vmem>> -> memref<125xi32, #tpu.memory_space<vmem>>
        %dma_start3A_442 = arith.constant 0 : i32
        %dma_start3A_443 = arith.constant 0 : i32
        %dma_start3A_444 = tpu.memref_slice %arg13[%dma_start3A_442, %dma_start3A_443] : memref<10000x128xf32, #tpu.memory_space<vmem_shared>> -> memref<10000x128xf32, #tpu.memory_space<vmem_shared>>
        tpu.enqueue_indirect_dma source(%arg12 : memref<125x128xf32, #tpu.memory_space<vmem>>) target(%dma_start3A_444 : memref<10000x128xf32, #tpu.memory_space<vmem_shared>>) offsets(%dma_start3A_441 : memref<125xi32, #tpu.memory_space<vmem>>) semaphore(%run_scoped3A_438 : memref<!tpu.dma_semaphore, #tpu.memory_space<semaphore_mem>>) {add = true}
        %dma_wait3A_445 = arith.constant 0 : i32
        %dma_wait3A_446 = tpu.memref_slice %arg10[%run_scoped3A_414, %dma_wait3A_445] : memref<8x125xi32, #tpu.memory_space<vmem>> -> memref<1x125xi32, #tpu.memory_space<vmem>>
        %dma_wait3A_447 = tpu.memref_squeeze %dma_wait3A_446 : memref<1x125xi32, #tpu.memory_space<vmem>> -> memref<125xi32, #tpu.memory_space<vmem>>
        %dma_wait3A_448 = arith.constant 0 : i32
        %dma_wait3A_449 = arith.constant 0 : i32
        %dma_wait3A_450 = tpu.memref_slice %arg13[%dma_wait3A_448, %dma_wait3A_449] : memref<10000x128xf32, #tpu.memory_space<vmem_shared>> -> memref<10000x128xf32, #tpu.memory_space<vmem_shared>>
        tpu.wait_indirect_dma semaphore(%run_scoped3A_438 : memref<!tpu.dma_semaphore, #tpu.memory_space<semaphore_mem>>) src(%arg12 : memref<125x128xf32, #tpu.memory_space<vmem>>) dst(%dma_wait3A_450 : memref<10000x128xf32, #tpu.memory_space<vmem_shared>>)
        tpu.yield
      }) : () -> ()
      %dma_start3A_415 = arith.constant 7 : i32
      %dma_start3A_416 = arith.constant 0 : i32
      %dma_start3A_417 = tpu.memref_slice %arg9[%dma_start3A_415, %dma_start3A_416] : memref<8x125xi32, #tpu.memory_space<vmem>> -> memref<1x125xi32, #tpu.memory_space<vmem>>
      %dma_start3A_418 = tpu.memref_squeeze %dma_start3A_417 : memref<1x125xi32, #tpu.memory_space<vmem>> -> memref<125xi32, #tpu.memory_space<vmem>>
      %dma_start3A_419 = arith.constant 0 : i32
      %dma_start3A_420 = arith.constant 0 : i32
      %dma_start3A_421 = tpu.memref_slice %arg2[%dma_start3A_419, %dma_start3A_420] : memref<10000x128xf32, #tpu.memory_space<hbm>> -> memref<10000x128xf32, #tpu.memory_space<hbm>>
      tpu.enqueue_indirect_dma source(%dma_start3A_421 : memref<10000x128xf32, #tpu.memory_space<hbm>>) target(%arg12 : memref<125x128xf32, #tpu.memory_space<vmem>>) offsets(%dma_start3A_418 : memref<125xi32, #tpu.memory_space<vmem>>) semaphore(%arg15 : memref<!tpu.dma_semaphore, #tpu.memory_space<semaphore_mem>>)
      %dma_wait3A_422 = arith.constant 6 : i32
      %dma_wait3A_423 = arith.constant 0 : i32
      %dma_wait3A_424 = tpu.memref_slice %arg9[%dma_wait3A_422, %dma_wait3A_423] : memref<8x125xi32, #tpu.memory_space<vmem>> -> memref<1x125xi32, #tpu.memory_space<vmem>>
      %dma_wait3A_425 = tpu.memref_squeeze %dma_wait3A_424 : memref<1x125xi32, #tpu.memory_space<vmem>> -> memref<125xi32, #tpu.memory_space<vmem>>
      %dma_wait3A_426 = arith.constant 0 : i32
      %dma_wait3A_427 = arith.constant 0 : i32
      %dma_wait3A_428 = tpu.memref_slice %arg2[%dma_wait3A_426, %dma_wait3A_427] : memref<10000x128xf32, #tpu.memory_space<hbm>> -> memref<10000x128xf32, #tpu.memory_space<hbm>>
      tpu.wait_indirect_dma semaphore(%arg14 : memref<!tpu.dma_semaphore, #tpu.memory_space<semaphore_mem>>) src(%dma_wait3A_428 : memref<10000x128xf32, #tpu.memory_space<hbm>>) dst(%arg11 : memref<125x128xf32, #tpu.memory_space<vmem>>)
      %run_scoped3A_429 = arith.constant 6 : i32
      "tpu.region"() ({
        %run_scoped3A_438 = tpu.sem_alloc : memref<!tpu.dma_semaphore, #tpu.memory_space<semaphore_mem>>
        %dma_start3A_439 = arith.constant 0 : i32
        %dma_start3A_440 = tpu.memref_slice %arg10[%run_scoped3A_429, %dma_start3A_439] : memref<8x125xi32, #tpu.memory_space<vmem>> -> memref<1x125xi32, #tpu.memory_space<vmem>>
        %dma_start3A_441 = tpu.memref_squeeze %dma_start3A_440 : memref<1x125xi32, #tpu.memory_space<vmem>> -> memref<125xi32, #tpu.memory_space<vmem>>
        %dma_start3A_442 = arith.constant 0 : i32
        %dma_start3A_443 = arith.constant 0 : i32
        %dma_start3A_444 = tpu.memref_slice %arg13[%dma_start3A_442, %dma_start3A_443] : memref<10000x128xf32, #tpu.memory_space<vmem_shared>> -> memref<10000x128xf32, #tpu.memory_space<vmem_shared>>
        tpu.enqueue_indirect_dma source(%arg11 : memref<125x128xf32, #tpu.memory_space<vmem>>) target(%dma_start3A_444 : memref<10000x128xf32, #tpu.memory_space<vmem_shared>>) offsets(%dma_start3A_441 : memref<125xi32, #tpu.memory_space<vmem>>) semaphore(%run_scoped3A_438 : memref<!tpu.dma_semaphore, #tpu.memory_space<semaphore_mem>>) {add = true}
        %dma_wait3A_445 = arith.constant 0 : i32
        %dma_wait3A_446 = tpu.memref_slice %arg10[%run_scoped3A_429, %dma_wait3A_445] : memref<8x125xi32, #tpu.memory_space<vmem>> -> memref<1x125xi32, #tpu.memory_space<vmem>>
        %dma_wait3A_447 = tpu.memref_squeeze %dma_wait3A_446 : memref<1x125xi32, #tpu.memory_space<vmem>> -> memref<125xi32, #tpu.memory_space<vmem>>
        %dma_wait3A_448 = arith.constant 0 : i32
        %dma_wait3A_449 = arith.constant 0 : i32
        %dma_wait3A_450 = tpu.memref_slice %arg13[%dma_wait3A_448, %dma_wait3A_449] : memref<10000x128xf32, #tpu.memory_space<vmem_shared>> -> memref<10000x128xf32, #tpu.memory_space<vmem_shared>>
        tpu.wait_indirect_dma semaphore(%run_scoped3A_438 : memref<!tpu.dma_semaphore, #tpu.memory_space<semaphore_mem>>) src(%arg11 : memref<125x128xf32, #tpu.memory_space<vmem>>) dst(%dma_wait3A_450 : memref<10000x128xf32, #tpu.memory_space<vmem_shared>>)
        tpu.yield
      }) : () -> ()
      %dma_wait3A_430 = arith.constant 7 : i32
      %dma_wait3A_431 = arith.constant 0 : i32
      %dma_wait3A_432 = tpu.memref_slice %arg9[%dma_wait3A_430, %dma_wait3A_431] : memref<8x125xi32, #tpu.memory_space<vmem>> -> memref<1x125xi32, #tpu.memory_space<vmem>>
      %dma_wait3A_433 = tpu.memref_squeeze %dma_wait3A_432 : memref<1x125xi32, #tpu.memory_space<vmem>> -> memref<125xi32, #tpu.memory_space<vmem>>
      %dma_wait3A_434 = arith.constant 0 : i32
      %dma_wait3A_435 = arith.constant 0 : i32
      %dma_wait3A_436 = tpu.memref_slice %arg2[%dma_wait3A_434, %dma_wait3A_435] : memref<10000x128xf32, #tpu.memory_space<hbm>> -> memref<10000x128xf32, #tpu.memory_space<hbm>>
      tpu.wait_indirect_dma semaphore(%arg15 : memref<!tpu.dma_semaphore, #tpu.memory_space<semaphore_mem>>) src(%dma_wait3A_436 : memref<10000x128xf32, #tpu.memory_space<hbm>>) dst(%arg12 : memref<125x128xf32, #tpu.memory_space<vmem>>)
      %run_scoped3A_437 = arith.constant 7 : i32
      "tpu.region"() ({
        %run_scoped3A_438 = tpu.sem_alloc : memref<!tpu.dma_semaphore, #tpu.memory_space<semaphore_mem>>
        %dma_start3A_439 = arith.constant 0 : i32
        %dma_start3A_440 = tpu.memref_slice %arg10[%run_scoped3A_437, %dma_start3A_439] : memref<8x125xi32, #tpu.memory_space<vmem>> -> memref<1x125xi32, #tpu.memory_space<vmem>>
        %dma_start3A_441 = tpu.memref_squeeze %dma_start3A_440 : memref<1x125xi32, #tpu.memory_space<vmem>> -> memref<125xi32, #tpu.memory_space<vmem>>
        %dma_start3A_442 = arith.constant 0 : i32
        %dma_start3A_443 = arith.constant 0 : i32
        %dma_start3A_444 = tpu.memref_slice %arg13[%dma_start3A_442, %dma_start3A_443] : memref<10000x128xf32, #tpu.memory_space<vmem_shared>> -> memref<10000x128xf32, #tpu.memory_space<vmem_shared>>
        tpu.enqueue_indirect_dma source(%arg12 : memref<125x128xf32, #tpu.memory_space<vmem>>) target(%dma_start3A_444 : memref<10000x128xf32, #tpu.memory_space<vmem_shared>>) offsets(%dma_start3A_441 : memref<125xi32, #tpu.memory_space<vmem>>) semaphore(%run_scoped3A_438 : memref<!tpu.dma_semaphore, #tpu.memory_space<semaphore_mem>>) {add = true}
        %dma_wait3A_445 = arith.constant 0 : i32
        %dma_wait3A_446 = tpu.memref_slice %arg10[%run_scoped3A_437, %dma_wait3A_445] : memref<8x125xi32, #tpu.memory_space<vmem>> -> memref<1x125xi32, #tpu.memory_space<vmem>>
        %dma_wait3A_447 = tpu.memref_squeeze %dma_wait3A_446 : memref<1x125xi32, #tpu.memory_space<vmem>> -> memref<125xi32, #tpu.memory_space<vmem>>
        %dma_wait3A_448 = arith.constant 0 : i32
        %dma_wait3A_449 = arith.constant 0 : i32
        %dma_wait3A_450 = tpu.memref_slice %arg13[%dma_wait3A_448, %dma_wait3A_449] : memref<10000x128xf32, #tpu.memory_space<vmem_shared>> -> memref<10000x128xf32, #tpu.memory_space<vmem_shared>>
        tpu.wait_indirect_dma semaphore(%run_scoped3A_438 : memref<!tpu.dma_semaphore, #tpu.memory_space<semaphore_mem>>) src(%arg12 : memref<125x128xf32, #tpu.memory_space<vmem>>) dst(%dma_wait3A_450 : memref<10000x128xf32, #tpu.memory_space<vmem_shared>>)
        tpu.yield
      }) : () -> ()
    }
    %scan3A_38 = arith.constant 5 : i32
    %dma_wait3A = arith.constant 0 : i32
    %dma_wait3A_39 = arith.constant 0 : i32
    %dma_wait3A_40 = tpu.memref_slice %arg3[%add3A, %dma_wait3A, %dma_wait3A_39] : memref<32x80x125xi32, #tpu.memory_space<hbm>> -> memref<1x80x125xi32, #tpu.memory_space<hbm>>
    %dma_wait3A_41 = tpu.memref_squeeze %dma_wait3A_40 : memref<1x80x125xi32, #tpu.memory_space<hbm>> -> memref<80x125xi32, #tpu.memory_space<hbm>>
    %dma_wait3A_42 = arith.constant 72 : i32
    %dma_wait3A_43 = arith.constant 0 : i32
    %dma_wait3A_44 = tpu.memref_slice %dma_wait3A_41[%dma_wait3A_42, %dma_wait3A_43] : memref<80x125xi32, #tpu.memory_space<hbm>> -> memref<8x125xi32, #tpu.memory_space<hbm>>
    %dma_wait3A_45 = arith.constant 0 : i32
    %dma_wait3A_46 = arith.constant 0 : i32
    %dma_wait3A_47 = tpu.memref_slice %arg3[%add3A, %dma_wait3A_45, %dma_wait3A_46] : memref<32x80x125xi32, #tpu.memory_space<hbm>> -> memref<1x80x125xi32, #tpu.memory_space<hbm>>
    %dma_wait3A_48 = tpu.memref_squeeze %dma_wait3A_47 : memref<1x80x125xi32, #tpu.memory_space<hbm>> -> memref<80x125xi32, #tpu.memory_space<hbm>>
    %dma_wait3A_49 = arith.constant 72 : i32
    %dma_wait3A_50 = arith.constant 0 : i32
    %dma_wait3A_51 = tpu.memref_slice %dma_wait3A_48[%dma_wait3A_49, %dma_wait3A_50] : memref<80x125xi32, #tpu.memory_space<hbm>> -> memref<8x125xi32, #tpu.memory_space<hbm>>
    tpu.wait_dma2 semaphore(%arg16 : memref<!tpu.dma_semaphore, #tpu.memory_space<semaphore_mem>>) src(%dma_wait3A_51 : memref<8x125xi32, #tpu.memory_space<hbm>>) dst(%arg7 : memref<8x125xi32, #tpu.memory_space<vmem>>)
    %dma_wait3A_52 = arith.constant 0 : i32
    %dma_wait3A_53 = arith.constant 0 : i32
    %dma_wait3A_54 = tpu.memref_slice %arg4[%add3A, %dma_wait3A_52, %dma_wait3A_53] : memref<32x80x125xi32, #tpu.memory_space<hbm>> -> memref<1x80x125xi32, #tpu.memory_space<hbm>>
    %dma_wait3A_55 = tpu.memref_squeeze %dma_wait3A_54 : memref<1x80x125xi32, #tpu.memory_space<hbm>> -> memref<80x125xi32, #tpu.memory_space<hbm>>
    %dma_wait3A_56 = arith.constant 72 : i32
    %dma_wait3A_57 = arith.constant 0 : i32
    %dma_wait3A_58 = tpu.memref_slice %dma_wait3A_55[%dma_wait3A_56, %dma_wait3A_57] : memref<80x125xi32, #tpu.memory_space<hbm>> -> memref<8x125xi32, #tpu.memory_space<hbm>>
    %dma_wait3A_59 = arith.constant 0 : i32
    %dma_wait3A_60 = arith.constant 0 : i32
    %dma_wait3A_61 = tpu.memref_slice %arg4[%add3A, %dma_wait3A_59, %dma_wait3A_60] : memref<32x80x125xi32, #tpu.memory_space<hbm>> -> memref<1x80x125xi32, #tpu.memory_space<hbm>>
    %dma_wait3A_62 = tpu.memref_squeeze %dma_wait3A_61 : memref<1x80x125xi32, #tpu.memory_space<hbm>> -> memref<80x125xi32, #tpu.memory_space<hbm>>
    %dma_wait3A_63 = arith.constant 72 : i32
    %dma_wait3A_64 = arith.constant 0 : i32
    %dma_wait3A_65 = tpu.memref_slice %dma_wait3A_62[%dma_wait3A_63, %dma_wait3A_64] : memref<80x125xi32, #tpu.memory_space<hbm>> -> memref<8x125xi32, #tpu.memory_space<hbm>>
    tpu.wait_dma2 semaphore(%arg16 : memref<!tpu.dma_semaphore, #tpu.memory_space<semaphore_mem>>) src(%dma_wait3A_65 : memref<8x125xi32, #tpu.memory_space<hbm>>) dst(%arg8 : memref<8x125xi32, #tpu.memory_space<vmem>>)
    %barrier3A_66 = arith.constant 0 : index
    tpu.barrier barrier_id(%barrier3A_66)
    %lt3A_67 = arith.constant 15 : i32
    %lt3A_68 = arith.cmpi slt, %arg1, %lt3A_67 : i32
    %convert_element_type3A_69 = arith.extui %lt3A_68 : i1 to i32
    %cond3A_70 = arith.constant 0 : i32
    %cond3A_71 = arith.cmpi ne, %convert_element_type3A_69, %cond3A_70 : i32
    scf.if %cond3A_71 {
      %mul3A_77 = arith.constant 632 : i32
      %mul3A_78 = arith.muli %arg1, %mul3A_77 : i32
      "tpu.region"() ({
        %run_scoped3A = tpu.sem_alloc : memref<!tpu.dma_semaphore, #tpu.memory_space<semaphore_mem>>
        %dma_start3A_79 = arith.constant 0 : i32
        %dma_start3A_80 = arith.constant 0 : i32
        %dma_start3A_81 = tpu.memref_slice %arg6[%arg0, %dma_start3A_79, %dma_start3A_80] : memref<2x10000x128xf32, #tpu.memory_space<hbm>> -> memref<1x10000x128xf32, #tpu.memory_space<hbm>>
        %dma_start3A_82 = tpu.memref_squeeze %dma_start3A_81 : memref<1x10000x128xf32, #tpu.memory_space<hbm>> -> memref<10000x128xf32, #tpu.memory_space<hbm>>
        %dma_start3A_83 = arith.constant 0 : i32
        %dma_start3A_84 = tpu.memref_slice %dma_start3A_82[%mul3A_78, %dma_start3A_83] : memref<10000x128xf32, #tpu.memory_space<hbm>> -> memref<632x128xf32, #tpu.memory_space<hbm>>
        %dma_start3A_85 = arith.constant 0 : i32
        %dma_start3A_86 = tpu.memref_slice %arg13[%mul3A_78, %dma_start3A_85] : memref<10000x128xf32, #tpu.memory_space<vmem_shared>> -> memref<632x128xf32, #tpu.memory_space<vmem_shared>>
        tpu.enqueue_dma source(%dma_start3A_86 : memref<632x128xf32, #tpu.memory_space<vmem_shared>>) target(%dma_start3A_84 : memref<632x128xf32, #tpu.memory_space<hbm>>) target_semaphore(%run_scoped3A : memref<!tpu.dma_semaphore, #tpu.memory_space<semaphore_mem>>)
        %dma_wait3A_87 = arith.constant 0 : i32
        %dma_wait3A_88 = arith.constant 0 : i32
        %dma_wait3A_89 = tpu.memref_slice %arg6[%arg0, %dma_wait3A_87, %dma_wait3A_88] : memref<2x10000x128xf32, #tpu.memory_space<hbm>> -> memref<1x10000x128xf32, #tpu.memory_space<hbm>>
        %dma_wait3A_90 = tpu.memref_squeeze %dma_wait3A_89 : memref<1x10000x128xf32, #tpu.memory_space<hbm>> -> memref<10000x128xf32, #tpu.memory_space<hbm>>
        %dma_wait3A_91 = arith.constant 0 : i32
        %dma_wait3A_92 = tpu.memref_slice %dma_wait3A_90[%mul3A_78, %dma_wait3A_91] : memref<10000x128xf32, #tpu.memory_space<hbm>> -> memref<632x128xf32, #tpu.memory_space<hbm>>
        %dma_wait3A_93 = arith.constant 0 : i32
        %dma_wait3A_94 = tpu.memref_slice %arg13[%mul3A_78, %dma_wait3A_93] : memref<10000x128xf32, #tpu.memory_space<vmem_shared>> -> memref<632x128xf32, #tpu.memory_space<vmem_shared>>
        tpu.wait_dma2 semaphore(%run_scoped3A : memref<!tpu.dma_semaphore, #tpu.memory_space<semaphore_mem>>) src(%dma_wait3A_94 : memref<632x128xf32, #tpu.memory_space<vmem_shared>>) dst(%dma_wait3A_92 : memref<632x128xf32, #tpu.memory_space<hbm>>)
        tpu.yield
      }) : () -> ()
    } else {
    }
    %eq3A_72 = arith.constant 15 : i32
    %eq3A_73 = arith.cmpi eq, %arg1, %eq3A_72 : i32
    %convert_element_type3A_74 = arith.extui %eq3A_73 : i1 to i32
    %cond3A_75 = arith.constant 0 : i32
    %cond3A_76 = arith.cmpi ne, %convert_element_type3A_74, %cond3A_75 : i32
    scf.if %cond3A_76 {
      "tpu.region"() ({
        %run_scoped3A = tpu.sem_alloc : memref<!tpu.dma_semaphore, #tpu.memory_space<semaphore_mem>>
        %dma_start3A_77 = arith.constant 0 : i32
        %dma_start3A_78 = arith.constant 0 : i32
        %dma_start3A_79 = tpu.memref_slice %arg6[%arg0, %dma_start3A_77, %dma_start3A_78] : memref<2x10000x128xf32, #tpu.memory_space<hbm>> -> memref<1x10000x128xf32, #tpu.memory_space<hbm>>
        %dma_start3A_80 = tpu.memref_squeeze %dma_start3A_79 : memref<1x10000x128xf32, #tpu.memory_space<hbm>> -> memref<10000x128xf32, #tpu.memory_space<hbm>>
        %dma_start3A_81 = arith.constant 9480 : i32
        %dma_start3A_82 = arith.constant 0 : i32
        %dma_start3A_83 = tpu.memref_slice %dma_start3A_80[%dma_start3A_81, %dma_start3A_82] : memref<10000x128xf32, #tpu.memory_space<hbm>> -> memref<520x128xf32, #tpu.memory_space<hbm>>
        %dma_start3A_84 = arith.constant 9480 : i32
        %dma_start3A_85 = arith.constant 0 : i32
        %dma_start3A_86 = tpu.memref_slice %arg13[%dma_start3A_84, %dma_start3A_85] : memref<10000x128xf32, #tpu.memory_space<vmem_shared>> -> memref<520x128xf32, #tpu.memory_space<vmem_shared>>
        tpu.enqueue_dma source(%dma_start3A_86 : memref<520x128xf32, #tpu.memory_space<vmem_shared>>) target(%dma_start3A_83 : memref<520x128xf32, #tpu.memory_space<hbm>>) target_semaphore(%run_scoped3A : memref<!tpu.dma_semaphore, #tpu.memory_space<semaphore_mem>>)
        %dma_wait3A_87 = arith.constant 0 : i32
        %dma_wait3A_88 = arith.constant 0 : i32
        %dma_wait3A_89 = tpu.memref_slice %arg6[%arg0, %dma_wait3A_87, %dma_wait3A_88] : memref<2x10000x128xf32, #tpu.memory_space<hbm>> -> memref<1x10000x128xf32, #tpu.memory_space<hbm>>
        %dma_wait3A_90 = tpu.memref_squeeze %dma_wait3A_89 : memref<1x10000x128xf32, #tpu.memory_space<hbm>> -> memref<10000x128xf32, #tpu.memory_space<hbm>>
        %dma_wait3A_91 = arith.constant 9480 : i32
        %dma_wait3A_92 = arith.constant 0 : i32
        %dma_wait3A_93 = tpu.memref_slice %dma_wait3A_90[%dma_wait3A_91, %dma_wait3A_92] : memref<10000x128xf32, #tpu.memory_space<hbm>> -> memref<520x128xf32, #tpu.memory_space<hbm>>
        %dma_wait3A_94 = arith.constant 9480 : i32
        %dma_wait3A_95 = arith.constant 0 : i32
        %dma_wait3A_96 = tpu.memref_slice %arg13[%dma_wait3A_94, %dma_wait3A_95] : memref<10000x128xf32, #tpu.memory_space<vmem_shared>> -> memref<520x128xf32, #tpu.memory_space<vmem_shared>>
        tpu.wait_dma2 semaphore(%run_scoped3A : memref<!tpu.dma_semaphore, #tpu.memory_space<semaphore_mem>>) src(%dma_wait3A_96 : memref<520x128xf32, #tpu.memory_space<vmem_shared>>) dst(%dma_wait3A_93 : memref<520x128xf32, #tpu.memory_space<hbm>>)
        tpu.yield
      }) : () -> ()
    } else {
    }
    return
  }
}

module attributes {stable_mosaic.version = 14 : i64} {
  func.func @body(%arg0: i32, %arg1: memref<2000x128xf32, #tpu.memory_space<vmem>>, %arg2: memref<2x2000x8xf32, #tpu.memory_space<vmem>>, %arg3: memref<128x128xf32, #tpu.memory_space<vmem>>, %arg4: memref<2000x128xf32, #tpu.memory_space<vmem>>, %arg5: memref<2000x8xf32, #tpu.memory_space<vmem>>) attributes {dimension_semantics = [#tpu.dimension_semantics<arbitrary>], iteration_bounds = array<i64: 5>, scalar_prefetch = 0 : i64, scratch_operands = 0 : i64, tpu.core_type = #tpu.core_type<tc>, window_params = [{transform_indices = @transform_0, window_bounds = array<i64: 2000, 128>}, {transform_indices = @transform_1, window_bounds = array<i64: 2, 2000, 8>}, {pipeline_mode = #tpu.pipeline_mode<synchronous>, transform_indices = @transform_2, window_bounds = array<i64: 128, 128>}, {transform_indices = @transform_3, window_bounds = array<i64: 2000, 128>}, {transform_indices = @transform_4, window_bounds = array<i64: 2000, 8>}]} {
    %get3A = arith.constant 0 : index
    %get3A_0 = arith.constant 0 : index
    %get3A_1 = arith.constant 0 : index
    %get3A_2 = vector.load %arg2[%get3A, %get3A_0, %get3A_1] : memref<2x2000x8xf32, #tpu.memory_space<vmem>>, vector<1x2000x8xf32>
    %get3A_3 = vector.shape_cast %get3A_2 : vector<1x2000x8xf32> to vector<2000x8xf32>
    %get3A_4 = arith.constant 1 : index
    %get3A_5 = arith.constant 0 : index
    %get3A_6 = arith.constant 0 : index
    %get3A_7 = vector.load %arg2[%get3A_4, %get3A_5, %get3A_6] : memref<2x2000x8xf32, #tpu.memory_space<vmem>>, vector<1x2000x8xf32>
    %get3A_8 = vector.shape_cast %get3A_7 : vector<1x2000x8xf32> to vector<2000x8xf32>
    %add3A = arith.addf %get3A_3, %get3A_8 : vector<2000x8xf32>
    %add3A_9 = arith.constant 1.000000e+00 : f32
    %add3A_10 = vector.broadcast %add3A_9 : f32 to vector<2000x8xf32>
    %add3A_11 = arith.addf %add3A, %add3A_10 : vector<2000x8xf32>
    %rsqrt3A = math.rsqrt %add3A_11 : vector<2000x8xf32>
    %get3A_12 = arith.constant 0 : index
    %get3A_13 = arith.constant 0 : index
    %get3A_14 = vector.load %arg1[%get3A_12, %get3A_13] : memref<2000x128xf32, #tpu.memory_space<vmem>>, vector<2000x128xf32>
    %get3A_15 = arith.constant 0 : index
    %get3A_16 = arith.constant 0 : index
    %get3A_17 = vector.load %arg3[%get3A_15, %get3A_16] : memref<128x128xf32, #tpu.memory_space<vmem>>, vector<128x128xf32>
    %dot_general3A = arith.constant dense<0.000000e+00> : vector<2000x128xf32>
    %dot_general3A_18 = tpu.matmul %get3A_14, %get3A_17, %dot_general3A {dimension_numbers = #tpu.dot_dimension_numbers<[1], [0], [0], [1], [0, 0, 1, 1], [], []>, precision = #tpu.contract_precision<fp32>, transpose_lhs_hint = false} : vector<2000x128xf32>, vector<128x128xf32>, vector<2000x128xf32> -> vector<2000x128xf32>
    %slice3A = vector.extract_strided_slice %rsqrt3A {offsets = [0, 0], sizes = [2000, 1], strides = [1, 1]} : vector<2000x8xf32> to vector<2000x1xf32>
    %mul3A = vector.broadcast %slice3A : vector<2000x1xf32> to vector<2000x128xf32>
    %mul3A_19 = arith.mulf %dot_general3A_18, %mul3A : vector<2000x128xf32>
    %swap3A = arith.constant 0 : index
    %swap3A_20 = arith.constant 0 : index
    %swap3A_21 = vector.load %arg4[%swap3A, %swap3A_20] : memref<2000x128xf32, #tpu.memory_space<vmem>>, vector<2000x128xf32>
    tpu.vector_store %arg4[%swap3A, %swap3A_20], %mul3A_19 {strides = array<i32>} : memref<2000x128xf32, #tpu.memory_space<vmem>>, vector<2000x128xf32>,
    %swap3A_22 = arith.constant 0 : index
    %swap3A_23 = arith.constant 0 : index
    %swap3A_24 = vector.load %arg5[%swap3A_22, %swap3A_23] : memref<2000x8xf32, #tpu.memory_space<vmem>>, vector<2000x8xf32>
    tpu.vector_store %arg5[%swap3A_22, %swap3A_23], %rsqrt3A {strides = array<i32>} : memref<2000x8xf32, #tpu.memory_space<vmem>>, vector<2000x8xf32>,
    return
  }
  func.func @transform_0(%arg0: i32) -> (i32, i32) {
    %c0_i32 = arith.constant 0 : i32
    %c0_i32_0 = arith.constant 0 : i32
    return %arg0, %c0_i32 : i32, i32
  }
  func.func @transform_1(%arg0: i32) -> (i32, i32, i32) {
    %c0_i32 = arith.constant 0 : i32
    %c0_i32_0 = arith.constant 0 : i32
    %c0_i32_1 = arith.constant 0 : i32
    return %c0_i32, %arg0, %c0_i32_0 : i32, i32, i32
  }
  func.func @transform_2(%arg0: i32) -> (i32, i32) {
    %c0_i32 = arith.constant 0 : i32
    %c0_i32_0 = arith.constant 0 : i32
    %c0_i32_1 = arith.constant 0 : i32
    return %c0_i32, %c0_i32_0 : i32, i32
  }
  func.func @transform_3(%arg0: i32) -> (i32, i32) {
    %c0_i32 = arith.constant 0 : i32
    %c0_i32_0 = arith.constant 0 : i32
    return %arg0, %c0_i32 : i32, i32
  }
  func.func @transform_4(%arg0: i32) -> (i32, i32) {
    %c0_i32 = arith.constant 0 : i32
    %c0_i32_0 = arith.constant 0 : i32
    return %arg0, %c0_i32 : i32, i32
  }
}

module attributes {stable_mosaic.version = 14 : i64} {
  func.func @body(%arg0: i32, %arg1: memref<2x2000x128xf32, #tpu.memory_space<vmem>>, %arg2: memref<2000x128xf32, #tpu.memory_space<vmem>>, %arg3: memref<2000x8xf32, #tpu.memory_space<vmem>>, %arg4: memref<1x128xf32, #tpu.memory_space<vmem>>, %arg5: memref<2000x128xf32, #tpu.memory_space<vmem>>, %arg6: memref<8x128xf32, #tpu.memory_space<vmem>>) attributes {dimension_semantics = [#tpu.dimension_semantics<arbitrary>], iteration_bounds = array<i64: 5>, scalar_prefetch = 0 : i64, scratch_operands = 0 : i64, tpu.core_type = #tpu.core_type<tc>, window_params = [{transform_indices = @transform_0, window_bounds = array<i64: 2, 2000, 128>}, {transform_indices = @transform_1, window_bounds = array<i64: 2000, 128>}, {transform_indices = @transform_2, window_bounds = array<i64: 2000, 8>}, {pipeline_mode = #tpu.pipeline_mode<synchronous>, transform_indices = @transform_3, window_bounds = array<i64: 1, 128>}, {transform_indices = @transform_4, window_bounds = array<i64: 2000, 128>}, {pipeline_mode = #tpu.pipeline_mode<synchronous>, transform_indices = @transform_5, window_bounds = array<i64: 8, 128>}]} {
    %get3A = arith.constant 0 : index
    %get3A_0 = arith.constant 0 : index
    %get3A_1 = arith.constant 0 : index
    %get3A_2 = vector.load %arg1[%get3A, %get3A_0, %get3A_1] : memref<2x2000x128xf32, #tpu.memory_space<vmem>>, vector<1x2000x128xf32>
    %get3A_3 = vector.shape_cast %get3A_2 : vector<1x2000x128xf32> to vector<2000x128xf32>
    %get3A_4 = arith.constant 1 : index
    %get3A_5 = arith.constant 0 : index
    %get3A_6 = arith.constant 0 : index
    %get3A_7 = vector.load %arg1[%get3A_4, %get3A_5, %get3A_6] : memref<2x2000x128xf32, #tpu.memory_space<vmem>>, vector<1x2000x128xf32>
    %get3A_8 = vector.shape_cast %get3A_7 : vector<1x2000x128xf32> to vector<2000x128xf32>
    %add3A = arith.addf %get3A_3, %get3A_8 : vector<2000x128xf32>
    %get3A_9 = arith.constant 0 : index
    %get3A_10 = arith.constant 0 : index
    %get3A_11 = vector.load %arg2[%get3A_9, %get3A_10] : memref<2000x128xf32, #tpu.memory_space<vmem>>, vector<2000x128xf32>
    %add3A_12 = arith.addf %add3A, %get3A_11 : vector<2000x128xf32>
    %get3A_13 = arith.constant 0 : index
    %get3A_14 = arith.constant 0 : index
    %get3A_15 = vector.load %arg3[%get3A_13, %get3A_14] : memref<2000x8xf32, #tpu.memory_space<vmem>>, vector<2000x1xf32>
    %mul3A = vector.broadcast %get3A_15 : vector<2000x1xf32> to vector<2000x128xf32>
    %mul3A_16 = arith.mulf %mul3A, %add3A_12 : vector<2000x128xf32>
    %get3A_17 = arith.constant 0 : index
    %get3A_18 = arith.constant 0 : index
    %get3A_19 = vector.load %arg4[%get3A_17, %get3A_18] : memref<1x128xf32, #tpu.memory_space<vmem>>, vector<1x128xf32>
    %add3A_20 = vector.broadcast %get3A_19 : vector<1x128xf32> to vector<2000x128xf32>
    %add3A_21 = arith.addf %mul3A_16, %add3A_20 : vector<2000x128xf32>
    %swap3A = arith.constant 0 : index
    %swap3A_22 = arith.constant 0 : index
    %swap3A_23 = vector.load %arg5[%swap3A, %swap3A_22] : memref<2000x128xf32, #tpu.memory_space<vmem>>, vector<2000x128xf32>
    tpu.vector_store %arg5[%swap3A, %swap3A_22], %add3A_21 {strides = array<i32>} : memref<2000x128xf32, #tpu.memory_space<vmem>>, vector<2000x128xf32>,
    %reduce_sum3A = arith.constant dense<0.000000e+00> : vector<128xf32>
    %reduce_sum3A_24 = vector.multi_reduction <add>, %add3A_21, %reduce_sum3A [0] : vector<2000x128xf32> to vector<128xf32>
    %broadcast_in_dim3A = vector.shape_cast %reduce_sum3A_24 : vector<128xf32> to vector<1x128xf32>
    %mul3A_25 = arith.mulf %add3A_21, %add3A_21 : vector<2000x128xf32>
    %reduce_sum3A_26 = arith.constant dense<0.000000e+00> : vector<128xf32>
    %reduce_sum3A_27 = vector.multi_reduction <add>, %mul3A_25, %reduce_sum3A_26 [0] : vector<2000x128xf32> to vector<128xf32>
    %broadcast_in_dim3A_28 = vector.shape_cast %reduce_sum3A_27 : vector<128xf32> to vector<1x128xf32>
    %broadcast_in_dim3A_29 = arith.constant 0.000000e+00 : f32
    %broadcast_in_dim3A_30 = vector.broadcast %broadcast_in_dim3A_29 : f32 to vector<6x128xf32>
    %concatenate3A = tpu.concatenate %broadcast_in_dim3A, %broadcast_in_dim3A_28, %broadcast_in_dim3A_30 in 0 : vector<1x128xf32>, vector<1x128xf32>, vector<6x128xf32> -> vector<8x128xf32>
    %eq3A = arith.constant 0 : i32
    %eq3A_31 = arith.cmpi eq, %arg0, %eq3A : i32
    %convert_element_type3A = arith.extui %eq3A_31 : i1 to i32
    %cond3A = arith.constant 0 : i32
    %cond3A_32 = arith.cmpi ne, %convert_element_type3A, %cond3A : i32
    scf.if %cond3A_32 {
      %swap3A_37 = arith.constant 0 : index
      %swap3A_38 = arith.constant 0 : index
      %swap3A_39 = vector.load %arg6[%swap3A_37, %swap3A_38] : memref<8x128xf32, #tpu.memory_space<vmem>>, vector<8x128xf32>
      tpu.vector_store %arg6[%swap3A_37, %swap3A_38], %concatenate3A {strides = array<i32>} : memref<8x128xf32, #tpu.memory_space<vmem>>, vector<8x128xf32>,
    } else {
    }
    %gt3A = arith.constant 0 : i32
    %gt3A_33 = arith.cmpi sgt, %arg0, %gt3A : i32
    %convert_element_type3A_34 = arith.extui %gt3A_33 : i1 to i32
    %cond3A_35 = arith.constant 0 : i32
    %cond3A_36 = arith.cmpi ne, %convert_element_type3A_34, %cond3A_35 : i32
    scf.if %cond3A_36 {
      %get3A_37 = arith.constant 0 : index
      %get3A_38 = arith.constant 0 : index
      %get3A_39 = vector.load %arg6[%get3A_37, %get3A_38] : memref<8x128xf32, #tpu.memory_space<vmem>>, vector<8x128xf32>
      %add3A_40 = arith.addf %get3A_39, %concatenate3A : vector<8x128xf32>
      %swap3A_41 = arith.constant 0 : index
      %swap3A_42 = arith.constant 0 : index
      %swap3A_43 = vector.load %arg6[%swap3A_41, %swap3A_42] : memref<8x128xf32, #tpu.memory_space<vmem>>, vector<8x128xf32>
      tpu.vector_store %arg6[%swap3A_41, %swap3A_42], %add3A_40 {strides = array<i32>} : memref<8x128xf32, #tpu.memory_space<vmem>>, vector<8x128xf32>,
    } else {
    }
    return
  }
  func.func @transform_0(%arg0: i32) -> (i32, i32, i32) {
    %c0_i32 = arith.constant 0 : i32
    %c0_i32_0 = arith.constant 0 : i32
    %c0_i32_1 = arith.constant 0 : i32
    return %c0_i32, %arg0, %c0_i32_0 : i32, i32, i32
  }
  func.func @transform_1(%arg0: i32) -> (i32, i32) {
    %c0_i32 = arith.constant 0 : i32
    %c0_i32_0 = arith.constant 0 : i32
    return %arg0, %c0_i32 : i32, i32
  }
  func.func @transform_2(%arg0: i32) -> (i32, i32) {
    %c0_i32 = arith.constant 0 : i32
    %c0_i32_0 = arith.constant 0 : i32
    return %arg0, %c0_i32 : i32, i32
  }
  func.func @transform_3(%arg0: i32) -> (i32, i32) {
    %c0_i32 = arith.constant 0 : i32
    %c0_i32_0 = arith.constant 0 : i32
    %c0_i32_1 = arith.constant 0 : i32
    return %c0_i32, %c0_i32_0 : i32, i32
  }
  func.func @transform_4(%arg0: i32) -> (i32, i32) {
    %c0_i32 = arith.constant 0 : i32
    %c0_i32_0 = arith.constant 0 : i32
    return %arg0, %c0_i32 : i32, i32
  }
  func.func @transform_5(%arg0: i32) -> (i32, i32) {
    %c0_i32 = arith.constant 0 : i32
    %c0_i32_0 = arith.constant 0 : i32
    %c0_i32_1 = arith.constant 0 : i32
    return %c0_i32, %c0_i32_0 : i32, i32
  }
}

module attributes {stable_mosaic.version = 14 : i64} {
  func.func @body(%arg0: i32, %arg1: memref<2000x128xf32, #tpu.memory_space<vmem>>, %arg2: memref<8x128xf32, #tpu.memory_space<vmem>>, %arg3: memref<1x128xf32, #tpu.memory_space<vmem>>, %arg4: memref<1x128xf32, #tpu.memory_space<vmem>>, %arg5: memref<2000x8xf32, #tpu.memory_space<vmem>>, %arg6: memref<2000x128xf32, #tpu.memory_space<vmem>>) attributes {dimension_semantics = [#tpu.dimension_semantics<arbitrary>], iteration_bounds = array<i64: 5>, scalar_prefetch = 0 : i64, scratch_operands = 0 : i64, tpu.core_type = #tpu.core_type<tc>, window_params = [{transform_indices = @transform_0, window_bounds = array<i64: 2000, 128>}, {pipeline_mode = #tpu.pipeline_mode<synchronous>, transform_indices = @transform_1, window_bounds = array<i64: 8, 128>}, {pipeline_mode = #tpu.pipeline_mode<synchronous>, transform_indices = @transform_2, window_bounds = array<i64: 1, 128>}, {pipeline_mode = #tpu.pipeline_mode<synchronous>, transform_indices = @transform_3, window_bounds = array<i64: 1, 128>}, {transform_indices = @transform_4, window_bounds = array<i64: 2000, 8>}, {transform_indices = @transform_5, window_bounds = array<i64: 2000, 128>}]} {
    %get3A = arith.constant 0 : index
    %get3A_0 = arith.constant 0 : index
    %get3A_1 = vector.load %arg2[%get3A, %get3A_0] : memref<8x128xf32, #tpu.memory_space<vmem>>, vector<1x128xf32>
    %mul3A = arith.constant 9.99999974E-5 : f32
    %mul3A_2 = vector.broadcast %mul3A : f32 to vector<1x128xf32>
    %mul3A_3 = arith.mulf %get3A_1, %mul3A_2 : vector<1x128xf32>
    %get3A_4 = arith.constant 1 : index
    %get3A_5 = arith.constant 0 : index
    %get3A_6 = vector.load %arg2[%get3A_4, %get3A_5] : memref<8x128xf32, #tpu.memory_space<vmem>>, vector<1x128xf32>
    %mul3A_7 = arith.constant 9.99999974E-5 : f32
    %mul3A_8 = vector.broadcast %mul3A_7 : f32 to vector<1x128xf32>
    %mul3A_9 = arith.mulf %get3A_6, %mul3A_8 : vector<1x128xf32>
    %mul3A_10 = arith.mulf %mul3A_3, %mul3A_3 : vector<1x128xf32>
    %sub3A = arith.subf %mul3A_9, %mul3A_10 : vector<1x128xf32>
    %add3A = arith.constant 9.99999974E-6 : f32
    %add3A_11 = vector.broadcast %add3A : f32 to vector<1x128xf32>
    %add3A_12 = arith.addf %sub3A, %add3A_11 : vector<1x128xf32>
    %rsqrt3A = math.rsqrt %add3A_12 : vector<1x128xf32>
    %get3A_13 = arith.constant 0 : index
    %get3A_14 = arith.constant 0 : index
    %get3A_15 = vector.load %arg1[%get3A_13, %get3A_14] : memref<2000x128xf32, #tpu.memory_space<vmem>>, vector<2000x128xf32>
    %sub3A_16 = vector.broadcast %mul3A_3 : vector<1x128xf32> to vector<2000x128xf32>
    %sub3A_17 = arith.subf %get3A_15, %sub3A_16 : vector<2000x128xf32>
    %get3A_18 = arith.constant 0 : index
    %get3A_19 = arith.constant 0 : index
    %get3A_20 = vector.load %arg3[%get3A_18, %get3A_19] : memref<1x128xf32, #tpu.memory_space<vmem>>, vector<1x128xf32>
    %mul3A_21 = arith.mulf %rsqrt3A, %get3A_20 : vector<1x128xf32>
    %mul3A_22 = vector.broadcast %mul3A_21 : vector<1x128xf32> to vector<2000x128xf32>
    %mul3A_23 = arith.mulf %sub3A_17, %mul3A_22 : vector<2000x128xf32>
    %get3A_24 = arith.constant 0 : index
    %get3A_25 = arith.constant 0 : index
    %get3A_26 = vector.load %arg4[%get3A_24, %get3A_25] : memref<1x128xf32, #tpu.memory_space<vmem>>, vector<1x128xf32>
    %add3A_27 = vector.broadcast %get3A_26 : vector<1x128xf32> to vector<2000x128xf32>
    %add3A_28 = arith.addf %mul3A_23, %add3A_27 : vector<2000x128xf32>
    %max3A = arith.constant 0.000000e+00 : f32
    %max3A_29 = vector.broadcast %max3A : f32 to vector<2000x128xf32>
    %max3A_30 = arith.maximumf %add3A_28, %max3A_29 : vector<2000x128xf32>
    %get3A_31 = arith.constant 0 : index
    %get3A_32 = arith.constant 0 : index
    %get3A_33 = vector.load %arg5[%get3A_31, %get3A_32] : memref<2000x8xf32, #tpu.memory_space<vmem>>, vector<2000x1xf32>
    %mul3A_34 = vector.broadcast %get3A_33 : vector<2000x1xf32> to vector<2000x128xf32>
    %mul3A_35 = arith.mulf %max3A_30, %mul3A_34 : vector<2000x128xf32>
    %swap3A = arith.constant 0 : index
    %swap3A_36 = arith.constant 0 : index
    %swap3A_37 = vector.load %arg6[%swap3A, %swap3A_36] : memref<2000x128xf32, #tpu.memory_space<vmem>>, vector<2000x128xf32>
    tpu.vector_store %arg6[%swap3A, %swap3A_36], %mul3A_35 {strides = array<i32>} : memref<2000x128xf32, #tpu.memory_space<vmem>>, vector<2000x128xf32>,
    return
  }
  func.func @transform_0(%arg0: i32) -> (i32, i32) {
    %c0_i32 = arith.constant 0 : i32
    %c0_i32_0 = arith.constant 0 : i32
    return %arg0, %c0_i32 : i32, i32
  }
  func.func @transform_1(%arg0: i32) -> (i32, i32) {
    %c0_i32 = arith.constant 0 : i32
    %c0_i32_0 = arith.constant 0 : i32
    %c0_i32_1 = arith.constant 0 : i32
    return %c0_i32, %c0_i32_0 : i32, i32
  }
  func.func @transform_2(%arg0: i32) -> (i32, i32) {
    %c0_i32 = arith.constant 0 : i32
    %c0_i32_0 = arith.constant 0 : i32
    %c0_i32_1 = arith.constant 0 : i32
    return %c0_i32, %c0_i32_0 : i32, i32
  }
  func.func @transform_3(%arg0: i32) -> (i32, i32) {
    %c0_i32 = arith.constant 0 : i32
    %c0_i32_0 = arith.constant 0 : i32
    %c0_i32_1 = arith.constant 0 : i32
    return %c0_i32, %c0_i32_0 : i32, i32
  }
  func.func @transform_4(%arg0: i32) -> (i32, i32) {
    %c0_i32 = arith.constant 0 : i32
    %c0_i32_0 = arith.constant 0 : i32
    return %arg0, %c0_i32 : i32, i32
  }
  func.func @transform_5(%arg0: i32) -> (i32, i32) {
    %c0_i32 = arith.constant 0 : i32
    %c0_i32_0 = arith.constant 0 : i32
    return %arg0, %c0_i32 : i32, i32
  }
}

module attributes {stable_mosaic.version = 14 : i64} {
  func.func @body(%arg0: i32, %arg1: memref<2x2000x128xf32, #tpu.memory_space<vmem>>, %arg2: memref<2000x128xf32, #tpu.memory_space<vmem>>, %arg3: memref<2000x8xf32, #tpu.memory_space<vmem>>, %arg4: memref<128x128xf32, #tpu.memory_space<vmem>>, %arg5: memref<1x128xf32, #tpu.memory_space<vmem>>, %arg6: memref<128x128xf32, #tpu.memory_space<vmem>>, %arg7: memref<1x128xf32, #tpu.memory_space<vmem>>, %arg8: memref<2000x128xf32, #tpu.memory_space<vmem>>, %arg9: memref<2000x128xf32, #tpu.memory_space<vmem>>) attributes {dimension_semantics = [#tpu.dimension_semantics<arbitrary>], iteration_bounds = array<i64: 5>, scalar_prefetch = 0 : i64, scratch_operands = 0 : i64, tpu.core_type = #tpu.core_type<tc>, window_params = [{transform_indices = @transform_0, window_bounds = array<i64: 2, 2000, 128>}, {transform_indices = @transform_1, window_bounds = array<i64: 2000, 128>}, {transform_indices = @transform_2, window_bounds = array<i64: 2000, 8>}, {pipeline_mode = #tpu.pipeline_mode<synchronous>, transform_indices = @transform_3, window_bounds = array<i64: 128, 128>}, {pipeline_mode = #tpu.pipeline_mode<synchronous>, transform_indices = @transform_4, window_bounds = array<i64: 1, 128>}, {pipeline_mode = #tpu.pipeline_mode<synchronous>, transform_indices = @transform_5, window_bounds = array<i64: 128, 128>}, {pipeline_mode = #tpu.pipeline_mode<synchronous>, transform_indices = @transform_6, window_bounds = array<i64: 1, 128>}, {transform_indices = @transform_7, window_bounds = array<i64: 2000, 128>}, {transform_indices = @transform_8, window_bounds = array<i64: 2000, 128>}]} {
    %get3A = arith.constant 0 : index
    %get3A_0 = arith.constant 0 : index
    %get3A_1 = vector.load %arg3[%get3A, %get3A_0] : memref<2000x8xf32, #tpu.memory_space<vmem>>, vector<2000x1xf32>
    %get3A_2 = arith.constant 0 : index
    %get3A_3 = arith.constant 0 : index
    %get3A_4 = arith.constant 0 : index
    %get3A_5 = vector.load %arg1[%get3A_2, %get3A_3, %get3A_4] : memref<2x2000x128xf32, #tpu.memory_space<vmem>>, vector<1x2000x128xf32>
    %get3A_6 = vector.shape_cast %get3A_5 : vector<1x2000x128xf32> to vector<2000x128xf32>
    %get3A_7 = arith.constant 1 : index
    %get3A_8 = arith.constant 0 : index
    %get3A_9 = arith.constant 0 : index
    %get3A_10 = vector.load %arg1[%get3A_7, %get3A_8, %get3A_9] : memref<2x2000x128xf32, #tpu.memory_space<vmem>>, vector<1x2000x128xf32>
    %get3A_11 = vector.shape_cast %get3A_10 : vector<1x2000x128xf32> to vector<2000x128xf32>
    %add3A = arith.addf %get3A_6, %get3A_11 : vector<2000x128xf32>
    %get3A_12 = arith.constant 0 : index
    %get3A_13 = arith.constant 0 : index
    %get3A_14 = vector.load %arg2[%get3A_12, %get3A_13] : memref<2000x128xf32, #tpu.memory_space<vmem>>, vector<2000x128xf32>
    %add3A_15 = arith.addf %add3A, %get3A_14 : vector<2000x128xf32>
    %mul3A = vector.broadcast %get3A_1 : vector<2000x1xf32> to vector<2000x128xf32>
    %mul3A_16 = arith.mulf %mul3A, %add3A_15 : vector<2000x128xf32>
    %get3A_17 = arith.constant 0 : index
    %get3A_18 = arith.constant 0 : index
    %get3A_19 = vector.load %arg4[%get3A_17, %get3A_18] : memref<128x128xf32, #tpu.memory_space<vmem>>, vector<128x128xf32>
    %dot_general3A = arith.constant dense<0.000000e+00> : vector<2000x128xf32>
    %dot_general3A_20 = tpu.matmul %mul3A_16, %get3A_19, %dot_general3A {dimension_numbers = #tpu.dot_dimension_numbers<[1], [0], [0], [1], [0, 0, 1, 1], [], []>, precision = #tpu.contract_precision<fp32>, transpose_lhs_hint = false} : vector<2000x128xf32>, vector<128x128xf32>, vector<2000x128xf32> -> vector<2000x128xf32>
    %get3A_21 = arith.constant 0 : index
    %get3A_22 = arith.constant 0 : index
    %get3A_23 = vector.load %arg5[%get3A_21, %get3A_22] : memref<1x128xf32, #tpu.memory_space<vmem>>, vector<1x128xf32>
    %add3A_24 = vector.broadcast %get3A_23 : vector<1x128xf32> to vector<2000x128xf32>
    %add3A_25 = arith.addf %dot_general3A_20, %add3A_24 : vector<2000x128xf32>
    %swap3A = arith.constant 0 : index
    %swap3A_26 = arith.constant 0 : index
    %swap3A_27 = vector.load %arg8[%swap3A, %swap3A_26] : memref<2000x128xf32, #tpu.memory_space<vmem>>, vector<2000x128xf32>
    tpu.vector_store %arg8[%swap3A, %swap3A_26], %add3A_25 {strides = array<i32>} : memref<2000x128xf32, #tpu.memory_space<vmem>>, vector<2000x128xf32>,
    %get3A_28 = arith.constant 0 : index
    %get3A_29 = arith.constant 0 : index
    %get3A_30 = vector.load %arg6[%get3A_28, %get3A_29] : memref<128x128xf32, #tpu.memory_space<vmem>>, vector<128x128xf32>
    %dot_general3A_31 = arith.constant dense<0.000000e+00> : vector<2000x128xf32>
    %dot_general3A_32 = tpu.matmul %mul3A_16, %get3A_30, %dot_general3A_31 {dimension_numbers = #tpu.dot_dimension_numbers<[1], [0], [0], [1], [0, 0, 1, 1], [], []>, precision = #tpu.contract_precision<fp32>, transpose_lhs_hint = false} : vector<2000x128xf32>, vector<128x128xf32>, vector<2000x128xf32> -> vector<2000x128xf32>
    %get3A_33 = arith.constant 0 : index
    %get3A_34 = arith.constant 0 : index
    %get3A_35 = vector.load %arg7[%get3A_33, %get3A_34] : memref<1x128xf32, #tpu.memory_space<vmem>>, vector<1x128xf32>
    %add3A_36 = vector.broadcast %get3A_35 : vector<1x128xf32> to vector<2000x128xf32>
    %add3A_37 = arith.addf %dot_general3A_32, %add3A_36 : vector<2000x128xf32>
    %swap3A_38 = arith.constant 0 : index
    %swap3A_39 = arith.constant 0 : index
    %swap3A_40 = vector.load %arg9[%swap3A_38, %swap3A_39] : memref<2000x128xf32, #tpu.memory_space<vmem>>, vector<2000x128xf32>
    tpu.vector_store %arg9[%swap3A_38, %swap3A_39], %add3A_37 {strides = array<i32>} : memref<2000x128xf32, #tpu.memory_space<vmem>>, vector<2000x128xf32>,
    return
  }
  func.func @transform_0(%arg0: i32) -> (i32, i32, i32) {
    %c0_i32 = arith.constant 0 : i32
    %c0_i32_0 = arith.constant 0 : i32
    %c0_i32_1 = arith.constant 0 : i32
    return %c0_i32, %arg0, %c0_i32_0 : i32, i32, i32
  }
  func.func @transform_1(%arg0: i32) -> (i32, i32) {
    %c0_i32 = arith.constant 0 : i32
    %c0_i32_0 = arith.constant 0 : i32
    return %arg0, %c0_i32 : i32, i32
  }
  func.func @transform_2(%arg0: i32) -> (i32, i32) {
    %c0_i32 = arith.constant 0 : i32
    %c0_i32_0 = arith.constant 0 : i32
    return %arg0, %c0_i32 : i32, i32
  }
  func.func @transform_3(%arg0: i32) -> (i32, i32) {
    %c0_i32 = arith.constant 0 : i32
    %c0_i32_0 = arith.constant 0 : i32
    %c0_i32_1 = arith.constant 0 : i32
    return %c0_i32, %c0_i32_0 : i32, i32
  }
  func.func @transform_4(%arg0: i32) -> (i32, i32) {
    %c0_i32 = arith.constant 0 : i32
    %c0_i32_0 = arith.constant 0 : i32
    %c0_i32_1 = arith.constant 0 : i32
    return %c0_i32, %c0_i32_0 : i32, i32
  }
  func.func @transform_5(%arg0: i32) -> (i32, i32) {
    %c0_i32 = arith.constant 0 : i32
    %c0_i32_0 = arith.constant 0 : i32
    %c0_i32_1 = arith.constant 0 : i32
    return %c0_i32, %c0_i32_0 : i32, i32
  }
  func.func @transform_6(%arg0: i32) -> (i32, i32) {
    %c0_i32 = arith.constant 0 : i32
    %c0_i32_0 = arith.constant 0 : i32
    %c0_i32_1 = arith.constant 0 : i32
    return %c0_i32, %c0_i32_0 : i32, i32
  }
  func.func @transform_7(%arg0: i32) -> (i32, i32) {
    %c0_i32 = arith.constant 0 : i32
    %c0_i32_0 = arith.constant 0 : i32
    return %arg0, %c0_i32 : i32, i32
  }
  func.func @transform_8(%arg0: i32) -> (i32, i32) {
    %c0_i32 = arith.constant 0 : i32
    %c0_i32_0 = arith.constant 0 : i32
    return %arg0, %c0_i32 : i32, i32
  }
}

</mosaic_0001>

<sc_bundles>
// kernel: kernel.12.cloned.1.call-start
scs
__scs_entry_jumppad:
0x0: {  	(pc) =	sbr.rel $0x88, $3  }
0x1: {  	(tag) =	ssettag $0x0;
	lr =	simm.s32 $0x1  }
0x2: {  	[smem:$0x3F97] =	sst lr;
	_ =	strace $0xD0000000  }
0x3: {  	_ = 	snop  }
0x4: {  	_ = 	snop  }
0x5: {  	_ = 	snop  }
0x6: {  	_ = 	snop  }
0x7: {  	_ = 	snop  }
__scs_overlays_trampoline_lowered:
0x8: {  	[smem:$0x3FA6] =	sst s0  }
0x9: {  	[smem:$0x3FA7] =	sst s1  }
0xa: {  	[smem:$0x3FA8] =	sst s2  }
0xb: {  	[smem:$0x3FA9] =	sst s3  }
0xc: {  	[smem:$0x3FAA] =	sst s4  }
0xd: {  	[smem:$0x3FAB] =	sst s5  }
0xe: {  	[smem:$0x3FAC] =	sst s6  }
0xf: {  	[smem:$0x3FAD] =	sst s7  }
0x10: {  	[smem:$0x3FAE] =	sst s8  }
0x11: {  	[smem:$0x3FAF] =	sst s9;
	s0 =	simm.s32 @!p0 $0x0  }
0x12: {  	s1 =	sld [smem:$0x3F95];
	s0 =	simm.s32 @p0 $0x1  }
0x13: {  	[smem:$0x3FB0] =	sst s0;
	s0 =	simm.s32 @!p1 $0x0  }
0x14: {  	s2 =	sld [smem:$0x3F94];
	s0 =	simm.s32 @p1 $0x1  }
0x15: {  	[smem:$0x3FB1] =	sst s0;
	s0 =	simm.s32 @!p2 $0x0  }
0x16: {  	s3 =	sld [smem:$0x3FDB];
	s0 =	simm.s32 @p2 $0x1  }
0x17: {  	s4 =	simm.s32 $0x1BF5;
	[smem:$0x3FB3] =	sst s0  }
0x18: {  	s0 =	sld [smem:$0x3F96];
	_ =	swait.ge [sflag:s4], $0x0  }
0x19: {  	s7 =	sld [smem:$0x3F97]  }
0x1a: {  	s8 =	sadd.s32 $0xFFFFE003, lr  }
0x1b: {  	s9 =	sadd.s32 $0xFFFFFEF7, lr;
	s5 =	simm.s32 $0xFFFFFFFF;
	p2 =	slt.u32 s8, $0xFFFFF086  }
0x1c: {  	p1 =	slt.u32 s9, $0xF7A;
	s5 =	simm.s32 @!p2 $0x0  }
0x1d: {  	s5 =	simm.s32 @p1 $0x1;
	p0 =	seq.s32 s7, s2  }
0x1e: {  	s7 =	smul.u32 @!p0 $0xF7A, s2;
	p2 =	seq.s32 @!p0 s5, $0x0  }
0x1f: {  	s9 =	smul.u32 $0xF7A, s1;
	s8 =	simm.s32 @!p0 $0x1BF5;
	p2 =	por !p2, p0  }
0x20: {  	[sflag:s8] =	ssyncset.s32 @!p0 $0xFFFFF086;
	s6 =	sadd.s32 @!p0 s3, s7;
	s7 =	simm.s32 @!p0 $0x108  }
0x21: {  	s3 =	sadd.s32 s3, s9;
	s6 =	sadd.s32 @!p0 $0x88, s6;
	s7 =	simm.s32 @p2 $0x1082  }
0x22: {  	[simem:s7], [sflag:s8] =	dma.local @!p0 [hbm:s6], $0xF7A  }
0x23: {  	s9 =	sor.u32 $0xD0000000, s2;
	s6 =	simm.s32 $0x108;
	_ =	swait.ge @!p0 [sflag:s8], $0x0  }
0x24: {  	s3 =	sadd.s32 $0x88, s3;
	s6 =	simm.s32 @!p1 $0x1082;
	[sflag:s4] =	ssyncset.s32 $0xFFFFF086  }
0x25: {  	[simem:s6], [sflag:s4] =	dma.local [hbm:s3], $0xF7A  }
0x26: {  	[smem:$0x3F97] =	sst s1;
	(tag) =	ssettag s2;
	_ =	strace s9  }
0x27: {  	s1 =	sld [smem:$0x3FA7]  }
0x28: {  	s2 =	sld [smem:$0x3FA8]  }
0x29: {  	s4 =	sld [smem:$0x3FAA]  }
0x2a: {  	p0 =	seq.s32 s5, $0x0;
	s5 =	sld [smem:$0x3FAB]  }
0x2b: {  	s6 =	sld [smem:$0x3FAC]  }
0x2c: {  	s7 =	sld [smem:$0x3FAD]  }
0x2d: {  	s3 =	simm.s32 $0x108;
	s8 =	sld [smem:$0x3FAE]  }
0x2e: {  	s3 =	simm.s32 @!p0 $0x1082;
	s9 =	sld [smem:$0x3FAF]  }
0x2f: {  	lr =	sadd.s32 s0, s3;
	s0 =	sld [smem:$0x3FA6]  }
0x30: {  	s3 =	sld [smem:$0x3FA9]  }
0x31: {  	[smem:$0x3FB2] =	sst s10  }
0x32: {  	s10 =	sld [smem:$0x3FB0];
	_ =	sdelay $0x3  }
0x33: {  	p0 =	seq.s32 s10, $0x1;
	s10 =	sld [smem:$0x3FB2];
	_ =	sdelay $0x3  }
0x34: {  	[smem:$0x3FB2] =	sst s10  }
0x35: {  	s10 =	sld [smem:$0x3FB1];
	_ =	sdelay $0x3  }
0x36: {  	p1 =	seq.s32 s10, $0x1;
	s10 =	sld [smem:$0x3FB2];
	_ =	sdelay $0x3  }
0x37: {  	[smem:$0x3FB2] =	sst s10  }
0x38: {  	s10 =	sld [smem:$0x3FB3]  }
0x39: {  	_ = 	snop;
	(pc) =	sbr.ind lr, $3  }
0x3a: {  	_ = 	snop  }
0x3b: {  	_ = 	snop  }
0x3c: {  	p2 =	seq.s32 s10, $0x1;
	s10 =	sld [smem:$0x3FB2]  }
0x3d: {  	_ =	shalt  }
0x3e: {  	_ =	shalt  }
0x3f: {  	_ =	shalt  }
0x40: {  	_ =	shalt  }
0x41: {  	_ =	shalt  }
0x42: {  	_ =	shalt  }
0x43: {  	_ =	shalt  }
0x44: {  	_ =	shalt  }
0x45: {  	_ =	shalt  }
0x46: {  	_ =	shalt  }
0x47: {  	_ =	shalt  }
0x48: {  	_ =	shalt  }
0x49: {  	_ =	shalt  }
0x4a: {  	_ =	shalt  }
0x4b: {  	_ =	shalt  }
0x4c: {  	_ =	shalt  }
0x4d: {  	_ =	shalt  }
0x4e: {  	_ =	shalt  }
0x4f: {  	_ =	shalt  }
0x50: {  	_ =	shalt  }
0x51: {  	_ =	shalt  }
0x52: {  	_ =	shalt  }
0x53: {  	_ =	shalt  }
0x54: {  	_ =	shalt  }
0x55: {  	_ =	shalt  }
0x56: {  	_ =	shalt  }
0x57: {  	_ =	shalt  }
0x58: {  	_ =	shalt  }
0x59: {  	_ =	shalt  }
0x5a: {  	_ =	shalt  }
0x5b: {  	_ =	shalt  }
0x5c: {  	_ =	shalt  }
0x5d: {  	_ =	shalt  }
0x5e: {  	_ =	shalt  }
0x5f: {  	_ =	shalt  }
0x60: {  	_ =	shalt  }
0x61: {  	_ =	shalt  }
0x62: {  	_ =	shalt  }
0x63: {  	_ =	shalt  }
0x64: {  	_ =	shalt  }
0x65: {  	_ =	shalt  }
0x66: {  	_ =	shalt  }
0x67: {  	_ =	shalt  }
0x68: {  	_ =	shalt  }
0x69: {  	_ =	shalt  }
0x6a: {  	_ =	shalt  }
0x6b: {  	_ =	shalt  }
0x6c: {  	_ =	shalt  }
0x6d: {  	_ =	shalt  }
0x6e: {  	_ =	shalt  }
0x6f: {  	_ =	shalt  }
0x70: {  	_ =	shalt  }
0x71: {  	_ =	shalt  }
0x72: {  	_ =	shalt  }
0x73: {  	_ =	shalt  }
0x74: {  	_ =	shalt  }
0x75: {  	_ =	shalt  }
0x76: {  	_ =	shalt  }
0x77: {  	_ =	shalt  }
0x78: {  	_ =	shalt  }
0x79: {  	_ =	shalt  }
0x7a: {  	_ =	shalt  }
0x7b: {  	_ =	shalt  }
0x7c: {  	_ =	shalt  }
0x7d: {  	_ =	shalt  }
0x7e: {  	_ =	shalt  }
0x7f: {  	_ =	shalt  }
0x80: {  	_ =	shalt  }
0x81: {  	_ =	shalt  }
0x82: {  	_ =	shalt  }
0x83: {  	_ =	shalt  }
0x84: {  	_ =	shalt  }
0x85: {  	_ =	shalt  }
0x86: {  	_ =	shalt  }
0x87: {  	_ =	shalt  }
.Lfunc_end0:
.L_simem_size_0:
called_computation.1_lowered:
.L_overlay_start_0:
0x88: {  	s2 =	sld [smem:$0x3FD9]  }
0x89: {  	s3 =	sld [smem:$0x3FFE];
	_ =	sdelay $0x1  }
0x8a: {  	s1 =	srdreg.scid  }
0x8b: {  	s0 =	sand.u32 $0x1, s1  }
0x8c: {  	s14 =	sshll.u32 s0, $0xA;
	s2 =	sadd.s32 s3, s2  }
0x8d: {  	s2 =	sadd.s32 s2, s14  }
0x8e: {  	[smem:$0x3FBE] =	sst s2  }
0x8f: {  	_ = 	snop  }
0x90: {  	s2 =	sld [smem:$0x3FD0];
	_ =	sdelay $0x2  }
0x91: {  	s15 =	simm.s32 $0xA;
	s4 =	simm.s32 $0x10  }
0x92: {  	[smem:s4], [sflag:s15] =	dma.local [hbm:s2], $0x1  }
0x93: {  	_ =	swait.eq [sflag:s15], $0x1  }
0x94: {  	[sflag:s15] =	ssyncset.done $0x0  }
0x95: {  	s16 =	sld [smem:$0x10];
	[sflag:s15] =	ssyncadd.s32 $0xFFFFFFFF  }
0x96: {  	s17 =	sld [smem:$0x11];
	(tm) =	ssettm $0x1  }
0x97: {  	s18 =	sld [smem:$0x3FFB];
	_ =	sdelay $0x3  }
0x98: {  	_ =	strace s18  }
0x99: {  	s4 =	sld [smem:$0x3FFC];
	_ =	sdelay $0x3  }
0x9a: {  	_ =	strace s4  }
0x9b: {  	s4 =	sld [smem:$0x3FFD];
	_ =	sdelay $0x3  }
0x9c: {  	_ =	strace s4  }
0x9d: {  	_ =	strace $0x8FFFFFFF  }
0x9e: {  	s19 =	sld [smem:$0x3FDB];
	_ =	sdelay $0x1  }
0x9f: {  	s5 =	simm.s32 $_scs_section_size  }
0xa0: {  	s6 =	simm.s32 $_size__tile_overlayer_lowered;
	s7 =	simm.s32 $_tile_overlayer_lowered  }
0xa1: {  	s22 =	simm.s32 $0x1BFF;
	s21 =	sshll.u32 s7, $0x1;
	s4 =	sadd.s32 s5, s19  }
0xa2: {  	s8 =	simm.s32 $0x0;
	s20 =	sshll.u32 s6, $0x1;
	s6 =	sadd.s32 s21, s4  }
0xa3: {  	[timem:s8], [sflag:s22] =	dma.local [hbm:s6], s20  }
0xa4: {  	_ =	swait.ge [sflag:s22], s20  }
0xa5: {  	s5 =	ssub.s32 $0x0, s20;
	[sflag:s22] =	ssyncset.done $0x0  }
0xa6: {  	[sflag:s22] =	ssyncadd.s32 s5;
	_ =	sdelay $0x1  }
0xa7: {  	s23 =	simm.s32 $0x1B8B  }
0xa8: {  	_ =	swait.ge [sflag:s23], $0x1  }
0xa9: {  	[sflag:s23] =	ssyncset.done $0x0  }
0xaa: {  	s25 =	simm.s32 $0x1B8E;
	s24 =	sld [smem:$0x3FFE];
	[sflag:s23] =	ssyncadd.s32 $0xFFFFFFFF  }
0xab: {  	s26 =	simm.s32 $execute0_lowered;
	[smem:$0x3FD2] =	sst s25  }
0xac: {  	s6 =	sshll.u32 s26, $0x1;
	_ =	strace $0x80000049;
	[dreg:$0x1] =	wrdreg $0xFFFFFFFF  }
0xad: {  	s28 =	simm.s32 $_size_execute0_lowered;
	s4 =	sadd.s32 s4, s6;
	[dreg:$0x0] =	wrdreg $0x0  }
0xae: {  	s6 =	sshll.u32 s28, $0x1;
	[dreg:$0x2] =	wrdreg s4  }
0xaf: {  	[dreg:$0x3] =	wrdreg s6  }
0xb0: {  	[dreg:$0x4] =	wrdreg $0xC0  }
0xb1: {  	_ =	task [dreg:s8], $0x5FFFF  }
0xb2: {  	[dreg:$0x1] =	wrdreg $0xFFFFFFFF  }
0xb3: {  	[dreg:$0x0] =	wrdreg $0x60  }
0xb4: {  	[dreg:$0x2] =	wrdreg s17  }
0xb5: {  	[dreg:$0x3] =	wrdreg s24  }
0xb6: {  	[dreg:$0x4] =	wrdreg s16  }
0xb7: {  	[dreg:$0x5] =	wrdreg $0x90000  }
0xb8: {  	[dreg:$0x6] =	wrdreg $0x9  }
0xb9: {  	_ =	task.clear_ibuf [dreg:s8], $0x7FFFF;
	_ =	strace $0x90000049  }
0xba: {  	s29 =	simm.s32 $0x9;
	_ =	strace $0x8000004B  }
0xbb: {  	_ =	swait.ge [sflag:s29], $0x1  }
0xbc: {  	[sflag:s29] =	ssyncadd.s32 $0xFFFFFFFF  }
0xbd: {  	_ =	strace $0x9000004B  }
0xbe: {  	_ =	sfence  }
0xbf: {  	s30 =	sld [smem:$0x0];
	_ =	sdelay $0x2  }
0xc0: {  	s31 =	sshll.u32 s1, $0xD;
	s1 =	sshrl.u32 s1, $0x2  }
0xc1: {  	s3 =	sand.u32 $0x4000, s31;
	s1 =	sadd.s32 s1, s30  }
0xc2: {  	s0 =	sor.u32 s3, s0;
	s1 =	sshll.u32 s1, $0x11  }
0xc3: {  	s0 =	sor.u32 s1, s0  }
0xc4: {  	s0 =	sadd.s32 $0x8F2B, s0  }
0xc5: {  	[sflag:s0] =	ssyncadd.remote.s32 $0x1  }
0xc6: {  	_ =	sfence.sel $0xFFFF  }
0xc7: {  	[dreg:$0x0] =	wrdreg $0xFFFFFFFF;
	(pc) =	sbr.abs _section_cstart, $3  }
0xc8: {  	[dreg:$0x1] =	wrdreg $0xFFFFFFFF  }
0xc9: {  	_ =	task.clear_ibuf [dreg:s8], $0x2FFFF;
	_ =	strace $0x9FFFFFFF  }
0xca: {  	(tm) =	ssettm $0x7FFFFFFF  }
0xcb: {  	_ =	shalt  }
tec
execute0_lowered:
.L_overlay_start_1:
0x0: {  	(tag) =	ssettag $0x1  }
0x1: {  	s1 =	rddreg [dreg:$0x0]  }
0x2: {  	s0 =	rddreg [dreg:$0x1];
	s2 =	srdreg.scid  }
0x3: {  	s11 =	stileid.u32;
	s7 =	rddreg [dreg:$0x2]  }
0x4: {  	s3 =	rddreg [dreg:$0x3];
	s10 =	simm.s32 $0x80;
	s21 =	simm.s32 $0x100  }
0x5: {  	s22 =	simm.s32 $0x480;
	s2 =	sand.u32 $0x1, s2;
	s4 =	sshll.u32 s11, $0x1  }
0x6: {  	s23 =	simm.s32 $0x180;
	s5 =	sor.u32 s2, s4;
	s4 =	simm.s32 $0x0  }
0x7: {  	s24 =	simm.s32 $0x500;
	s25 =	simm.s32 $0x200;
	[smem:$0x7FF] =	sst s4  }
0x8: {  	s26 =	simm.s32 $0x580;
	_ =	strace $0x8000004A;
	[dreg:$0x5] =	wrdreg s10  }
0x9: {  	s14 =	simm.s32 $0x300;
	s12 =	smul.u32 $0x2780, s11;
	[dreg:$0x6] =	wrdreg s21  }
0xa: {  	s15 =	simm.s32 $0x680;
	s16 =	simm.s32 $0x380;
	[dreg:$0x7] =	wrdreg s22  }
0xb: {  	s17 =	simm.s32 $0x700;
	s18 =	simm.s32 $0x780;
	[dreg:$0x1b] =	wrdreg s12  }
0xc: {  	s19 =	simm.s32 $0x880;
	s28 =	simm.s32 $0xE00;
	[dreg:$0x8] =	wrdreg s23  }
0xd: {  	s29 =	simm.s32 $0xB00;
	s30 =	simm.s32 $0xE80;
	[dreg:$0x9] =	wrdreg s24  }
0xe: {  	s31 =	simm.s32 $0xB80;
	s9 =	smul.u32 $0x4F000, s11;
	[dreg:$0xa] =	wrdreg s25  }
0xf: {  	p0 =	seq.s32 s11, $0xF;
	s6 =	smul.u32 $0x27100, s2;
	[dreg:$0xb] =	wrdreg s26  }
0x10: {  	s2 =	ssub.s32 $0x2, s2;
	s5 =	smul.u32 $0x500, s5;
	[dreg:$0xe] =	wrdreg s14  }
0x11: {  	s20 =	sshrl.u32 s2, $0x1;
	s9 =	sshrl.u32 s9, $0x2;
	[dreg:$0xf] =	wrdreg s15  }
0x12: {  	s2 =	ssub.s32 s2, s20;
	s9 =	sadd.s32 s9, s3;
	[dreg:$0x10] =	wrdreg s16  }
0x13: {  	s12 =	sadd.s32 s7, s12;
	s7 =	sadd.s32 $0x25080, s7;
	[dreg:$0x11] =	wrdreg s17  }
0x14: {  	s10 =	simm.s32 $0x600;
	s14 =	simm.s32 $0x400;
	[dreg:$0x12] =	wrdreg s18  }
0x15: {  	[dreg:$0x13] =	wrdreg s19;
	s20 =	simm.s32 $0x900;
	s21 =	simm.s32 $0xC80  }
0x16: {  	s18 =	simm.s32 $0x800;
	s22 =	simm.s32 $0x980;
	[dreg:$0x1c] =	wrdreg s12  }
0x17: {  	s19 =	simm.s32 $0xC00;
	s23 =	simm.s32 $0xD00;
	[dreg:$0x1d] =	wrdreg s7  }
0x18: {  	s24 =	simm.s32 $0xA00;
	s25 =	simm.s32 $0xD80;
	[dreg:$0xd] =	wrdreg s10  }
0x19: {  	s26 =	simm.s32 $0xA80;
	s8 =	sadd.s32 s5, s0;
	[dreg:$0x14] =	wrdreg s20  }
0x1a: {  	s0 =	sadd.s32 s6, s0;
	s12 =	sadd.s32 $0x128400, s3;
	[dreg:$0x15] =	wrdreg s21  }
0x1b: {  	s7 =	simm.s32 $0x280;
	s2 =	smax.u32 s2, $0x1;
	[dreg:$0x16] =	wrdreg s22  }
0x1c: {  	s17 =	sshrl.u32 @!p0 s9, $0x3;
	s20 =	simm.s32 $0x3;
	[dreg:$0x17] =	wrdreg s23  }
0x1d: {  	s21 =	simm.s32 $0x7D;
	[dreg:$0x18] =	wrdreg s24;
	s22 =	simm.s32 $0x1000  }
0x1e: {  	[dreg:$0x19] =	wrdreg s25;
	s23 =	simm.s32 $0x5000;
	s24 =	simm.s32 $0x1  }
0x1f: {  	[dreg:$0x1a] =	wrdreg s26;
	s25 =	simm.s32 $0x4;
	s26 =	simm.s32 $0x2  }
0x20: {  	s5 =	sadd.s32 $0x5AC00, s8;
	s6 =	sadd.s32 $0x2A00, s8;
	[dreg:$0x1f] =	wrdreg s2  }
0x21: {  	s0 =	sadd.s32 $0xCA00, s0;
	[dreg:$0xc] =	wrdreg s7;
	s13 =	sadd.s32 $0x5AC80, s8  }
0x22: {  	s7 =	sadd.s32 $0x2A80, s8;
	s15 =	sshrl.u32 @p0 s12, $0x3;
	[dreg:$0x1e] =	wrdreg s0  }
0x23: {  	s2 =	sshll.u32 @!p0 s11, $0x6;
	s8 =	simm.s32 $0x0;
	[smem:$0x7FD] =	sst s13  }
0x24: {  	s16 =	sor.u32 @!p0 $0x1C04, s2;
	s2 =	simm.s32 $0xF00;
	s0 =	simm.s32 $0xF80  }
.LBB2_1:
0x25: {  	[tilespmem:s4], [sflag:$0x3] =	stream.linear.gather [hbm4b:s5+s4], $0x400, $0x38;
	[tilespmem:$0x1C880] =	vst v63  }
0x26: {  	s9 =	simm.s32 @p0 $0x1FC4;
	s10 =	rddreg [dreg:$0x1d]  }
0x27: {  	[tilespmem:s14], [sflag:$0x3] =	stream.linear.gather [hbm4b:s6+s4], $0x400, $0x38;
	[tilespmem:$0x1C880] =	vst v63  }
0x28: {  	[spmem:s15], [sflag:s9] =	dma.local @p0 [hbm:s10], $0x2080  }
0x29: {  	s9 =	simm.s32 @p0 $0x4  }
0x2a: {  	_ =	swait.ge @p0 [sflag:s9], $0x2080  }
0x2b: {  	[sflag:s9] =	ssyncset.done @p0 $0x0  }
0x2c: {  	[sflag:s9] =	ssyncadd.s32 @p0 $0xFFFFDF80;
	s9 =	rddreg [dreg:$0x1c]  }
0x2d: {  	[spmem:s17], [sflag:s16] =	dma.local @!p0 [hbm:s9], $0x2780  }
0x2e: {  	s9 =	simm.s32 @!p0 $0x4  }
0x2f: {  	_ =	swait.ge @!p0 [sflag:s9], $0x2780  }
0x30: {  	[sflag:s9] =	ssyncset.done @!p0 $0x0  }
0x31: {  	[sflag:s9] =	ssyncadd.s32 @!p0 $0xFFFFD880  }
0x32: {  	[bflag:$0x0] =	sbarrier.arrive $0xFFFF  }
0x33: {  	s12 =	sld [smem:$0x7FD];
	_ =	sdelay $0x2  }
0x34: {  	[tilespmem:s18], [sflag:$0x3] =	stream.linear.gather [hbm4b:s12+s4], $0x400, $0x38;
	[tilespmem:$0x1C880] =	vst v63  }
0x35: {  	_ = 	snop  }
0x36: {  	[tilespmem:s19], [sflag:$0x3] =	stream.linear.gather [hbm4b:s7+s4], $0x400, $0x38;
	[tilespmem:$0x1C880] =	vst v63  }
0x37: {  	_ =	swait.ge [sflag:s20], $0x400  }
0x38: {  	[sflag:s20] =	ssyncset.done $0x0  }
0x39: {  	[sflag:s20] =	ssyncadd.s32 $0xFFFFFC00  }
0x3a: {  	_ =	swait.ge [sflag:s20], $0x400  }
0x3b: {  	[sflag:s20] =	ssyncset.done $0x0  }
0x3c: {  	[sflag:s20] =	ssyncadd.s32 $0xFFFFFC00  }
0x3d: {  	[tilespmem:s22], [sflag:$0x1] =	stream.indirect.gather [hbm4b:s1+s21], $0x80, s4, s21, $0xb8;
	[tilespmem:$0x1C880] =	vst v63  }
0x3e: {  	s10 =	rddreg [dreg:$0x5]  }
0x3f: {  	[tilespmem:s23], [sflag:$0x2] =	stream.indirect.gather [hbm4b:s1+s21], $0x80, s10, s21, $0xb8;
	[tilespmem:$0x1C880] =	vst v63  }
0x40: {  	_ =	swait.ge [sflag:s24], $0x3E80  }
0x41: {  	[sflag:s24] =	ssyncset.done $0x0  }
0x42: {  	[sflag:s24] =	ssyncadd.s32 $0xFFFFC180  }
0x43: {  	[spmem:s3] =	stream.indirect.scatter.add.f32 [tilespmem:s22], [sflag:$0x4], $0x80, s14, s21, $0xb8;
	[tilespmem:$0x1C880] =	vst v63  }
0x44: {  	_ =	swait.ge [sflag:s25], $0x3E80  }
0x45: {  	[sflag:s25] =	ssyncset.done $0x0  }
0x46: {  	s11 =	rddreg [dreg:$0x6];
	[sflag:s25] =	ssyncadd.s32 $0xFFFFC180  }
0x47: {  	[tilespmem:s22], [sflag:$0x1] =	stream.indirect.gather [hbm4b:s1+s21], $0x80, s11, s21, $0xb8;
	[tilespmem:$0x1C880] =	vst v63  }
0x48: {  	_ =	swait.ge [sflag:s26], $0x3E80  }
0x49: {  	[sflag:s26] =	ssyncset.done $0x0  }
0x4a: {  	s13 =	rddreg [dreg:$0x7];
	[sflag:s26] =	ssyncadd.s32 $0xFFFFC180  }
0x4b: {  	[spmem:s3] =	stream.indirect.scatter.add.f32 [tilespmem:s23], [sflag:$0x4], $0x80, s13, s21, $0xb8;
	[tilespmem:$0x1C880] =	vst v63  }
0x4c: {  	_ =	swait.ge [sflag:s25], $0x3E80  }
0x4d: {  	[sflag:s25] =	ssyncset.done $0x0  }
0x4e: {  	s10 =	rddreg [dreg:$0x8];
	[sflag:s25] =	ssyncadd.s32 $0xFFFFC180  }
0x4f: {  	[tilespmem:s23], [sflag:$0x2] =	stream.indirect.gather [hbm4b:s1+s21], $0x80, s10, s21, $0xb8;
	[tilespmem:$0x1C880] =	vst v63  }
0x50: {  	_ =	swait.ge [sflag:s24], $0x3E80  }
0x51: {  	[sflag:s24] =	ssyncset.done $0x0  }
0x52: {  	s11 =	rddreg [dreg:$0x9];
	[sflag:s24] =	ssyncadd.s32 $0xFFFFC180  }
0x53: {  	[spmem:s3] =	stream.indirect.scatter.add.f32 [tilespmem:s22], [sflag:$0x4], $0x80, s11, s21, $0xb8;
	[tilespmem:$0x1C880] =	vst v63  }
0x54: {  	_ =	swait.ge [sflag:s25], $0x3E80  }
0x55: {  	[sflag:s25] =	ssyncset.done $0x0  }
0x56: {  	s13 =	rddreg [dreg:$0xa];
	[sflag:s25] =	ssyncadd.s32 $0xFFFFC180  }
0x57: {  	[tilespmem:s22], [sflag:$0x1] =	stream.indirect.gather [hbm4b:s1+s21], $0x80, s13, s21, $0xb8;
	[tilespmem:$0x1C880] =	vst v63  }
0x58: {  	_ =	swait.ge [sflag:s26], $0x3E80  }
0x59: {  	[sflag:s26] =	ssyncset.done $0x0  }
0x5a: {  	s10 =	rddreg [dreg:$0xb];
	[sflag:s26] =	ssyncadd.s32 $0xFFFFC180  }
0x5b: {  	[spmem:s3] =	stream.indirect.scatter.add.f32 [tilespmem:s23], [sflag:$0x4], $0x80, s10, s21, $0xb8;
	[tilespmem:$0x1C880] =	vst v63  }
0x5c: {  	_ =	swait.ge [sflag:s25], $0x3E80  }
0x5d: {  	[sflag:s25] =	ssyncset.done $0x0  }
0x5e: {  	s11 =	rddreg [dreg:$0xc];
	[sflag:s25] =	ssyncadd.s32 $0xFFFFC180  }
0x5f: {  	[tilespmem:s23], [sflag:$0x2] =	stream.indirect.gather [hbm4b:s1+s21], $0x80, s11, s21, $0xb8;
	[tilespmem:$0x1C880] =	vst v63  }
0x60: {  	_ =	swait.ge [sflag:s24], $0x3E80  }
0x61: {  	[sflag:s24] =	ssyncset.done $0x0  }
0x62: {  	s13 =	rddreg [dreg:$0xd];
	[sflag:s24] =	ssyncadd.s32 $0xFFFFC180  }
0x63: {  	[spmem:s3] =	stream.indirect.scatter.add.f32 [tilespmem:s22], [sflag:$0x4], $0x80, s13, s21, $0xb8;
	[tilespmem:$0x1C880] =	vst v63  }
0x64: {  	_ =	swait.ge [sflag:s25], $0x3E80  }
0x65: {  	[sflag:s25] =	ssyncset.done $0x0  }
0x66: {  	s10 =	rddreg [dreg:$0xe];
	[sflag:s25] =	ssyncadd.s32 $0xFFFFC180  }
0x67: {  	[tilespmem:s22], [sflag:$0x1] =	stream.indirect.gather [hbm4b:s1+s21], $0x80, s10, s21, $0xb8;
	[tilespmem:$0x1C880] =	vst v63  }
0x68: {  	_ =	swait.ge [sflag:s26], $0x3E80  }
0x69: {  	[sflag:s26] =	ssyncset.done $0x0  }
0x6a: {  	s11 =	rddreg [dreg:$0xf];
	[sflag:s26] =	ssyncadd.s32 $0xFFFFC180  }
0x6b: {  	[spmem:s3] =	stream.indirect.scatter.add.f32 [tilespmem:s23], [sflag:$0x4], $0x80, s11, s21, $0xb8;
	[tilespmem:$0x1C880] =	vst v63  }
0x6c: {  	_ =	swait.ge [sflag:s25], $0x3E80  }
0x6d: {  	[sflag:s25] =	ssyncset.done $0x0  }
0x6e: {  	s13 =	rddreg [dreg:$0x10];
	[sflag:s25] =	ssyncadd.s32 $0xFFFFC180  }
0x6f: {  	[tilespmem:s23], [sflag:$0x2] =	stream.indirect.gather [hbm4b:s1+s21], $0x80, s13, s21, $0xb8;
	[tilespmem:$0x1C880] =	vst v63  }
0x70: {  	_ =	swait.ge [sflag:s24], $0x3E80  }
0x71: {  	[sflag:s24] =	ssyncset.done $0x0  }
0x72: {  	s10 =	rddreg [dreg:$0x11];
	[sflag:s24] =	ssyncadd.s32 $0xFFFFC180  }
0x73: {  	[spmem:s3] =	stream.indirect.scatter.add.f32 [tilespmem:s22], [sflag:$0x4], $0x80, s10, s21, $0xb8;
	[tilespmem:$0x1C880] =	vst v63  }
0x74: {  	_ =	swait.ge [sflag:s25], $0x3E80  }
0x75: {  	[sflag:s25] =	ssyncset.done $0x0  }
0x76: {  	[sflag:s25] =	ssyncadd.s32 $0xFFFFC180  }
0x77: {  	_ =	swait.ge [sflag:s26], $0x3E80  }
0x78: {  	[sflag:s26] =	ssyncset.done $0x0  }
0x79: {  	s13 =	smin.u32 s4, $0x7;
	s11 =	rddreg [dreg:$0x12];
	[sflag:s26] =	ssyncadd.s32 $0xFFFFC180  }
0x7a: {  	[spmem:s3] =	stream.indirect.scatter.add.f32 [tilespmem:s23], [sflag:$0x4], $0x80, s11, s21, $0xb8;
	[tilespmem:$0x1C880] =	vst v63  }
0x7b: {  	s11 =	sshll.u32 s13, $0x7;
	_ =	swait.ge [sflag:s25], $0x3E80  }
0x7c: {  	s9 =	sadd.s32 $0x100, s11;
	[sflag:s25] =	ssyncset.done $0x0  }
0x7d: {  	s13 =	sadd.s32 s5, s9;
	[sflag:s25] =	ssyncadd.s32 $0xFFFFC180  }
0x7e: {  	[tilespmem:s4], [sflag:$0x3] =	stream.linear.gather [hbm4b:s13+s4], $0x400, $0x38;
	[tilespmem:$0x1C880] =	vst v63  }
0x7f: {  	s9 =	sadd.s32 s6, s9  }
0x80: {  	[tilespmem:s14], [sflag:$0x3] =	stream.linear.gather [hbm4b:s9+s4], $0x400, $0x38;
	[tilespmem:$0x1C880] =	vst v63  }
0x81: {  	_ =	swait.ge [sflag:s20], $0x400  }
0x82: {  	[sflag:s20] =	ssyncset.done $0x0  }
0x83: {  	[sflag:s20] =	ssyncadd.s32 $0xFFFFFC00  }
0x84: {  	_ =	swait.ge [sflag:s20], $0x400  }
0x85: {  	[sflag:s20] =	ssyncset.done $0x0  }
0x86: {  	[sflag:s20] =	ssyncadd.s32 $0xFFFFFC00  }
0x87: {  	[tilespmem:s22], [sflag:$0x1] =	stream.indirect.gather [hbm4b:s1+s21], $0x80, s18, s21, $0xb8;
	[tilespmem:$0x1C880] =	vst v63  }
0x88: {  	s11 =	rddreg [dreg:$0x13]  }
0x89: {  	[tilespmem:s23], [sflag:$0x2] =	stream.indirect.gather [hbm4b:s1+s21], $0x80, s11, s21, $0xb8;
	[tilespmem:$0x1C880] =	vst v63  }
0x8a: {  	_ =	swait.ge [sflag:s24], $0x3E80  }
0x8b: {  	[sflag:s24] =	ssyncset.done $0x0  }
0x8c: {  	[sflag:s24] =	ssyncadd.s32 $0xFFFFC180  }
0x8d: {  	[spmem:s3] =	stream.indirect.scatter.add.f32 [tilespmem:s22], [sflag:$0x4], $0x80, s19, s21, $0xb8;
	[tilespmem:$0x1C880] =	vst v63  }
0x8e: {  	_ =	swait.ge [sflag:s25], $0x3E80  }
0x8f: {  	[sflag:s25] =	ssyncset.done $0x0  }
0x90: {  	s13 =	rddreg [dreg:$0x14];
	[sflag:s25] =	ssyncadd.s32 $0xFFFFC180  }
0x91: {  	[tilespmem:s22], [sflag:$0x1] =	stream.indirect.gather [hbm4b:s1+s21], $0x80, s13, s21, $0xb8;
	[tilespmem:$0x1C880] =	vst v63  }
0x92: {  	_ =	swait.ge [sflag:s26], $0x3E80  }
0x93: {  	[sflag:s26] =	ssyncset.done $0x0  }
0x94: {  	s10 =	rddreg [dreg:$0x15];
	[sflag:s26] =	ssyncadd.s32 $0xFFFFC180  }
0x95: {  	[spmem:s3] =	stream.indirect.scatter.add.f32 [tilespmem:s23], [sflag:$0x4], $0x80, s10, s21, $0xb8;
	[tilespmem:$0x1C880] =	vst v63  }
0x96: {  	_ =	swait.ge [sflag:s25], $0x3E80  }
0x97: {  	[sflag:s25] =	ssyncset.done $0x0  }
0x98: {  	s11 =	rddreg [dreg:$0x16];
	[sflag:s25] =	ssyncadd.s32 $0xFFFFC180  }
0x99: {  	[tilespmem:s23], [sflag:$0x2] =	stream.indirect.gather [hbm4b:s1+s21], $0x80, s11, s21, $0xb8;
	[tilespmem:$0x1C880] =	vst v63  }
0x9a: {  	_ =	swait.ge [sflag:s24], $0x3E80  }
0x9b: {  	[sflag:s24] =	ssyncset.done $0x0  }
0x9c: {  	s13 =	rddreg [dreg:$0x17];
	[sflag:s24] =	ssyncadd.s32 $0xFFFFC180  }
0x9d: {  	[spmem:s3] =	stream.indirect.scatter.add.f32 [tilespmem:s22], [sflag:$0x4], $0x80, s13, s21, $0xb8;
	[tilespmem:$0x1C880] =	vst v63  }
0x9e: {  	_ =	swait.ge [sflag:s25], $0x3E80  }
0x9f: {  	[sflag:s25] =	ssyncset.done $0x0  }
0xa0: {  	s10 =	rddreg [dreg:$0x18];
	[sflag:s25] =	ssyncadd.s32 $0xFFFFC180  }
0xa1: {  	[tilespmem:s22], [sflag:$0x1] =	stream.indirect.gather [hbm4b:s1+s21], $0x80, s10, s21, $0xb8;
	[tilespmem:$0x1C880] =	vst v63  }
0xa2: {  	_ =	swait.ge [sflag:s26], $0x3E80  }
0xa3: {  	[sflag:s26] =	ssyncset.done $0x0  }
0xa4: {  	s11 =	rddreg [dreg:$0x19];
	[sflag:s26] =	ssyncadd.s32 $0xFFFFC180  }
0xa5: {  	[spmem:s3] =	stream.indirect.scatter.add.f32 [tilespmem:s23], [sflag:$0x4], $0x80, s11, s21, $0xb8;
	[tilespmem:$0x1C880] =	vst v63  }
0xa6: {  	_ =	swait.ge [sflag:s25], $0x3E80  }
0xa7: {  	[sflag:s25] =	ssyncset.done $0x0  }
0xa8: {  	s13 =	rddreg [dreg:$0x1a];
	[sflag:s25] =	ssyncadd.s32 $0xFFFFC180  }
0xa9: {  	[tilespmem:s23], [sflag:$0x2] =	stream.indirect.gather [hbm4b:s1+s21], $0x80, s13, s21, $0xb8;
	[tilespmem:$0x1C880] =	vst v63  }
0xaa: {  	_ =	swait.ge [sflag:s24], $0x3E80  }
0xab: {  	[sflag:s24] =	ssyncset.done $0x0  }
0xac: {  	[sflag:s24] =	ssyncadd.s32 $0xFFFFC180  }
0xad: {  	[spmem:s3] =	stream.indirect.scatter.add.f32 [tilespmem:s22], [sflag:$0x4], $0x80, s28, s21, $0xb8;
	[tilespmem:$0x1C880] =	vst v63  }
0xae: {  	_ =	swait.ge [sflag:s25], $0x3E80  }
0xaf: {  	[sflag:s25] =	ssyncset.done $0x0  }
0xb0: {  	[sflag:s25] =	ssyncadd.s32 $0xFFFFC180  }
0xb1: {  	[tilespmem:s22], [sflag:$0x1] =	stream.indirect.gather [hbm4b:s1+s21], $0x80, s29, s21, $0xb8;
	[tilespmem:$0x1C880] =	vst v63  }
0xb2: {  	_ =	swait.ge [sflag:s26], $0x3E80  }
0xb3: {  	[sflag:s26] =	ssyncset.done $0x0  }
0xb4: {  	[sflag:s26] =	ssyncadd.s32 $0xFFFFC180  }
0xb5: {  	[spmem:s3] =	stream.indirect.scatter.add.f32 [tilespmem:s23], [sflag:$0x4], $0x80, s30, s21, $0xb8;
	[tilespmem:$0x1C880] =	vst v63  }
0xb6: {  	_ =	swait.ge [sflag:s25], $0x3E80  }
0xb7: {  	[sflag:s25] =	ssyncset.done $0x0  }
0xb8: {  	[sflag:s25] =	ssyncadd.s32 $0xFFFFC180  }
0xb9: {  	[tilespmem:s23], [sflag:$0x2] =	stream.indirect.gather [hbm4b:s1+s21], $0x80, s31, s21, $0xb8;
	[tilespmem:$0x1C880] =	vst v63  }
0xba: {  	_ =	swait.ge [sflag:s24], $0x3E80  }
0xbb: {  	[sflag:s24] =	ssyncset.done $0x0  }
0xbc: {  	[sflag:s24] =	ssyncadd.s32 $0xFFFFC180  }
0xbd: {  	[spmem:s3] =	stream.indirect.scatter.add.f32 [tilespmem:s22], [sflag:$0x4], $0x80, s2, s21, $0xb8;
	[tilespmem:$0x1C880] =	vst v63  }
0xbe: {  	_ =	swait.ge [sflag:s25], $0x3E80  }
0xbf: {  	[sflag:s25] =	ssyncset.done $0x0  }
0xc0: {  	[sflag:s25] =	ssyncadd.s32 $0xFFFFC180  }
0xc1: {  	_ =	swait.ge [sflag:s26], $0x3E80  }
0xc2: {  	[sflag:s26] =	ssyncset.done $0x0  }
0xc3: {  	[sflag:s26] =	ssyncadd.s32 $0xFFFFC180  }
0xc4: {  	[spmem:s3] =	stream.indirect.scatter.add.f32 [tilespmem:s23], [sflag:$0x4], $0x80, s0, s21, $0xb8;
	[tilespmem:$0x1C880] =	vst v63  }
0xc5: {  	_ =	swait.ge [sflag:s25], $0x3E80  }
0xc6: {  	s9 =	simm.s32 $0x2;
	s13 =	smov.u32 s7;
	[sflag:s25] =	ssyncset.done $0x0  }
.LBB2_2:
0xc7: {  	[sflag:s25] =	ssyncadd.s32 $0xFFFFC180;
	s12 =	sadd.s32 $0x100, s12  }
0xc8: {  	[tilespmem:s18], [sflag:$0x3] =	stream.linear.gather [hbm4b:s12+s4], $0x400, $0x38;
	[tilespmem:$0x1C880] =	vst v63  }
0xc9: {  	s13 =	sadd.s32 $0x100, s13  }
0xca: {  	[tilespmem:s19], [sflag:$0x3] =	stream.linear.gather [hbm4b:s13+s4], $0x400, $0x38;
	[tilespmem:$0x1C880] =	vst v63  }
0xcb: {  	_ =	swait.ge [sflag:s20], $0x400  }
0xcc: {  	[sflag:s20] =	ssyncset.done $0x0  }
0xcd: {  	[sflag:s20] =	ssyncadd.s32 $0xFFFFFC00  }
0xce: {  	_ =	swait.ge [sflag:s20], $0x400  }
0xcf: {  	[sflag:s20] =	ssyncset.done $0x0  }
0xd0: {  	[sflag:s20] =	ssyncadd.s32 $0xFFFFFC00  }
0xd1: {  	[tilespmem:s22], [sflag:$0x1] =	stream.indirect.gather [hbm4b:s1+s21], $0x80, s4, s21, $0xb8;
	[tilespmem:$0x1C880] =	vst v63  }
0xd2: {  	s11 =	rddreg [dreg:$0x5]  }
0xd3: {  	[tilespmem:s23], [sflag:$0x2] =	stream.indirect.gather [hbm4b:s1+s21], $0x80, s11, s21, $0xb8;
	[tilespmem:$0x1C880] =	vst v63  }
0xd4: {  	_ =	swait.ge [sflag:s24], $0x3E80  }
0xd5: {  	[sflag:s24] =	ssyncset.done $0x0  }
0xd6: {  	[sflag:s24] =	ssyncadd.s32 $0xFFFFC180  }
0xd7: {  	[spmem:s3] =	stream.indirect.scatter.add.f32 [tilespmem:s22], [sflag:$0x4], $0x80, s14, s21, $0xb8;
	[tilespmem:$0x1C880] =	vst v63  }
0xd8: {  	_ =	swait.ge [sflag:s25], $0x3E80  }
0xd9: {  	[sflag:s25] =	ssyncset.done $0x0  }
0xda: {  	s11 =	rddreg [dreg:$0x6];
	[sflag:s25] =	ssyncadd.s32 $0xFFFFC180  }
0xdb: {  	[tilespmem:s22], [sflag:$0x1] =	stream.indirect.gather [hbm4b:s1+s21], $0x80, s11, s21, $0xb8;
	[tilespmem:$0x1C880] =	vst v63  }
0xdc: {  	_ =	swait.ge [sflag:s26], $0x3E80  }
0xdd: {  	[sflag:s26] =	ssyncset.done $0x0  }
0xde: {  	s11 =	rddreg [dreg:$0x7];
	[sflag:s26] =	ssyncadd.s32 $0xFFFFC180  }
0xdf: {  	[spmem:s3] =	stream.indirect.scatter.add.f32 [tilespmem:s23], [sflag:$0x4], $0x80, s11, s21, $0xb8;
	[tilespmem:$0x1C880] =	vst v63  }
0xe0: {  	_ =	swait.ge [sflag:s25], $0x3E80  }
0xe1: {  	[sflag:s25] =	ssyncset.done $0x0  }
0xe2: {  	s11 =	rddreg [dreg:$0x8];
	[sflag:s25] =	ssyncadd.s32 $0xFFFFC180  }
0xe3: {  	[tilespmem:s23], [sflag:$0x2] =	stream.indirect.gather [hbm4b:s1+s21], $0x80, s11, s21, $0xb8;
	[tilespmem:$0x1C880] =	vst v63  }
0xe4: {  	_ =	swait.ge [sflag:s24], $0x3E80  }
0xe5: {  	[sflag:s24] =	ssyncset.done $0x0  }
0xe6: {  	s11 =	rddreg [dreg:$0x9];
	[sflag:s24] =	ssyncadd.s32 $0xFFFFC180  }
0xe7: {  	[spmem:s3] =	stream.indirect.scatter.add.f32 [tilespmem:s22], [sflag:$0x4], $0x80, s11, s21, $0xb8;
	[tilespmem:$0x1C880] =	vst v63  }
0xe8: {  	_ =	swait.ge [sflag:s25], $0x3E80  }
0xe9: {  	[sflag:s25] =	ssyncset.done $0x0  }
0xea: {  	s11 =	rddreg [dreg:$0xa];
	[sflag:s25] =	ssyncadd.s32 $0xFFFFC180  }
0xeb: {  	[tilespmem:s22], [sflag:$0x1] =	stream.indirect.gather [hbm4b:s1+s21], $0x80, s11, s21, $0xb8;
	[tilespmem:$0x1C880] =	vst v63  }
0xec: {  	_ =	swait.ge [sflag:s26], $0x3E80  }
0xed: {  	[sflag:s26] =	ssyncset.done $0x0  }
0xee: {  	s11 =	rddreg [dreg:$0xb];
	[sflag:s26] =	ssyncadd.s32 $0xFFFFC180  }
0xef: {  	[spmem:s3] =	stream.indirect.scatter.add.f32 [tilespmem:s23], [sflag:$0x4], $0x80, s11, s21, $0xb8;
	[tilespmem:$0x1C880] =	vst v63  }
0xf0: {  	_ =	swait.ge [sflag:s25], $0x3E80  }
0xf1: {  	[sflag:s25] =	ssyncset.done $0x0  }
0xf2: {  	s11 =	rddreg [dreg:$0xc];
	[sflag:s25] =	ssyncadd.s32 $0xFFFFC180  }
0xf3: {  	[tilespmem:s23], [sflag:$0x2] =	stream.indirect.gather [hbm4b:s1+s21], $0x80, s11, s21, $0xb8;
	[tilespmem:$0x1C880] =	vst v63  }
0xf4: {  	_ =	swait.ge [sflag:s24], $0x3E80  }
0xf5: {  	[sflag:s24] =	ssyncset.done $0x0  }
0xf6: {  	s11 =	rddreg [dreg:$0xd];
	[sflag:s24] =	ssyncadd.s32 $0xFFFFC180  }
0xf7: {  	[spmem:s3] =	stream.indirect.scatter.add.f32 [tilespmem:s22], [sflag:$0x4], $0x80, s11, s21, $0xb8;
	[tilespmem:$0x1C880] =	vst v63  }
0xf8: {  	_ =	swait.ge [sflag:s25], $0x3E80  }
0xf9: {  	[sflag:s25] =	ssyncset.done $0x0  }
0xfa: {  	s11 =	rddreg [dreg:$0xe];
	[sflag:s25] =	ssyncadd.s32 $0xFFFFC180  }
0xfb: {  	[tilespmem:s22], [sflag:$0x1] =	stream.indirect.gather [hbm4b:s1+s21], $0x80, s11, s21, $0xb8;
	[tilespmem:$0x1C880] =	vst v63  }
0xfc: {  	_ =	swait.ge [sflag:s26], $0x3E80  }
0xfd: {  	[sflag:s26] =	ssyncset.done $0x0  }
0xfe: {  	s11 =	rddreg [dreg:$0xf];
	[sflag:s26] =	ssyncadd.s32 $0xFFFFC180  }
0xff: {  	[spmem:s3] =	stream.indirect.scatter.add.f32 [tilespmem:s23], [sflag:$0x4], $0x80, s11, s21, $0xb8;
	[tilespmem:$0x1C880] =	vst v63  }
0x100: {  	_ =	swait.ge [sflag:s25], $0x3E80  }
0x101: {  	[sflag:s25] =	ssyncset.done $0x0  }
0x102: {  	s11 =	rddreg [dreg:$0x10];
	[sflag:s25] =	ssyncadd.s32 $0xFFFFC180  }
0x103: {  	[tilespmem:s23], [sflag:$0x2] =	stream.indirect.gather [hbm4b:s1+s21], $0x80, s11, s21, $0xb8;
	[tilespmem:$0x1C880] =	vst v63  }
0x104: {  	_ =	swait.ge [sflag:s24], $0x3E80  }
0x105: {  	[sflag:s24] =	ssyncset.done $0x0  }
0x106: {  	s11 =	rddreg [dreg:$0x11];
	[sflag:s24] =	ssyncadd.s32 $0xFFFFC180  }
0x107: {  	[spmem:s3] =	stream.indirect.scatter.add.f32 [tilespmem:s22], [sflag:$0x4], $0x80, s11, s21, $0xb8;
	[tilespmem:$0x1C880] =	vst v63  }
0x108: {  	_ =	swait.ge [sflag:s25], $0x3E80  }
0x109: {  	[sflag:s25] =	ssyncset.done $0x0  }
0x10a: {  	[sflag:s25] =	ssyncadd.s32 $0xFFFFC180  }
0x10b: {  	_ =	swait.ge [sflag:s26], $0x3E80  }
0x10c: {  	s10 =	smov.u32 s9;
	[sflag:s26] =	ssyncset.done $0x0  }
0x10d: {  	s10 =	smin.u32 s10, $0x7;
	s11 =	rddreg [dreg:$0x12];
	[sflag:s26] =	ssyncadd.s32 $0xFFFFC180  }
0x10e: {  	[spmem:s3] =	stream.indirect.scatter.add.f32 [tilespmem:s23], [sflag:$0x4], $0x80, s11, s21, $0xb8;
	[tilespmem:$0x1C880] =	vst v63  }
0x10f: {  	s10 =	sshll.u32 s10, $0x7;
	_ =	swait.ge [sflag:s25], $0x3E80  }
0x110: {  	s10 =	sadd.s32 $0x100, s10;
	[sflag:s25] =	ssyncset.done $0x0  }
0x111: {  	s11 =	sadd.s32 s5, s10;
	[sflag:s25] =	ssyncadd.s32 $0xFFFFC180  }
0x112: {  	[tilespmem:s4], [sflag:$0x3] =	stream.linear.gather [hbm4b:s11+s4], $0x400, $0x38;
	[tilespmem:$0x1C880] =	vst v63  }
0x113: {  	s10 =	sadd.s32 s6, s10  }
0x114: {  	[tilespmem:s14], [sflag:$0x3] =	stream.linear.gather [hbm4b:s10+s4], $0x400, $0x38;
	[tilespmem:$0x1C880] =	vst v63  }
0x115: {  	_ =	swait.ge [sflag:s20], $0x400  }
0x116: {  	[sflag:s20] =	ssyncset.done $0x0  }
0x117: {  	[sflag:s20] =	ssyncadd.s32 $0xFFFFFC00  }
0x118: {  	_ =	swait.ge [sflag:s20], $0x400  }
0x119: {  	[sflag:s20] =	ssyncset.done $0x0  }
0x11a: {  	[sflag:s20] =	ssyncadd.s32 $0xFFFFFC00  }
0x11b: {  	[tilespmem:s22], [sflag:$0x1] =	stream.indirect.gather [hbm4b:s1+s21], $0x80, s18, s21, $0xb8;
	[tilespmem:$0x1C880] =	vst v63  }
0x11c: {  	s11 =	rddreg [dreg:$0x13]  }
0x11d: {  	[tilespmem:s23], [sflag:$0x2] =	stream.indirect.gather [hbm4b:s1+s21], $0x80, s11, s21, $0xb8;
	[tilespmem:$0x1C880] =	vst v63  }
0x11e: {  	_ =	swait.ge [sflag:s24], $0x3E80  }
0x11f: {  	[sflag:s24] =	ssyncset.done $0x0  }
0x120: {  	[sflag:s24] =	ssyncadd.s32 $0xFFFFC180  }
0x121: {  	[spmem:s3] =	stream.indirect.scatter.add.f32 [tilespmem:s22], [sflag:$0x4], $0x80, s19, s21, $0xb8;
	[tilespmem:$0x1C880] =	vst v63  }
0x122: {  	_ =	swait.ge [sflag:s25], $0x3E80  }
0x123: {  	[sflag:s25] =	ssyncset.done $0x0  }
0x124: {  	s11 =	rddreg [dreg:$0x14];
	[sflag:s25] =	ssyncadd.s32 $0xFFFFC180  }
0x125: {  	[tilespmem:s22], [sflag:$0x1] =	stream.indirect.gather [hbm4b:s1+s21], $0x80, s11, s21, $0xb8;
	[tilespmem:$0x1C880] =	vst v63  }
0x126: {  	_ =	swait.ge [sflag:s26], $0x3E80  }
0x127: {  	[sflag:s26] =	ssyncset.done $0x0  }
0x128: {  	s11 =	rddreg [dreg:$0x15];
	[sflag:s26] =	ssyncadd.s32 $0xFFFFC180  }
0x129: {  	[spmem:s3] =	stream.indirect.scatter.add.f32 [tilespmem:s23], [sflag:$0x4], $0x80, s11, s21, $0xb8;
	[tilespmem:$0x1C880] =	vst v63  }
0x12a: {  	_ =	swait.ge [sflag:s25], $0x3E80  }
0x12b: {  	[sflag:s25] =	ssyncset.done $0x0  }
0x12c: {  	s11 =	rddreg [dreg:$0x16];
	[sflag:s25] =	ssyncadd.s32 $0xFFFFC180  }
0x12d: {  	[tilespmem:s23], [sflag:$0x2] =	stream.indirect.gather [hbm4b:s1+s21], $0x80, s11, s21, $0xb8;
	[tilespmem:$0x1C880] =	vst v63  }
0x12e: {  	_ =	swait.ge [sflag:s24], $0x3E80  }
0x12f: {  	[sflag:s24] =	ssyncset.done $0x0  }
0x130: {  	s11 =	rddreg [dreg:$0x17];
	[sflag:s24] =	ssyncadd.s32 $0xFFFFC180  }
0x131: {  	[spmem:s3] =	stream.indirect.scatter.add.f32 [tilespmem:s22], [sflag:$0x4], $0x80, s11, s21, $0xb8;
	[tilespmem:$0x1C880] =	vst v63  }
0x132: {  	_ =	swait.ge [sflag:s25], $0x3E80  }
0x133: {  	[sflag:s25] =	ssyncset.done $0x0  }
0x134: {  	s11 =	rddreg [dreg:$0x18];
	[sflag:s25] =	ssyncadd.s32 $0xFFFFC180  }
0x135: {  	[tilespmem:s22], [sflag:$0x1] =	stream.indirect.gather [hbm4b:s1+s21], $0x80, s11, s21, $0xb8;
	[tilespmem:$0x1C880] =	vst v63  }
0x136: {  	_ =	swait.ge [sflag:s26], $0x3E80  }
0x137: {  	[sflag:s26] =	ssyncset.done $0x0  }
0x138: {  	s11 =	rddreg [dreg:$0x19];
	[sflag:s26] =	ssyncadd.s32 $0xFFFFC180  }
0x139: {  	[spmem:s3] =	stream.indirect.scatter.add.f32 [tilespmem:s23], [sflag:$0x4], $0x80, s11, s21, $0xb8;
	[tilespmem:$0x1C880] =	vst v63  }
0x13a: {  	_ =	swait.ge [sflag:s25], $0x3E80  }
0x13b: {  	[sflag:s25] =	ssyncset.done $0x0  }
0x13c: {  	s11 =	rddreg [dreg:$0x1a];
	[sflag:s25] =	ssyncadd.s32 $0xFFFFC180  }
0x13d: {  	[tilespmem:s23], [sflag:$0x2] =	stream.indirect.gather [hbm4b:s1+s21], $0x80, s11, s21, $0xb8;
	[tilespmem:$0x1C880] =	vst v63  }
0x13e: {  	_ =	swait.ge [sflag:s24], $0x3E80  }
0x13f: {  	[sflag:s24] =	ssyncset.done $0x0  }
0x140: {  	[sflag:s24] =	ssyncadd.s32 $0xFFFFC180  }
0x141: {  	[spmem:s3] =	stream.indirect.scatter.add.f32 [tilespmem:s22], [sflag:$0x4], $0x80, s28, s21, $0xb8;
	[tilespmem:$0x1C880] =	vst v63  }
0x142: {  	_ =	swait.ge [sflag:s25], $0x3E80  }
0x143: {  	[sflag:s25] =	ssyncset.done $0x0  }
0x144: {  	[sflag:s25] =	ssyncadd.s32 $0xFFFFC180  }
0x145: {  	[tilespmem:s22], [sflag:$0x1] =	stream.indirect.gather [hbm4b:s1+s21], $0x80, s29, s21, $0xb8;
	[tilespmem:$0x1C880] =	vst v63  }
0x146: {  	_ =	swait.ge [sflag:s26], $0x3E80  }
0x147: {  	[sflag:s26] =	ssyncset.done $0x0  }
0x148: {  	[sflag:s26] =	ssyncadd.s32 $0xFFFFC180  }
0x149: {  	[spmem:s3] =	stream.indirect.scatter.add.f32 [tilespmem:s23], [sflag:$0x4], $0x80, s30, s21, $0xb8;
	[tilespmem:$0x1C880] =	vst v63  }
0x14a: {  	_ =	swait.ge [sflag:s25], $0x3E80  }
0x14b: {  	[sflag:s25] =	ssyncset.done $0x0  }
0x14c: {  	[sflag:s25] =	ssyncadd.s32 $0xFFFFC180  }
0x14d: {  	[tilespmem:s23], [sflag:$0x2] =	stream.indirect.gather [hbm4b:s1+s21], $0x80, s31, s21, $0xb8;
	[tilespmem:$0x1C880] =	vst v63  }
0x14e: {  	_ =	swait.ge [sflag:s24], $0x3E80  }
0x14f: {  	[sflag:s24] =	ssyncset.done $0x0  }
0x150: {  	[sflag:s24] =	ssyncadd.s32 $0xFFFFC180  }
0x151: {  	[spmem:s3] =	stream.indirect.scatter.add.f32 [tilespmem:s22], [sflag:$0x4], $0x80, s2, s21, $0xb8;
	[tilespmem:$0x1C880] =	vst v63  }
0x152: {  	_ =	swait.ge [sflag:s25], $0x3E80  }
0x153: {  	[sflag:s25] =	ssyncset.done $0x0  }
0x154: {  	[sflag:s25] =	ssyncadd.s32 $0xFFFFC180  }
0x155: {  	p1 =	sne.s32 s9, $0x8;
	_ =	swait.ge [sflag:s26], $0x3E80  }
.Ltmp0:
0x156: {  	[sflag:s26] =	ssyncset.done $0x0;
	(pc) =	sbr.rel @p1 .LBB2_2-.Ltmp0, $4  }
0x157: {  	[sflag:s26] =	ssyncadd.s32 $0xFFFFC180  }
0x158: {  	[spmem:s3] =	stream.indirect.scatter.add.f32 [tilespmem:s23], [sflag:$0x4], $0x80, s0, s21, $0xb8;
	[tilespmem:$0x1C880] =	vst v63  }
0x159: {  	_ =	swait.ge [sflag:s25], $0x3E80  }
0x15a: {  	s9 =	sadd.s32 $0x2, s9;
	[sflag:s25] =	ssyncset.done $0x0  }
0x15b: {  	[sflag:s25] =	ssyncadd.s32 $0xFFFFC180  }
0x15c: {  	_ =	swait.ge [sflag:s20], $0x400  }
0x15d: {  	[sflag:s20] =	ssyncset.done $0x0  }
0x15e: {  	[sflag:s20] =	ssyncadd.s32 $0xFFFFFC00  }
0x15f: {  	_ =	swait.ge [sflag:s20], $0x400  }
0x160: {  	[sflag:s20] =	ssyncset.done $0x0  }
0x161: {  	[sflag:s20] =	ssyncadd.s32 $0xFFFFFC00  }
0x162: {  	[bflag:$0x0] =	sbarrier.arrive $0xFFFF  }
0x163: {  	s11 =	rddreg [dreg:$0x1e]  }
0x164: {  	s10 =	simm.s32 @p0 $0x1FC4;
	s9 =	sadd.s32 @p0 $0x25080, s11  }
0x165: {  	[hbm:s9], [sflag:s10] =	dma.local @p0 [spmem:s15], $0x2080  }
0x166: {  	s9 =	simm.s32 @p0 $0x4  }
0x167: {  	_ =	swait.ge @p0 [sflag:s9], $0x2080  }
0x168: {  	[sflag:s9] =	ssyncset.done @p0 $0x0  }
0x169: {  	[sflag:s9] =	ssyncadd.s32 @p0 $0xFFFFDF80;
	s9 =	rddreg [dreg:$0x1b]  }
0x16a: {  	s9 =	sadd.s32 @!p0 s9, s11  }
0x16b: {  	[hbm:s9], [sflag:s16] =	dma.local @!p0 [spmem:s17], $0x2780  }
0x16c: {  	s9 =	simm.s32 @!p0 $0x4  }
0x16d: {  	_ =	swait.ge @!p0 [sflag:s9], $0x2780  }
0x16e: {  	s8 =	sadd.s32 $0x1, s8;
	s13 =	rddreg [dreg:$0x1f]  }
0x16f: {  	p1 =	sne.s32 s8, s13  }
.Ltmp1:
0x170: {  	_ = 	snop;
	(pc) =	sbr.rel @p1 .LBB2_1-.Ltmp1, $3  }
0x171: {  	_ =	sdelay $0x1  }
0x172: {  	[sflag:s9] =	ssyncset.done @!p0 $0x0  }
0x173: {  	[sflag:s9] =	ssyncadd.s32 @!p0 $0xFFFFD880  }
0x174: {  	_ =	sfence.sel $0x180000  }
0x175: {  	[bflag:$0x0] =	sbarrier.arrive $0xFFFF  }
0x176: {  	_ =	strace $0x9000004A  }
0x177: {  	s0 =	stileid.u32;
	[bflag:$0x2] =	sbarrier.arrive $0xFFFF  }
0x178: {  	p0 =	sne.s32 s0, $0x0;
	s0 =	rddreg [dreg:$0x4]  }
0x179: {  	s0 =	sadd.s32 @!p0 $0x100000, s0  }
0x17a: {  	[sflag:s0] =	ssyncadd.tile.s32 @!p0 $0x1;
	_ =	shalt  }
.Lfunc_end2:
_tile_overlayer_lowered:
.L_overlay_start_2:
0x17b: {  	(tag) =	ssettag $0x2  }
0x17c: {  	s0 =	rddreg [dreg:$0x0];
	s2 =	stileid.u32  }
0x17d: {  	s1 =	rddreg [dreg:$0x1];
	p0 =	sne.s32 s2, $0x0  }
0x17e: {  	s3 =	rddreg [dreg:$0x2];
	[bflag:$0x3] =	sbarrier.arrive $0xFFFF;
	s2 =	simm.s32 @!p0 $0x1C04  }
0x17f: {  	[timem:s3], [sflag:s2] =	dma.local @!p0 [hbm:s0], s1  }
0x180: {  	s0 =	simm.s32 @!p0 $0x4  }
0x181: {  	_ =	swait.ge @!p0 [sflag:s0], s1  }
0x182: {  	s1 =	ssub.s32 @!p0 $0x0, s1;
	[sflag:s0] =	ssyncset.done @!p0 $0x0  }
0x183: {  	[sflag:s0] =	ssyncadd.s32 @!p0 s1  }
0x184: {  	[bflag:$0x3] =	sbarrier.arrive $0xFFFF  }
0x185: {  	_ =	shalt  }

// kernel: kernel.15.cloned.1.call-start
scs
__scs_entry_jumppad:
0x0: {  	(pc) =	sbr.rel $0x88, $3  }
0x1: {  	(tag) =	ssettag $0x0;
	lr =	simm.s32 $0x1  }
0x2: {  	[smem:$0x3F97] =	sst lr;
	_ =	strace $0xD0000000  }
0x3: {  	_ = 	snop  }
0x4: {  	_ = 	snop  }
0x5: {  	_ = 	snop  }
0x6: {  	_ = 	snop  }
0x7: {  	_ = 	snop  }
__scs_overlays_trampoline_lowered:
0x8: {  	[smem:$0x3FA6] =	sst s0  }
0x9: {  	[smem:$0x3FA7] =	sst s1  }
0xa: {  	[smem:$0x3FA8] =	sst s2  }
0xb: {  	[smem:$0x3FA9] =	sst s3  }
0xc: {  	[smem:$0x3FAA] =	sst s4  }
0xd: {  	[smem:$0x3FAB] =	sst s5  }
0xe: {  	[smem:$0x3FAC] =	sst s6  }
0xf: {  	[smem:$0x3FAD] =	sst s7  }
0x10: {  	[smem:$0x3FAE] =	sst s8  }
0x11: {  	[smem:$0x3FAF] =	sst s9;
	s0 =	simm.s32 @!p0 $0x0  }
0x12: {  	s1 =	sld [smem:$0x3F95];
	s0 =	simm.s32 @p0 $0x1  }
0x13: {  	[smem:$0x3FB0] =	sst s0;
	s0 =	simm.s32 @!p1 $0x0  }
0x14: {  	s2 =	sld [smem:$0x3F94];
	s0 =	simm.s32 @p1 $0x1  }
0x15: {  	[smem:$0x3FB1] =	sst s0;
	s0 =	simm.s32 @!p2 $0x0  }
0x16: {  	s3 =	sld [smem:$0x3FDB];
	s0 =	simm.s32 @p2 $0x1  }
0x17: {  	s4 =	simm.s32 $0x1BF5;
	[smem:$0x3FB3] =	sst s0  }
0x18: {  	s0 =	sld [smem:$0x3F96];
	_ =	swait.ge [sflag:s4], $0x0  }
0x19: {  	s7 =	sld [smem:$0x3F97]  }
0x1a: {  	s8 =	sadd.s32 $0xFFFFE003, lr  }
0x1b: {  	s9 =	sadd.s32 $0xFFFFFEF7, lr;
	s5 =	simm.s32 $0xFFFFFFFF;
	p2 =	slt.u32 s8, $0xFFFFF086  }
0x1c: {  	p1 =	slt.u32 s9, $0xF7A;
	s5 =	simm.s32 @!p2 $0x0  }
0x1d: {  	s5 =	simm.s32 @p1 $0x1;
	p0 =	seq.s32 s7, s2  }
0x1e: {  	s7 =	smul.u32 @!p0 $0xF7A, s2;
	p2 =	seq.s32 @!p0 s5, $0x0  }
0x1f: {  	s9 =	smul.u32 $0xF7A, s1;
	s8 =	simm.s32 @!p0 $0x1BF5;
	p2 =	por !p2, p0  }
0x20: {  	[sflag:s8] =	ssyncset.s32 @!p0 $0xFFFFF086;
	s6 =	sadd.s32 @!p0 s3, s7;
	s7 =	simm.s32 @!p0 $0x108  }
0x21: {  	s3 =	sadd.s32 s3, s9;
	s6 =	sadd.s32 @!p0 $0x88, s6;
	s7 =	simm.s32 @p2 $0x1082  }
0x22: {  	[simem:s7], [sflag:s8] =	dma.local @!p0 [hbm:s6], $0xF7A  }
0x23: {  	s9 =	sor.u32 $0xD0000000, s2;
	s6 =	simm.s32 $0x108;
	_ =	swait.ge @!p0 [sflag:s8], $0x0  }
0x24: {  	s3 =	sadd.s32 $0x88, s3;
	s6 =	simm.s32 @!p1 $0x1082;
	[sflag:s4] =	ssyncset.s32 $0xFFFFF086  }
0x25: {  	[simem:s6], [sflag:s4] =	dma.local [hbm:s3], $0xF7A  }
0x26: {  	[smem:$0x3F97] =	sst s1;
	(tag) =	ssettag s2;
	_ =	strace s9  }
0x27: {  	s1 =	sld [smem:$0x3FA7]  }
0x28: {  	s2 =	sld [smem:$0x3FA8]  }
0x29: {  	s4 =	sld [smem:$0x3FAA]  }
0x2a: {  	p0 =	seq.s32 s5, $0x0;
	s5 =	sld [smem:$0x3FAB]  }
0x2b: {  	s6 =	sld [smem:$0x3FAC]  }
0x2c: {  	s7 =	sld [smem:$0x3FAD]  }
0x2d: {  	s3 =	simm.s32 $0x108;
	s8 =	sld [smem:$0x3FAE]  }
0x2e: {  	s3 =	simm.s32 @!p0 $0x1082;
	s9 =	sld [smem:$0x3FAF]  }
0x2f: {  	lr =	sadd.s32 s0, s3;
	s0 =	sld [smem:$0x3FA6]  }
0x30: {  	s3 =	sld [smem:$0x3FA9]  }
0x31: {  	[smem:$0x3FB2] =	sst s10  }
0x32: {  	s10 =	sld [smem:$0x3FB0];
	_ =	sdelay $0x3  }
0x33: {  	p0 =	seq.s32 s10, $0x1;
	s10 =	sld [smem:$0x3FB2];
	_ =	sdelay $0x3  }
0x34: {  	[smem:$0x3FB2] =	sst s10  }
0x35: {  	s10 =	sld [smem:$0x3FB1];
	_ =	sdelay $0x3  }
0x36: {  	p1 =	seq.s32 s10, $0x1;
	s10 =	sld [smem:$0x3FB2];
	_ =	sdelay $0x3  }
0x37: {  	[smem:$0x3FB2] =	sst s10  }
0x38: {  	s10 =	sld [smem:$0x3FB3]  }
0x39: {  	_ = 	snop;
	(pc) =	sbr.ind lr, $3  }
0x3a: {  	_ = 	snop  }
0x3b: {  	_ = 	snop  }
0x3c: {  	p2 =	seq.s32 s10, $0x1;
	s10 =	sld [smem:$0x3FB2]  }
0x3d: {  	_ =	shalt  }
0x3e: {  	_ =	shalt  }
0x3f: {  	_ =	shalt  }
0x40: {  	_ =	shalt  }
0x41: {  	_ =	shalt  }
0x42: {  	_ =	shalt  }
0x43: {  	_ =	shalt  }
0x44: {  	_ =	shalt  }
0x45: {  	_ =	shalt  }
0x46: {  	_ =	shalt  }
0x47: {  	_ =	shalt  }
0x48: {  	_ =	shalt  }
0x49: {  	_ =	shalt  }
0x4a: {  	_ =	shalt  }
0x4b: {  	_ =	shalt  }
0x4c: {  	_ =	shalt  }
0x4d: {  	_ =	shalt  }
0x4e: {  	_ =	shalt  }
0x4f: {  	_ =	shalt  }
0x50: {  	_ =	shalt  }
0x51: {  	_ =	shalt  }
0x52: {  	_ =	shalt  }
0x53: {  	_ =	shalt  }
0x54: {  	_ =	shalt  }
0x55: {  	_ =	shalt  }
0x56: {  	_ =	shalt  }
0x57: {  	_ =	shalt  }
0x58: {  	_ =	shalt  }
0x59: {  	_ =	shalt  }
0x5a: {  	_ =	shalt  }
0x5b: {  	_ =	shalt  }
0x5c: {  	_ =	shalt  }
0x5d: {  	_ =	shalt  }
0x5e: {  	_ =	shalt  }
0x5f: {  	_ =	shalt  }
0x60: {  	_ =	shalt  }
0x61: {  	_ =	shalt  }
0x62: {  	_ =	shalt  }
0x63: {  	_ =	shalt  }
0x64: {  	_ =	shalt  }
0x65: {  	_ =	shalt  }
0x66: {  	_ =	shalt  }
0x67: {  	_ =	shalt  }
0x68: {  	_ =	shalt  }
0x69: {  	_ =	shalt  }
0x6a: {  	_ =	shalt  }
0x6b: {  	_ =	shalt  }
0x6c: {  	_ =	shalt  }
0x6d: {  	_ =	shalt  }
0x6e: {  	_ =	shalt  }
0x6f: {  	_ =	shalt  }
0x70: {  	_ =	shalt  }
0x71: {  	_ =	shalt  }
0x72: {  	_ =	shalt  }
0x73: {  	_ =	shalt  }
0x74: {  	_ =	shalt  }
0x75: {  	_ =	shalt  }
0x76: {  	_ =	shalt  }
0x77: {  	_ =	shalt  }
0x78: {  	_ =	shalt  }
0x79: {  	_ =	shalt  }
0x7a: {  	_ =	shalt  }
0x7b: {  	_ =	shalt  }
0x7c: {  	_ =	shalt  }
0x7d: {  	_ =	shalt  }
0x7e: {  	_ =	shalt  }
0x7f: {  	_ =	shalt  }
0x80: {  	_ =	shalt  }
0x81: {  	_ =	shalt  }
0x82: {  	_ =	shalt  }
0x83: {  	_ =	shalt  }
0x84: {  	_ =	shalt  }
0x85: {  	_ =	shalt  }
0x86: {  	_ =	shalt  }
0x87: {  	_ =	shalt  }
.Lfunc_end0:
.L_simem_size_0:
called_computation.2_lowered:
.L_overlay_start_0:
0x88: {  	s2 =	sld [smem:$0x3FD9]  }
0x89: {  	s3 =	sld [smem:$0x3FFE];
	_ =	sdelay $0x1  }
0x8a: {  	s1 =	srdreg.scid  }
0x8b: {  	s0 =	sand.u32 $0x1, s1  }
0x8c: {  	s14 =	sshll.u32 s0, $0xA;
	s2 =	sadd.s32 s3, s2  }
0x8d: {  	s2 =	sadd.s32 s2, s14  }
0x8e: {  	[smem:$0x3FBE] =	sst s2  }
0x8f: {  	_ = 	snop  }
0x90: {  	s2 =	sld [smem:$0x3FD0];
	_ =	sdelay $0x2  }
0x91: {  	s15 =	simm.s32 $0xA;
	s4 =	simm.s32 $0x10  }
0x92: {  	[smem:s4], [sflag:s15] =	dma.local [hbm:s2], $0x1  }
0x93: {  	_ =	swait.eq [sflag:s15], $0x1  }
0x94: {  	[sflag:s15] =	ssyncset.done $0x0  }
0x95: {  	s16 =	sld [smem:$0x10];
	[sflag:s15] =	ssyncadd.s32 $0xFFFFFFFF  }
0x96: {  	s17 =	sld [smem:$0x11];
	(tm) =	ssettm $0x1  }
0x97: {  	s18 =	sld [smem:$0x3FFB];
	_ =	sdelay $0x3  }
0x98: {  	_ =	strace s18  }
0x99: {  	s4 =	sld [smem:$0x3FFC];
	_ =	sdelay $0x3  }
0x9a: {  	_ =	strace s4  }
0x9b: {  	s4 =	sld [smem:$0x3FFD];
	_ =	sdelay $0x3  }
0x9c: {  	_ =	strace s4  }
0x9d: {  	_ =	strace $0x8FFFFFFF  }
0x9e: {  	s19 =	sld [smem:$0x3FDB];
	_ =	sdelay $0x1  }
0x9f: {  	s5 =	simm.s32 $_scs_section_size  }
0xa0: {  	s6 =	simm.s32 $_size__tile_overlayer_lowered;
	s7 =	simm.s32 $_tile_overlayer_lowered  }
0xa1: {  	s22 =	simm.s32 $0x1BFF;
	s21 =	sshll.u32 s7, $0x1;
	s4 =	sadd.s32 s5, s19  }
0xa2: {  	s8 =	simm.s32 $0x0;
	s20 =	sshll.u32 s6, $0x1;
	s6 =	sadd.s32 s21, s4  }
0xa3: {  	[timem:s8], [sflag:s22] =	dma.local [hbm:s6], s20  }
0xa4: {  	_ =	swait.ge [sflag:s22], s20  }
0xa5: {  	s5 =	ssub.s32 $0x0, s20;
	[sflag:s22] =	ssyncset.done $0x0  }
0xa6: {  	[sflag:s22] =	ssyncadd.s32 s5;
	_ =	sdelay $0x1  }
0xa7: {  	s23 =	simm.s32 $0x1B8B  }
0xa8: {  	_ =	swait.ge [sflag:s23], $0x1  }
0xa9: {  	[sflag:s23] =	ssyncset.done $0x0  }
0xaa: {  	s25 =	simm.s32 $0x1B8E;
	s24 =	sld [smem:$0x3FFE];
	[sflag:s23] =	ssyncadd.s32 $0xFFFFFFFF  }
0xab: {  	s26 =	simm.s32 $execute0_lowered;
	[smem:$0x3FD2] =	sst s25  }
0xac: {  	s6 =	sshll.u32 s26, $0x1;
	_ =	strace $0x8000004C;
	[dreg:$0x1] =	wrdreg $0xFFFFFFFF  }
0xad: {  	s28 =	simm.s32 $_size_execute0_lowered;
	s4 =	sadd.s32 s4, s6;
	[dreg:$0x0] =	wrdreg $0x0  }
0xae: {  	s6 =	sshll.u32 s28, $0x1;
	[dreg:$0x2] =	wrdreg s4  }
0xaf: {  	[dreg:$0x3] =	wrdreg s6  }
0xb0: {  	[dreg:$0x4] =	wrdreg $0xC0  }
0xb1: {  	_ =	task [dreg:s8], $0x5FFFF  }
0xb2: {  	[dreg:$0x1] =	wrdreg $0xFFFFFFFF  }
0xb3: {  	[dreg:$0x0] =	wrdreg $0x60  }
0xb4: {  	[dreg:$0x2] =	wrdreg s17  }
0xb5: {  	[dreg:$0x3] =	wrdreg s24  }
0xb6: {  	[dreg:$0x4] =	wrdreg s16  }
0xb7: {  	[dreg:$0x5] =	wrdreg $0x90000  }
0xb8: {  	[dreg:$0x6] =	wrdreg $0x9  }
0xb9: {  	_ =	task.clear_ibuf [dreg:s8], $0x7FFFF;
	_ =	strace $0x9000004C  }
0xba: {  	s29 =	simm.s32 $0x9;
	_ =	strace $0x8000004E  }
0xbb: {  	_ =	swait.ge [sflag:s29], $0x1  }
0xbc: {  	[sflag:s29] =	ssyncadd.s32 $0xFFFFFFFF  }
0xbd: {  	_ =	strace $0x9000004E  }
0xbe: {  	_ =	sfence  }
0xbf: {  	s30 =	sld [smem:$0x0];
	_ =	sdelay $0x2  }
0xc0: {  	s31 =	sshll.u32 s1, $0xD;
	s1 =	sshrl.u32 s1, $0x2  }
0xc1: {  	s3 =	sand.u32 $0x4000, s31;
	s1 =	sadd.s32 s1, s30  }
0xc2: {  	s0 =	sor.u32 s3, s0;
	s1 =	sshll.u32 s1, $0x11  }
0xc3: {  	s0 =	sor.u32 s1, s0  }
0xc4: {  	s0 =	sadd.s32 $0x8F2B, s0  }
0xc5: {  	[sflag:s0] =	ssyncadd.remote.s32 $0x1  }
0xc6: {  	_ =	sfence.sel $0xFFFF  }
0xc7: {  	[dreg:$0x0] =	wrdreg $0xFFFFFFFF;
	(pc) =	sbr.abs _section_cstart, $3  }
0xc8: {  	[dreg:$0x1] =	wrdreg $0xFFFFFFFF  }
0xc9: {  	_ =	task.clear_ibuf [dreg:s8], $0x2FFFF;
	_ =	strace $0x9FFFFFFF  }
0xca: {  	(tm) =	ssettm $0x7FFFFFFF  }
0xcb: {  	_ =	shalt  }
tec
execute0_lowered:
.L_overlay_start_1:
0x0: {  	(tag) =	ssettag $0x1  }
0x1: {  	s1 =	rddreg [dreg:$0x0]  }
0x2: {  	s0 =	rddreg [dreg:$0x1];
	s2 =	srdreg.scid  }
0x3: {  	s11 =	stileid.u32;
	s7 =	rddreg [dreg:$0x2]  }
0x4: {  	s3 =	rddreg [dreg:$0x3];
	s10 =	simm.s32 $0x80;
	s21 =	simm.s32 $0x100  }
0x5: {  	s22 =	simm.s32 $0x480;
	s2 =	sand.u32 $0x1, s2;
	s4 =	sshll.u32 s11, $0x1  }
0x6: {  	s23 =	simm.s32 $0x180;
	s5 =	sor.u32 s2, s4;
	s4 =	simm.s32 $0x0  }
0x7: {  	s24 =	simm.s32 $0x500;
	s25 =	simm.s32 $0x200;
	[smem:$0x7FF] =	sst s4  }
0x8: {  	s26 =	simm.s32 $0x580;
	_ =	strace $0x8000004D;
	[dreg:$0x5] =	wrdreg s10  }
0x9: {  	s14 =	simm.s32 $0x300;
	s12 =	smul.u32 $0x2780, s11;
	[dreg:$0x6] =	wrdreg s21  }
0xa: {  	s15 =	simm.s32 $0x680;
	s16 =	simm.s32 $0x380;
	[dreg:$0x7] =	wrdreg s22  }
0xb: {  	s17 =	simm.s32 $0x700;
	s18 =	simm.s32 $0x780;
	[dreg:$0x1b] =	wrdreg s12  }
0xc: {  	s19 =	simm.s32 $0x880;
	s28 =	simm.s32 $0xE00;
	[dreg:$0x8] =	wrdreg s23  }
0xd: {  	s29 =	simm.s32 $0xB00;
	s30 =	simm.s32 $0xE80;
	[dreg:$0x9] =	wrdreg s24  }
0xe: {  	s31 =	simm.s32 $0xB80;
	s9 =	smul.u32 $0x4F000, s11;
	[dreg:$0xa] =	wrdreg s25  }
0xf: {  	p0 =	seq.s32 s11, $0xF;
	s6 =	smul.u32 $0x27100, s2;
	[dreg:$0xb] =	wrdreg s26  }
0x10: {  	s2 =	ssub.s32 $0x2, s2;
	s5 =	smul.u32 $0x500, s5;
	[dreg:$0xe] =	wrdreg s14  }
0x11: {  	s20 =	sshrl.u32 s2, $0x1;
	s9 =	sshrl.u32 s9, $0x2;
	[dreg:$0xf] =	wrdreg s15  }
0x12: {  	s2 =	ssub.s32 s2, s20;
	s9 =	sadd.s32 s9, s3;
	[dreg:$0x10] =	wrdreg s16  }
0x13: {  	s12 =	sadd.s32 s7, s12;
	s7 =	sadd.s32 $0x25080, s7;
	[dreg:$0x11] =	wrdreg s17  }
0x14: {  	s10 =	simm.s32 $0x600;
	s14 =	simm.s32 $0x400;
	[dreg:$0x12] =	wrdreg s18  }
0x15: {  	[dreg:$0x13] =	wrdreg s19;
	s20 =	simm.s32 $0x900;
	s21 =	simm.s32 $0xC80  }
0x16: {  	s18 =	simm.s32 $0x800;
	s22 =	simm.s32 $0x980;
	[dreg:$0x1c] =	wrdreg s12  }
0x17: {  	s19 =	simm.s32 $0xC00;
	s23 =	simm.s32 $0xD00;
	[dreg:$0x1d] =	wrdreg s7  }
0x18: {  	s24 =	simm.s32 $0xA00;
	s25 =	simm.s32 $0xD80;
	[dreg:$0xd] =	wrdreg s10  }
0x19: {  	s26 =	simm.s32 $0xA80;
	s8 =	sadd.s32 s5, s0;
	[dreg:$0x14] =	wrdreg s20  }
0x1a: {  	s0 =	sadd.s32 s6, s0;
	s12 =	sadd.s32 $0x128400, s3;
	[dreg:$0x15] =	wrdreg s21  }
0x1b: {  	s7 =	simm.s32 $0x280;
	s2 =	smax.u32 s2, $0x1;
	[dreg:$0x16] =	wrdreg s22  }
0x1c: {  	s17 =	sshrl.u32 @!p0 s9, $0x3;
	s20 =	simm.s32 $0x3;
	[dreg:$0x17] =	wrdreg s23  }
0x1d: {  	s21 =	simm.s32 $0x7D;
	[dreg:$0x18] =	wrdreg s24;
	s22 =	simm.s32 $0x1000  }
0x1e: {  	[dreg:$0x19] =	wrdreg s25;
	s23 =	simm.s32 $0x5000;
	s24 =	simm.s32 $0x1  }
0x1f: {  	[dreg:$0x1a] =	wrdreg s26;
	s25 =	simm.s32 $0x4;
	s26 =	simm.s32 $0x2  }
0x20: {  	s5 =	sadd.s32 $0x5AC00, s8;
	s6 =	sadd.s32 $0x2A00, s8;
	[dreg:$0x1f] =	wrdreg s2  }
0x21: {  	s0 =	sadd.s32 $0xCA00, s0;
	[dreg:$0xc] =	wrdreg s7;
	s13 =	sadd.s32 $0x5AC80, s8  }
0x22: {  	s7 =	sadd.s32 $0x2A80, s8;
	s15 =	sshrl.u32 @p0 s12, $0x3;
	[dreg:$0x1e] =	wrdreg s0  }
0x23: {  	s2 =	sshll.u32 @!p0 s11, $0x6;
	s8 =	simm.s32 $0x0;
	[smem:$0x7FD] =	sst s13  }
0x24: {  	s16 =	sor.u32 @!p0 $0x1C04, s2;
	s2 =	simm.s32 $0xF00;
	s0 =	simm.s32 $0xF80  }
.LBB2_1:
0x25: {  	[tilespmem:s4], [sflag:$0x3] =	stream.linear.gather [hbm4b:s5+s4], $0x400, $0x38;
	[tilespmem:$0x1C880] =	vst v63  }
0x26: {  	s9 =	simm.s32 @p0 $0x1FC4;
	s10 =	rddreg [dreg:$0x1d]  }
0x27: {  	[tilespmem:s14], [sflag:$0x3] =	stream.linear.gather [hbm4b:s6+s4], $0x400, $0x38;
	[tilespmem:$0x1C880] =	vst v63  }
0x28: {  	[spmem:s15], [sflag:s9] =	dma.local @p0 [hbm:s10], $0x2080  }
0x29: {  	s9 =	simm.s32 @p0 $0x4  }
0x2a: {  	_ =	swait.ge @p0 [sflag:s9], $0x2080  }
0x2b: {  	[sflag:s9] =	ssyncset.done @p0 $0x0  }
0x2c: {  	[sflag:s9] =	ssyncadd.s32 @p0 $0xFFFFDF80;
	s9 =	rddreg [dreg:$0x1c]  }
0x2d: {  	[spmem:s17], [sflag:s16] =	dma.local @!p0 [hbm:s9], $0x2780  }
0x2e: {  	s9 =	simm.s32 @!p0 $0x4  }
0x2f: {  	_ =	swait.ge @!p0 [sflag:s9], $0x2780  }
0x30: {  	[sflag:s9] =	ssyncset.done @!p0 $0x0  }
0x31: {  	[sflag:s9] =	ssyncadd.s32 @!p0 $0xFFFFD880  }
0x32: {  	[bflag:$0x0] =	sbarrier.arrive $0xFFFF  }
0x33: {  	s12 =	sld [smem:$0x7FD];
	_ =	sdelay $0x2  }
0x34: {  	[tilespmem:s18], [sflag:$0x3] =	stream.linear.gather [hbm4b:s12+s4], $0x400, $0x38;
	[tilespmem:$0x1C880] =	vst v63  }
0x35: {  	_ = 	snop  }
0x36: {  	[tilespmem:s19], [sflag:$0x3] =	stream.linear.gather [hbm4b:s7+s4], $0x400, $0x38;
	[tilespmem:$0x1C880] =	vst v63  }
0x37: {  	_ =	swait.ge [sflag:s20], $0x400  }
0x38: {  	[sflag:s20] =	ssyncset.done $0x0  }
0x39: {  	[sflag:s20] =	ssyncadd.s32 $0xFFFFFC00  }
0x3a: {  	_ =	swait.ge [sflag:s20], $0x400  }
0x3b: {  	[sflag:s20] =	ssyncset.done $0x0  }
0x3c: {  	[sflag:s20] =	ssyncadd.s32 $0xFFFFFC00  }
0x3d: {  	[tilespmem:s22], [sflag:$0x1] =	stream.indirect.gather [hbm4b:s1+s21], $0x80, s4, s21, $0xb8;
	[tilespmem:$0x1C880] =	vst v63  }
0x3e: {  	s10 =	rddreg [dreg:$0x5]  }
0x3f: {  	[tilespmem:s23], [sflag:$0x2] =	stream.indirect.gather [hbm4b:s1+s21], $0x80, s10, s21, $0xb8;
	[tilespmem:$0x1C880] =	vst v63  }
0x40: {  	_ =	swait.ge [sflag:s24], $0x3E80  }
0x41: {  	[sflag:s24] =	ssyncset.done $0x0  }
0x42: {  	[sflag:s24] =	ssyncadd.s32 $0xFFFFC180  }
0x43: {  	[spmem:s3] =	stream.indirect.scatter.add.f32 [tilespmem:s22], [sflag:$0x4], $0x80, s14, s21, $0xb8;
	[tilespmem:$0x1C880] =	vst v63  }
0x44: {  	_ =	swait.ge [sflag:s25], $0x3E80  }
0x45: {  	[sflag:s25] =	ssyncset.done $0x0  }
0x46: {  	s11 =	rddreg [dreg:$0x6];
	[sflag:s25] =	ssyncadd.s32 $0xFFFFC180  }
0x47: {  	[tilespmem:s22], [sflag:$0x1] =	stream.indirect.gather [hbm4b:s1+s21], $0x80, s11, s21, $0xb8;
	[tilespmem:$0x1C880] =	vst v63  }
0x48: {  	_ =	swait.ge [sflag:s26], $0x3E80  }
0x49: {  	[sflag:s26] =	ssyncset.done $0x0  }
0x4a: {  	s13 =	rddreg [dreg:$0x7];
	[sflag:s26] =	ssyncadd.s32 $0xFFFFC180  }
0x4b: {  	[spmem:s3] =	stream.indirect.scatter.add.f32 [tilespmem:s23], [sflag:$0x4], $0x80, s13, s21, $0xb8;
	[tilespmem:$0x1C880] =	vst v63  }
0x4c: {  	_ =	swait.ge [sflag:s25], $0x3E80  }
0x4d: {  	[sflag:s25] =	ssyncset.done $0x0  }
0x4e: {  	s10 =	rddreg [dreg:$0x8];
	[sflag:s25] =	ssyncadd.s32 $0xFFFFC180  }
0x4f: {  	[tilespmem:s23], [sflag:$0x2] =	stream.indirect.gather [hbm4b:s1+s21], $0x80, s10, s21, $0xb8;
	[tilespmem:$0x1C880] =	vst v63  }
0x50: {  	_ =	swait.ge [sflag:s24], $0x3E80  }
0x51: {  	[sflag:s24] =	ssyncset.done $0x0  }
0x52: {  	s11 =	rddreg [dreg:$0x9];
	[sflag:s24] =	ssyncadd.s32 $0xFFFFC180  }
0x53: {  	[spmem:s3] =	stream.indirect.scatter.add.f32 [tilespmem:s22], [sflag:$0x4], $0x80, s11, s21, $0xb8;
	[tilespmem:$0x1C880] =	vst v63  }
0x54: {  	_ =	swait.ge [sflag:s25], $0x3E80  }
0x55: {  	[sflag:s25] =	ssyncset.done $0x0  }
0x56: {  	s13 =	rddreg [dreg:$0xa];
	[sflag:s25] =	ssyncadd.s32 $0xFFFFC180  }
0x57: {  	[tilespmem:s22], [sflag:$0x1] =	stream.indirect.gather [hbm4b:s1+s21], $0x80, s13, s21, $0xb8;
	[tilespmem:$0x1C880] =	vst v63  }
0x58: {  	_ =	swait.ge [sflag:s26], $0x3E80  }
0x59: {  	[sflag:s26] =	ssyncset.done $0x0  }
0x5a: {  	s10 =	rddreg [dreg:$0xb];
	[sflag:s26] =	ssyncadd.s32 $0xFFFFC180  }
0x5b: {  	[spmem:s3] =	stream.indirect.scatter.add.f32 [tilespmem:s23], [sflag:$0x4], $0x80, s10, s21, $0xb8;
	[tilespmem:$0x1C880] =	vst v63  }
0x5c: {  	_ =	swait.ge [sflag:s25], $0x3E80  }
0x5d: {  	[sflag:s25] =	ssyncset.done $0x0  }
0x5e: {  	s11 =	rddreg [dreg:$0xc];
	[sflag:s25] =	ssyncadd.s32 $0xFFFFC180  }
0x5f: {  	[tilespmem:s23], [sflag:$0x2] =	stream.indirect.gather [hbm4b:s1+s21], $0x80, s11, s21, $0xb8;
	[tilespmem:$0x1C880] =	vst v63  }
0x60: {  	_ =	swait.ge [sflag:s24], $0x3E80  }
0x61: {  	[sflag:s24] =	ssyncset.done $0x0  }
0x62: {  	s13 =	rddreg [dreg:$0xd];
	[sflag:s24] =	ssyncadd.s32 $0xFFFFC180  }
0x63: {  	[spmem:s3] =	stream.indirect.scatter.add.f32 [tilespmem:s22], [sflag:$0x4], $0x80, s13, s21, $0xb8;
	[tilespmem:$0x1C880] =	vst v63  }
0x64: {  	_ =	swait.ge [sflag:s25], $0x3E80  }
0x65: {  	[sflag:s25] =	ssyncset.done $0x0  }
0x66: {  	s10 =	rddreg [dreg:$0xe];
	[sflag:s25] =	ssyncadd.s32 $0xFFFFC180  }
0x67: {  	[tilespmem:s22], [sflag:$0x1] =	stream.indirect.gather [hbm4b:s1+s21], $0x80, s10, s21, $0xb8;
	[tilespmem:$0x1C880] =	vst v63  }
0x68: {  	_ =	swait.ge [sflag:s26], $0x3E80  }
0x69: {  	[sflag:s26] =	ssyncset.done $0x0  }
0x6a: {  	s11 =	rddreg [dreg:$0xf];
	[sflag:s26] =	ssyncadd.s32 $0xFFFFC180  }
0x6b: {  	[spmem:s3] =	stream.indirect.scatter.add.f32 [tilespmem:s23], [sflag:$0x4], $0x80, s11, s21, $0xb8;
	[tilespmem:$0x1C880] =	vst v63  }
0x6c: {  	_ =	swait.ge [sflag:s25], $0x3E80  }
0x6d: {  	[sflag:s25] =	ssyncset.done $0x0  }
0x6e: {  	s13 =	rddreg [dreg:$0x10];
	[sflag:s25] =	ssyncadd.s32 $0xFFFFC180  }
0x6f: {  	[tilespmem:s23], [sflag:$0x2] =	stream.indirect.gather [hbm4b:s1+s21], $0x80, s13, s21, $0xb8;
	[tilespmem:$0x1C880] =	vst v63  }
0x70: {  	_ =	swait.ge [sflag:s24], $0x3E80  }
0x71: {  	[sflag:s24] =	ssyncset.done $0x0  }
0x72: {  	s10 =	rddreg [dreg:$0x11];
	[sflag:s24] =	ssyncadd.s32 $0xFFFFC180  }
0x73: {  	[spmem:s3] =	stream.indirect.scatter.add.f32 [tilespmem:s22], [sflag:$0x4], $0x80, s10, s21, $0xb8;
	[tilespmem:$0x1C880] =	vst v63  }
0x74: {  	_ =	swait.ge [sflag:s25], $0x3E80  }
0x75: {  	[sflag:s25] =	ssyncset.done $0x0  }
0x76: {  	[sflag:s25] =	ssyncadd.s32 $0xFFFFC180  }
0x77: {  	_ =	swait.ge [sflag:s26], $0x3E80  }
0x78: {  	[sflag:s26] =	ssyncset.done $0x0  }
0x79: {  	s13 =	smin.u32 s4, $0x7;
	s11 =	rddreg [dreg:$0x12];
	[sflag:s26] =	ssyncadd.s32 $0xFFFFC180  }
0x7a: {  	[spmem:s3] =	stream.indirect.scatter.add.f32 [tilespmem:s23], [sflag:$0x4], $0x80, s11, s21, $0xb8;
	[tilespmem:$0x1C880] =	vst v63  }
0x7b: {  	s11 =	sshll.u32 s13, $0x7;
	_ =	swait.ge [sflag:s25], $0x3E80  }
0x7c: {  	s9 =	sadd.s32 $0x100, s11;
	[sflag:s25] =	ssyncset.done $0x0  }
0x7d: {  	s13 =	sadd.s32 s5, s9;
	[sflag:s25] =	ssyncadd.s32 $0xFFFFC180  }
0x7e: {  	[tilespmem:s4], [sflag:$0x3] =	stream.linear.gather [hbm4b:s13+s4], $0x400, $0x38;
	[tilespmem:$0x1C880] =	vst v63  }
0x7f: {  	s9 =	sadd.s32 s6, s9  }
0x80: {  	[tilespmem:s14], [sflag:$0x3] =	stream.linear.gather [hbm4b:s9+s4], $0x400, $0x38;
	[tilespmem:$0x1C880] =	vst v63  }
0x81: {  	_ =	swait.ge [sflag:s20], $0x400  }
0x82: {  	[sflag:s20] =	ssyncset.done $0x0  }
0x83: {  	[sflag:s20] =	ssyncadd.s32 $0xFFFFFC00  }
0x84: {  	_ =	swait.ge [sflag:s20], $0x400  }
0x85: {  	[sflag:s20] =	ssyncset.done $0x0  }
0x86: {  	[sflag:s20] =	ssyncadd.s32 $0xFFFFFC00  }
0x87: {  	[tilespmem:s22], [sflag:$0x1] =	stream.indirect.gather [hbm4b:s1+s21], $0x80, s18, s21, $0xb8;
	[tilespmem:$0x1C880] =	vst v63  }
0x88: {  	s11 =	rddreg [dreg:$0x13]  }
0x89: {  	[tilespmem:s23], [sflag:$0x2] =	stream.indirect.gather [hbm4b:s1+s21], $0x80, s11, s21, $0xb8;
	[tilespmem:$0x1C880] =	vst v63  }
0x8a: {  	_ =	swait.ge [sflag:s24], $0x3E80  }
0x8b: {  	[sflag:s24] =	ssyncset.done $0x0  }
0x8c: {  	[sflag:s24] =	ssyncadd.s32 $0xFFFFC180  }
0x8d: {  	[spmem:s3] =	stream.indirect.scatter.add.f32 [tilespmem:s22], [sflag:$0x4], $0x80, s19, s21, $0xb8;
	[tilespmem:$0x1C880] =	vst v63  }
0x8e: {  	_ =	swait.ge [sflag:s25], $0x3E80  }
0x8f: {  	[sflag:s25] =	ssyncset.done $0x0  }
0x90: {  	s13 =	rddreg [dreg:$0x14];
	[sflag:s25] =	ssyncadd.s32 $0xFFFFC180  }
0x91: {  	[tilespmem:s22], [sflag:$0x1] =	stream.indirect.gather [hbm4b:s1+s21], $0x80, s13, s21, $0xb8;
	[tilespmem:$0x1C880] =	vst v63  }
0x92: {  	_ =	swait.ge [sflag:s26], $0x3E80  }
0x93: {  	[sflag:s26] =	ssyncset.done $0x0  }
0x94: {  	s10 =	rddreg [dreg:$0x15];
	[sflag:s26] =	ssyncadd.s32 $0xFFFFC180  }
0x95: {  	[spmem:s3] =	stream.indirect.scatter.add.f32 [tilespmem:s23], [sflag:$0x4], $0x80, s10, s21, $0xb8;
	[tilespmem:$0x1C880] =	vst v63  }
0x96: {  	_ =	swait.ge [sflag:s25], $0x3E80  }
0x97: {  	[sflag:s25] =	ssyncset.done $0x0  }
0x98: {  	s11 =	rddreg [dreg:$0x16];
	[sflag:s25] =	ssyncadd.s32 $0xFFFFC180  }
0x99: {  	[tilespmem:s23], [sflag:$0x2] =	stream.indirect.gather [hbm4b:s1+s21], $0x80, s11, s21, $0xb8;
	[tilespmem:$0x1C880] =	vst v63  }
0x9a: {  	_ =	swait.ge [sflag:s24], $0x3E80  }
0x9b: {  	[sflag:s24] =	ssyncset.done $0x0  }
0x9c: {  	s13 =	rddreg [dreg:$0x17];
	[sflag:s24] =	ssyncadd.s32 $0xFFFFC180  }
0x9d: {  	[spmem:s3] =	stream.indirect.scatter.add.f32 [tilespmem:s22], [sflag:$0x4], $0x80, s13, s21, $0xb8;
	[tilespmem:$0x1C880] =	vst v63  }
0x9e: {  	_ =	swait.ge [sflag:s25], $0x3E80  }
0x9f: {  	[sflag:s25] =	ssyncset.done $0x0  }
0xa0: {  	s10 =	rddreg [dreg:$0x18];
	[sflag:s25] =	ssyncadd.s32 $0xFFFFC180  }
0xa1: {  	[tilespmem:s22], [sflag:$0x1] =	stream.indirect.gather [hbm4b:s1+s21], $0x80, s10, s21, $0xb8;
	[tilespmem:$0x1C880] =	vst v63  }
0xa2: {  	_ =	swait.ge [sflag:s26], $0x3E80  }
0xa3: {  	[sflag:s26] =	ssyncset.done $0x0  }
0xa4: {  	s11 =	rddreg [dreg:$0x19];
	[sflag:s26] =	ssyncadd.s32 $0xFFFFC180  }
0xa5: {  	[spmem:s3] =	stream.indirect.scatter.add.f32 [tilespmem:s23], [sflag:$0x4], $0x80, s11, s21, $0xb8;
	[tilespmem:$0x1C880] =	vst v63  }
0xa6: {  	_ =	swait.ge [sflag:s25], $0x3E80  }
0xa7: {  	[sflag:s25] =	ssyncset.done $0x0  }
0xa8: {  	s13 =	rddreg [dreg:$0x1a];
	[sflag:s25] =	ssyncadd.s32 $0xFFFFC180  }
0xa9: {  	[tilespmem:s23], [sflag:$0x2] =	stream.indirect.gather [hbm4b:s1+s21], $0x80, s13, s21, $0xb8;
	[tilespmem:$0x1C880] =	vst v63  }
0xaa: {  	_ =	swait.ge [sflag:s24], $0x3E80  }
0xab: {  	[sflag:s24] =	ssyncset.done $0x0  }
0xac: {  	[sflag:s24] =	ssyncadd.s32 $0xFFFFC180  }
0xad: {  	[spmem:s3] =	stream.indirect.scatter.add.f32 [tilespmem:s22], [sflag:$0x4], $0x80, s28, s21, $0xb8;
	[tilespmem:$0x1C880] =	vst v63  }
0xae: {  	_ =	swait.ge [sflag:s25], $0x3E80  }
0xaf: {  	[sflag:s25] =	ssyncset.done $0x0  }
0xb0: {  	[sflag:s25] =	ssyncadd.s32 $0xFFFFC180  }
0xb1: {  	[tilespmem:s22], [sflag:$0x1] =	stream.indirect.gather [hbm4b:s1+s21], $0x80, s29, s21, $0xb8;
	[tilespmem:$0x1C880] =	vst v63  }
0xb2: {  	_ =	swait.ge [sflag:s26], $0x3E80  }
0xb3: {  	[sflag:s26] =	ssyncset.done $0x0  }
0xb4: {  	[sflag:s26] =	ssyncadd.s32 $0xFFFFC180  }
0xb5: {  	[spmem:s3] =	stream.indirect.scatter.add.f32 [tilespmem:s23], [sflag:$0x4], $0x80, s30, s21, $0xb8;
	[tilespmem:$0x1C880] =	vst v63  }
0xb6: {  	_ =	swait.ge [sflag:s25], $0x3E80  }
0xb7: {  	[sflag:s25] =	ssyncset.done $0x0  }
0xb8: {  	[sflag:s25] =	ssyncadd.s32 $0xFFFFC180  }
0xb9: {  	[tilespmem:s23], [sflag:$0x2] =	stream.indirect.gather [hbm4b:s1+s21], $0x80, s31, s21, $0xb8;
	[tilespmem:$0x1C880] =	vst v63  }
0xba: {  	_ =	swait.ge [sflag:s24], $0x3E80  }
0xbb: {  	[sflag:s24] =	ssyncset.done $0x0  }
0xbc: {  	[sflag:s24] =	ssyncadd.s32 $0xFFFFC180  }
0xbd: {  	[spmem:s3] =	stream.indirect.scatter.add.f32 [tilespmem:s22], [sflag:$0x4], $0x80, s2, s21, $0xb8;
	[tilespmem:$0x1C880] =	vst v63  }
0xbe: {  	_ =	swait.ge [sflag:s25], $0x3E80  }
0xbf: {  	[sflag:s25] =	ssyncset.done $0x0  }
0xc0: {  	[sflag:s25] =	ssyncadd.s32 $0xFFFFC180  }
0xc1: {  	_ =	swait.ge [sflag:s26], $0x3E80  }
0xc2: {  	[sflag:s26] =	ssyncset.done $0x0  }
0xc3: {  	[sflag:s26] =	ssyncadd.s32 $0xFFFFC180  }
0xc4: {  	[spmem:s3] =	stream.indirect.scatter.add.f32 [tilespmem:s23], [sflag:$0x4], $0x80, s0, s21, $0xb8;
	[tilespmem:$0x1C880] =	vst v63  }
0xc5: {  	_ =	swait.ge [sflag:s25], $0x3E80  }
0xc6: {  	s9 =	simm.s32 $0x2;
	s13 =	smov.u32 s7;
	[sflag:s25] =	ssyncset.done $0x0  }
.LBB2_2:
0xc7: {  	[sflag:s25] =	ssyncadd.s32 $0xFFFFC180;
	s12 =	sadd.s32 $0x100, s12  }
0xc8: {  	[tilespmem:s18], [sflag:$0x3] =	stream.linear.gather [hbm4b:s12+s4], $0x400, $0x38;
	[tilespmem:$0x1C880] =	vst v63  }
0xc9: {  	s13 =	sadd.s32 $0x100, s13  }
0xca: {  	[tilespmem:s19], [sflag:$0x3] =	stream.linear.gather [hbm4b:s13+s4], $0x400, $0x38;
	[tilespmem:$0x1C880] =	vst v63  }
0xcb: {  	_ =	swait.ge [sflag:s20], $0x400  }
0xcc: {  	[sflag:s20] =	ssyncset.done $0x0  }
0xcd: {  	[sflag:s20] =	ssyncadd.s32 $0xFFFFFC00  }
0xce: {  	_ =	swait.ge [sflag:s20], $0x400  }
0xcf: {  	[sflag:s20] =	ssyncset.done $0x0  }
0xd0: {  	[sflag:s20] =	ssyncadd.s32 $0xFFFFFC00  }
0xd1: {  	[tilespmem:s22], [sflag:$0x1] =	stream.indirect.gather [hbm4b:s1+s21], $0x80, s4, s21, $0xb8;
	[tilespmem:$0x1C880] =	vst v63  }
0xd2: {  	s11 =	rddreg [dreg:$0x5]  }
0xd3: {  	[tilespmem:s23], [sflag:$0x2] =	stream.indirect.gather [hbm4b:s1+s21], $0x80, s11, s21, $0xb8;
	[tilespmem:$0x1C880] =	vst v63  }
0xd4: {  	_ =	swait.ge [sflag:s24], $0x3E80  }
0xd5: {  	[sflag:s24] =	ssyncset.done $0x0  }
0xd6: {  	[sflag:s24] =	ssyncadd.s32 $0xFFFFC180  }
0xd7: {  	[spmem:s3] =	stream.indirect.scatter.add.f32 [tilespmem:s22], [sflag:$0x4], $0x80, s14, s21, $0xb8;
	[tilespmem:$0x1C880] =	vst v63  }
0xd8: {  	_ =	swait.ge [sflag:s25], $0x3E80  }
0xd9: {  	[sflag:s25] =	ssyncset.done $0x0  }
0xda: {  	s11 =	rddreg [dreg:$0x6];
	[sflag:s25] =	ssyncadd.s32 $0xFFFFC180  }
0xdb: {  	[tilespmem:s22], [sflag:$0x1] =	stream.indirect.gather [hbm4b:s1+s21], $0x80, s11, s21, $0xb8;
	[tilespmem:$0x1C880] =	vst v63  }
0xdc: {  	_ =	swait.ge [sflag:s26], $0x3E80  }
0xdd: {  	[sflag:s26] =	ssyncset.done $0x0  }
0xde: {  	s11 =	rddreg [dreg:$0x7];
	[sflag:s26] =	ssyncadd.s32 $0xFFFFC180  }
0xdf: {  	[spmem:s3] =	stream.indirect.scatter.add.f32 [tilespmem:s23], [sflag:$0x4], $0x80, s11, s21, $0xb8;
	[tilespmem:$0x1C880] =	vst v63  }
0xe0: {  	_ =	swait.ge [sflag:s25], $0x3E80  }
0xe1: {  	[sflag:s25] =	ssyncset.done $0x0  }
0xe2: {  	s11 =	rddreg [dreg:$0x8];
	[sflag:s25] =	ssyncadd.s32 $0xFFFFC180  }
0xe3: {  	[tilespmem:s23], [sflag:$0x2] =	stream.indirect.gather [hbm4b:s1+s21], $0x80, s11, s21, $0xb8;
	[tilespmem:$0x1C880] =	vst v63  }
0xe4: {  	_ =	swait.ge [sflag:s24], $0x3E80  }
0xe5: {  	[sflag:s24] =	ssyncset.done $0x0  }
0xe6: {  	s11 =	rddreg [dreg:$0x9];
	[sflag:s24] =	ssyncadd.s32 $0xFFFFC180  }
0xe7: {  	[spmem:s3] =	stream.indirect.scatter.add.f32 [tilespmem:s22], [sflag:$0x4], $0x80, s11, s21, $0xb8;
	[tilespmem:$0x1C880] =	vst v63  }
0xe8: {  	_ =	swait.ge [sflag:s25], $0x3E80  }
0xe9: {  	[sflag:s25] =	ssyncset.done $0x0  }
0xea: {  	s11 =	rddreg [dreg:$0xa];
	[sflag:s25] =	ssyncadd.s32 $0xFFFFC180  }
0xeb: {  	[tilespmem:s22], [sflag:$0x1] =	stream.indirect.gather [hbm4b:s1+s21], $0x80, s11, s21, $0xb8;
	[tilespmem:$0x1C880] =	vst v63  }
0xec: {  	_ =	swait.ge [sflag:s26], $0x3E80  }
0xed: {  	[sflag:s26] =	ssyncset.done $0x0  }
0xee: {  	s11 =	rddreg [dreg:$0xb];
	[sflag:s26] =	ssyncadd.s32 $0xFFFFC180  }
0xef: {  	[spmem:s3] =	stream.indirect.scatter.add.f32 [tilespmem:s23], [sflag:$0x4], $0x80, s11, s21, $0xb8;
	[tilespmem:$0x1C880] =	vst v63  }
0xf0: {  	_ =	swait.ge [sflag:s25], $0x3E80  }
0xf1: {  	[sflag:s25] =	ssyncset.done $0x0  }
0xf2: {  	s11 =	rddreg [dreg:$0xc];
	[sflag:s25] =	ssyncadd.s32 $0xFFFFC180  }
0xf3: {  	[tilespmem:s23], [sflag:$0x2] =	stream.indirect.gather [hbm4b:s1+s21], $0x80, s11, s21, $0xb8;
	[tilespmem:$0x1C880] =	vst v63  }
0xf4: {  	_ =	swait.ge [sflag:s24], $0x3E80  }
0xf5: {  	[sflag:s24] =	ssyncset.done $0x0  }
0xf6: {  	s11 =	rddreg [dreg:$0xd];
	[sflag:s24] =	ssyncadd.s32 $0xFFFFC180  }
0xf7: {  	[spmem:s3] =	stream.indirect.scatter.add.f32 [tilespmem:s22], [sflag:$0x4], $0x80, s11, s21, $0xb8;
	[tilespmem:$0x1C880] =	vst v63  }
0xf8: {  	_ =	swait.ge [sflag:s25], $0x3E80  }
0xf9: {  	[sflag:s25] =	ssyncset.done $0x0  }
0xfa: {  	s11 =	rddreg [dreg:$0xe];
	[sflag:s25] =	ssyncadd.s32 $0xFFFFC180  }
0xfb: {  	[tilespmem:s22], [sflag:$0x1] =	stream.indirect.gather [hbm4b:s1+s21], $0x80, s11, s21, $0xb8;
	[tilespmem:$0x1C880] =	vst v63  }
0xfc: {  	_ =	swait.ge [sflag:s26], $0x3E80  }
0xfd: {  	[sflag:s26] =	ssyncset.done $0x0  }
0xfe: {  	s11 =	rddreg [dreg:$0xf];
	[sflag:s26] =	ssyncadd.s32 $0xFFFFC180  }
0xff: {  	[spmem:s3] =	stream.indirect.scatter.add.f32 [tilespmem:s23], [sflag:$0x4], $0x80, s11, s21, $0xb8;
	[tilespmem:$0x1C880] =	vst v63  }
0x100: {  	_ =	swait.ge [sflag:s25], $0x3E80  }
0x101: {  	[sflag:s25] =	ssyncset.done $0x0  }
0x102: {  	s11 =	rddreg [dreg:$0x10];
	[sflag:s25] =	ssyncadd.s32 $0xFFFFC180  }
0x103: {  	[tilespmem:s23], [sflag:$0x2] =	stream.indirect.gather [hbm4b:s1+s21], $0x80, s11, s21, $0xb8;
	[tilespmem:$0x1C880] =	vst v63  }
0x104: {  	_ =	swait.ge [sflag:s24], $0x3E80  }
0x105: {  	[sflag:s24] =	ssyncset.done $0x0  }
0x106: {  	s11 =	rddreg [dreg:$0x11];
	[sflag:s24] =	ssyncadd.s32 $0xFFFFC180  }
0x107: {  	[spmem:s3] =	stream.indirect.scatter.add.f32 [tilespmem:s22], [sflag:$0x4], $0x80, s11, s21, $0xb8;
	[tilespmem:$0x1C880] =	vst v63  }
0x108: {  	_ =	swait.ge [sflag:s25], $0x3E80  }
0x109: {  	[sflag:s25] =	ssyncset.done $0x0  }
0x10a: {  	[sflag:s25] =	ssyncadd.s32 $0xFFFFC180  }
0x10b: {  	_ =	swait.ge [sflag:s26], $0x3E80  }
0x10c: {  	s10 =	smov.u32 s9;
	[sflag:s26] =	ssyncset.done $0x0  }
0x10d: {  	s10 =	smin.u32 s10, $0x7;
	s11 =	rddreg [dreg:$0x12];
	[sflag:s26] =	ssyncadd.s32 $0xFFFFC180  }
0x10e: {  	[spmem:s3] =	stream.indirect.scatter.add.f32 [tilespmem:s23], [sflag:$0x4], $0x80, s11, s21, $0xb8;
	[tilespmem:$0x1C880] =	vst v63  }
0x10f: {  	s10 =	sshll.u32 s10, $0x7;
	_ =	swait.ge [sflag:s25], $0x3E80  }
0x110: {  	s10 =	sadd.s32 $0x100, s10;
	[sflag:s25] =	ssyncset.done $0x0  }
0x111: {  	s11 =	sadd.s32 s5, s10;
	[sflag:s25] =	ssyncadd.s32 $0xFFFFC180  }
0x112: {  	[tilespmem:s4], [sflag:$0x3] =	stream.linear.gather [hbm4b:s11+s4], $0x400, $0x38;
	[tilespmem:$0x1C880] =	vst v63  }
0x113: {  	s10 =	sadd.s32 s6, s10  }
0x114: {  	[tilespmem:s14], [sflag:$0x3] =	stream.linear.gather [hbm4b:s10+s4], $0x400, $0x38;
	[tilespmem:$0x1C880] =	vst v63  }
0x115: {  	_ =	swait.ge [sflag:s20], $0x400  }
0x116: {  	[sflag:s20] =	ssyncset.done $0x0  }
0x117: {  	[sflag:s20] =	ssyncadd.s32 $0xFFFFFC00  }
0x118: {  	_ =	swait.ge [sflag:s20], $0x400  }
0x119: {  	[sflag:s20] =	ssyncset.done $0x0  }
0x11a: {  	[sflag:s20] =	ssyncadd.s32 $0xFFFFFC00  }
0x11b: {  	[tilespmem:s22], [sflag:$0x1] =	stream.indirect.gather [hbm4b:s1+s21], $0x80, s18, s21, $0xb8;
	[tilespmem:$0x1C880] =	vst v63  }
0x11c: {  	s11 =	rddreg [dreg:$0x13]  }
0x11d: {  	[tilespmem:s23], [sflag:$0x2] =	stream.indirect.gather [hbm4b:s1+s21], $0x80, s11, s21, $0xb8;
	[tilespmem:$0x1C880] =	vst v63  }
0x11e: {  	_ =	swait.ge [sflag:s24], $0x3E80  }
0x11f: {  	[sflag:s24] =	ssyncset.done $0x0  }
0x120: {  	[sflag:s24] =	ssyncadd.s32 $0xFFFFC180  }
0x121: {  	[spmem:s3] =	stream.indirect.scatter.add.f32 [tilespmem:s22], [sflag:$0x4], $0x80, s19, s21, $0xb8;
	[tilespmem:$0x1C880] =	vst v63  }
0x122: {  	_ =	swait.ge [sflag:s25], $0x3E80  }
0x123: {  	[sflag:s25] =	ssyncset.done $0x0  }
0x124: {  	s11 =	rddreg [dreg:$0x14];
	[sflag:s25] =	ssyncadd.s32 $0xFFFFC180  }
0x125: {  	[tilespmem:s22], [sflag:$0x1] =	stream.indirect.gather [hbm4b:s1+s21], $0x80, s11, s21, $0xb8;
	[tilespmem:$0x1C880] =	vst v63  }
0x126: {  	_ =	swait.ge [sflag:s26], $0x3E80  }
0x127: {  	[sflag:s26] =	ssyncset.done $0x0  }
0x128: {  	s11 =	rddreg [dreg:$0x15];
	[sflag:s26] =	ssyncadd.s32 $0xFFFFC180  }
0x129: {  	[spmem:s3] =	stream.indirect.scatter.add.f32 [tilespmem:s23], [sflag:$0x4], $0x80, s11, s21, $0xb8;
	[tilespmem:$0x1C880] =	vst v63  }
0x12a: {  	_ =	swait.ge [sflag:s25], $0x3E80  }
0x12b: {  	[sflag:s25] =	ssyncset.done $0x0  }
0x12c: {  	s11 =	rddreg [dreg:$0x16];
	[sflag:s25] =	ssyncadd.s32 $0xFFFFC180  }
0x12d: {  	[tilespmem:s23], [sflag:$0x2] =	stream.indirect.gather [hbm4b:s1+s21], $0x80, s11, s21, $0xb8;
	[tilespmem:$0x1C880] =	vst v63  }
0x12e: {  	_ =	swait.ge [sflag:s24], $0x3E80  }
0x12f: {  	[sflag:s24] =	ssyncset.done $0x0  }
0x130: {  	s11 =	rddreg [dreg:$0x17];
	[sflag:s24] =	ssyncadd.s32 $0xFFFFC180  }
0x131: {  	[spmem:s3] =	stream.indirect.scatter.add.f32 [tilespmem:s22], [sflag:$0x4], $0x80, s11, s21, $0xb8;
	[tilespmem:$0x1C880] =	vst v63  }
0x132: {  	_ =	swait.ge [sflag:s25], $0x3E80  }
0x133: {  	[sflag:s25] =	ssyncset.done $0x0  }
0x134: {  	s11 =	rddreg [dreg:$0x18];
	[sflag:s25] =	ssyncadd.s32 $0xFFFFC180  }
0x135: {  	[tilespmem:s22], [sflag:$0x1] =	stream.indirect.gather [hbm4b:s1+s21], $0x80, s11, s21, $0xb8;
	[tilespmem:$0x1C880] =	vst v63  }
0x136: {  	_ =	swait.ge [sflag:s26], $0x3E80  }
0x137: {  	[sflag:s26] =	ssyncset.done $0x0  }
0x138: {  	s11 =	rddreg [dreg:$0x19];
	[sflag:s26] =	ssyncadd.s32 $0xFFFFC180  }
0x139: {  	[spmem:s3] =	stream.indirect.scatter.add.f32 [tilespmem:s23], [sflag:$0x4], $0x80, s11, s21, $0xb8;
	[tilespmem:$0x1C880] =	vst v63  }
0x13a: {  	_ =	swait.ge [sflag:s25], $0x3E80  }
0x13b: {  	[sflag:s25] =	ssyncset.done $0x0  }
0x13c: {  	s11 =	rddreg [dreg:$0x1a];
	[sflag:s25] =	ssyncadd.s32 $0xFFFFC180  }
0x13d: {  	[tilespmem:s23], [sflag:$0x2] =	stream.indirect.gather [hbm4b:s1+s21], $0x80, s11, s21, $0xb8;
	[tilespmem:$0x1C880] =	vst v63  }
0x13e: {  	_ =	swait.ge [sflag:s24], $0x3E80  }
0x13f: {  	[sflag:s24] =	ssyncset.done $0x0  }
0x140: {  	[sflag:s24] =	ssyncadd.s32 $0xFFFFC180  }
0x141: {  	[spmem:s3] =	stream.indirect.scatter.add.f32 [tilespmem:s22], [sflag:$0x4], $0x80, s28, s21, $0xb8;
	[tilespmem:$0x1C880] =	vst v63  }
0x142: {  	_ =	swait.ge [sflag:s25], $0x3E80  }
0x143: {  	[sflag:s25] =	ssyncset.done $0x0  }
0x144: {  	[sflag:s25] =	ssyncadd.s32 $0xFFFFC180  }
0x145: {  	[tilespmem:s22], [sflag:$0x1] =	stream.indirect.gather [hbm4b:s1+s21], $0x80, s29, s21, $0xb8;
	[tilespmem:$0x1C880] =	vst v63  }
0x146: {  	_ =	swait.ge [sflag:s26], $0x3E80  }
0x147: {  	[sflag:s26] =	ssyncset.done $0x0  }
0x148: {  	[sflag:s26] =	ssyncadd.s32 $0xFFFFC180  }
0x149: {  	[spmem:s3] =	stream.indirect.scatter.add.f32 [tilespmem:s23], [sflag:$0x4], $0x80, s30, s21, $0xb8;
	[tilespmem:$0x1C880] =	vst v63  }
0x14a: {  	_ =	swait.ge [sflag:s25], $0x3E80  }
0x14b: {  	[sflag:s25] =	ssyncset.done $0x0  }
0x14c: {  	[sflag:s25] =	ssyncadd.s32 $0xFFFFC180  }
0x14d: {  	[tilespmem:s23], [sflag:$0x2] =	stream.indirect.gather [hbm4b:s1+s21], $0x80, s31, s21, $0xb8;
	[tilespmem:$0x1C880] =	vst v63  }
0x14e: {  	_ =	swait.ge [sflag:s24], $0x3E80  }
0x14f: {  	[sflag:s24] =	ssyncset.done $0x0  }
0x150: {  	[sflag:s24] =	ssyncadd.s32 $0xFFFFC180  }
0x151: {  	[spmem:s3] =	stream.indirect.scatter.add.f32 [tilespmem:s22], [sflag:$0x4], $0x80, s2, s21, $0xb8;
	[tilespmem:$0x1C880] =	vst v63  }
0x152: {  	_ =	swait.ge [sflag:s25], $0x3E80  }
0x153: {  	[sflag:s25] =	ssyncset.done $0x0  }
0x154: {  	[sflag:s25] =	ssyncadd.s32 $0xFFFFC180  }
0x155: {  	p1 =	sne.s32 s9, $0x8;
	_ =	swait.ge [sflag:s26], $0x3E80  }
.Ltmp0:
0x156: {  	[sflag:s26] =	ssyncset.done $0x0;
	(pc) =	sbr.rel @p1 .LBB2_2-.Ltmp0, $4  }
0x157: {  	[sflag:s26] =	ssyncadd.s32 $0xFFFFC180  }
0x158: {  	[spmem:s3] =	stream.indirect.scatter.add.f32 [tilespmem:s23], [sflag:$0x4], $0x80, s0, s21, $0xb8;
	[tilespmem:$0x1C880] =	vst v63  }
0x159: {  	_ =	swait.ge [sflag:s25], $0x3E80  }
0x15a: {  	s9 =	sadd.s32 $0x2, s9;
	[sflag:s25] =	ssyncset.done $0x0  }
0x15b: {  	[sflag:s25] =	ssyncadd.s32 $0xFFFFC180  }
0x15c: {  	_ =	swait.ge [sflag:s20], $0x400  }
0x15d: {  	[sflag:s20] =	ssyncset.done $0x0  }
0x15e: {  	[sflag:s20] =	ssyncadd.s32 $0xFFFFFC00  }
0x15f: {  	_ =	swait.ge [sflag:s20], $0x400  }
0x160: {  	[sflag:s20] =	ssyncset.done $0x0  }
0x161: {  	[sflag:s20] =	ssyncadd.s32 $0xFFFFFC00  }
0x162: {  	[bflag:$0x0] =	sbarrier.arrive $0xFFFF  }
0x163: {  	s11 =	rddreg [dreg:$0x1e]  }
0x164: {  	s10 =	simm.s32 @p0 $0x1FC4;
	s9 =	sadd.s32 @p0 $0x25080, s11  }
0x165: {  	[hbm:s9], [sflag:s10] =	dma.local @p0 [spmem:s15], $0x2080  }
0x166: {  	s9 =	simm.s32 @p0 $0x4  }
0x167: {  	_ =	swait.ge @p0 [sflag:s9], $0x2080  }
0x168: {  	[sflag:s9] =	ssyncset.done @p0 $0x0  }
0x169: {  	[sflag:s9] =	ssyncadd.s32 @p0 $0xFFFFDF80;
	s9 =	rddreg [dreg:$0x1b]  }
0x16a: {  	s9 =	sadd.s32 @!p0 s9, s11  }
0x16b: {  	[hbm:s9], [sflag:s16] =	dma.local @!p0 [spmem:s17], $0x2780  }
0x16c: {  	s9 =	simm.s32 @!p0 $0x4  }
0x16d: {  	_ =	swait.ge @!p0 [sflag:s9], $0x2780  }
0x16e: {  	s8 =	sadd.s32 $0x1, s8;
	s13 =	rddreg [dreg:$0x1f]  }
0x16f: {  	p1 =	sne.s32 s8, s13  }
.Ltmp1:
0x170: {  	_ = 	snop;
	(pc) =	sbr.rel @p1 .LBB2_1-.Ltmp1, $3  }
0x171: {  	_ =	sdelay $0x1  }
0x172: {  	[sflag:s9] =	ssyncset.done @!p0 $0x0  }
0x173: {  	[sflag:s9] =	ssyncadd.s32 @!p0 $0xFFFFD880  }
0x174: {  	_ =	sfence.sel $0x180000  }
0x175: {  	[bflag:$0x0] =	sbarrier.arrive $0xFFFF  }
0x176: {  	_ =	strace $0x9000004D  }
0x177: {  	s0 =	stileid.u32;
	[bflag:$0x2] =	sbarrier.arrive $0xFFFF  }
0x178: {  	p0 =	sne.s32 s0, $0x0;
	s0 =	rddreg [dreg:$0x4]  }
0x179: {  	s0 =	sadd.s32 @!p0 $0x100000, s0  }
0x17a: {  	[sflag:s0] =	ssyncadd.tile.s32 @!p0 $0x1;
	_ =	shalt  }
.Lfunc_end2:
_tile_overlayer_lowered:
.L_overlay_start_2:
0x17b: {  	(tag) =	ssettag $0x2  }
0x17c: {  	s0 =	rddreg [dreg:$0x0];
	s2 =	stileid.u32  }
0x17d: {  	s1 =	rddreg [dreg:$0x1];
	p0 =	sne.s32 s2, $0x0  }
0x17e: {  	s3 =	rddreg [dreg:$0x2];
	[bflag:$0x3] =	sbarrier.arrive $0xFFFF;
	s2 =	simm.s32 @!p0 $0x1C04  }
0x17f: {  	[timem:s3], [sflag:s2] =	dma.local @!p0 [hbm:s0], s1  }
0x180: {  	s0 =	simm.s32 @!p0 $0x4  }
0x181: {  	_ =	swait.ge @!p0 [sflag:s0], s1  }
0x182: {  	s1 =	ssub.s32 @!p0 $0x0, s1;
	[sflag:s0] =	ssyncset.done @!p0 $0x0  }
0x183: {  	[sflag:s0] =	ssyncadd.s32 @!p0 s1  }
0x184: {  	[bflag:$0x3] =	sbarrier.arrive $0xFFFF  }
0x185: {  	_ =	shalt  }

// kernel: kernel.9.cloned.1.call-start
scs
__scs_entry_jumppad:
0x0: {  	(pc) =	sbr.rel $0x88, $3  }
0x1: {  	(tag) =	ssettag $0x0;
	lr =	simm.s32 $0x1  }
0x2: {  	[smem:$0x3F97] =	sst lr;
	_ =	strace $0xD0000000  }
0x3: {  	_ = 	snop  }
0x4: {  	_ = 	snop  }
0x5: {  	_ = 	snop  }
0x6: {  	_ = 	snop  }
0x7: {  	_ = 	snop  }
__scs_overlays_trampoline_lowered:
0x8: {  	[smem:$0x3FA6] =	sst s0  }
0x9: {  	[smem:$0x3FA7] =	sst s1  }
0xa: {  	[smem:$0x3FA8] =	sst s2  }
0xb: {  	[smem:$0x3FA9] =	sst s3  }
0xc: {  	[smem:$0x3FAA] =	sst s4  }
0xd: {  	[smem:$0x3FAB] =	sst s5  }
0xe: {  	[smem:$0x3FAC] =	sst s6  }
0xf: {  	[smem:$0x3FAD] =	sst s7  }
0x10: {  	[smem:$0x3FAE] =	sst s8  }
0x11: {  	[smem:$0x3FAF] =	sst s9;
	s0 =	simm.s32 @!p0 $0x0  }
0x12: {  	s1 =	sld [smem:$0x3F95];
	s0 =	simm.s32 @p0 $0x1  }
0x13: {  	[smem:$0x3FB0] =	sst s0;
	s0 =	simm.s32 @!p1 $0x0  }
0x14: {  	s2 =	sld [smem:$0x3F94];
	s0 =	simm.s32 @p1 $0x1  }
0x15: {  	[smem:$0x3FB1] =	sst s0;
	s0 =	simm.s32 @!p2 $0x0  }
0x16: {  	s3 =	sld [smem:$0x3FDB];
	s0 =	simm.s32 @p2 $0x1  }
0x17: {  	s4 =	simm.s32 $0x1BF5;
	[smem:$0x3FB3] =	sst s0  }
0x18: {  	s0 =	sld [smem:$0x3F96];
	_ =	swait.ge [sflag:s4], $0x0  }
0x19: {  	s7 =	sld [smem:$0x3F97]  }
0x1a: {  	s8 =	sadd.s32 $0xFFFFE003, lr  }
0x1b: {  	s9 =	sadd.s32 $0xFFFFFEF7, lr;
	s5 =	simm.s32 $0xFFFFFFFF;
	p2 =	slt.u32 s8, $0xFFFFF086  }
0x1c: {  	p1 =	slt.u32 s9, $0xF7A;
	s5 =	simm.s32 @!p2 $0x0  }
0x1d: {  	s5 =	simm.s32 @p1 $0x1;
	p0 =	seq.s32 s7, s2  }
0x1e: {  	s7 =	smul.u32 @!p0 $0xF7A, s2;
	p2 =	seq.s32 @!p0 s5, $0x0  }
0x1f: {  	s9 =	smul.u32 $0xF7A, s1;
	s8 =	simm.s32 @!p0 $0x1BF5;
	p2 =	por !p2, p0  }
0x20: {  	[sflag:s8] =	ssyncset.s32 @!p0 $0xFFFFF086;
	s6 =	sadd.s32 @!p0 s3, s7;
	s7 =	simm.s32 @!p0 $0x108  }
0x21: {  	s3 =	sadd.s32 s3, s9;
	s6 =	sadd.s32 @!p0 $0x88, s6;
	s7 =	simm.s32 @p2 $0x1082  }
0x22: {  	[simem:s7], [sflag:s8] =	dma.local @!p0 [hbm:s6], $0xF7A  }
0x23: {  	s9 =	sor.u32 $0xD0000000, s2;
	s6 =	simm.s32 $0x108;
	_ =	swait.ge @!p0 [sflag:s8], $0x0  }
0x24: {  	s3 =	sadd.s32 $0x88, s3;
	s6 =	simm.s32 @!p1 $0x1082;
	[sflag:s4] =	ssyncset.s32 $0xFFFFF086  }
0x25: {  	[simem:s6], [sflag:s4] =	dma.local [hbm:s3], $0xF7A  }
0x26: {  	[smem:$0x3F97] =	sst s1;
	(tag) =	ssettag s2;
	_ =	strace s9  }
0x27: {  	s1 =	sld [smem:$0x3FA7]  }
0x28: {  	s2 =	sld [smem:$0x3FA8]  }
0x29: {  	s4 =	sld [smem:$0x3FAA]  }
0x2a: {  	p0 =	seq.s32 s5, $0x0;
	s5 =	sld [smem:$0x3FAB]  }
0x2b: {  	s6 =	sld [smem:$0x3FAC]  }
0x2c: {  	s7 =	sld [smem:$0x3FAD]  }
0x2d: {  	s3 =	simm.s32 $0x108;
	s8 =	sld [smem:$0x3FAE]  }
0x2e: {  	s3 =	simm.s32 @!p0 $0x1082;
	s9 =	sld [smem:$0x3FAF]  }
0x2f: {  	lr =	sadd.s32 s0, s3;
	s0 =	sld [smem:$0x3FA6]  }
0x30: {  	s3 =	sld [smem:$0x3FA9]  }
0x31: {  	[smem:$0x3FB2] =	sst s10  }
0x32: {  	s10 =	sld [smem:$0x3FB0];
	_ =	sdelay $0x3  }
0x33: {  	p0 =	seq.s32 s10, $0x1;
	s10 =	sld [smem:$0x3FB2];
	_ =	sdelay $0x3  }
0x34: {  	[smem:$0x3FB2] =	sst s10  }
0x35: {  	s10 =	sld [smem:$0x3FB1];
	_ =	sdelay $0x3  }
0x36: {  	p1 =	seq.s32 s10, $0x1;
	s10 =	sld [smem:$0x3FB2];
	_ =	sdelay $0x3  }
0x37: {  	[smem:$0x3FB2] =	sst s10  }
0x38: {  	s10 =	sld [smem:$0x3FB3]  }
0x39: {  	_ = 	snop;
	(pc) =	sbr.ind lr, $3  }
0x3a: {  	_ = 	snop  }
0x3b: {  	_ = 	snop  }
0x3c: {  	p2 =	seq.s32 s10, $0x1;
	s10 =	sld [smem:$0x3FB2]  }
0x3d: {  	_ =	shalt  }
0x3e: {  	_ =	shalt  }
0x3f: {  	_ =	shalt  }
0x40: {  	_ =	shalt  }
0x41: {  	_ =	shalt  }
0x42: {  	_ =	shalt  }
0x43: {  	_ =	shalt  }
0x44: {  	_ =	shalt  }
0x45: {  	_ =	shalt  }
0x46: {  	_ =	shalt  }
0x47: {  	_ =	shalt  }
0x48: {  	_ =	shalt  }
0x49: {  	_ =	shalt  }
0x4a: {  	_ =	shalt  }
0x4b: {  	_ =	shalt  }
0x4c: {  	_ =	shalt  }
0x4d: {  	_ =	shalt  }
0x4e: {  	_ =	shalt  }
0x4f: {  	_ =	shalt  }
0x50: {  	_ =	shalt  }
0x51: {  	_ =	shalt  }
0x52: {  	_ =	shalt  }
0x53: {  	_ =	shalt  }
0x54: {  	_ =	shalt  }
0x55: {  	_ =	shalt  }
0x56: {  	_ =	shalt  }
0x57: {  	_ =	shalt  }
0x58: {  	_ =	shalt  }
0x59: {  	_ =	shalt  }
0x5a: {  	_ =	shalt  }
0x5b: {  	_ =	shalt  }
0x5c: {  	_ =	shalt  }
0x5d: {  	_ =	shalt  }
0x5e: {  	_ =	shalt  }
0x5f: {  	_ =	shalt  }
0x60: {  	_ =	shalt  }
0x61: {  	_ =	shalt  }
0x62: {  	_ =	shalt  }
0x63: {  	_ =	shalt  }
0x64: {  	_ =	shalt  }
0x65: {  	_ =	shalt  }
0x66: {  	_ =	shalt  }
0x67: {  	_ =	shalt  }
0x68: {  	_ =	shalt  }
0x69: {  	_ =	shalt  }
0x6a: {  	_ =	shalt  }
0x6b: {  	_ =	shalt  }
0x6c: {  	_ =	shalt  }
0x6d: {  	_ =	shalt  }
0x6e: {  	_ =	shalt  }
0x6f: {  	_ =	shalt  }
0x70: {  	_ =	shalt  }
0x71: {  	_ =	shalt  }
0x72: {  	_ =	shalt  }
0x73: {  	_ =	shalt  }
0x74: {  	_ =	shalt  }
0x75: {  	_ =	shalt  }
0x76: {  	_ =	shalt  }
0x77: {  	_ =	shalt  }
0x78: {  	_ =	shalt  }
0x79: {  	_ =	shalt  }
0x7a: {  	_ =	shalt  }
0x7b: {  	_ =	shalt  }
0x7c: {  	_ =	shalt  }
0x7d: {  	_ =	shalt  }
0x7e: {  	_ =	shalt  }
0x7f: {  	_ =	shalt  }
0x80: {  	_ =	shalt  }
0x81: {  	_ =	shalt  }
0x82: {  	_ =	shalt  }
0x83: {  	_ =	shalt  }
0x84: {  	_ =	shalt  }
0x85: {  	_ =	shalt  }
0x86: {  	_ =	shalt  }
0x87: {  	_ =	shalt  }
.Lfunc_end0:
.L_simem_size_0:
called_computation_lowered:
.L_overlay_start_0:
0x88: {  	s2 =	sld [smem:$0x3FD9]  }
0x89: {  	s3 =	sld [smem:$0x3FFE];
	_ =	sdelay $0x1  }
0x8a: {  	s1 =	srdreg.scid  }
0x8b: {  	s0 =	sand.u32 $0x1, s1  }
0x8c: {  	s14 =	sshll.u32 s0, $0xA;
	s2 =	sadd.s32 s3, s2  }
0x8d: {  	s2 =	sadd.s32 s2, s14  }
0x8e: {  	[smem:$0x3FBE] =	sst s2  }
0x8f: {  	_ = 	snop  }
0x90: {  	s2 =	sld [smem:$0x3FD0];
	_ =	sdelay $0x2  }
0x91: {  	s15 =	simm.s32 $0xA;
	s4 =	simm.s32 $0x10  }
0x92: {  	[smem:s4], [sflag:s15] =	dma.local [hbm:s2], $0x1  }
0x93: {  	_ =	swait.eq [sflag:s15], $0x1  }
0x94: {  	[sflag:s15] =	ssyncset.done $0x0  }
0x95: {  	s16 =	sld [smem:$0x10];
	[sflag:s15] =	ssyncadd.s32 $0xFFFFFFFF  }
0x96: {  	s17 =	sld [smem:$0x11];
	(tm) =	ssettm $0x1  }
0x97: {  	s18 =	sld [smem:$0x3FFB];
	_ =	sdelay $0x3  }
0x98: {  	_ =	strace s18  }
0x99: {  	s4 =	sld [smem:$0x3FFC];
	_ =	sdelay $0x3  }
0x9a: {  	_ =	strace s4  }
0x9b: {  	s4 =	sld [smem:$0x3FFD];
	_ =	sdelay $0x3  }
0x9c: {  	_ =	strace s4  }
0x9d: {  	_ =	strace $0x8FFFFFFF  }
0x9e: {  	s19 =	sld [smem:$0x3FDB];
	_ =	sdelay $0x1  }
0x9f: {  	s5 =	simm.s32 $_scs_section_size  }
0xa0: {  	s6 =	simm.s32 $_size__tile_overlayer_lowered;
	s7 =	simm.s32 $_tile_overlayer_lowered  }
0xa1: {  	s22 =	simm.s32 $0x1BFF;
	s21 =	sshll.u32 s7, $0x1;
	s4 =	sadd.s32 s5, s19  }
0xa2: {  	s8 =	simm.s32 $0x0;
	s20 =	sshll.u32 s6, $0x1;
	s6 =	sadd.s32 s21, s4  }
0xa3: {  	[timem:s8], [sflag:s22] =	dma.local [hbm:s6], s20  }
0xa4: {  	_ =	swait.ge [sflag:s22], s20  }
0xa5: {  	s5 =	ssub.s32 $0x0, s20;
	[sflag:s22] =	ssyncset.done $0x0  }
0xa6: {  	[sflag:s22] =	ssyncadd.s32 s5;
	_ =	sdelay $0x1  }
0xa7: {  	s23 =	simm.s32 $0x1B8B  }
0xa8: {  	_ =	swait.ge [sflag:s23], $0x1  }
0xa9: {  	[sflag:s23] =	ssyncset.done $0x0  }
0xaa: {  	s25 =	simm.s32 $0x1B8E;
	s24 =	sld [smem:$0x3FFE];
	[sflag:s23] =	ssyncadd.s32 $0xFFFFFFFF  }
0xab: {  	s26 =	simm.s32 $execute0_lowered;
	[smem:$0x3FD2] =	sst s25  }
0xac: {  	s6 =	sshll.u32 s26, $0x1;
	_ =	strace $0x80000046;
	[dreg:$0x1] =	wrdreg $0xFFFFFFFF  }
0xad: {  	s28 =	simm.s32 $_size_execute0_lowered;
	s4 =	sadd.s32 s4, s6;
	[dreg:$0x0] =	wrdreg $0x0  }
0xae: {  	s6 =	sshll.u32 s28, $0x1;
	[dreg:$0x2] =	wrdreg s4  }
0xaf: {  	[dreg:$0x3] =	wrdreg s6  }
0xb0: {  	[dreg:$0x4] =	wrdreg $0xC0  }
0xb1: {  	_ =	task [dreg:s8], $0x5FFFF  }
0xb2: {  	[dreg:$0x1] =	wrdreg $0xFFFFFFFF  }
0xb3: {  	[dreg:$0x0] =	wrdreg $0x60  }
0xb4: {  	[dreg:$0x2] =	wrdreg s24  }
0xb5: {  	[dreg:$0x3] =	wrdreg s16  }
0xb6: {  	[dreg:$0x4] =	wrdreg s17  }
0xb7: {  	[dreg:$0x5] =	wrdreg $0x68000  }
0xb8: {  	[dreg:$0x6] =	wrdreg $0x9  }
0xb9: {  	_ =	task.clear_ibuf [dreg:s8], $0x7FFFF;
	_ =	strace $0x90000046  }
0xba: {  	s29 =	simm.s32 $0x9;
	_ =	strace $0x80000048  }
0xbb: {  	_ =	swait.ge [sflag:s29], $0x1  }
0xbc: {  	[sflag:s29] =	ssyncadd.s32 $0xFFFFFFFF  }
0xbd: {  	_ =	strace $0x90000048  }
0xbe: {  	_ =	sfence  }
0xbf: {  	s30 =	sld [smem:$0x0];
	_ =	sdelay $0x2  }
0xc0: {  	s31 =	sshll.u32 s1, $0xD;
	s1 =	sshrl.u32 s1, $0x2  }
0xc1: {  	s3 =	sand.u32 $0x4000, s31;
	s1 =	sadd.s32 s1, s30  }
0xc2: {  	s0 =	sor.u32 s3, s0;
	s1 =	sshll.u32 s1, $0x11  }
0xc3: {  	s0 =	sor.u32 s1, s0  }
0xc4: {  	s0 =	sadd.s32 $0x8F2B, s0  }
0xc5: {  	[sflag:s0] =	ssyncadd.remote.s32 $0x1  }
0xc6: {  	_ =	sfence.sel $0xFFFF  }
0xc7: {  	[dreg:$0x0] =	wrdreg $0xFFFFFFFF;
	(pc) =	sbr.abs _section_cstart, $3  }
0xc8: {  	[dreg:$0x1] =	wrdreg $0xFFFFFFFF  }
0xc9: {  	_ =	task.clear_ibuf [dreg:s8], $0x2FFFF;
	_ =	strace $0x9FFFFFFF  }
0xca: {  	(tm) =	ssettm $0x7FFFFFFF  }
0xcb: {  	_ =	shalt  }
tec
execute0_lowered:
.L_overlay_start_1:
0x0: {  	(tag) =	ssettag $0x1  }
0x1: {  	s5 =	rddreg [dreg:$0x0]  }
0x2: {  	s1 =	rddreg [dreg:$0x1];
	s2 =	srdreg.scid  }
0x3: {  	s0 =	stileid.u32;
	s6 =	rddreg [dreg:$0x2]  }
0x4: {  	s3 =	rddreg [dreg:$0x3];
	s4 =	simm.s32 $0x0;
	s13 =	simm.s32 $0x1  }
0x5: {  	s14 =	simm.s32 $0x7D;
	s7 =	sand.u32 $0x1, s2;
	s2 =	rddreg [dreg:$0x4]  }
0x6: {  	s30 =	sshll.u32 s0, $0x1;
	[smem:$0x7FF] =	sst s4;
	s10 =	smul.u32 $0x4F000, s0  }
0x7: {  	s16 =	smul.u32 $0x2780, s0;
	p0 =	seq.s32 s0, $0xF;
	s8 =	sor.u32 s7, s30  }
0x8: {  	s9 =	smul.u32 $0x27100, s7;
	_ =	strace $0x80000047;
	s7 =	ssub.s32 $0x2, s7  }
0x9: {  	s8 =	smul.u32 $0x500, s8;
	s11 =	sshrl.u32 s7, $0x1;
	s31 =	sshrl.u32 s10, $0x2  }
0xa: {  	s10 =	sadd.s32 $0x128400, s3;
	s9 =	sadd.s32 s9, s5;
	s11 =	ssub.s32 s7, s11  }
0xb: {  	s12 =	sadd.s32 s31, s3;
	s8 =	sadd.s32 s8, s5;
	s5 =	sadd.s32 s6, s16  }
0xc: {  	s6 =	sadd.s32 $0x25080, s6;
	s17 =	sadd.s32 $0xCA00, s9;
	s9 =	sshrl.u32 @p0 s10, $0x3  }
0xd: {  	s7 =	sadd.s32 $0x2A00, s8;
	s8 =	smax.u32 s11, $0x1;
	s11 =	sshll.u32 @!p0 s0, $0x6  }
0xe: {  	s15 =	sadd.s32 @p0 $0x25080, s17;
	s16 =	sadd.s32 @!p0 s16, s17;
	s17 =	simm.s32 $0x0  }
0xf: {  	s10 =	sor.u32 @!p0 $0x1C01, s11;
	s11 =	sshrl.u32 @!p0 s12, $0x3;
	s12 =	simm.s32 $0x2800  }
.LBB2_1:
0x10: {  	s18 =	simm.s32 @p0 $0x1FC1  }
0x11: {  	[spmem:s9], [sflag:s18] =	dma.local @p0 [hbm:s6], $0x2080  }
0x12: {  	s18 =	simm.s32 @p0 $0x1  }
0x13: {  	_ =	swait.ge @p0 [sflag:s18], $0x2080  }
0x14: {  	[sflag:s18] =	ssyncset.done @p0 $0x0  }
0x15: {  	[sflag:s18] =	ssyncadd.s32 @p0 $0xFFFFDF80;
	s18 =	simm.s32 @!p0 $0x1  }
0x16: {  	[spmem:s11], [sflag:s10] =	dma.local @!p0 [hbm:s5], $0x2780  }
0x17: {  	_ =	swait.ge @!p0 [sflag:s18], $0x2780  }
0x18: {  	[sflag:s18] =	ssyncset.done @!p0 $0x0  }
0x19: {  	[sflag:s18] =	ssyncadd.s32 @!p0 $0xFFFFD880  }
0x1a: {  	[tilespmem:s12], [sflag:$0x1] =	stream.linear.gather [hbm4b:s1+s4], $0x3E80, $0x38;
	[tilespmem:$0x7B88] =	vst v63  }
0x1b: {  	_ =	swait.ge [sflag:s13], $0x3E80  }
0x1c: {  	[sflag:s13] =	ssyncset.done $0x0  }
0x1d: {  	[sflag:s13] =	ssyncadd.s32 $0xFFFFC180  }
0x1e: {  	[tilespmem:s4], [sflag:$0x1] =	stream.linear.gather [hbm4b:s7+s4], $0x2800, $0x38;
	[tilespmem:$0x7B88] =	vst v63  }
0x1f: {  	_ =	swait.ge [sflag:s13], $0x2800  }
0x20: {  	[sflag:s13] =	ssyncset.done $0x0  }
0x21: {  	[sflag:s13] =	ssyncadd.s32 $0xFFFFD800  }
0x22: {  	s31 =	simm.s32 $0x0;
	[bflag:$0x0] =	sbarrier.arrive $0xFFFF  }
0x23: {  	[spmem:s3] =	stream.indirect.scatter.add.f32 [tilespmem:s12], [sflag:$0x1], $0x8, s31, s14, $0xb8;
	[tilespmem:$0x7B88] =	vst v63  }
0x24: {  	_ =	swait.ge [sflag:s13], $0x3E8  }
0x25: {  	s18 =	simm.s32 $0x200;
	[sflag:s13] =	ssyncset.done $0x0  }
.LBB2_2:
0x26: {  	s19 =	sshra.s32 s18, $0x2;
	[sflag:s13] =	ssyncadd.s32 $0xFFFFFC18;
	p1 =	sne.s32 s18, $0x9E00  }
0x27: {  	[spmem:s3] =	stream.indirect.scatter.add.f32 [tilespmem:s12], [sflag:$0x1], $0x8, s19, s14, $0xb8;
	[tilespmem:$0x7B88] =	vst v63  }
.Ltmp0:
0x28: {  	_ = 	snop;
	(pc) =	sbr.rel @p1 .LBB2_2-.Ltmp0, $4  }
0x29: {  	_ = 	snop  }
0x2a: {  	s18 =	sadd.s32 $0x200, s18  }
0x2b: {  	_ =	swait.ge [sflag:s13], $0x3E8  }
0x2c: {  	[sflag:s13] =	ssyncset.done $0x0  }
0x2d: {  	[sflag:s13] =	ssyncadd.s32 $0xFFFFFC18  }
0x2e: {  	s18 =	simm.s32 @p0 $0x1FC1;
	[bflag:$0x0] =	sbarrier.arrive $0xFFFF  }
0x2f: {  	[hbm:s15], [sflag:s18] =	dma.local @p0 [spmem:s9], $0x2080  }
0x30: {  	s18 =	simm.s32 @p0 $0x1  }
0x31: {  	s17 =	sadd.s32 $0x1, s17;
	_ =	swait.ge @p0 [sflag:s18], $0x2080  }
0x32: {  	p1 =	sne.s32 s17, s8;
	[sflag:s18] =	ssyncset.done @p0 $0x0  }
.Ltmp1:
0x33: {  	[sflag:s18] =	ssyncadd.s32 @p0 $0xFFFFDF80;
	s18 =	simm.s32 @!p0 $0x1;
	(pc) =	sbr.rel @p1 .LBB2_1-.Ltmp1, $4  }
0x34: {  	[hbm:s16], [sflag:s10] =	dma.local @!p0 [spmem:s11], $0x2780  }
0x35: {  	_ =	swait.ge @!p0 [sflag:s18], $0x2780  }
0x36: {  	[sflag:s18] =	ssyncset.done @!p0 $0x0  }
0x37: {  	[sflag:s18] =	ssyncadd.s32 @!p0 $0xFFFFD880  }
0x38: {  	_ =	sfence.sel $0x180000  }
0x39: {  	[bflag:$0x0] =	sbarrier.arrive $0xFFFF  }
0x3a: {  	p0 =	sne.s32 s0, $0x0;
	_ =	strace $0x90000047  }
0x3b: {  	s0 =	sadd.s32 @!p0 $0x100000, s2;
	[bflag:$0x2] =	sbarrier.arrive $0xFFFF  }
0x3c: {  	[sflag:s0] =	ssyncadd.tile.s32 @!p0 $0x1;
	_ =	shalt  }
.Lfunc_end2:
_tile_overlayer_lowered:
.L_overlay_start_2:
0x3d: {  	(tag) =	ssettag $0x2  }
0x3e: {  	s0 =	rddreg [dreg:$0x0];
	s2 =	stileid.u32  }
0x3f: {  	s1 =	rddreg [dreg:$0x1];
	p0 =	sne.s32 s2, $0x0  }
0x40: {  	s3 =	rddreg [dreg:$0x2];
	[bflag:$0x3] =	sbarrier.arrive $0xFFFF;
	s2 =	simm.s32 @!p0 $0x1C01  }
0x41: {  	[timem:s3], [sflag:s2] =	dma.local @!p0 [hbm:s0], s1  }
0x42: {  	s0 =	simm.s32 @!p0 $0x1  }
0x43: {  	_ =	swait.ge @!p0 [sflag:s0], s1  }
0x44: {  	s1 =	ssub.s32 @!p0 $0x0, s1;
	[sflag:s0] =	ssyncset.done @!p0 $0x0  }
0x45: {  	[sflag:s0] =	ssyncadd.s32 @!p0 s1  }
0x46: {  	[bflag:$0x3] =	sbarrier.arrive $0xFFFF  }
0x47: {  	_ =	shalt  }

</sc_bundles>
